<compile_context>
chip_gen: v7x
topology: tpu7x:2x2x1
jax: 0.10.2.dev20260603
libtpu: 0.0.44.dev20260713+nightly
codegen_flags: <defaults>
</compile_context>

<pallas_src>
import dataclasses
import functools

import jax
import jax.numpy as jnp
from jax import lax
from jax.experimental import pallas as pl
from jax.experimental.pallas import tpu as pltpu
from jax.experimental.pallas import tpu_sc as plsc

NSEG = 256
D = 128
LANES = 16
NTILES = 32
R_BLK = 200


def _sc_partials(x_flat, batch2d, nblocks):
    mesh = plsc.VectorSubcoreMesh(core_axis_name="c", subcore_axis_name="s")
    cp = pltpu.CompilerParams()
    if "needs_layout_passes" in pltpu.CompilerParams.__dataclass_fields__:
        cp = dataclasses.replace(cp, needs_layout_passes=False)

    @functools.partial(
        pl.kernel,
        compiler_params=cp,
        out_type=[
            jax.ShapeDtypeStruct((NTILES * NSEG * D,), jnp.float32),
            jax.ShapeDtypeStruct((NTILES, NSEG), jnp.float32),
        ],
        mesh=mesh,
        scratch_types=[
            pltpu.VMEM((NSEG * D,), jnp.float32),
            pltpu.VMEM((NSEG,), jnp.float32),
        ],
    )
    def sc_kernel(x_hbm, b_hbm, psum_hbm, pcnt_hbm, acc, cnt):
        wid = lax.axis_index("s") * 2 + lax.axis_index("c")
        zeros = jnp.zeros((LANES,), jnp.float32)

        @pl.loop(0, NSEG)
        def _(i):
            for j in range(D // LANES):
                acc[pl.ds(i * D + j * LANES, LANES)] = zeros

        @pl.loop(0, NSEG // LANES)
        def _(i):
            cnt[pl.ds(i * LANES, LANES)] = zeros

        ones = jnp.ones((LANES,), jnp.float32)

        def body(x_vmem, b_vmem):
            @pl.loop(0, R_BLK // LANES)
            def _(g):
                idx = b_vmem[0, pl.ds(g * LANES, LANES)]
                plsc.addupdate_scatter(cnt, [idx], ones)
                base = g * (LANES * D)
                b_first = idx[0]
                b_last = idx[LANES - 1]

                @pl.when(b_first == b_last)
                def _():
                    boff = b_first * D
                    for j in range(D // LANES):
                        vs = [
                            x_vmem[pl.ds(base + r * D + j * LANES, LANES)]
                            for r in range(LANES)
                        ]
                        while len(vs) > 1:
                            vs = [vs[i] + vs[i + 1] for i in range(0, len(vs), 2)]
                        plsc.addupdate(acc.at[pl.ds(boff + j * LANES, LANES)], vs[0])

                @pl.when(b_first != b_last)
                def _():
                    idx_off = idx * D
                    for r in range(LANES):
                        boff = idx_off[r]
                        rbase = base + r * D
                        for j in range(D // LANES):
                            plsc.addupdate(
                                acc.at[pl.ds(boff + j * LANES, LANES)],
                                x_vmem[pl.ds(rbase + j * LANES, LANES)],
                            )

        pltpu.emit_pipeline(
            body,
            grid=(nblocks,),
            in_specs=[
                pl.BlockSpec((R_BLK * D,), lambda i: (i,)),
                pl.BlockSpec((1, R_BLK), lambda i: (i, 0)),
            ],
            core_axis_name=("c", "s"),
            dimension_semantics=(pltpu.PARALLEL,),
        )(x_hbm, b_hbm)

        pltpu.sync_copy(acc, psum_hbm.at[pl.ds(wid * NSEG * D, NSEG * D)])
        pltpu.sync_copy(cnt, pcnt_hbm.at[wid])

    return sc_kernel(x_flat, batch2d)


def _tc_combine(psum, pcnt):

    def body(ps_ref, pc_ref, out_ref):
        s = jnp.sum(ps_ref[...], axis=0)
        c = jnp.maximum(jnp.sum(pc_ref[...], axis=0), 1.0)
        out_ref[...] = s / c[:, None]

    return pl.pallas_call(
        body,
        out_shape=jax.ShapeDtypeStruct((NSEG, D), jnp.float32),
    )(psum, pcnt)


def kernel(x, batch):
    n, d = x.shape
    assert d == D and n % R_BLK == 0
    nblocks = n // R_BLK
    x_flat = x.reshape(-1)
    batch2d = batch.astype(jnp.int32).reshape(nblocks, R_BLK)
    psum, pcnt = _sc_partials(x_flat, batch2d, nblocks)
    return _tc_combine(psum.reshape(NTILES, NSEG, D), pcnt)

# --- scband reference (transcript-rebuilt; emitter-appended) ---
"""Pipeline reference for scband-global-mean-pool-3118146257541 (READ-ONLY COPY).

The authoritative reference and input builder live on the scoring server;
editing this copy changes nothing except your own understanding.
"""

import jax, jax.numpy as jnp
import numpy as np

NUM_SEGMENTS = 256

def setup_inputs(seed: int = 0) -> dict:
    key = jax.random.key(seed)
    k1, k2 = jax.random.split(key)
    x = jax.random.normal(k1, (100000, 128), dtype=jnp.float32)
    batch = jnp.sort(jax.random.randint(k2, (100000,), 0, NUM_SEGMENTS, dtype=jnp.int64))
    return {"x": x, "batch": batch}

def reference(x, batch):
    # global_mean_pool: segment mean of node features per graph
    sums = jax.ops.segment_sum(x, batch, num_segments=NUM_SEGMENTS)
    counts = jax.ops.segment_sum(jnp.ones((x.shape[0],), dtype=x.dtype), batch, num_segments=NUM_SEGMENTS)
    counts = jnp.maximum(counts, 1.0)
    return sums / counts[:, None]

if __name__ == "__main__":
    import jax
    _d = setup_inputs()
    print(jax.jit(kernel)(*tuple(_d.values())))

</pallas_src>

<mosaic_0001>
#map = affine_map<(d0, d1) -> (0)>
#map1 = affine_map<(d0, d1) -> (0, 0)>
module attributes {stable_mosaic.version = 14 : i64} {
  func.func @sc_kernel(%arg0: i32, %arg1: i32, %arg2: memref<12800000xf32, #tpu.memory_space<hbm>>, %arg3: memref<500x200xi32, #tpu.memory_space<hbm>>, %arg4: memref<1048576xf32, #tpu.memory_space<hbm>>, %arg5: memref<32x256xf32, #tpu.memory_space<hbm>>, %arg6: memref<32768xf32, #tpu.memory_space<vmem>>, %arg7: memref<256xf32, #tpu.memory_space<vmem>>) attributes {dimension_semantics = [#tpu.dimension_semantics<core_parallel>, #tpu.dimension_semantics<subcore_parallel>], iteration_bounds = array<i64: 2, 16>, scalar_prefetch = 0 : i64, scratch_operands = 2 : i64, tpu.core_type = #tpu.core_type<sc_vector_subcore>, window_params = [{transform_indices = #map}, {transform_indices = #map1}, {transform_indices = #map}, {transform_indices = #map1}]} {
    %mul3A = arith.constant 2 : i32
    %mul3A_0 = arith.muli %arg1, %mul3A : i32
    %add3A = arith.addi %mul3A_0, %arg0 : i32
    %broadcast_in_dim3A = arith.constant 0.000000e+00 : f32
    %broadcast_in_dim3A_1 = vector.broadcast %broadcast_in_dim3A : f32 to vector<16xf32>
    %scan3A = arith.constant 0 : i32
    %scan3A_2 = arith.constant 256 : i32
    %scan3A_3 = arith.addi %scan3A, %scan3A_2 : i32
    %scan3A_4 = arith.constant 1 : i32
    scf.for %scan3A_36 = %scan3A to %scan3A_3 step %scan3A_4  : i32 {
      %mul3A_37 = arith.constant 1 : i32
      %mul3A_38 = arith.muli %scan3A_36, %mul3A_37 : i32
      %add3A_39 = arith.constant 0 : i32
      %add3A_40 = arith.addi %add3A_39, %mul3A_38 : i32
      %mul3A_41 = arith.constant 128 : i32
      %mul3A_42 = arith.muli %add3A_40, %mul3A_41 : i32
      %add3A_43 = arith.constant 0 : i32
      %add3A_44 = arith.addi %mul3A_42, %add3A_43 : i32
      %swap3A = arith.index_cast %add3A_44 : i32 to index
      %swap3A_45 = tpu.vector_load %arg6[%swap3A] {strides = array<i32>} : memref<32768xf32, #tpu.memory_space<vmem>>, vector<16xf32>,
      tpu.vector_store %arg6[%swap3A], %broadcast_in_dim3A_1 {strides = array<i32>} : memref<32768xf32, #tpu.memory_space<vmem>>, vector<16xf32>,
      %mul3A_46 = arith.constant 128 : i32
      %mul3A_47 = arith.muli %add3A_40, %mul3A_46 : i32
      %add3A_48 = arith.constant 16 : i32
      %add3A_49 = arith.addi %mul3A_47, %add3A_48 : i32
      %swap3A_50 = arith.index_cast %add3A_49 : i32 to index
      %swap3A_51 = tpu.vector_load %arg6[%swap3A_50] {strides = array<i32>} : memref<32768xf32, #tpu.memory_space<vmem>>, vector<16xf32>,
      tpu.vector_store %arg6[%swap3A_50], %broadcast_in_dim3A_1 {strides = array<i32>} : memref<32768xf32, #tpu.memory_space<vmem>>, vector<16xf32>,
      %mul3A_52 = arith.constant 128 : i32
      %mul3A_53 = arith.muli %add3A_40, %mul3A_52 : i32
      %add3A_54 = arith.constant 32 : i32
      %add3A_55 = arith.addi %mul3A_53, %add3A_54 : i32
      %swap3A_56 = arith.index_cast %add3A_55 : i32 to index
      %swap3A_57 = tpu.vector_load %arg6[%swap3A_56] {strides = array<i32>} : memref<32768xf32, #tpu.memory_space<vmem>>, vector<16xf32>,
      tpu.vector_store %arg6[%swap3A_56], %broadcast_in_dim3A_1 {strides = array<i32>} : memref<32768xf32, #tpu.memory_space<vmem>>, vector<16xf32>,
      %mul3A_58 = arith.constant 128 : i32
      %mul3A_59 = arith.muli %add3A_40, %mul3A_58 : i32
      %add3A_60 = arith.constant 48 : i32
      %add3A_61 = arith.addi %mul3A_59, %add3A_60 : i32
      %swap3A_62 = arith.index_cast %add3A_61 : i32 to index
      %swap3A_63 = tpu.vector_load %arg6[%swap3A_62] {strides = array<i32>} : memref<32768xf32, #tpu.memory_space<vmem>>, vector<16xf32>,
      tpu.vector_store %arg6[%swap3A_62], %broadcast_in_dim3A_1 {strides = array<i32>} : memref<32768xf32, #tpu.memory_space<vmem>>, vector<16xf32>,
      %mul3A_64 = arith.constant 128 : i32
      %mul3A_65 = arith.muli %add3A_40, %mul3A_64 : i32
      %add3A_66 = arith.constant 64 : i32
      %add3A_67 = arith.addi %mul3A_65, %add3A_66 : i32
      %swap3A_68 = arith.index_cast %add3A_67 : i32 to index
      %swap3A_69 = tpu.vector_load %arg6[%swap3A_68] {strides = array<i32>} : memref<32768xf32, #tpu.memory_space<vmem>>, vector<16xf32>,
      tpu.vector_store %arg6[%swap3A_68], %broadcast_in_dim3A_1 {strides = array<i32>} : memref<32768xf32, #tpu.memory_space<vmem>>, vector<16xf32>,
      %mul3A_70 = arith.constant 128 : i32
      %mul3A_71 = arith.muli %add3A_40, %mul3A_70 : i32
      %add3A_72 = arith.constant 80 : i32
      %add3A_73 = arith.addi %mul3A_71, %add3A_72 : i32
      %swap3A_74 = arith.index_cast %add3A_73 : i32 to index
      %swap3A_75 = tpu.vector_load %arg6[%swap3A_74] {strides = array<i32>} : memref<32768xf32, #tpu.memory_space<vmem>>, vector<16xf32>,
      tpu.vector_store %arg6[%swap3A_74], %broadcast_in_dim3A_1 {strides = array<i32>} : memref<32768xf32, #tpu.memory_space<vmem>>, vector<16xf32>,
      %mul3A_76 = arith.constant 128 : i32
      %mul3A_77 = arith.muli %add3A_40, %mul3A_76 : i32
      %add3A_78 = arith.constant 96 : i32
      %add3A_79 = arith.addi %mul3A_77, %add3A_78 : i32
      %swap3A_80 = arith.index_cast %add3A_79 : i32 to index
      %swap3A_81 = tpu.vector_load %arg6[%swap3A_80] {strides = array<i32>} : memref<32768xf32, #tpu.memory_space<vmem>>, vector<16xf32>,
      tpu.vector_store %arg6[%swap3A_80], %broadcast_in_dim3A_1 {strides = array<i32>} : memref<32768xf32, #tpu.memory_space<vmem>>, vector<16xf32>,
      %mul3A_82 = arith.constant 128 : i32
      %mul3A_83 = arith.muli %add3A_40, %mul3A_82 : i32
      %add3A_84 = arith.constant 112 : i32
      %add3A_85 = arith.addi %mul3A_83, %add3A_84 : i32
      %swap3A_86 = arith.index_cast %add3A_85 : i32 to index
      %swap3A_87 = tpu.vector_load %arg6[%swap3A_86] {strides = array<i32>} : memref<32768xf32, #tpu.memory_space<vmem>>, vector<16xf32>,
      tpu.vector_store %arg6[%swap3A_86], %broadcast_in_dim3A_1 {strides = array<i32>} : memref<32768xf32, #tpu.memory_space<vmem>>, vector<16xf32>,
    }
    %scan3A_5 = arith.constant 256 : i32
    %scan3A_6 = arith.constant 0 : i32
    %scan3A_7 = arith.constant 16 : i32
    %scan3A_8 = arith.addi %scan3A_6, %scan3A_7 : i32
    %scan3A_9 = arith.constant 1 : i32
    scf.for %scan3A_36 = %scan3A_6 to %scan3A_8 step %scan3A_9  : i32 {
      %mul3A_37 = arith.constant 1 : i32
      %mul3A_38 = arith.muli %scan3A_36, %mul3A_37 : i32
      %add3A_39 = arith.constant 0 : i32
      %add3A_40 = arith.addi %add3A_39, %mul3A_38 : i32
      %mul3A_41 = arith.constant 16 : i32
      %mul3A_42 = arith.muli %add3A_40, %mul3A_41 : i32
      %swap3A = arith.index_cast %mul3A_42 : i32 to index
      %swap3A_43 = tpu.vector_load %arg7[%swap3A] {strides = array<i32>} : memref<256xf32, #tpu.memory_space<vmem>>, vector<16xf32>,
      tpu.vector_store %arg7[%swap3A], %broadcast_in_dim3A_1 {strides = array<i32>} : memref<256xf32, #tpu.memory_space<vmem>>, vector<16xf32>,
    }
    %scan3A_10 = arith.constant 16 : i32
    %broadcast_in_dim3A_11 = arith.constant 1.000000e+00 : f32
    %broadcast_in_dim3A_12 = vector.broadcast %broadcast_in_dim3A_11 : f32 to vector<16xf32>
    %mul3A_13 = arith.constant 1 : i32
    %mul3A_14 = arith.muli %arg1, %mul3A_13 : i32
    %add3A_15 = arith.constant 0 : i32
    %add3A_16 = arith.addi %add3A_15, %mul3A_14 : i32
    %mul3A_17 = arith.constant 16 : i32
    %mul3A_18 = arith.muli %arg0, %mul3A_17 : i32
    %add3A_19 = arith.addi %add3A_16, %mul3A_18 : i32
    %lt3A = arith.constant 20 : i32
    %lt3A_20 = arith.cmpi slt, %add3A_19, %lt3A : i32
    %jit3A = arith.constant 16 : i32
    %jit3A_21 = arith.constant 15 : i32
    %select_n3A = arith.select %lt3A_20, %jit3A, %jit3A_21 : i32
    %lt3A_22 = arith.constant 20 : i32
    %lt3A_23 = arith.cmpi slt, %add3A_19, %lt3A_22 : i32
    %mul3A_24 = arith.muli %add3A_19, %select_n3A : i32
    %mul3A_25 = arith.constant 15 : i32
    %mul3A_26 = arith.muli %add3A_19, %mul3A_25 : i32
    %add3A_27 = arith.constant 20 : i32
    %add3A_28 = arith.addi %mul3A_26, %add3A_27 : i32
    %select_n3A_29 = arith.select %lt3A_23, %mul3A_24, %add3A_28 : i32
    %mul3A_30 = arith.constant 1 : i32
    %mul3A_31 = arith.muli %mul3A_30, %select_n3A : i32
    "tpu.region"() ({
      %run_scoped3A = memref.alloca() : memref<51200xf32, #tpu.memory_space<vmem>>
      %run_scoped3A_36 = tpu.sem_alloc : memref<2x!tpu.dma_semaphore, #tpu.memory_space<semaphore_mem>>
      %run_scoped3A_37 = memref.alloca() : memref<2x1x200xi32, #tpu.memory_space<vmem>>
      %run_scoped3A_38 = tpu.sem_alloc : memref<2x!tpu.dma_semaphore, #tpu.memory_space<semaphore_mem>>
      %gt3A = arith.constant 0 : i32
      %gt3A_39 = arith.cmpi sgt, %mul3A_31, %gt3A : i32
      %convert_element_type3A = arith.extui %gt3A_39 : i1 to i32
      %cond3A = arith.constant 0 : i32
      %cond3A_40 = arith.cmpi ne, %convert_element_type3A, %cond3A : i32
      scf.if %cond3A_40 {
        %mul3A_41 = arith.constant 1 : i32
        %mul3A_42 = arith.muli %mul3A_41, %select_n3A : i32
        %sub3A = arith.constant 1 : i32
        %sub3A_43 = arith.subi %mul3A_42, %sub3A : i32
        %eq3A = arith.constant 0 : i32
        %eq3A_44 = arith.cmpi eq, %sub3A_43, %eq3A : i32
        %add3A_45 = arith.constant 0 : i32
        %add3A_46 = arith.addi %add3A_45, %select_n3A_29 : i32
        %select_n3A_47 = arith.constant true
        %select_n3A_48 = arith.constant 0 : i32
        %select_n3A_49 = arith.constant -1 : i32
        %select_n3A_50 = arith.select %select_n3A_47, %select_n3A_49, %select_n3A_48 : i32
        %eq3A_51 = arith.constant -1 : i32
        %eq3A_52 = arith.cmpi eq, %select_n3A_50, %eq3A_51 : i32
        %sub3A_53 = arith.constant 1 : i32
        %sub3A_54 = arith.subi %select_n3A, %sub3A_53 : i32
        %select_n3A_55 = arith.select %eq3A_52, %sub3A_54, %select_n3A_50 : i32
        %add3A_56 = arith.addi %select_n3A_55, %select_n3A_29 : i32
        %select_n3A_57 = arith.constant true
        %select_n3A_58 = arith.constant 0 : i32
        %select_n3A_59 = arith.constant 1 : i32
        %select_n3A_60 = arith.select %select_n3A_57, %select_n3A_59, %select_n3A_58 : i32
        %eq3A_61 = arith.cmpi eq, %select_n3A_60, %select_n3A : i32
        %select_n3A_62 = arith.constant 0 : i32
        %select_n3A_63 = arith.select %eq3A_61, %select_n3A_62, %select_n3A_60 : i32
        %add3A_64 = arith.addi %select_n3A_63, %select_n3A_29 : i32
        %add3A_65 = arith.constant 1 : i32
        %add3A_66 = arith.addi %select_n3A_63, %add3A_65 : i32
        %select_n3A_67 = arith.constant true
        %select_n3A_68 = arith.select %select_n3A_67, %add3A_66, %select_n3A_63 : i32
        %eq3A_69 = arith.cmpi eq, %select_n3A_68, %select_n3A : i32
        %select_n3A_70 = arith.constant 0 : i32
        %select_n3A_71 = arith.select %eq3A_69, %select_n3A_70, %select_n3A_68 : i32
        %add3A_72 = arith.addi %select_n3A_71, %select_n3A_29 : i32
        "tpu.trace_start"() <{level = 10 : i32, message = "ep_initialize_0"}> : () -> ()
        %rem3A = arith.constant 0 : i32
        %rem3A_73 = arith.constant 2 : i32
        %rem3A_74 = arith.remui %rem3A, %rem3A_73 : i32
        %mul3A_75 = arith.constant 25600 : i32
        %mul3A_76 = arith.muli %mul3A_75, %add3A_46 : i32
        %mul3A_77 = arith.constant 25600 : i32
        %mul3A_78 = arith.muli %rem3A_74, %mul3A_77 : i32
        %add3A_79 = arith.constant 0 : i32
        %add3A_80 = arith.addi %mul3A_78, %add3A_79 : i32
        %dma_start3A = tpu.memref_slice %run_scoped3A[%add3A_80] : memref<51200xf32, #tpu.memory_space<vmem>> -> memref<25600xf32, #tpu.memory_space<vmem>>
        %dma_start3A_81 = tpu.memref_slice %arg2[%mul3A_76] : memref<12800000xf32, #tpu.memory_space<hbm>> -> memref<25600xf32, #tpu.memory_space<hbm>>
        %dma_start3A_82 = tpu.memref_slice %run_scoped3A_36[%rem3A_74] : memref<2x!tpu.dma_semaphore, #tpu.memory_space<semaphore_mem>> -> memref<1x!tpu.dma_semaphore, #tpu.memory_space<semaphore_mem>>
        %dma_start3A_83 = tpu.memref_squeeze %dma_start3A_82 : memref<1x!tpu.dma_semaphore, #tpu.memory_space<semaphore_mem>> -> memref<!tpu.dma_semaphore, #tpu.memory_space<semaphore_mem>>
        %dma_start3A_84 = tpu.memref_slice %run_scoped3A[%add3A_80] : memref<51200xf32, #tpu.memory_space<vmem>> -> memref<25600xf32, #tpu.memory_space<vmem>>
        %dma_start3A_85 = tpu.memref_slice %arg2[%mul3A_76] : memref<12800000xf32, #tpu.memory_space<hbm>> -> memref<25600xf32, #tpu.memory_space<hbm>>
        tpu.enqueue_dma source(%dma_start3A_85 : memref<25600xf32, #tpu.memory_space<hbm>>) target(%dma_start3A_84 : memref<25600xf32, #tpu.memory_space<vmem>>) target_semaphore(%dma_start3A_83 : memref<!tpu.dma_semaphore, #tpu.memory_space<semaphore_mem>>)
        %add3A_86 = arith.constant 0 : i32
        %add3A_87 = arith.constant 1 : i32
        %add3A_88 = arith.addi %add3A_86, %add3A_87 : i32
        %select_n3A_89 = arith.constant true
        %select_n3A_90 = arith.constant 0 : i32
        %select_n3A_91 = arith.select %select_n3A_89, %add3A_88, %select_n3A_90 : i32
        %rem3A_92 = arith.constant 0 : i32
        %rem3A_93 = arith.constant 2 : i32
        %rem3A_94 = arith.remui %rem3A_92, %rem3A_93 : i32
        %mul3A_95 = arith.constant 1 : i32
        %mul3A_96 = arith.muli %mul3A_95, %add3A_46 : i32
        %dma_start3A_97 = arith.constant 0 : i32
        %dma_start3A_98 = arith.constant 0 : i32
        %dma_start3A_99 = tpu.memref_slice %run_scoped3A_37[%rem3A_94, %dma_start3A_97, %dma_start3A_98] : memref<2x1x200xi32, #tpu.memory_space<vmem>> -> memref<1x1x200xi32, #tpu.memory_space<vmem>>
        %dma_start3A_100 = tpu.memref_squeeze %dma_start3A_99 : memref<1x1x200xi32, #tpu.memory_space<vmem>> -> memref<1x200xi32, #tpu.memory_space<vmem>>
        %dma_start3A_101 = arith.constant 0 : i32
        %dma_start3A_102 = tpu.memref_slice %arg3[%mul3A_96, %dma_start3A_101] : memref<500x200xi32, #tpu.memory_space<hbm>> -> memref<1x200xi32, #tpu.memory_space<hbm>>
        %dma_start3A_103 = tpu.memref_slice %run_scoped3A_38[%rem3A_94] : memref<2x!tpu.dma_semaphore, #tpu.memory_space<semaphore_mem>> -> memref<1x!tpu.dma_semaphore, #tpu.memory_space<semaphore_mem>>
        %dma_start3A_104 = tpu.memref_squeeze %dma_start3A_103 : memref<1x!tpu.dma_semaphore, #tpu.memory_space<semaphore_mem>> -> memref<!tpu.dma_semaphore, #tpu.memory_space<semaphore_mem>>
        %dma_start3A_105 = arith.constant 0 : i32
        %dma_start3A_106 = arith.constant 0 : i32
        %dma_start3A_107 = tpu.memref_slice %run_scoped3A_37[%rem3A_94, %dma_start3A_105, %dma_start3A_106] : memref<2x1x200xi32, #tpu.memory_space<vmem>> -> memref<1x1x200xi32, #tpu.memory_space<vmem>>
        %dma_start3A_108 = tpu.memref_squeeze %dma_start3A_107 : memref<1x1x200xi32, #tpu.memory_space<vmem>> -> memref<1x200xi32, #tpu.memory_space<vmem>>
        %dma_start3A_109 = arith.constant 0 : i32
        %dma_start3A_110 = tpu.memref_slice %arg3[%mul3A_96, %dma_start3A_109] : memref<500x200xi32, #tpu.memory_space<hbm>> -> memref<1x200xi32, #tpu.memory_space<hbm>>
        tpu.enqueue_dma source(%dma_start3A_110 : memref<1x200xi32, #tpu.memory_space<hbm>>) target(%dma_start3A_108 : memref<1x200xi32, #tpu.memory_space<vmem>>) target_semaphore(%dma_start3A_104 : memref<!tpu.dma_semaphore, #tpu.memory_space<semaphore_mem>>)
        %add3A_111 = arith.constant 0 : i32
        %add3A_112 = arith.constant 1 : i32
        %add3A_113 = arith.addi %add3A_111, %add3A_112 : i32
        %select_n3A_114 = arith.constant true
        %select_n3A_115 = arith.constant 0 : i32
        %select_n3A_116 = arith.select %select_n3A_114, %add3A_113, %select_n3A_115 : i32
        %while3A = arith.constant 0 : i32
        %while3A_117 = arith.constant 0 : i32
        %while3A_118 = arith.constant 0 : i32
        %while3A_119 = arith.constant 0 : i32
        "tpu.trace_stop"() : () -> ()
        %while3A_120 = arith.subi %mul3A_31, %while3A : i32
        %while3A_121 = arith.addi %while3A, %while3A_120 : i32
        %while3A_122 = arith.constant 1 : i32
        %while3A_123 = arith.divsi %while3A_120, %while3A_122 : i32
        %while3A_124 = arith.muli %while3A_123, %while3A_122 : i32
        %while3A_125 = arith.addi %while3A, %while3A_124 : i32
        %while3A_126 = arith.constant 1 : i32
        %while3A_127:5 = scf.for %while3A_181 = %while3A to %while3A_125 step %while3A_126 iter_args(%while3A_182 = %select_n3A_91, %while3A_183 = %while3A_117, %while3A_184 = %select_n3A_116, %while3A_185 = %while3A_118, %while3A_186 = %while3A_119) -> (i32, i32, i32, i32, i32)  : i32 {
          %mul3A_187 = arith.constant 1 : i32
          %mul3A_188 = arith.muli %mul3A_187, %select_n3A : i32
          %eq3A_189 = arith.constant 0 : i32
          %eq3A_190 = arith.cmpi eq, %while3A_181, %eq3A_189 : i32
          %sub3A_191 = arith.constant 1 : i32
          %sub3A_192 = arith.subi %mul3A_188, %sub3A_191 : i32
          %eq3A_193 = arith.cmpi eq, %while3A_181, %sub3A_192 : i32
          %add3A_194 = arith.addi %while3A_186, %select_n3A_29 : i32
          %sub3A_195 = arith.constant 1 : i32
          %sub3A_196 = arith.subi %while3A_186, %sub3A_195 : i32
          %select_n3A_197 = arith.constant true
          %select_n3A_198 = arith.select %select_n3A_197, %sub3A_196, %while3A_186 : i32
          %eq3A_199 = arith.constant -1 : i32
          %eq3A_200 = arith.cmpi eq, %select_n3A_198, %eq3A_199 : i32
          %sub3A_201 = arith.constant 1 : i32
          %sub3A_202 = arith.subi %select_n3A, %sub3A_201 : i32
          %select_n3A_203 = arith.select %eq3A_200, %sub3A_202, %select_n3A_198 : i32
          %add3A_204 = arith.addi %select_n3A_203, %select_n3A_29 : i32
          %add3A_205 = arith.constant 1 : i32
          %add3A_206 = arith.addi %while3A_186, %add3A_205 : i32
          %select_n3A_207 = arith.constant true
          %select_n3A_208 = arith.select %select_n3A_207, %add3A_206, %while3A_186 : i32
          %eq3A_209 = arith.cmpi eq, %select_n3A_208, %select_n3A : i32
          %select_n3A_210 = arith.constant 0 : i32
          %select_n3A_211 = arith.select %eq3A_209, %select_n3A_210, %select_n3A_208 : i32
          %add3A_212 = arith.addi %select_n3A_211, %select_n3A_29 : i32
          %add3A_213 = arith.constant 1 : i32
          %add3A_214 = arith.addi %select_n3A_211, %add3A_213 : i32
          %select_n3A_215 = arith.constant true
          %select_n3A_216 = arith.select %select_n3A_215, %add3A_214, %select_n3A_211 : i32
          %eq3A_217 = arith.cmpi eq, %select_n3A_216, %select_n3A : i32
          %select_n3A_218 = arith.constant 0 : i32
          %select_n3A_219 = arith.select %eq3A_217, %select_n3A_218, %select_n3A_216 : i32
          %add3A_220 = arith.addi %select_n3A_219, %select_n3A_29 : i32
          %ne3A = arith.cmpi ne, %add3A_194, %add3A_212 : i32
          %or3A = arith.constant false
          %or3A_221 = arith.ori %or3A, %ne3A : i1
          %sub3A_222 = arith.constant 2 : i32
          %sub3A_223 = arith.subi %mul3A_188, %sub3A_222 : i32
          %add3A_224 = arith.constant 1 : i32
          %add3A_225 = arith.addi %sub3A_223, %add3A_224 : i32
          %ge3A = arith.cmpi sge, %while3A_181, %add3A_225 : i32
          %not3A = arith.constant true
          %not3A_226 = arith.xori %ge3A, %not3A : i1
          %and3A = arith.andi %or3A_221, %not3A_226 : i1
          %convert_element_type3A_227 = arith.extui %and3A : i1 to i32
          %cond3A_228 = arith.constant 0 : i32
          %cond3A_229 = arith.cmpi ne, %convert_element_type3A_227, %cond3A_228 : i32
          scf.if %cond3A_229 {
            "tpu.trace_start"() <{level = 10 : i32, message = "ep_copy_in"}> : () -> ()
            %rem3A_350 = arith.constant 2 : i32
            %rem3A_351 = arith.remui %while3A_182, %rem3A_350 : i32
            %mul3A_352 = arith.constant 25600 : i32
            %mul3A_353 = arith.muli %mul3A_352, %add3A_212 : i32
            %mul3A_354 = arith.constant 25600 : i32
            %mul3A_355 = arith.muli %rem3A_351, %mul3A_354 : i32
            %add3A_356 = arith.constant 0 : i32
            %add3A_357 = arith.addi %mul3A_355, %add3A_356 : i32
            %dma_start3A_358 = tpu.memref_slice %run_scoped3A[%add3A_357] : memref<51200xf32, #tpu.memory_space<vmem>> -> memref<25600xf32, #tpu.memory_space<vmem>>
            %dma_start3A_359 = tpu.memref_slice %arg2[%mul3A_353] : memref<12800000xf32, #tpu.memory_space<hbm>> -> memref<25600xf32, #tpu.memory_space<hbm>>
            %dma_start3A_360 = tpu.memref_slice %run_scoped3A_36[%rem3A_351] : memref<2x!tpu.dma_semaphore, #tpu.memory_space<semaphore_mem>> -> memref<1x!tpu.dma_semaphore, #tpu.memory_space<semaphore_mem>>
            %dma_start3A_361 = tpu.memref_squeeze %dma_start3A_360 : memref<1x!tpu.dma_semaphore, #tpu.memory_space<semaphore_mem>> -> memref<!tpu.dma_semaphore, #tpu.memory_space<semaphore_mem>>
            %dma_start3A_362 = tpu.memref_slice %run_scoped3A[%add3A_357] : memref<51200xf32, #tpu.memory_space<vmem>> -> memref<25600xf32, #tpu.memory_space<vmem>>
            %dma_start3A_363 = tpu.memref_slice %arg2[%mul3A_353] : memref<12800000xf32, #tpu.memory_space<hbm>> -> memref<25600xf32, #tpu.memory_space<hbm>>
            tpu.enqueue_dma source(%dma_start3A_363 : memref<25600xf32, #tpu.memory_space<hbm>>) target(%dma_start3A_362 : memref<25600xf32, #tpu.memory_space<vmem>>) target_semaphore(%dma_start3A_361 : memref<!tpu.dma_semaphore, #tpu.memory_space<semaphore_mem>>)
            "tpu.trace_stop"() : () -> ()
          } else {
          }
          %and3A_230 = arith.constant true
          %and3A_231 = arith.andi %and3A, %and3A_230 : i1
          %add3A_232 = arith.constant 1 : i32
          %add3A_233 = arith.addi %while3A_182, %add3A_232 : i32
          %select_n3A_234 = arith.select %and3A_231, %add3A_233, %while3A_182 : i32
          %ne3A_235 = arith.cmpi ne, %add3A_194, %add3A_212 : i32
          %or3A_236 = arith.constant false
          %or3A_237 = arith.ori %or3A_236, %ne3A_235 : i1
          %or3A_238 = arith.constant false
          %or3A_239 = arith.ori %or3A_237, %or3A_238 : i1
          %sub3A_240 = arith.constant 2 : i32
          %sub3A_241 = arith.subi %mul3A_188, %sub3A_240 : i32
          %add3A_242 = arith.constant 1 : i32
          %add3A_243 = arith.addi %sub3A_241, %add3A_242 : i32
          %ge3A_244 = arith.cmpi sge, %while3A_181, %add3A_243 : i32
          %not3A_245 = arith.constant true
          %not3A_246 = arith.xori %ge3A_244, %not3A_245 : i1
          %and3A_247 = arith.andi %or3A_239, %not3A_246 : i1
          %convert_element_type3A_248 = arith.extui %and3A_247 : i1 to i32
          %cond3A_249 = arith.constant 0 : i32
          %cond3A_250 = arith.cmpi ne, %convert_element_type3A_248, %cond3A_249 : i32
          scf.if %cond3A_250 {
            "tpu.trace_start"() <{level = 10 : i32, message = "ep_copy_in"}> : () -> ()
            %rem3A_350 = arith.constant 2 : i32
            %rem3A_351 = arith.remui %while3A_184, %rem3A_350 : i32
            %mul3A_352 = arith.constant 1 : i32
            %mul3A_353 = arith.muli %mul3A_352, %add3A_212 : i32
            %dma_start3A_354 = arith.constant 0 : i32
            %dma_start3A_355 = arith.constant 0 : i32
            %dma_start3A_356 = tpu.memref_slice %run_scoped3A_37[%rem3A_351, %dma_start3A_354, %dma_start3A_355] : memref<2x1x200xi32, #tpu.memory_space<vmem>> -> memref<1x1x200xi32, #tpu.memory_space<vmem>>
            %dma_start3A_357 = tpu.memref_squeeze %dma_start3A_356 : memref<1x1x200xi32, #tpu.memory_space<vmem>> -> memref<1x200xi32, #tpu.memory_space<vmem>>
            %dma_start3A_358 = arith.constant 0 : i32
            %dma_start3A_359 = tpu.memref_slice %arg3[%mul3A_353, %dma_start3A_358] : memref<500x200xi32, #tpu.memory_space<hbm>> -> memref<1x200xi32, #tpu.memory_space<hbm>>
            %dma_start3A_360 = tpu.memref_slice %run_scoped3A_38[%rem3A_351] : memref<2x!tpu.dma_semaphore, #tpu.memory_space<semaphore_mem>> -> memref<1x!tpu.dma_semaphore, #tpu.memory_space<semaphore_mem>>
            %dma_start3A_361 = tpu.memref_squeeze %dma_start3A_360 : memref<1x!tpu.dma_semaphore, #tpu.memory_space<semaphore_mem>> -> memref<!tpu.dma_semaphore, #tpu.memory_space<semaphore_mem>>
            %dma_start3A_362 = arith.constant 0 : i32
            %dma_start3A_363 = arith.constant 0 : i32
            %dma_start3A_364 = tpu.memref_slice %run_scoped3A_37[%rem3A_351, %dma_start3A_362, %dma_start3A_363] : memref<2x1x200xi32, #tpu.memory_space<vmem>> -> memref<1x1x200xi32, #tpu.memory_space<vmem>>
            %dma_start3A_365 = tpu.memref_squeeze %dma_start3A_364 : memref<1x1x200xi32, #tpu.memory_space<vmem>> -> memref<1x200xi32, #tpu.memory_space<vmem>>
            %dma_start3A_366 = arith.constant 0 : i32
            %dma_start3A_367 = tpu.memref_slice %arg3[%mul3A_353, %dma_start3A_366] : memref<500x200xi32, #tpu.memory_space<hbm>> -> memref<1x200xi32, #tpu.memory_space<hbm>>
            tpu.enqueue_dma source(%dma_start3A_367 : memref<1x200xi32, #tpu.memory_space<hbm>>) target(%dma_start3A_365 : memref<1x200xi32, #tpu.memory_space<vmem>>) target_semaphore(%dma_start3A_361 : memref<!tpu.dma_semaphore, #tpu.memory_space<semaphore_mem>>)
            "tpu.trace_stop"() : () -> ()
          } else {
          }
          %and3A_251 = arith.constant true
          %and3A_252 = arith.andi %and3A_247, %and3A_251 : i1
          %add3A_253 = arith.constant 1 : i32
          %add3A_254 = arith.addi %while3A_184, %add3A_253 : i32
          %select_n3A_255 = arith.select %and3A_252, %add3A_254, %while3A_184 : i32
          %ne3A_256 = arith.cmpi ne, %add3A_194, %add3A_204 : i32
          %or3A_257 = arith.constant false
          %or3A_258 = arith.ori %or3A_257, %ne3A_256 : i1
          %or3A_259 = arith.ori %or3A_258, %eq3A_190 : i1
          %convert_element_type3A_260 = arith.extui %or3A_259 : i1 to i32
          %cond3A_261 = arith.constant 0 : i32
          %cond3A_262 = arith.cmpi ne, %convert_element_type3A_260, %cond3A_261 : i32
          scf.if %cond3A_262 {
            "tpu.trace_start"() <{level = 10 : i32, message = "ep_wait_in"}> : () -> ()
            %mul3A_350 = arith.constant 25600 : i32
            %mul3A_351 = arith.muli %mul3A_350, %add3A_194 : i32
            %rem3A_352 = arith.constant 2 : i32
            %rem3A_353 = arith.remui %while3A_183, %rem3A_352 : i32
            %mul3A_354 = arith.constant 25600 : i32
            %mul3A_355 = arith.muli %rem3A_353, %mul3A_354 : i32
            %add3A_356 = arith.constant 0 : i32
            %add3A_357 = arith.addi %mul3A_355, %add3A_356 : i32
            %dma_wait3A = tpu.memref_slice %run_scoped3A[%add3A_357] : memref<51200xf32, #tpu.memory_space<vmem>> -> memref<25600xf32, #tpu.memory_space<vmem>>
            %dma_wait3A_358 = tpu.memref_slice %arg2[%mul3A_351] : memref<12800000xf32, #tpu.memory_space<hbm>> -> memref<25600xf32, #tpu.memory_space<hbm>>
            %dma_wait3A_359 = tpu.memref_slice %run_scoped3A_36[%rem3A_353] : memref<2x!tpu.dma_semaphore, #tpu.memory_space<semaphore_mem>> -> memref<1x!tpu.dma_semaphore, #tpu.memory_space<semaphore_mem>>
            %dma_wait3A_360 = tpu.memref_squeeze %dma_wait3A_359 : memref<1x!tpu.dma_semaphore, #tpu.memory_space<semaphore_mem>> -> memref<!tpu.dma_semaphore, #tpu.memory_space<semaphore_mem>>
            %dma_wait3A_361 = tpu.memref_slice %run_scoped3A[%add3A_357] : memref<51200xf32, #tpu.memory_space<vmem>> -> memref<25600xf32, #tpu.memory_space<vmem>>
            %dma_wait3A_362 = tpu.memref_slice %arg2[%mul3A_351] : memref<12800000xf32, #tpu.memory_space<hbm>> -> memref<25600xf32, #tpu.memory_space<hbm>>
            tpu.wait_dma2 semaphore(%dma_wait3A_360 : memref<!tpu.dma_semaphore, #tpu.memory_space<semaphore_mem>>) src(%dma_wait3A_362 : memref<25600xf32, #tpu.memory_space<hbm>>) dst(%dma_wait3A_361 : memref<25600xf32, #tpu.memory_space<vmem>>)
            "tpu.trace_stop"() : () -> ()
          } else {
          }
          %ne3A_263 = arith.cmpi ne, %add3A_194, %add3A_204 : i32
          %or3A_264 = arith.constant false
          %or3A_265 = arith.ori %or3A_264, %ne3A_263 : i1
          %or3A_266 = arith.constant false
          %or3A_267 = arith.ori %or3A_265, %or3A_266 : i1
          %or3A_268 = arith.ori %or3A_267, %eq3A_190 : i1
          %convert_element_type3A_269 = arith.extui %or3A_268 : i1 to i32
          %cond3A_270 = arith.constant 0 : i32
          %cond3A_271 = arith.cmpi ne, %convert_element_type3A_269, %cond3A_270 : i32
          scf.if %cond3A_271 {
            "tpu.trace_start"() <{level = 10 : i32, message = "ep_wait_in"}> : () -> ()
            %mul3A_350 = arith.constant 1 : i32
            %mul3A_351 = arith.muli %mul3A_350, %add3A_194 : i32
            %rem3A_352 = arith.constant 2 : i32
            %rem3A_353 = arith.remui %while3A_185, %rem3A_352 : i32
            %dma_wait3A = arith.constant 0 : i32
            %dma_wait3A_354 = arith.constant 0 : i32
            %dma_wait3A_355 = tpu.memref_slice %run_scoped3A_37[%rem3A_353, %dma_wait3A, %dma_wait3A_354] : memref<2x1x200xi32, #tpu.memory_space<vmem>> -> memref<1x1x200xi32, #tpu.memory_space<vmem>>
            %dma_wait3A_356 = tpu.memref_squeeze %dma_wait3A_355 : memref<1x1x200xi32, #tpu.memory_space<vmem>> -> memref<1x200xi32, #tpu.memory_space<vmem>>
            %dma_wait3A_357 = arith.constant 0 : i32
            %dma_wait3A_358 = tpu.memref_slice %arg3[%mul3A_351, %dma_wait3A_357] : memref<500x200xi32, #tpu.memory_space<hbm>> -> memref<1x200xi32, #tpu.memory_space<hbm>>
            %dma_wait3A_359 = tpu.memref_slice %run_scoped3A_38[%rem3A_353] : memref<2x!tpu.dma_semaphore, #tpu.memory_space<semaphore_mem>> -> memref<1x!tpu.dma_semaphore, #tpu.memory_space<semaphore_mem>>
            %dma_wait3A_360 = tpu.memref_squeeze %dma_wait3A_359 : memref<1x!tpu.dma_semaphore, #tpu.memory_space<semaphore_mem>> -> memref<!tpu.dma_semaphore, #tpu.memory_space<semaphore_mem>>
            %dma_wait3A_361 = arith.constant 0 : i32
            %dma_wait3A_362 = arith.constant 0 : i32
            %dma_wait3A_363 = tpu.memref_slice %run_scoped3A_37[%rem3A_353, %dma_wait3A_361, %dma_wait3A_362] : memref<2x1x200xi32, #tpu.memory_space<vmem>> -> memref<1x1x200xi32, #tpu.memory_space<vmem>>
            %dma_wait3A_364 = tpu.memref_squeeze %dma_wait3A_363 : memref<1x1x200xi32, #tpu.memory_space<vmem>> -> memref<1x200xi32, #tpu.memory_space<vmem>>
            %dma_wait3A_365 = arith.constant 0 : i32
            %dma_wait3A_366 = tpu.memref_slice %arg3[%mul3A_351, %dma_wait3A_365] : memref<500x200xi32, #tpu.memory_space<hbm>> -> memref<1x200xi32, #tpu.memory_space<hbm>>
            tpu.wait_dma2 semaphore(%dma_wait3A_360 : memref<!tpu.dma_semaphore, #tpu.memory_space<semaphore_mem>>) src(%dma_wait3A_366 : memref<1x200xi32, #tpu.memory_space<hbm>>) dst(%dma_wait3A_364 : memref<1x200xi32, #tpu.memory_space<vmem>>)
            "tpu.trace_stop"() : () -> ()
          } else {
          }
          %rem3A_272 = arith.constant 2 : i32
          %rem3A_273 = arith.remui %while3A_183, %rem3A_272 : i32
          %mul3A_274 = arith.constant 25600 : i32
          %mul3A_275 = arith.muli %rem3A_273, %mul3A_274 : i32
          %rem3A_276 = arith.constant 2 : i32
          %rem3A_277 = arith.remui %while3A_185, %rem3A_276 : i32
          "tpu.trace_start"() <{level = 10 : i32, message = "ep_run_kernel"}> : () -> ()
          %scan3A_278 = arith.constant 0 : i32
          %scan3A_279 = arith.constant 12 : i32
          %scan3A_280 = arith.addi %scan3A_278, %scan3A_279 : i32
          %scan3A_281 = arith.constant 1 : i32
          scf.for %scan3A_350 = %scan3A_278 to %scan3A_280 step %scan3A_281  : i32 {
            %mul3A_351 = arith.constant 1 : i32
            %mul3A_352 = arith.muli %scan3A_350, %mul3A_351 : i32
            %add3A_353 = arith.constant 0 : i32
            %add3A_354 = arith.addi %add3A_353, %mul3A_352 : i32
            %mul3A_355 = arith.constant 16 : i32
            %mul3A_356 = arith.muli %add3A_354, %mul3A_355 : i32
            %get3A = arith.constant 0 : i32
            %get3A_357 = arith.constant 0 : i32
            %get3A_358 = arith.constant 0 : i32
            %get3A_359 = tpu.memref_slice %run_scoped3A_37[%rem3A_277, %get3A_357, %get3A_358] : memref<2x1x200xi32, #tpu.memory_space<vmem>> -> memref<1x1x200xi32, #tpu.memory_space<vmem>>
            %get3A_360 = tpu.memref_squeeze %get3A_359 : memref<1x1x200xi32, #tpu.memory_space<vmem>> -> memref<1x200xi32, #tpu.memory_space<vmem>>
            %get3A_361 = arith.index_cast %get3A : i32 to index
            %get3A_362 = arith.index_cast %mul3A_356 : i32 to index
            %get3A_363 = tpu.vector_load %get3A_360[%get3A_361, %get3A_362] {strides = array<i32>} : memref<1x200xi32, #tpu.memory_space<vmem>>, vector<16xi32>,
            tpu.vector_store_idx %arg7[%get3A_363], %broadcast_in_dim3A_12 {add = true} : memref<256xf32, #tpu.memory_space<vmem>>[vector<16xi32>], vector<16xf32>,
            %mul3A_364 = arith.constant 2048 : i32
            %mul3A_365 = arith.muli %add3A_354, %mul3A_364 : i32
            %slice3A = vector.extract_strided_slice %get3A_363 {offsets = [0], sizes = [1], strides = [1]} : vector<16xi32> to vector<1xi32>
            %squeeze3A = vector.extract %slice3A[0] : i32 from vector<1xi32>
            %slice3A_366 = vector.extract_strided_slice %get3A_363 {offsets = [15], sizes = [1], strides = [1]} : vector<16xi32> to vector<1xi32>
            %squeeze3A_367 = vector.extract %slice3A_366[0] : i32 from vector<1xi32>
            %eq3A_368 = arith.cmpi eq, %squeeze3A, %squeeze3A_367 : i32
            %convert_element_type3A_369 = arith.extui %eq3A_368 : i1 to i32
            %cond3A_370 = arith.constant 0 : i32
            %cond3A_371 = arith.cmpi ne, %convert_element_type3A_369, %cond3A_370 : i32
            scf.if %cond3A_371 {
              %mul3A_376 = arith.constant 128 : i32
              %mul3A_377 = arith.muli %squeeze3A, %mul3A_376 : i32
              %add3A_378 = arith.constant 0 : i32
              %add3A_379 = arith.addi %mul3A_365, %add3A_378 : i32
              %add3A_380 = arith.constant 0 : i32
              %add3A_381 = arith.addi %add3A_379, %add3A_380 : i32
              %get3A_382 = tpu.memref_slice %run_scoped3A[%mul3A_275] : memref<51200xf32, #tpu.memory_space<vmem>> -> memref<25600xf32, #tpu.memory_space<vmem>>
              %get3A_383 = arith.index_cast %add3A_381 : i32 to index
              %get3A_384 = tpu.vector_load %get3A_382[%get3A_383] {strides = array<i32>} : memref<25600xf32, #tpu.memory_space<vmem>>, vector<16xf32>,
              %add3A_385 = arith.constant 128 : i32
              %add3A_386 = arith.addi %mul3A_365, %add3A_385 : i32
              %add3A_387 = arith.constant 0 : i32
              %add3A_388 = arith.addi %add3A_386, %add3A_387 : i32
              %get3A_389 = tpu.memref_slice %run_scoped3A[%mul3A_275] : memref<51200xf32, #tpu.memory_space<vmem>> -> memref<25600xf32, #tpu.memory_space<vmem>>
              %get3A_390 = arith.index_cast %add3A_388 : i32 to index
              %get3A_391 = tpu.vector_load %get3A_389[%get3A_390] {strides = array<i32>} : memref<25600xf32, #tpu.memory_space<vmem>>, vector<16xf32>,
              %add3A_392 = arith.constant 256 : i32
              %add3A_393 = arith.addi %mul3A_365, %add3A_392 : i32
              %add3A_394 = arith.constant 0 : i32
              %add3A_395 = arith.addi %add3A_393, %add3A_394 : i32
              %get3A_396 = tpu.memref_slice %run_scoped3A[%mul3A_275] : memref<51200xf32, #tpu.memory_space<vmem>> -> memref<25600xf32, #tpu.memory_space<vmem>>
              %get3A_397 = arith.index_cast %add3A_395 : i32 to index
              %get3A_398 = tpu.vector_load %get3A_396[%get3A_397] {strides = array<i32>} : memref<25600xf32, #tpu.memory_space<vmem>>, vector<16xf32>,
              %add3A_399 = arith.constant 384 : i32
              %add3A_400 = arith.addi %mul3A_365, %add3A_399 : i32
              %add3A_401 = arith.constant 0 : i32
              %add3A_402 = arith.addi %add3A_400, %add3A_401 : i32
              %get3A_403 = tpu.memref_slice %run_scoped3A[%mul3A_275] : memref<51200xf32, #tpu.memory_space<vmem>> -> memref<25600xf32, #tpu.memory_space<vmem>>
              %get3A_404 = arith.index_cast %add3A_402 : i32 to index
              %get3A_405 = tpu.vector_load %get3A_403[%get3A_404] {strides = array<i32>} : memref<25600xf32, #tpu.memory_space<vmem>>, vector<16xf32>,
              %add3A_406 = arith.constant 512 : i32
              %add3A_407 = arith.addi %mul3A_365, %add3A_406 : i32
              %add3A_408 = arith.constant 0 : i32
              %add3A_409 = arith.addi %add3A_407, %add3A_408 : i32
              %get3A_410 = tpu.memref_slice %run_scoped3A[%mul3A_275] : memref<51200xf32, #tpu.memory_space<vmem>> -> memref<25600xf32, #tpu.memory_space<vmem>>
              %get3A_411 = arith.index_cast %add3A_409 : i32 to index
              %get3A_412 = tpu.vector_load %get3A_410[%get3A_411] {strides = array<i32>} : memref<25600xf32, #tpu.memory_space<vmem>>, vector<16xf32>,
              %add3A_413 = arith.constant 640 : i32
              %add3A_414 = arith.addi %mul3A_365, %add3A_413 : i32
              %add3A_415 = arith.constant 0 : i32
              %add3A_416 = arith.addi %add3A_414, %add3A_415 : i32
              %get3A_417 = tpu.memref_slice %run_scoped3A[%mul3A_275] : memref<51200xf32, #tpu.memory_space<vmem>> -> memref<25600xf32, #tpu.memory_space<vmem>>
              %get3A_418 = arith.index_cast %add3A_416 : i32 to index
              %get3A_419 = tpu.vector_load %get3A_417[%get3A_418] {strides = array<i32>} : memref<25600xf32, #tpu.memory_space<vmem>>, vector<16xf32>,
              %add3A_420 = arith.constant 768 : i32
              %add3A_421 = arith.addi %mul3A_365, %add3A_420 : i32
              %add3A_422 = arith.constant 0 : i32
              %add3A_423 = arith.addi %add3A_421, %add3A_422 : i32
              %get3A_424 = tpu.memref_slice %run_scoped3A[%mul3A_275] : memref<51200xf32, #tpu.memory_space<vmem>> -> memref<25600xf32, #tpu.memory_space<vmem>>
              %get3A_425 = arith.index_cast %add3A_423 : i32 to index
              %get3A_426 = tpu.vector_load %get3A_424[%get3A_425] {strides = array<i32>} : memref<25600xf32, #tpu.memory_space<vmem>>, vector<16xf32>,
              %add3A_427 = arith.constant 896 : i32
              %add3A_428 = arith.addi %mul3A_365, %add3A_427 : i32
              %add3A_429 = arith.constant 0 : i32
              %add3A_430 = arith.addi %add3A_428, %add3A_429 : i32
              %get3A_431 = tpu.memref_slice %run_scoped3A[%mul3A_275] : memref<51200xf32, #tpu.memory_space<vmem>> -> memref<25600xf32, #tpu.memory_space<vmem>>
              %get3A_432 = arith.index_cast %add3A_430 : i32 to index
              %get3A_433 = tpu.vector_load %get3A_431[%get3A_432] {strides = array<i32>} : memref<25600xf32, #tpu.memory_space<vmem>>, vector<16xf32>,
              %add3A_434 = arith.constant 1024 : i32
              %add3A_435 = arith.addi %mul3A_365, %add3A_434 : i32
              %add3A_436 = arith.constant 0 : i32
              %add3A_437 = arith.addi %add3A_435, %add3A_436 : i32
              %get3A_438 = tpu.memref_slice %run_scoped3A[%mul3A_275] : memref<51200xf32, #tpu.memory_space<vmem>> -> memref<25600xf32, #tpu.memory_space<vmem>>
              %get3A_439 = arith.index_cast %add3A_437 : i32 to index
              %get3A_440 = tpu.vector_load %get3A_438[%get3A_439] {strides = array<i32>} : memref<25600xf32, #tpu.memory_space<vmem>>, vector<16xf32>,
              %add3A_441 = arith.constant 1152 : i32
              %add3A_442 = arith.addi %mul3A_365, %add3A_441 : i32
              %add3A_443 = arith.constant 0 : i32
              %add3A_444 = arith.addi %add3A_442, %add3A_443 : i32
              %get3A_445 = tpu.memref_slice %run_scoped3A[%mul3A_275] : memref<51200xf32, #tpu.memory_space<vmem>> -> memref<25600xf32, #tpu.memory_space<vmem>>
              %get3A_446 = arith.index_cast %add3A_444 : i32 to index
              %get3A_447 = tpu.vector_load %get3A_445[%get3A_446] {strides = array<i32>} : memref<25600xf32, #tpu.memory_space<vmem>>, vector<16xf32>,
              %add3A_448 = arith.constant 1280 : i32
              %add3A_449 = arith.addi %mul3A_365, %add3A_448 : i32
              %add3A_450 = arith.constant 0 : i32
              %add3A_451 = arith.addi %add3A_449, %add3A_450 : i32
              %get3A_452 = tpu.memref_slice %run_scoped3A[%mul3A_275] : memref<51200xf32, #tpu.memory_space<vmem>> -> memref<25600xf32, #tpu.memory_space<vmem>>
              %get3A_453 = arith.index_cast %add3A_451 : i32 to index
              %get3A_454 = tpu.vector_load %get3A_452[%get3A_453] {strides = array<i32>} : memref<25600xf32, #tpu.memory_space<vmem>>, vector<16xf32>,
              %add3A_455 = arith.constant 1408 : i32
              %add3A_456 = arith.addi %mul3A_365, %add3A_455 : i32
              %add3A_457 = arith.constant 0 : i32
              %add3A_458 = arith.addi %add3A_456, %add3A_457 : i32
              %get3A_459 = tpu.memref_slice %run_scoped3A[%mul3A_275] : memref<51200xf32, #tpu.memory_space<vmem>> -> memref<25600xf32, #tpu.memory_space<vmem>>
              %get3A_460 = arith.index_cast %add3A_458 : i32 to index
              %get3A_461 = tpu.vector_load %get3A_459[%get3A_460] {strides = array<i32>} : memref<25600xf32, #tpu.memory_space<vmem>>, vector<16xf32>,
              %add3A_462 = arith.constant 1536 : i32
              %add3A_463 = arith.addi %mul3A_365, %add3A_462 : i32
              %add3A_464 = arith.constant 0 : i32
              %add3A_465 = arith.addi %add3A_463, %add3A_464 : i32
              %get3A_466 = tpu.memref_slice %run_scoped3A[%mul3A_275] : memref<51200xf32, #tpu.memory_space<vmem>> -> memref<25600xf32, #tpu.memory_space<vmem>>
              %get3A_467 = arith.index_cast %add3A_465 : i32 to index
              %get3A_468 = tpu.vector_load %get3A_466[%get3A_467] {strides = array<i32>} : memref<25600xf32, #tpu.memory_space<vmem>>, vector<16xf32>,
              %add3A_469 = arith.constant 1664 : i32
              %add3A_470 = arith.addi %mul3A_365, %add3A_469 : i32
              %add3A_471 = arith.constant 0 : i32
              %add3A_472 = arith.addi %add3A_470, %add3A_471 : i32
              %get3A_473 = tpu.memref_slice %run_scoped3A[%mul3A_275] : memref<51200xf32, #tpu.memory_space<vmem>> -> memref<25600xf32, #tpu.memory_space<vmem>>
              %get3A_474 = arith.index_cast %add3A_472 : i32 to index
              %get3A_475 = tpu.vector_load %get3A_473[%get3A_474] {strides = array<i32>} : memref<25600xf32, #tpu.memory_space<vmem>>, vector<16xf32>,
              %add3A_476 = arith.constant 1792 : i32
              %add3A_477 = arith.addi %mul3A_365, %add3A_476 : i32
              %add3A_478 = arith.constant 0 : i32
              %add3A_479 = arith.addi %add3A_477, %add3A_478 : i32
              %get3A_480 = tpu.memref_slice %run_scoped3A[%mul3A_275] : memref<51200xf32, #tpu.memory_space<vmem>> -> memref<25600xf32, #tpu.memory_space<vmem>>
              %get3A_481 = arith.index_cast %add3A_479 : i32 to index
              %get3A_482 = tpu.vector_load %get3A_480[%get3A_481] {strides = array<i32>} : memref<25600xf32, #tpu.memory_space<vmem>>, vector<16xf32>,
              %add3A_483 = arith.constant 1920 : i32
              %add3A_484 = arith.addi %mul3A_365, %add3A_483 : i32
              %add3A_485 = arith.constant 0 : i32
              %add3A_486 = arith.addi %add3A_484, %add3A_485 : i32
              %get3A_487 = tpu.memref_slice %run_scoped3A[%mul3A_275] : memref<51200xf32, #tpu.memory_space<vmem>> -> memref<25600xf32, #tpu.memory_space<vmem>>
              %get3A_488 = arith.index_cast %add3A_486 : i32 to index
              %get3A_489 = tpu.vector_load %get3A_487[%get3A_488] {strides = array<i32>} : memref<25600xf32, #tpu.memory_space<vmem>>, vector<16xf32>,
              %add3A_490 = arith.addf %get3A_384, %get3A_391 : vector<16xf32>
              %add3A_491 = arith.addf %get3A_398, %get3A_405 : vector<16xf32>
              %add3A_492 = arith.addf %get3A_412, %get3A_419 : vector<16xf32>
              %add3A_493 = arith.addf %get3A_426, %get3A_433 : vector<16xf32>
              %add3A_494 = arith.addf %get3A_440, %get3A_447 : vector<16xf32>
              %add3A_495 = arith.addf %get3A_454, %get3A_461 : vector<16xf32>
              %add3A_496 = arith.addf %get3A_468, %get3A_475 : vector<16xf32>
              %add3A_497 = arith.addf %get3A_482, %get3A_489 : vector<16xf32>
              %add3A_498 = arith.addf %add3A_490, %add3A_491 : vector<16xf32>
              %add3A_499 = arith.addf %add3A_492, %add3A_493 : vector<16xf32>
              %add3A_500 = arith.addf %add3A_494, %add3A_495 : vector<16xf32>
              %add3A_501 = arith.addf %add3A_496, %add3A_497 : vector<16xf32>
              %add3A_502 = arith.addf %add3A_498, %add3A_499 : vector<16xf32>
              %add3A_503 = arith.addf %add3A_500, %add3A_501 : vector<16xf32>
              %add3A_504 = arith.addf %add3A_502, %add3A_503 : vector<16xf32>
              %add3A_505 = arith.constant 0 : i32
              %add3A_506 = arith.addi %mul3A_377, %add3A_505 : i32
              %swap3A = arith.index_cast %add3A_506 : i32 to index
              %swap3A_507 = tpu.vector_load %arg6[%swap3A] {strides = array<i32>} : memref<32768xf32, #tpu.memory_space<vmem>>, vector<16xf32>,
              tpu.vector_store %arg6[%swap3A], %add3A_504 {add = true, strides = array<i32>} : memref<32768xf32, #tpu.memory_space<vmem>>, vector<16xf32>,
              %add3A_508 = arith.constant 0 : i32
              %add3A_509 = arith.addi %mul3A_365, %add3A_508 : i32
              %add3A_510 = arith.constant 16 : i32
              %add3A_511 = arith.addi %add3A_509, %add3A_510 : i32
              %get3A_512 = tpu.memref_slice %run_scoped3A[%mul3A_275] : memref<51200xf32, #tpu.memory_space<vmem>> -> memref<25600xf32, #tpu.memory_space<vmem>>
              %get3A_513 = arith.index_cast %add3A_511 : i32 to index
              %get3A_514 = tpu.vector_load %get3A_512[%get3A_513] {strides = array<i32>} : memref<25600xf32, #tpu.memory_space<vmem>>, vector<16xf32>,
              %add3A_515 = arith.constant 128 : i32
              %add3A_516 = arith.addi %mul3A_365, %add3A_515 : i32
              %add3A_517 = arith.constant 16 : i32
              %add3A_518 = arith.addi %add3A_516, %add3A_517 : i32
              %get3A_519 = tpu.memref_slice %run_scoped3A[%mul3A_275] : memref<51200xf32, #tpu.memory_space<vmem>> -> memref<25600xf32, #tpu.memory_space<vmem>>
              %get3A_520 = arith.index_cast %add3A_518 : i32 to index
              %get3A_521 = tpu.vector_load %get3A_519[%get3A_520] {strides = array<i32>} : memref<25600xf32, #tpu.memory_space<vmem>>, vector<16xf32>,
              %add3A_522 = arith.constant 256 : i32
              %add3A_523 = arith.addi %mul3A_365, %add3A_522 : i32
              %add3A_524 = arith.constant 16 : i32
              %add3A_525 = arith.addi %add3A_523, %add3A_524 : i32
              %get3A_526 = tpu.memref_slice %run_scoped3A[%mul3A_275] : memref<51200xf32, #tpu.memory_space<vmem>> -> memref<25600xf32, #tpu.memory_space<vmem>>
              %get3A_527 = arith.index_cast %add3A_525 : i32 to index
              %get3A_528 = tpu.vector_load %get3A_526[%get3A_527] {strides = array<i32>} : memref<25600xf32, #tpu.memory_space<vmem>>, vector<16xf32>,
              %add3A_529 = arith.constant 384 : i32
              %add3A_530 = arith.addi %mul3A_365, %add3A_529 : i32
              %add3A_531 = arith.constant 16 : i32
              %add3A_532 = arith.addi %add3A_530, %add3A_531 : i32
              %get3A_533 = tpu.memref_slice %run_scoped3A[%mul3A_275] : memref<51200xf32, #tpu.memory_space<vmem>> -> memref<25600xf32, #tpu.memory_space<vmem>>
              %get3A_534 = arith.index_cast %add3A_532 : i32 to index
              %get3A_535 = tpu.vector_load %get3A_533[%get3A_534] {strides = array<i32>} : memref<25600xf32, #tpu.memory_space<vmem>>, vector<16xf32>,
              %add3A_536 = arith.constant 512 : i32
              %add3A_537 = arith.addi %mul3A_365, %add3A_536 : i32
              %add3A_538 = arith.constant 16 : i32
              %add3A_539 = arith.addi %add3A_537, %add3A_538 : i32
              %get3A_540 = tpu.memref_slice %run_scoped3A[%mul3A_275] : memref<51200xf32, #tpu.memory_space<vmem>> -> memref<25600xf32, #tpu.memory_space<vmem>>
              %get3A_541 = arith.index_cast %add3A_539 : i32 to index
              %get3A_542 = tpu.vector_load %get3A_540[%get3A_541] {strides = array<i32>} : memref<25600xf32, #tpu.memory_space<vmem>>, vector<16xf32>,
              %add3A_543 = arith.constant 640 : i32
              %add3A_544 = arith.addi %mul3A_365, %add3A_543 : i32
              %add3A_545 = arith.constant 16 : i32
              %add3A_546 = arith.addi %add3A_544, %add3A_545 : i32
              %get3A_547 = tpu.memref_slice %run_scoped3A[%mul3A_275] : memref<51200xf32, #tpu.memory_space<vmem>> -> memref<25600xf32, #tpu.memory_space<vmem>>
              %get3A_548 = arith.index_cast %add3A_546 : i32 to index
              %get3A_549 = tpu.vector_load %get3A_547[%get3A_548] {strides = array<i32>} : memref<25600xf32, #tpu.memory_space<vmem>>, vector<16xf32>,
              %add3A_550 = arith.constant 768 : i32
              %add3A_551 = arith.addi %mul3A_365, %add3A_550 : i32
              %add3A_552 = arith.constant 16 : i32
              %add3A_553 = arith.addi %add3A_551, %add3A_552 : i32
              %get3A_554 = tpu.memref_slice %run_scoped3A[%mul3A_275] : memref<51200xf32, #tpu.memory_space<vmem>> -> memref<25600xf32, #tpu.memory_space<vmem>>
              %get3A_555 = arith.index_cast %add3A_553 : i32 to index
              %get3A_556 = tpu.vector_load %get3A_554[%get3A_555] {strides = array<i32>} : memref<25600xf32, #tpu.memory_space<vmem>>, vector<16xf32>,
              %add3A_557 = arith.constant 896 : i32
              %add3A_558 = arith.addi %mul3A_365, %add3A_557 : i32
              %add3A_559 = arith.constant 16 : i32
              %add3A_560 = arith.addi %add3A_558, %add3A_559 : i32
              %get3A_561 = tpu.memref_slice %run_scoped3A[%mul3A_275] : memref<51200xf32, #tpu.memory_space<vmem>> -> memref<25600xf32, #tpu.memory_space<vmem>>
              %get3A_562 = arith.index_cast %add3A_560 : i32 to index
              %get3A_563 = tpu.vector_load %get3A_561[%get3A_562] {strides = array<i32>} : memref<25600xf32, #tpu.memory_space<vmem>>, vector<16xf32>,
              %add3A_564 = arith.constant 1024 : i32
              %add3A_565 = arith.addi %mul3A_365, %add3A_564 : i32
              %add3A_566 = arith.constant 16 : i32
              %add3A_567 = arith.addi %add3A_565, %add3A_566 : i32
              %get3A_568 = tpu.memref_slice %run_scoped3A[%mul3A_275] : memref<51200xf32, #tpu.memory_space<vmem>> -> memref<25600xf32, #tpu.memory_space<vmem>>
              %get3A_569 = arith.index_cast %add3A_567 : i32 to index
              %get3A_570 = tpu.vector_load %get3A_568[%get3A_569] {strides = array<i32>} : memref<25600xf32, #tpu.memory_space<vmem>>, vector<16xf32>,
              %add3A_571 = arith.constant 1152 : i32
              %add3A_572 = arith.addi %mul3A_365, %add3A_571 : i32
              %add3A_573 = arith.constant 16 : i32
              %add3A_574 = arith.addi %add3A_572, %add3A_573 : i32
              %get3A_575 = tpu.memref_slice %run_scoped3A[%mul3A_275] : memref<51200xf32, #tpu.memory_space<vmem>> -> memref<25600xf32, #tpu.memory_space<vmem>>
              %get3A_576 = arith.index_cast %add3A_574 : i32 to index
              %get3A_577 = tpu.vector_load %get3A_575[%get3A_576] {strides = array<i32>} : memref<25600xf32, #tpu.memory_space<vmem>>, vector<16xf32>,
              %add3A_578 = arith.constant 1280 : i32
              %add3A_579 = arith.addi %mul3A_365, %add3A_578 : i32
              %add3A_580 = arith.constant 16 : i32
              %add3A_581 = arith.addi %add3A_579, %add3A_580 : i32
              %get3A_582 = tpu.memref_slice %run_scoped3A[%mul3A_275] : memref<51200xf32, #tpu.memory_space<vmem>> -> memref<25600xf32, #tpu.memory_space<vmem>>
              %get3A_583 = arith.index_cast %add3A_581 : i32 to index
              %get3A_584 = tpu.vector_load %get3A_582[%get3A_583] {strides = array<i32>} : memref<25600xf32, #tpu.memory_space<vmem>>, vector<16xf32>,
              %add3A_585 = arith.constant 1408 : i32
              %add3A_586 = arith.addi %mul3A_365, %add3A_585 : i32
              %add3A_587 = arith.constant 16 : i32
              %add3A_588 = arith.addi %add3A_586, %add3A_587 : i32
              %get3A_589 = tpu.memref_slice %run_scoped3A[%mul3A_275] : memref<51200xf32, #tpu.memory_space<vmem>> -> memref<25600xf32, #tpu.memory_space<vmem>>
              %get3A_590 = arith.index_cast %add3A_588 : i32 to index
              %get3A_591 = tpu.vector_load %get3A_589[%get3A_590] {strides = array<i32>} : memref<25600xf32, #tpu.memory_space<vmem>>, vector<16xf32>,
              %add3A_592 = arith.constant 1536 : i32
              %add3A_593 = arith.addi %mul3A_365, %add3A_592 : i32
              %add3A_594 = arith.constant 16 : i32
              %add3A_595 = arith.addi %add3A_593, %add3A_594 : i32
              %get3A_596 = tpu.memref_slice %run_scoped3A[%mul3A_275] : memref<51200xf32, #tpu.memory_space<vmem>> -> memref<25600xf32, #tpu.memory_space<vmem>>
              %get3A_597 = arith.index_cast %add3A_595 : i32 to index
              %get3A_598 = tpu.vector_load %get3A_596[%get3A_597] {strides = array<i32>} : memref<25600xf32, #tpu.memory_space<vmem>>, vector<16xf32>,
              %add3A_599 = arith.constant 1664 : i32
              %add3A_600 = arith.addi %mul3A_365, %add3A_599 : i32
              %add3A_601 = arith.constant 16 : i32
              %add3A_602 = arith.addi %add3A_600, %add3A_601 : i32
              %get3A_603 = tpu.memref_slice %run_scoped3A[%mul3A_275] : memref<51200xf32, #tpu.memory_space<vmem>> -> memref<25600xf32, #tpu.memory_space<vmem>>
              %get3A_604 = arith.index_cast %add3A_602 : i32 to index
              %get3A_605 = tpu.vector_load %get3A_603[%get3A_604] {strides = array<i32>} : memref<25600xf32, #tpu.memory_space<vmem>>, vector<16xf32>,
              %add3A_606 = arith.constant 1792 : i32
              %add3A_607 = arith.addi %mul3A_365, %add3A_606 : i32
              %add3A_608 = arith.constant 16 : i32
              %add3A_609 = arith.addi %add3A_607, %add3A_608 : i32
              %get3A_610 = tpu.memref_slice %run_scoped3A[%mul3A_275] : memref<51200xf32, #tpu.memory_space<vmem>> -> memref<25600xf32, #tpu.memory_space<vmem>>
              %get3A_611 = arith.index_cast %add3A_609 : i32 to index
              %get3A_612 = tpu.vector_load %get3A_610[%get3A_611] {strides = array<i32>} : memref<25600xf32, #tpu.memory_space<vmem>>, vector<16xf32>,
              %add3A_613 = arith.constant 1920 : i32
              %add3A_614 = arith.addi %mul3A_365, %add3A_613 : i32
              %add3A_615 = arith.constant 16 : i32
              %add3A_616 = arith.addi %add3A_614, %add3A_615 : i32
              %get3A_617 = tpu.memref_slice %run_scoped3A[%mul3A_275] : memref<51200xf32, #tpu.memory_space<vmem>> -> memref<25600xf32, #tpu.memory_space<vmem>>
              %get3A_618 = arith.index_cast %add3A_616 : i32 to index
              %get3A_619 = tpu.vector_load %get3A_617[%get3A_618] {strides = array<i32>} : memref<25600xf32, #tpu.memory_space<vmem>>, vector<16xf32>,
              %add3A_620 = arith.addf %get3A_514, %get3A_521 : vector<16xf32>
              %add3A_621 = arith.addf %get3A_528, %get3A_535 : vector<16xf32>
              %add3A_622 = arith.addf %get3A_542, %get3A_549 : vector<16xf32>
              %add3A_623 = arith.addf %get3A_556, %get3A_563 : vector<16xf32>
              %add3A_624 = arith.addf %get3A_570, %get3A_577 : vector<16xf32>
              %add3A_625 = arith.addf %get3A_584, %get3A_591 : vector<16xf32>
              %add3A_626 = arith.addf %get3A_598, %get3A_605 : vector<16xf32>
              %add3A_627 = arith.addf %get3A_612, %get3A_619 : vector<16xf32>
              %add3A_628 = arith.addf %add3A_620, %add3A_621 : vector<16xf32>
              %add3A_629 = arith.addf %add3A_622, %add3A_623 : vector<16xf32>
              %add3A_630 = arith.addf %add3A_624, %add3A_625 : vector<16xf32>
              %add3A_631 = arith.addf %add3A_626, %add3A_627 : vector<16xf32>
              %add3A_632 = arith.addf %add3A_628, %add3A_629 : vector<16xf32>
              %add3A_633 = arith.addf %add3A_630, %add3A_631 : vector<16xf32>
              %add3A_634 = arith.addf %add3A_632, %add3A_633 : vector<16xf32>
              %add3A_635 = arith.constant 16 : i32
              %add3A_636 = arith.addi %mul3A_377, %add3A_635 : i32
              %swap3A_637 = arith.index_cast %add3A_636 : i32 to index
              %swap3A_638 = tpu.vector_load %arg6[%swap3A_637] {strides = array<i32>} : memref<32768xf32, #tpu.memory_space<vmem>>, vector<16xf32>,
              tpu.vector_store %arg6[%swap3A_637], %add3A_634 {add = true, strides = array<i32>} : memref<32768xf32, #tpu.memory_space<vmem>>, vector<16xf32>,
              %add3A_639 = arith.constant 0 : i32
              %add3A_640 = arith.addi %mul3A_365, %add3A_639 : i32
              %add3A_641 = arith.constant 32 : i32
              %add3A_642 = arith.addi %add3A_640, %add3A_641 : i32
              %get3A_643 = tpu.memref_slice %run_scoped3A[%mul3A_275] : memref<51200xf32, #tpu.memory_space<vmem>> -> memref<25600xf32, #tpu.memory_space<vmem>>
              %get3A_644 = arith.index_cast %add3A_642 : i32 to index
              %get3A_645 = tpu.vector_load %get3A_643[%get3A_644] {strides = array<i32>} : memref<25600xf32, #tpu.memory_space<vmem>>, vector<16xf32>,
              %add3A_646 = arith.constant 128 : i32
              %add3A_647 = arith.addi %mul3A_365, %add3A_646 : i32
              %add3A_648 = arith.constant 32 : i32
              %add3A_649 = arith.addi %add3A_647, %add3A_648 : i32
              %get3A_650 = tpu.memref_slice %run_scoped3A[%mul3A_275] : memref<51200xf32, #tpu.memory_space<vmem>> -> memref<25600xf32, #tpu.memory_space<vmem>>
              %get3A_651 = arith.index_cast %add3A_649 : i32 to index
              %get3A_652 = tpu.vector_load %get3A_650[%get3A_651] {strides = array<i32>} : memref<25600xf32, #tpu.memory_space<vmem>>, vector<16xf32>,
              %add3A_653 = arith.constant 256 : i32
              %add3A_654 = arith.addi %mul3A_365, %add3A_653 : i32
              %add3A_655 = arith.constant 32 : i32
              %add3A_656 = arith.addi %add3A_654, %add3A_655 : i32
              %get3A_657 = tpu.memref_slice %run_scoped3A[%mul3A_275] : memref<51200xf32, #tpu.memory_space<vmem>> -> memref<25600xf32, #tpu.memory_space<vmem>>
              %get3A_658 = arith.index_cast %add3A_656 : i32 to index
              %get3A_659 = tpu.vector_load %get3A_657[%get3A_658] {strides = array<i32>} : memref<25600xf32, #tpu.memory_space<vmem>>, vector<16xf32>,
              %add3A_660 = arith.constant 384 : i32
              %add3A_661 = arith.addi %mul3A_365, %add3A_660 : i32
              %add3A_662 = arith.constant 32 : i32
              %add3A_663 = arith.addi %add3A_661, %add3A_662 : i32
              %get3A_664 = tpu.memref_slice %run_scoped3A[%mul3A_275] : memref<51200xf32, #tpu.memory_space<vmem>> -> memref<25600xf32, #tpu.memory_space<vmem>>
              %get3A_665 = arith.index_cast %add3A_663 : i32 to index
              %get3A_666 = tpu.vector_load %get3A_664[%get3A_665] {strides = array<i32>} : memref<25600xf32, #tpu.memory_space<vmem>>, vector<16xf32>,
              %add3A_667 = arith.constant 512 : i32
              %add3A_668 = arith.addi %mul3A_365, %add3A_667 : i32
              %add3A_669 = arith.constant 32 : i32
              %add3A_670 = arith.addi %add3A_668, %add3A_669 : i32
              %get3A_671 = tpu.memref_slice %run_scoped3A[%mul3A_275] : memref<51200xf32, #tpu.memory_space<vmem>> -> memref<25600xf32, #tpu.memory_space<vmem>>
              %get3A_672 = arith.index_cast %add3A_670 : i32 to index
              %get3A_673 = tpu.vector_load %get3A_671[%get3A_672] {strides = array<i32>} : memref<25600xf32, #tpu.memory_space<vmem>>, vector<16xf32>,
              %add3A_674 = arith.constant 640 : i32
              %add3A_675 = arith.addi %mul3A_365, %add3A_674 : i32
              %add3A_676 = arith.constant 32 : i32
              %add3A_677 = arith.addi %add3A_675, %add3A_676 : i32
              %get3A_678 = tpu.memref_slice %run_scoped3A[%mul3A_275] : memref<51200xf32, #tpu.memory_space<vmem>> -> memref<25600xf32, #tpu.memory_space<vmem>>
              %get3A_679 = arith.index_cast %add3A_677 : i32 to index
              %get3A_680 = tpu.vector_load %get3A_678[%get3A_679] {strides = array<i32>} : memref<25600xf32, #tpu.memory_space<vmem>>, vector<16xf32>,
              %add3A_681 = arith.constant 768 : i32
              %add3A_682 = arith.addi %mul3A_365, %add3A_681 : i32
              %add3A_683 = arith.constant 32 : i32
              %add3A_684 = arith.addi %add3A_682, %add3A_683 : i32
              %get3A_685 = tpu.memref_slice %run_scoped3A[%mul3A_275] : memref<51200xf32, #tpu.memory_space<vmem>> -> memref<25600xf32, #tpu.memory_space<vmem>>
              %get3A_686 = arith.index_cast %add3A_684 : i32 to index
              %get3A_687 = tpu.vector_load %get3A_685[%get3A_686] {strides = array<i32>} : memref<25600xf32, #tpu.memory_space<vmem>>, vector<16xf32>,
              %add3A_688 = arith.constant 896 : i32
              %add3A_689 = arith.addi %mul3A_365, %add3A_688 : i32
              %add3A_690 = arith.constant 32 : i32
              %add3A_691 = arith.addi %add3A_689, %add3A_690 : i32
              %get3A_692 = tpu.memref_slice %run_scoped3A[%mul3A_275] : memref<51200xf32, #tpu.memory_space<vmem>> -> memref<25600xf32, #tpu.memory_space<vmem>>
              %get3A_693 = arith.index_cast %add3A_691 : i32 to index
              %get3A_694 = tpu.vector_load %get3A_692[%get3A_693] {strides = array<i32>} : memref<25600xf32, #tpu.memory_space<vmem>>, vector<16xf32>,
              %add3A_695 = arith.constant 1024 : i32
              %add3A_696 = arith.addi %mul3A_365, %add3A_695 : i32
              %add3A_697 = arith.constant 32 : i32
              %add3A_698 = arith.addi %add3A_696, %add3A_697 : i32
              %get3A_699 = tpu.memref_slice %run_scoped3A[%mul3A_275] : memref<51200xf32, #tpu.memory_space<vmem>> -> memref<25600xf32, #tpu.memory_space<vmem>>
              %get3A_700 = arith.index_cast %add3A_698 : i32 to index
              %get3A_701 = tpu.vector_load %get3A_699[%get3A_700] {strides = array<i32>} : memref<25600xf32, #tpu.memory_space<vmem>>, vector<16xf32>,
              %add3A_702 = arith.constant 1152 : i32
              %add3A_703 = arith.addi %mul3A_365, %add3A_702 : i32
              %add3A_704 = arith.constant 32 : i32
              %add3A_705 = arith.addi %add3A_703, %add3A_704 : i32
              %get3A_706 = tpu.memref_slice %run_scoped3A[%mul3A_275] : memref<51200xf32, #tpu.memory_space<vmem>> -> memref<25600xf32, #tpu.memory_space<vmem>>
              %get3A_707 = arith.index_cast %add3A_705 : i32 to index
              %get3A_708 = tpu.vector_load %get3A_706[%get3A_707] {strides = array<i32>} : memref<25600xf32, #tpu.memory_space<vmem>>, vector<16xf32>,
              %add3A_709 = arith.constant 1280 : i32
              %add3A_710 = arith.addi %mul3A_365, %add3A_709 : i32
              %add3A_711 = arith.constant 32 : i32
              %add3A_712 = arith.addi %add3A_710, %add3A_711 : i32
              %get3A_713 = tpu.memref_slice %run_scoped3A[%mul3A_275] : memref<51200xf32, #tpu.memory_space<vmem>> -> memref<25600xf32, #tpu.memory_space<vmem>>
              %get3A_714 = arith.index_cast %add3A_712 : i32 to index
              %get3A_715 = tpu.vector_load %get3A_713[%get3A_714] {strides = array<i32>} : memref<25600xf32, #tpu.memory_space<vmem>>, vector<16xf32>,
              %add3A_716 = arith.constant 1408 : i32
              %add3A_717 = arith.addi %mul3A_365, %add3A_716 : i32
              %add3A_718 = arith.constant 32 : i32
              %add3A_719 = arith.addi %add3A_717, %add3A_718 : i32
              %get3A_720 = tpu.memref_slice %run_scoped3A[%mul3A_275] : memref<51200xf32, #tpu.memory_space<vmem>> -> memref<25600xf32, #tpu.memory_space<vmem>>
              %get3A_721 = arith.index_cast %add3A_719 : i32 to index
              %get3A_722 = tpu.vector_load %get3A_720[%get3A_721] {strides = array<i32>} : memref<25600xf32, #tpu.memory_space<vmem>>, vector<16xf32>,
              %add3A_723 = arith.constant 1536 : i32
              %add3A_724 = arith.addi %mul3A_365, %add3A_723 : i32
              %add3A_725 = arith.constant 32 : i32
              %add3A_726 = arith.addi %add3A_724, %add3A_725 : i32
              %get3A_727 = tpu.memref_slice %run_scoped3A[%mul3A_275] : memref<51200xf32, #tpu.memory_space<vmem>> -> memref<25600xf32, #tpu.memory_space<vmem>>
              %get3A_728 = arith.index_cast %add3A_726 : i32 to index
              %get3A_729 = tpu.vector_load %get3A_727[%get3A_728] {strides = array<i32>} : memref<25600xf32, #tpu.memory_space<vmem>>, vector<16xf32>,
              %add3A_730 = arith.constant 1664 : i32
              %add3A_731 = arith.addi %mul3A_365, %add3A_730 : i32
              %add3A_732 = arith.constant 32 : i32
              %add3A_733 = arith.addi %add3A_731, %add3A_732 : i32
              %get3A_734 = tpu.memref_slice %run_scoped3A[%mul3A_275] : memref<51200xf32, #tpu.memory_space<vmem>> -> memref<25600xf32, #tpu.memory_space<vmem>>
              %get3A_735 = arith.index_cast %add3A_733 : i32 to index
              %get3A_736 = tpu.vector_load %get3A_734[%get3A_735] {strides = array<i32>} : memref<25600xf32, #tpu.memory_space<vmem>>, vector<16xf32>,
              %add3A_737 = arith.constant 1792 : i32
              %add3A_738 = arith.addi %mul3A_365, %add3A_737 : i32
              %add3A_739 = arith.constant 32 : i32
              %add3A_740 = arith.addi %add3A_738, %add3A_739 : i32
              %get3A_741 = tpu.memref_slice %run_scoped3A[%mul3A_275] : memref<51200xf32, #tpu.memory_space<vmem>> -> memref<25600xf32, #tpu.memory_space<vmem>>
              %get3A_742 = arith.index_cast %add3A_740 : i32 to index
              %get3A_743 = tpu.vector_load %get3A_741[%get3A_742] {strides = array<i32>} : memref<25600xf32, #tpu.memory_space<vmem>>, vector<16xf32>,
              %add3A_744 = arith.constant 1920 : i32
              %add3A_745 = arith.addi %mul3A_365, %add3A_744 : i32
              %add3A_746 = arith.constant 32 : i32
              %add3A_747 = arith.addi %add3A_745, %add3A_746 : i32
              %get3A_748 = tpu.memref_slice %run_scoped3A[%mul3A_275] : memref<51200xf32, #tpu.memory_space<vmem>> -> memref<25600xf32, #tpu.memory_space<vmem>>
              %get3A_749 = arith.index_cast %add3A_747 : i32 to index
              %get3A_750 = tpu.vector_load %get3A_748[%get3A_749] {strides = array<i32>} : memref<25600xf32, #tpu.memory_space<vmem>>, vector<16xf32>,
              %add3A_751 = arith.addf %get3A_645, %get3A_652 : vector<16xf32>
              %add3A_752 = arith.addf %get3A_659, %get3A_666 : vector<16xf32>
              %add3A_753 = arith.addf %get3A_673, %get3A_680 : vector<16xf32>
              %add3A_754 = arith.addf %get3A_687, %get3A_694 : vector<16xf32>
              %add3A_755 = arith.addf %get3A_701, %get3A_708 : vector<16xf32>
              %add3A_756 = arith.addf %get3A_715, %get3A_722 : vector<16xf32>
              %add3A_757 = arith.addf %get3A_729, %get3A_736 : vector<16xf32>
              %add3A_758 = arith.addf %get3A_743, %get3A_750 : vector<16xf32>
              %add3A_759 = arith.addf %add3A_751, %add3A_752 : vector<16xf32>
              %add3A_760 = arith.addf %add3A_753, %add3A_754 : vector<16xf32>
              %add3A_761 = arith.addf %add3A_755, %add3A_756 : vector<16xf32>
              %add3A_762 = arith.addf %add3A_757, %add3A_758 : vector<16xf32>
              %add3A_763 = arith.addf %add3A_759, %add3A_760 : vector<16xf32>
              %add3A_764 = arith.addf %add3A_761, %add3A_762 : vector<16xf32>
              %add3A_765 = arith.addf %add3A_763, %add3A_764 : vector<16xf32>
              %add3A_766 = arith.constant 32 : i32
              %add3A_767 = arith.addi %mul3A_377, %add3A_766 : i32
              %swap3A_768 = arith.index_cast %add3A_767 : i32 to index
              %swap3A_769 = tpu.vector_load %arg6[%swap3A_768] {strides = array<i32>} : memref<32768xf32, #tpu.memory_space<vmem>>, vector<16xf32>,
              tpu.vector_store %arg6[%swap3A_768], %add3A_765 {add = true, strides = array<i32>} : memref<32768xf32, #tpu.memory_space<vmem>>, vector<16xf32>,
              %add3A_770 = arith.constant 0 : i32
              %add3A_771 = arith.addi %mul3A_365, %add3A_770 : i32
              %add3A_772 = arith.constant 48 : i32
              %add3A_773 = arith.addi %add3A_771, %add3A_772 : i32
              %get3A_774 = tpu.memref_slice %run_scoped3A[%mul3A_275] : memref<51200xf32, #tpu.memory_space<vmem>> -> memref<25600xf32, #tpu.memory_space<vmem>>
              %get3A_775 = arith.index_cast %add3A_773 : i32 to index
              %get3A_776 = tpu.vector_load %get3A_774[%get3A_775] {strides = array<i32>} : memref<25600xf32, #tpu.memory_space<vmem>>, vector<16xf32>,
              %add3A_777 = arith.constant 128 : i32
              %add3A_778 = arith.addi %mul3A_365, %add3A_777 : i32
              %add3A_779 = arith.constant 48 : i32
              %add3A_780 = arith.addi %add3A_778, %add3A_779 : i32
              %get3A_781 = tpu.memref_slice %run_scoped3A[%mul3A_275] : memref<51200xf32, #tpu.memory_space<vmem>> -> memref<25600xf32, #tpu.memory_space<vmem>>
              %get3A_782 = arith.index_cast %add3A_780 : i32 to index
              %get3A_783 = tpu.vector_load %get3A_781[%get3A_782] {strides = array<i32>} : memref<25600xf32, #tpu.memory_space<vmem>>, vector<16xf32>,
              %add3A_784 = arith.constant 256 : i32
              %add3A_785 = arith.addi %mul3A_365, %add3A_784 : i32
              %add3A_786 = arith.constant 48 : i32
              %add3A_787 = arith.addi %add3A_785, %add3A_786 : i32
              %get3A_788 = tpu.memref_slice %run_scoped3A[%mul3A_275] : memref<51200xf32, #tpu.memory_space<vmem>> -> memref<25600xf32, #tpu.memory_space<vmem>>
              %get3A_789 = arith.index_cast %add3A_787 : i32 to index
              %get3A_790 = tpu.vector_load %get3A_788[%get3A_789] {strides = array<i32>} : memref<25600xf32, #tpu.memory_space<vmem>>, vector<16xf32>,
              %add3A_791 = arith.constant 384 : i32
              %add3A_792 = arith.addi %mul3A_365, %add3A_791 : i32
              %add3A_793 = arith.constant 48 : i32
              %add3A_794 = arith.addi %add3A_792, %add3A_793 : i32
              %get3A_795 = tpu.memref_slice %run_scoped3A[%mul3A_275] : memref<51200xf32, #tpu.memory_space<vmem>> -> memref<25600xf32, #tpu.memory_space<vmem>>
              %get3A_796 = arith.index_cast %add3A_794 : i32 to index
              %get3A_797 = tpu.vector_load %get3A_795[%get3A_796] {strides = array<i32>} : memref<25600xf32, #tpu.memory_space<vmem>>, vector<16xf32>,
              %add3A_798 = arith.constant 512 : i32
              %add3A_799 = arith.addi %mul3A_365, %add3A_798 : i32
              %add3A_800 = arith.constant 48 : i32
              %add3A_801 = arith.addi %add3A_799, %add3A_800 : i32
              %get3A_802 = tpu.memref_slice %run_scoped3A[%mul3A_275] : memref<51200xf32, #tpu.memory_space<vmem>> -> memref<25600xf32, #tpu.memory_space<vmem>>
              %get3A_803 = arith.index_cast %add3A_801 : i32 to index
              %get3A_804 = tpu.vector_load %get3A_802[%get3A_803] {strides = array<i32>} : memref<25600xf32, #tpu.memory_space<vmem>>, vector<16xf32>,
              %add3A_805 = arith.constant 640 : i32
              %add3A_806 = arith.addi %mul3A_365, %add3A_805 : i32
              %add3A_807 = arith.constant 48 : i32
              %add3A_808 = arith.addi %add3A_806, %add3A_807 : i32
              %get3A_809 = tpu.memref_slice %run_scoped3A[%mul3A_275] : memref<51200xf32, #tpu.memory_space<vmem>> -> memref<25600xf32, #tpu.memory_space<vmem>>
              %get3A_810 = arith.index_cast %add3A_808 : i32 to index
              %get3A_811 = tpu.vector_load %get3A_809[%get3A_810] {strides = array<i32>} : memref<25600xf32, #tpu.memory_space<vmem>>, vector<16xf32>,
              %add3A_812 = arith.constant 768 : i32
              %add3A_813 = arith.addi %mul3A_365, %add3A_812 : i32
              %add3A_814 = arith.constant 48 : i32
              %add3A_815 = arith.addi %add3A_813, %add3A_814 : i32
              %get3A_816 = tpu.memref_slice %run_scoped3A[%mul3A_275] : memref<51200xf32, #tpu.memory_space<vmem>> -> memref<25600xf32, #tpu.memory_space<vmem>>
              %get3A_817 = arith.index_cast %add3A_815 : i32 to index
              %get3A_818 = tpu.vector_load %get3A_816[%get3A_817] {strides = array<i32>} : memref<25600xf32, #tpu.memory_space<vmem>>, vector<16xf32>,
              %add3A_819 = arith.constant 896 : i32
              %add3A_820 = arith.addi %mul3A_365, %add3A_819 : i32
              %add3A_821 = arith.constant 48 : i32
              %add3A_822 = arith.addi %add3A_820, %add3A_821 : i32
              %get3A_823 = tpu.memref_slice %run_scoped3A[%mul3A_275] : memref<51200xf32, #tpu.memory_space<vmem>> -> memref<25600xf32, #tpu.memory_space<vmem>>
              %get3A_824 = arith.index_cast %add3A_822 : i32 to index
              %get3A_825 = tpu.vector_load %get3A_823[%get3A_824] {strides = array<i32>} : memref<25600xf32, #tpu.memory_space<vmem>>, vector<16xf32>,
              %add3A_826 = arith.constant 1024 : i32
              %add3A_827 = arith.addi %mul3A_365, %add3A_826 : i32
              %add3A_828 = arith.constant 48 : i32
              %add3A_829 = arith.addi %add3A_827, %add3A_828 : i32
              %get3A_830 = tpu.memref_slice %run_scoped3A[%mul3A_275] : memref<51200xf32, #tpu.memory_space<vmem>> -> memref<25600xf32, #tpu.memory_space<vmem>>
              %get3A_831 = arith.index_cast %add3A_829 : i32 to index
              %get3A_832 = tpu.vector_load %get3A_830[%get3A_831] {strides = array<i32>} : memref<25600xf32, #tpu.memory_space<vmem>>, vector<16xf32>,
              %add3A_833 = arith.constant 1152 : i32
              %add3A_834 = arith.addi %mul3A_365, %add3A_833 : i32
              %add3A_835 = arith.constant 48 : i32
              %add3A_836 = arith.addi %add3A_834, %add3A_835 : i32
              %get3A_837 = tpu.memref_slice %run_scoped3A[%mul3A_275] : memref<51200xf32, #tpu.memory_space<vmem>> -> memref<25600xf32, #tpu.memory_space<vmem>>
              %get3A_838 = arith.index_cast %add3A_836 : i32 to index
              %get3A_839 = tpu.vector_load %get3A_837[%get3A_838] {strides = array<i32>} : memref<25600xf32, #tpu.memory_space<vmem>>, vector<16xf32>,
              %add3A_840 = arith.constant 1280 : i32
              %add3A_841 = arith.addi %mul3A_365, %add3A_840 : i32
              %add3A_842 = arith.constant 48 : i32
              %add3A_843 = arith.addi %add3A_841, %add3A_842 : i32
              %get3A_844 = tpu.memref_slice %run_scoped3A[%mul3A_275] : memref<51200xf32, #tpu.memory_space<vmem>> -> memref<25600xf32, #tpu.memory_space<vmem>>
              %get3A_845 = arith.index_cast %add3A_843 : i32 to index
              %get3A_846 = tpu.vector_load %get3A_844[%get3A_845] {strides = array<i32>} : memref<25600xf32, #tpu.memory_space<vmem>>, vector<16xf32>,
              %add3A_847 = arith.constant 1408 : i32
              %add3A_848 = arith.addi %mul3A_365, %add3A_847 : i32
              %add3A_849 = arith.constant 48 : i32
              %add3A_850 = arith.addi %add3A_848, %add3A_849 : i32
              %get3A_851 = tpu.memref_slice %run_scoped3A[%mul3A_275] : memref<51200xf32, #tpu.memory_space<vmem>> -> memref<25600xf32, #tpu.memory_space<vmem>>
              %get3A_852 = arith.index_cast %add3A_850 : i32 to index
              %get3A_853 = tpu.vector_load %get3A_851[%get3A_852] {strides = array<i32>} : memref<25600xf32, #tpu.memory_space<vmem>>, vector<16xf32>,
              %add3A_854 = arith.constant 1536 : i32
              %add3A_855 = arith.addi %mul3A_365, %add3A_854 : i32
              %add3A_856 = arith.constant 48 : i32
              %add3A_857 = arith.addi %add3A_855, %add3A_856 : i32
              %get3A_858 = tpu.memref_slice %run_scoped3A[%mul3A_275] : memref<51200xf32, #tpu.memory_space<vmem>> -> memref<25600xf32, #tpu.memory_space<vmem>>
              %get3A_859 = arith.index_cast %add3A_857 : i32 to index
              %get3A_860 = tpu.vector_load %get3A_858[%get3A_859] {strides = array<i32>} : memref<25600xf32, #tpu.memory_space<vmem>>, vector<16xf32>,
              %add3A_861 = arith.constant 1664 : i32
              %add3A_862 = arith.addi %mul3A_365, %add3A_861 : i32
              %add3A_863 = arith.constant 48 : i32
              %add3A_864 = arith.addi %add3A_862, %add3A_863 : i32
              %get3A_865 = tpu.memref_slice %run_scoped3A[%mul3A_275] : memref<51200xf32, #tpu.memory_space<vmem>> -> memref<25600xf32, #tpu.memory_space<vmem>>
              %get3A_866 = arith.index_cast %add3A_864 : i32 to index
              %get3A_867 = tpu.vector_load %get3A_865[%get3A_866] {strides = array<i32>} : memref<25600xf32, #tpu.memory_space<vmem>>, vector<16xf32>,
              %add3A_868 = arith.constant 1792 : i32
              %add3A_869 = arith.addi %mul3A_365, %add3A_868 : i32
              %add3A_870 = arith.constant 48 : i32
              %add3A_871 = arith.addi %add3A_869, %add3A_870 : i32
              %get3A_872 = tpu.memref_slice %run_scoped3A[%mul3A_275] : memref<51200xf32, #tpu.memory_space<vmem>> -> memref<25600xf32, #tpu.memory_space<vmem>>
              %get3A_873 = arith.index_cast %add3A_871 : i32 to index
              %get3A_874 = tpu.vector_load %get3A_872[%get3A_873] {strides = array<i32>} : memref<25600xf32, #tpu.memory_space<vmem>>, vector<16xf32>,
              %add3A_875 = arith.constant 1920 : i32
              %add3A_876 = arith.addi %mul3A_365, %add3A_875 : i32
              %add3A_877 = arith.constant 48 : i32
              %add3A_878 = arith.addi %add3A_876, %add3A_877 : i32
              %get3A_879 = tpu.memref_slice %run_scoped3A[%mul3A_275] : memref<51200xf32, #tpu.memory_space<vmem>> -> memref<25600xf32, #tpu.memory_space<vmem>>
              %get3A_880 = arith.index_cast %add3A_878 : i32 to index
              %get3A_881 = tpu.vector_load %get3A_879[%get3A_880] {strides = array<i32>} : memref<25600xf32, #tpu.memory_space<vmem>>, vector<16xf32>,
              %add3A_882 = arith.addf %get3A_776, %get3A_783 : vector<16xf32>
              %add3A_883 = arith.addf %get3A_790, %get3A_797 : vector<16xf32>
              %add3A_884 = arith.addf %get3A_804, %get3A_811 : vector<16xf32>
              %add3A_885 = arith.addf %get3A_818, %get3A_825 : vector<16xf32>
              %add3A_886 = arith.addf %get3A_832, %get3A_839 : vector<16xf32>
              %add3A_887 = arith.addf %get3A_846, %get3A_853 : vector<16xf32>
              %add3A_888 = arith.addf %get3A_860, %get3A_867 : vector<16xf32>
              %add3A_889 = arith.addf %get3A_874, %get3A_881 : vector<16xf32>
              %add3A_890 = arith.addf %add3A_882, %add3A_883 : vector<16xf32>
              %add3A_891 = arith.addf %add3A_884, %add3A_885 : vector<16xf32>
              %add3A_892 = arith.addf %add3A_886, %add3A_887 : vector<16xf32>
              %add3A_893 = arith.addf %add3A_888, %add3A_889 : vector<16xf32>
              %add3A_894 = arith.addf %add3A_890, %add3A_891 : vector<16xf32>
              %add3A_895 = arith.addf %add3A_892, %add3A_893 : vector<16xf32>
              %add3A_896 = arith.addf %add3A_894, %add3A_895 : vector<16xf32>
              %add3A_897 = arith.constant 48 : i32
              %add3A_898 = arith.addi %mul3A_377, %add3A_897 : i32
              %swap3A_899 = arith.index_cast %add3A_898 : i32 to index
              %swap3A_900 = tpu.vector_load %arg6[%swap3A_899] {strides = array<i32>} : memref<32768xf32, #tpu.memory_space<vmem>>, vector<16xf32>,
              tpu.vector_store %arg6[%swap3A_899], %add3A_896 {add = true, strides = array<i32>} : memref<32768xf32, #tpu.memory_space<vmem>>, vector<16xf32>,
              %add3A_901 = arith.constant 0 : i32
              %add3A_902 = arith.addi %mul3A_365, %add3A_901 : i32
              %add3A_903 = arith.constant 64 : i32
              %add3A_904 = arith.addi %add3A_902, %add3A_903 : i32
              %get3A_905 = tpu.memref_slice %run_scoped3A[%mul3A_275] : memref<51200xf32, #tpu.memory_space<vmem>> -> memref<25600xf32, #tpu.memory_space<vmem>>
              %get3A_906 = arith.index_cast %add3A_904 : i32 to index
              %get3A_907 = tpu.vector_load %get3A_905[%get3A_906] {strides = array<i32>} : memref<25600xf32, #tpu.memory_space<vmem>>, vector<16xf32>,
              %add3A_908 = arith.constant 128 : i32
              %add3A_909 = arith.addi %mul3A_365, %add3A_908 : i32
              %add3A_910 = arith.constant 64 : i32
              %add3A_911 = arith.addi %add3A_909, %add3A_910 : i32
              %get3A_912 = tpu.memref_slice %run_scoped3A[%mul3A_275] : memref<51200xf32, #tpu.memory_space<vmem>> -> memref<25600xf32, #tpu.memory_space<vmem>>
              %get3A_913 = arith.index_cast %add3A_911 : i32 to index
              %get3A_914 = tpu.vector_load %get3A_912[%get3A_913] {strides = array<i32>} : memref<25600xf32, #tpu.memory_space<vmem>>, vector<16xf32>,
              %add3A_915 = arith.constant 256 : i32
              %add3A_916 = arith.addi %mul3A_365, %add3A_915 : i32
              %add3A_917 = arith.constant 64 : i32
              %add3A_918 = arith.addi %add3A_916, %add3A_917 : i32
              %get3A_919 = tpu.memref_slice %run_scoped3A[%mul3A_275] : memref<51200xf32, #tpu.memory_space<vmem>> -> memref<25600xf32, #tpu.memory_space<vmem>>
              %get3A_920 = arith.index_cast %add3A_918 : i32 to index
              %get3A_921 = tpu.vector_load %get3A_919[%get3A_920] {strides = array<i32>} : memref<25600xf32, #tpu.memory_space<vmem>>, vector<16xf32>,
              %add3A_922 = arith.constant 384 : i32
              %add3A_923 = arith.addi %mul3A_365, %add3A_922 : i32
              %add3A_924 = arith.constant 64 : i32
              %add3A_925 = arith.addi %add3A_923, %add3A_924 : i32
              %get3A_926 = tpu.memref_slice %run_scoped3A[%mul3A_275] : memref<51200xf32, #tpu.memory_space<vmem>> -> memref<25600xf32, #tpu.memory_space<vmem>>
              %get3A_927 = arith.index_cast %add3A_925 : i32 to index
              %get3A_928 = tpu.vector_load %get3A_926[%get3A_927] {strides = array<i32>} : memref<25600xf32, #tpu.memory_space<vmem>>, vector<16xf32>,
              %add3A_929 = arith.constant 512 : i32
              %add3A_930 = arith.addi %mul3A_365, %add3A_929 : i32
              %add3A_931 = arith.constant 64 : i32
              %add3A_932 = arith.addi %add3A_930, %add3A_931 : i32
              %get3A_933 = tpu.memref_slice %run_scoped3A[%mul3A_275] : memref<51200xf32, #tpu.memory_space<vmem>> -> memref<25600xf32, #tpu.memory_space<vmem>>
              %get3A_934 = arith.index_cast %add3A_932 : i32 to index
              %get3A_935 = tpu.vector_load %get3A_933[%get3A_934] {strides = array<i32>} : memref<25600xf32, #tpu.memory_space<vmem>>, vector<16xf32>,
              %add3A_936 = arith.constant 640 : i32
              %add3A_937 = arith.addi %mul3A_365, %add3A_936 : i32
              %add3A_938 = arith.constant 64 : i32
              %add3A_939 = arith.addi %add3A_937, %add3A_938 : i32
              %get3A_940 = tpu.memref_slice %run_scoped3A[%mul3A_275] : memref<51200xf32, #tpu.memory_space<vmem>> -> memref<25600xf32, #tpu.memory_space<vmem>>
              %get3A_941 = arith.index_cast %add3A_939 : i32 to index
              %get3A_942 = tpu.vector_load %get3A_940[%get3A_941] {strides = array<i32>} : memref<25600xf32, #tpu.memory_space<vmem>>, vector<16xf32>,
              %add3A_943 = arith.constant 768 : i32
              %add3A_944 = arith.addi %mul3A_365, %add3A_943 : i32
              %add3A_945 = arith.constant 64 : i32
              %add3A_946 = arith.addi %add3A_944, %add3A_945 : i32
              %get3A_947 = tpu.memref_slice %run_scoped3A[%mul3A_275] : memref<51200xf32, #tpu.memory_space<vmem>> -> memref<25600xf32, #tpu.memory_space<vmem>>
              %get3A_948 = arith.index_cast %add3A_946 : i32 to index
              %get3A_949 = tpu.vector_load %get3A_947[%get3A_948] {strides = array<i32>} : memref<25600xf32, #tpu.memory_space<vmem>>, vector<16xf32>,
              %add3A_950 = arith.constant 896 : i32
              %add3A_951 = arith.addi %mul3A_365, %add3A_950 : i32
              %add3A_952 = arith.constant 64 : i32
              %add3A_953 = arith.addi %add3A_951, %add3A_952 : i32
              %get3A_954 = tpu.memref_slice %run_scoped3A[%mul3A_275] : memref<51200xf32, #tpu.memory_space<vmem>> -> memref<25600xf32, #tpu.memory_space<vmem>>
              %get3A_955 = arith.index_cast %add3A_953 : i32 to index
              %get3A_956 = tpu.vector_load %get3A_954[%get3A_955] {strides = array<i32>} : memref<25600xf32, #tpu.memory_space<vmem>>, vector<16xf32>,
              %add3A_957 = arith.constant 1024 : i32
              %add3A_958 = arith.addi %mul3A_365, %add3A_957 : i32
              %add3A_959 = arith.constant 64 : i32
              %add3A_960 = arith.addi %add3A_958, %add3A_959 : i32
              %get3A_961 = tpu.memref_slice %run_scoped3A[%mul3A_275] : memref<51200xf32, #tpu.memory_space<vmem>> -> memref<25600xf32, #tpu.memory_space<vmem>>
              %get3A_962 = arith.index_cast %add3A_960 : i32 to index
              %get3A_963 = tpu.vector_load %get3A_961[%get3A_962] {strides = array<i32>} : memref<25600xf32, #tpu.memory_space<vmem>>, vector<16xf32>,
              %add3A_964 = arith.constant 1152 : i32
              %add3A_965 = arith.addi %mul3A_365, %add3A_964 : i32
              %add3A_966 = arith.constant 64 : i32
              %add3A_967 = arith.addi %add3A_965, %add3A_966 : i32
              %get3A_968 = tpu.memref_slice %run_scoped3A[%mul3A_275] : memref<51200xf32, #tpu.memory_space<vmem>> -> memref<25600xf32, #tpu.memory_space<vmem>>
              %get3A_969 = arith.index_cast %add3A_967 : i32 to index
              %get3A_970 = tpu.vector_load %get3A_968[%get3A_969] {strides = array<i32>} : memref<25600xf32, #tpu.memory_space<vmem>>, vector<16xf32>,
              %add3A_971 = arith.constant 1280 : i32
              %add3A_972 = arith.addi %mul3A_365, %add3A_971 : i32
              %add3A_973 = arith.constant 64 : i32
              %add3A_974 = arith.addi %add3A_972, %add3A_973 : i32
              %get3A_975 = tpu.memref_slice %run_scoped3A[%mul3A_275] : memref<51200xf32, #tpu.memory_space<vmem>> -> memref<25600xf32, #tpu.memory_space<vmem>>
              %get3A_976 = arith.index_cast %add3A_974 : i32 to index
              %get3A_977 = tpu.vector_load %get3A_975[%get3A_976] {strides = array<i32>} : memref<25600xf32, #tpu.memory_space<vmem>>, vector<16xf32>,
              %add3A_978 = arith.constant 1408 : i32
              %add3A_979 = arith.addi %mul3A_365, %add3A_978 : i32
              %add3A_980 = arith.constant 64 : i32
              %add3A_981 = arith.addi %add3A_979, %add3A_980 : i32
              %get3A_982 = tpu.memref_slice %run_scoped3A[%mul3A_275] : memref<51200xf32, #tpu.memory_space<vmem>> -> memref<25600xf32, #tpu.memory_space<vmem>>
              %get3A_983 = arith.index_cast %add3A_981 : i32 to index
              %get3A_984 = tpu.vector_load %get3A_982[%get3A_983] {strides = array<i32>} : memref<25600xf32, #tpu.memory_space<vmem>>, vector<16xf32>,
              %add3A_985 = arith.constant 1536 : i32
              %add3A_986 = arith.addi %mul3A_365, %add3A_985 : i32
              %add3A_987 = arith.constant 64 : i32
              %add3A_988 = arith.addi %add3A_986, %add3A_987 : i32
              %get3A_989 = tpu.memref_slice %run_scoped3A[%mul3A_275] : memref<51200xf32, #tpu.memory_space<vmem>> -> memref<25600xf32, #tpu.memory_space<vmem>>
              %get3A_990 = arith.index_cast %add3A_988 : i32 to index
              %get3A_991 = tpu.vector_load %get3A_989[%get3A_990] {strides = array<i32>} : memref<25600xf32, #tpu.memory_space<vmem>>, vector<16xf32>,
              %add3A_992 = arith.constant 1664 : i32
              %add3A_993 = arith.addi %mul3A_365, %add3A_992 : i32
              %add3A_994 = arith.constant 64 : i32
              %add3A_995 = arith.addi %add3A_993, %add3A_994 : i32
              %get3A_996 = tpu.memref_slice %run_scoped3A[%mul3A_275] : memref<51200xf32, #tpu.memory_space<vmem>> -> memref<25600xf32, #tpu.memory_space<vmem>>
              %get3A_997 = arith.index_cast %add3A_995 : i32 to index
              %get3A_998 = tpu.vector_load %get3A_996[%get3A_997] {strides = array<i32>} : memref<25600xf32, #tpu.memory_space<vmem>>, vector<16xf32>,
              %add3A_999 = arith.constant 1792 : i32
              %add3A_1000 = arith.addi %mul3A_365, %add3A_999 : i32
              %add3A_1001 = arith.constant 64 : i32
              %add3A_1002 = arith.addi %add3A_1000, %add3A_1001 : i32
              %get3A_1003 = tpu.memref_slice %run_scoped3A[%mul3A_275] : memref<51200xf32, #tpu.memory_space<vmem>> -> memref<25600xf32, #tpu.memory_space<vmem>>
              %get3A_1004 = arith.index_cast %add3A_1002 : i32 to index
              %get3A_1005 = tpu.vector_load %get3A_1003[%get3A_1004] {strides = array<i32>} : memref<25600xf32, #tpu.memory_space<vmem>>, vector<16xf32>,
              %add3A_1006 = arith.constant 1920 : i32
              %add3A_1007 = arith.addi %mul3A_365, %add3A_1006 : i32
              %add3A_1008 = arith.constant 64 : i32
              %add3A_1009 = arith.addi %add3A_1007, %add3A_1008 : i32
              %get3A_1010 = tpu.memref_slice %run_scoped3A[%mul3A_275] : memref<51200xf32, #tpu.memory_space<vmem>> -> memref<25600xf32, #tpu.memory_space<vmem>>
              %get3A_1011 = arith.index_cast %add3A_1009 : i32 to index
              %get3A_1012 = tpu.vector_load %get3A_1010[%get3A_1011] {strides = array<i32>} : memref<25600xf32, #tpu.memory_space<vmem>>, vector<16xf32>,
              %add3A_1013 = arith.addf %get3A_907, %get3A_914 : vector<16xf32>
              %add3A_1014 = arith.addf %get3A_921, %get3A_928 : vector<16xf32>
              %add3A_1015 = arith.addf %get3A_935, %get3A_942 : vector<16xf32>
              %add3A_1016 = arith.addf %get3A_949, %get3A_956 : vector<16xf32>
              %add3A_1017 = arith.addf %get3A_963, %get3A_970 : vector<16xf32>
              %add3A_1018 = arith.addf %get3A_977, %get3A_984 : vector<16xf32>
              %add3A_1019 = arith.addf %get3A_991, %get3A_998 : vector<16xf32>
              %add3A_1020 = arith.addf %get3A_1005, %get3A_1012 : vector<16xf32>
              %add3A_1021 = arith.addf %add3A_1013, %add3A_1014 : vector<16xf32>
              %add3A_1022 = arith.addf %add3A_1015, %add3A_1016 : vector<16xf32>
              %add3A_1023 = arith.addf %add3A_1017, %add3A_1018 : vector<16xf32>
              %add3A_1024 = arith.addf %add3A_1019, %add3A_1020 : vector<16xf32>
              %add3A_1025 = arith.addf %add3A_1021, %add3A_1022 : vector<16xf32>
              %add3A_1026 = arith.addf %add3A_1023, %add3A_1024 : vector<16xf32>
              %add3A_1027 = arith.addf %add3A_1025, %add3A_1026 : vector<16xf32>
              %add3A_1028 = arith.constant 64 : i32
              %add3A_1029 = arith.addi %mul3A_377, %add3A_1028 : i32
              %swap3A_1030 = arith.index_cast %add3A_1029 : i32 to index
              %swap3A_1031 = tpu.vector_load %arg6[%swap3A_1030] {strides = array<i32>} : memref<32768xf32, #tpu.memory_space<vmem>>, vector<16xf32>,
              tpu.vector_store %arg6[%swap3A_1030], %add3A_1027 {add = true, strides = array<i32>} : memref<32768xf32, #tpu.memory_space<vmem>>, vector<16xf32>,
              %add3A_1032 = arith.constant 0 : i32
              %add3A_1033 = arith.addi %mul3A_365, %add3A_1032 : i32
              %add3A_1034 = arith.constant 80 : i32
              %add3A_1035 = arith.addi %add3A_1033, %add3A_1034 : i32
              %get3A_1036 = tpu.memref_slice %run_scoped3A[%mul3A_275] : memref<51200xf32, #tpu.memory_space<vmem>> -> memref<25600xf32, #tpu.memory_space<vmem>>
              %get3A_1037 = arith.index_cast %add3A_1035 : i32 to index
              %get3A_1038 = tpu.vector_load %get3A_1036[%get3A_1037] {strides = array<i32>} : memref<25600xf32, #tpu.memory_space<vmem>>, vector<16xf32>,
              %add3A_1039 = arith.constant 128 : i32
              %add3A_1040 = arith.addi %mul3A_365, %add3A_1039 : i32
              %add3A_1041 = arith.constant 80 : i32
              %add3A_1042 = arith.addi %add3A_1040, %add3A_1041 : i32
              %get3A_1043 = tpu.memref_slice %run_scoped3A[%mul3A_275] : memref<51200xf32, #tpu.memory_space<vmem>> -> memref<25600xf32, #tpu.memory_space<vmem>>
              %get3A_1044 = arith.index_cast %add3A_1042 : i32 to index
              %get3A_1045 = tpu.vector_load %get3A_1043[%get3A_1044] {strides = array<i32>} : memref<25600xf32, #tpu.memory_space<vmem>>, vector<16xf32>,
              %add3A_1046 = arith.constant 256 : i32
              %add3A_1047 = arith.addi %mul3A_365, %add3A_1046 : i32
              %add3A_1048 = arith.constant 80 : i32
              %add3A_1049 = arith.addi %add3A_1047, %add3A_1048 : i32
              %get3A_1050 = tpu.memref_slice %run_scoped3A[%mul3A_275] : memref<51200xf32, #tpu.memory_space<vmem>> -> memref<25600xf32, #tpu.memory_space<vmem>>
              %get3A_1051 = arith.index_cast %add3A_1049 : i32 to index
              %get3A_1052 = tpu.vector_load %get3A_1050[%get3A_1051] {strides = array<i32>} : memref<25600xf32, #tpu.memory_space<vmem>>, vector<16xf32>,
              %add3A_1053 = arith.constant 384 : i32
              %add3A_1054 = arith.addi %mul3A_365, %add3A_1053 : i32
              %add3A_1055 = arith.constant 80 : i32
              %add3A_1056 = arith.addi %add3A_1054, %add3A_1055 : i32
              %get3A_1057 = tpu.memref_slice %run_scoped3A[%mul3A_275] : memref<51200xf32, #tpu.memory_space<vmem>> -> memref<25600xf32, #tpu.memory_space<vmem>>
              %get3A_1058 = arith.index_cast %add3A_1056 : i32 to index
              %get3A_1059 = tpu.vector_load %get3A_1057[%get3A_1058] {strides = array<i32>} : memref<25600xf32, #tpu.memory_space<vmem>>, vector<16xf32>,
              %add3A_1060 = arith.constant 512 : i32
              %add3A_1061 = arith.addi %mul3A_365, %add3A_1060 : i32
              %add3A_1062 = arith.constant 80 : i32
              %add3A_1063 = arith.addi %add3A_1061, %add3A_1062 : i32
              %get3A_1064 = tpu.memref_slice %run_scoped3A[%mul3A_275] : memref<51200xf32, #tpu.memory_space<vmem>> -> memref<25600xf32, #tpu.memory_space<vmem>>
              %get3A_1065 = arith.index_cast %add3A_1063 : i32 to index
              %get3A_1066 = tpu.vector_load %get3A_1064[%get3A_1065] {strides = array<i32>} : memref<25600xf32, #tpu.memory_space<vmem>>, vector<16xf32>,
              %add3A_1067 = arith.constant 640 : i32
              %add3A_1068 = arith.addi %mul3A_365, %add3A_1067 : i32
              %add3A_1069 = arith.constant 80 : i32
              %add3A_1070 = arith.addi %add3A_1068, %add3A_1069 : i32
              %get3A_1071 = tpu.memref_slice %run_scoped3A[%mul3A_275] : memref<51200xf32, #tpu.memory_space<vmem>> -> memref<25600xf32, #tpu.memory_space<vmem>>
              %get3A_1072 = arith.index_cast %add3A_1070 : i32 to index
              %get3A_1073 = tpu.vector_load %get3A_1071[%get3A_1072] {strides = array<i32>} : memref<25600xf32, #tpu.memory_space<vmem>>, vector<16xf32>,
              %add3A_1074 = arith.constant 768 : i32
              %add3A_1075 = arith.addi %mul3A_365, %add3A_1074 : i32
              %add3A_1076 = arith.constant 80 : i32
              %add3A_1077 = arith.addi %add3A_1075, %add3A_1076 : i32
              %get3A_1078 = tpu.memref_slice %run_scoped3A[%mul3A_275] : memref<51200xf32, #tpu.memory_space<vmem>> -> memref<25600xf32, #tpu.memory_space<vmem>>
              %get3A_1079 = arith.index_cast %add3A_1077 : i32 to index
              %get3A_1080 = tpu.vector_load %get3A_1078[%get3A_1079] {strides = array<i32>} : memref<25600xf32, #tpu.memory_space<vmem>>, vector<16xf32>,
              %add3A_1081 = arith.constant 896 : i32
              %add3A_1082 = arith.addi %mul3A_365, %add3A_1081 : i32
              %add3A_1083 = arith.constant 80 : i32
              %add3A_1084 = arith.addi %add3A_1082, %add3A_1083 : i32
              %get3A_1085 = tpu.memref_slice %run_scoped3A[%mul3A_275] : memref<51200xf32, #tpu.memory_space<vmem>> -> memref<25600xf32, #tpu.memory_space<vmem>>
              %get3A_1086 = arith.index_cast %add3A_1084 : i32 to index
              %get3A_1087 = tpu.vector_load %get3A_1085[%get3A_1086] {strides = array<i32>} : memref<25600xf32, #tpu.memory_space<vmem>>, vector<16xf32>,
              %add3A_1088 = arith.constant 1024 : i32
              %add3A_1089 = arith.addi %mul3A_365, %add3A_1088 : i32
              %add3A_1090 = arith.constant 80 : i32
              %add3A_1091 = arith.addi %add3A_1089, %add3A_1090 : i32
              %get3A_1092 = tpu.memref_slice %run_scoped3A[%mul3A_275] : memref<51200xf32, #tpu.memory_space<vmem>> -> memref<25600xf32, #tpu.memory_space<vmem>>
              %get3A_1093 = arith.index_cast %add3A_1091 : i32 to index
              %get3A_1094 = tpu.vector_load %get3A_1092[%get3A_1093] {strides = array<i32>} : memref<25600xf32, #tpu.memory_space<vmem>>, vector<16xf32>,
              %add3A_1095 = arith.constant 1152 : i32
              %add3A_1096 = arith.addi %mul3A_365, %add3A_1095 : i32
              %add3A_1097 = arith.constant 80 : i32
              %add3A_1098 = arith.addi %add3A_1096, %add3A_1097 : i32
              %get3A_1099 = tpu.memref_slice %run_scoped3A[%mul3A_275] : memref<51200xf32, #tpu.memory_space<vmem>> -> memref<25600xf32, #tpu.memory_space<vmem>>
              %get3A_1100 = arith.index_cast %add3A_1098 : i32 to index
              %get3A_1101 = tpu.vector_load %get3A_1099[%get3A_1100] {strides = array<i32>} : memref<25600xf32, #tpu.memory_space<vmem>>, vector<16xf32>,
              %add3A_1102 = arith.constant 1280 : i32
              %add3A_1103 = arith.addi %mul3A_365, %add3A_1102 : i32
              %add3A_1104 = arith.constant 80 : i32
              %add3A_1105 = arith.addi %add3A_1103, %add3A_1104 : i32
              %get3A_1106 = tpu.memref_slice %run_scoped3A[%mul3A_275] : memref<51200xf32, #tpu.memory_space<vmem>> -> memref<25600xf32, #tpu.memory_space<vmem>>
              %get3A_1107 = arith.index_cast %add3A_1105 : i32 to index
              %get3A_1108 = tpu.vector_load %get3A_1106[%get3A_1107] {strides = array<i32>} : memref<25600xf32, #tpu.memory_space<vmem>>, vector<16xf32>,
              %add3A_1109 = arith.constant 1408 : i32
              %add3A_1110 = arith.addi %mul3A_365, %add3A_1109 : i32
              %add3A_1111 = arith.constant 80 : i32
              %add3A_1112 = arith.addi %add3A_1110, %add3A_1111 : i32
              %get3A_1113 = tpu.memref_slice %run_scoped3A[%mul3A_275] : memref<51200xf32, #tpu.memory_space<vmem>> -> memref<25600xf32, #tpu.memory_space<vmem>>
              %get3A_1114 = arith.index_cast %add3A_1112 : i32 to index
              %get3A_1115 = tpu.vector_load %get3A_1113[%get3A_1114] {strides = array<i32>} : memref<25600xf32, #tpu.memory_space<vmem>>, vector<16xf32>,
              %add3A_1116 = arith.constant 1536 : i32
              %add3A_1117 = arith.addi %mul3A_365, %add3A_1116 : i32
              %add3A_1118 = arith.constant 80 : i32
              %add3A_1119 = arith.addi %add3A_1117, %add3A_1118 : i32
              %get3A_1120 = tpu.memref_slice %run_scoped3A[%mul3A_275] : memref<51200xf32, #tpu.memory_space<vmem>> -> memref<25600xf32, #tpu.memory_space<vmem>>
              %get3A_1121 = arith.index_cast %add3A_1119 : i32 to index
              %get3A_1122 = tpu.vector_load %get3A_1120[%get3A_1121] {strides = array<i32>} : memref<25600xf32, #tpu.memory_space<vmem>>, vector<16xf32>,
              %add3A_1123 = arith.constant 1664 : i32
              %add3A_1124 = arith.addi %mul3A_365, %add3A_1123 : i32
              %add3A_1125 = arith.constant 80 : i32
              %add3A_1126 = arith.addi %add3A_1124, %add3A_1125 : i32
              %get3A_1127 = tpu.memref_slice %run_scoped3A[%mul3A_275] : memref<51200xf32, #tpu.memory_space<vmem>> -> memref<25600xf32, #tpu.memory_space<vmem>>
              %get3A_1128 = arith.index_cast %add3A_1126 : i32 to index
              %get3A_1129 = tpu.vector_load %get3A_1127[%get3A_1128] {strides = array<i32>} : memref<25600xf32, #tpu.memory_space<vmem>>, vector<16xf32>,
              %add3A_1130 = arith.constant 1792 : i32
              %add3A_1131 = arith.addi %mul3A_365, %add3A_1130 : i32
              %add3A_1132 = arith.constant 80 : i32
              %add3A_1133 = arith.addi %add3A_1131, %add3A_1132 : i32
              %get3A_1134 = tpu.memref_slice %run_scoped3A[%mul3A_275] : memref<51200xf32, #tpu.memory_space<vmem>> -> memref<25600xf32, #tpu.memory_space<vmem>>
              %get3A_1135 = arith.index_cast %add3A_1133 : i32 to index
              %get3A_1136 = tpu.vector_load %get3A_1134[%get3A_1135] {strides = array<i32>} : memref<25600xf32, #tpu.memory_space<vmem>>, vector<16xf32>,
              %add3A_1137 = arith.constant 1920 : i32
              %add3A_1138 = arith.addi %mul3A_365, %add3A_1137 : i32
              %add3A_1139 = arith.constant 80 : i32
              %add3A_1140 = arith.addi %add3A_1138, %add3A_1139 : i32
              %get3A_1141 = tpu.memref_slice %run_scoped3A[%mul3A_275] : memref<51200xf32, #tpu.memory_space<vmem>> -> memref<25600xf32, #tpu.memory_space<vmem>>
              %get3A_1142 = arith.index_cast %add3A_1140 : i32 to index
              %get3A_1143 = tpu.vector_load %get3A_1141[%get3A_1142] {strides = array<i32>} : memref<25600xf32, #tpu.memory_space<vmem>>, vector<16xf32>,
              %add3A_1144 = arith.addf %get3A_1038, %get3A_1045 : vector<16xf32>
              %add3A_1145 = arith.addf %get3A_1052, %get3A_1059 : vector<16xf32>
              %add3A_1146 = arith.addf %get3A_1066, %get3A_1073 : vector<16xf32>
              %add3A_1147 = arith.addf %get3A_1080, %get3A_1087 : vector<16xf32>
              %add3A_1148 = arith.addf %get3A_1094, %get3A_1101 : vector<16xf32>
              %add3A_1149 = arith.addf %get3A_1108, %get3A_1115 : vector<16xf32>
              %add3A_1150 = arith.addf %get3A_1122, %get3A_1129 : vector<16xf32>
              %add3A_1151 = arith.addf %get3A_1136, %get3A_1143 : vector<16xf32>
              %add3A_1152 = arith.addf %add3A_1144, %add3A_1145 : vector<16xf32>
              %add3A_1153 = arith.addf %add3A_1146, %add3A_1147 : vector<16xf32>
              %add3A_1154 = arith.addf %add3A_1148, %add3A_1149 : vector<16xf32>
              %add3A_1155 = arith.addf %add3A_1150, %add3A_1151 : vector<16xf32>
              %add3A_1156 = arith.addf %add3A_1152, %add3A_1153 : vector<16xf32>
              %add3A_1157 = arith.addf %add3A_1154, %add3A_1155 : vector<16xf32>
              %add3A_1158 = arith.addf %add3A_1156, %add3A_1157 : vector<16xf32>
              %add3A_1159 = arith.constant 80 : i32
              %add3A_1160 = arith.addi %mul3A_377, %add3A_1159 : i32
              %swap3A_1161 = arith.index_cast %add3A_1160 : i32 to index
              %swap3A_1162 = tpu.vector_load %arg6[%swap3A_1161] {strides = array<i32>} : memref<32768xf32, #tpu.memory_space<vmem>>, vector<16xf32>,
              tpu.vector_store %arg6[%swap3A_1161], %add3A_1158 {add = true, strides = array<i32>} : memref<32768xf32, #tpu.memory_space<vmem>>, vector<16xf32>,
              %add3A_1163 = arith.constant 0 : i32
              %add3A_1164 = arith.addi %mul3A_365, %add3A_1163 : i32
              %add3A_1165 = arith.constant 96 : i32
              %add3A_1166 = arith.addi %add3A_1164, %add3A_1165 : i32
              %get3A_1167 = tpu.memref_slice %run_scoped3A[%mul3A_275] : memref<51200xf32, #tpu.memory_space<vmem>> -> memref<25600xf32, #tpu.memory_space<vmem>>
              %get3A_1168 = arith.index_cast %add3A_1166 : i32 to index
              %get3A_1169 = tpu.vector_load %get3A_1167[%get3A_1168] {strides = array<i32>} : memref<25600xf32, #tpu.memory_space<vmem>>, vector<16xf32>,
              %add3A_1170 = arith.constant 128 : i32
              %add3A_1171 = arith.addi %mul3A_365, %add3A_1170 : i32
              %add3A_1172 = arith.constant 96 : i32
              %add3A_1173 = arith.addi %add3A_1171, %add3A_1172 : i32
              %get3A_1174 = tpu.memref_slice %run_scoped3A[%mul3A_275] : memref<51200xf32, #tpu.memory_space<vmem>> -> memref<25600xf32, #tpu.memory_space<vmem>>
              %get3A_1175 = arith.index_cast %add3A_1173 : i32 to index
              %get3A_1176 = tpu.vector_load %get3A_1174[%get3A_1175] {strides = array<i32>} : memref<25600xf32, #tpu.memory_space<vmem>>, vector<16xf32>,
              %add3A_1177 = arith.constant 256 : i32
              %add3A_1178 = arith.addi %mul3A_365, %add3A_1177 : i32
              %add3A_1179 = arith.constant 96 : i32
              %add3A_1180 = arith.addi %add3A_1178, %add3A_1179 : i32
              %get3A_1181 = tpu.memref_slice %run_scoped3A[%mul3A_275] : memref<51200xf32, #tpu.memory_space<vmem>> -> memref<25600xf32, #tpu.memory_space<vmem>>
              %get3A_1182 = arith.index_cast %add3A_1180 : i32 to index
              %get3A_1183 = tpu.vector_load %get3A_1181[%get3A_1182] {strides = array<i32>} : memref<25600xf32, #tpu.memory_space<vmem>>, vector<16xf32>,
              %add3A_1184 = arith.constant 384 : i32
              %add3A_1185 = arith.addi %mul3A_365, %add3A_1184 : i32
              %add3A_1186 = arith.constant 96 : i32
              %add3A_1187 = arith.addi %add3A_1185, %add3A_1186 : i32
              %get3A_1188 = tpu.memref_slice %run_scoped3A[%mul3A_275] : memref<51200xf32, #tpu.memory_space<vmem>> -> memref<25600xf32, #tpu.memory_space<vmem>>
              %get3A_1189 = arith.index_cast %add3A_1187 : i32 to index
              %get3A_1190 = tpu.vector_load %get3A_1188[%get3A_1189] {strides = array<i32>} : memref<25600xf32, #tpu.memory_space<vmem>>, vector<16xf32>,
              %add3A_1191 = arith.constant 512 : i32
              %add3A_1192 = arith.addi %mul3A_365, %add3A_1191 : i32
              %add3A_1193 = arith.constant 96 : i32
              %add3A_1194 = arith.addi %add3A_1192, %add3A_1193 : i32
              %get3A_1195 = tpu.memref_slice %run_scoped3A[%mul3A_275] : memref<51200xf32, #tpu.memory_space<vmem>> -> memref<25600xf32, #tpu.memory_space<vmem>>
              %get3A_1196 = arith.index_cast %add3A_1194 : i32 to index
              %get3A_1197 = tpu.vector_load %get3A_1195[%get3A_1196] {strides = array<i32>} : memref<25600xf32, #tpu.memory_space<vmem>>, vector<16xf32>,
              %add3A_1198 = arith.constant 640 : i32
              %add3A_1199 = arith.addi %mul3A_365, %add3A_1198 : i32
              %add3A_1200 = arith.constant 96 : i32
              %add3A_1201 = arith.addi %add3A_1199, %add3A_1200 : i32
              %get3A_1202 = tpu.memref_slice %run_scoped3A[%mul3A_275] : memref<51200xf32, #tpu.memory_space<vmem>> -> memref<25600xf32, #tpu.memory_space<vmem>>
              %get3A_1203 = arith.index_cast %add3A_1201 : i32 to index
              %get3A_1204 = tpu.vector_load %get3A_1202[%get3A_1203] {strides = array<i32>} : memref<25600xf32, #tpu.memory_space<vmem>>, vector<16xf32>,
              %add3A_1205 = arith.constant 768 : i32
              %add3A_1206 = arith.addi %mul3A_365, %add3A_1205 : i32
              %add3A_1207 = arith.constant 96 : i32
              %add3A_1208 = arith.addi %add3A_1206, %add3A_1207 : i32
              %get3A_1209 = tpu.memref_slice %run_scoped3A[%mul3A_275] : memref<51200xf32, #tpu.memory_space<vmem>> -> memref<25600xf32, #tpu.memory_space<vmem>>
              %get3A_1210 = arith.index_cast %add3A_1208 : i32 to index
              %get3A_1211 = tpu.vector_load %get3A_1209[%get3A_1210] {strides = array<i32>} : memref<25600xf32, #tpu.memory_space<vmem>>, vector<16xf32>,
              %add3A_1212 = arith.constant 896 : i32
              %add3A_1213 = arith.addi %mul3A_365, %add3A_1212 : i32
              %add3A_1214 = arith.constant 96 : i32
              %add3A_1215 = arith.addi %add3A_1213, %add3A_1214 : i32
              %get3A_1216 = tpu.memref_slice %run_scoped3A[%mul3A_275] : memref<51200xf32, #tpu.memory_space<vmem>> -> memref<25600xf32, #tpu.memory_space<vmem>>
              %get3A_1217 = arith.index_cast %add3A_1215 : i32 to index
              %get3A_1218 = tpu.vector_load %get3A_1216[%get3A_1217] {strides = array<i32>} : memref<25600xf32, #tpu.memory_space<vmem>>, vector<16xf32>,
              %add3A_1219 = arith.constant 1024 : i32
              %add3A_1220 = arith.addi %mul3A_365, %add3A_1219 : i32
              %add3A_1221 = arith.constant 96 : i32
              %add3A_1222 = arith.addi %add3A_1220, %add3A_1221 : i32
              %get3A_1223 = tpu.memref_slice %run_scoped3A[%mul3A_275] : memref<51200xf32, #tpu.memory_space<vmem>> -> memref<25600xf32, #tpu.memory_space<vmem>>
              %get3A_1224 = arith.index_cast %add3A_1222 : i32 to index
              %get3A_1225 = tpu.vector_load %get3A_1223[%get3A_1224] {strides = array<i32>} : memref<25600xf32, #tpu.memory_space<vmem>>, vector<16xf32>,
              %add3A_1226 = arith.constant 1152 : i32
              %add3A_1227 = arith.addi %mul3A_365, %add3A_1226 : i32
              %add3A_1228 = arith.constant 96 : i32
              %add3A_1229 = arith.addi %add3A_1227, %add3A_1228 : i32
              %get3A_1230 = tpu.memref_slice %run_scoped3A[%mul3A_275] : memref<51200xf32, #tpu.memory_space<vmem>> -> memref<25600xf32, #tpu.memory_space<vmem>>
              %get3A_1231 = arith.index_cast %add3A_1229 : i32 to index
              %get3A_1232 = tpu.vector_load %get3A_1230[%get3A_1231] {strides = array<i32>} : memref<25600xf32, #tpu.memory_space<vmem>>, vector<16xf32>,
              %add3A_1233 = arith.constant 1280 : i32
              %add3A_1234 = arith.addi %mul3A_365, %add3A_1233 : i32
              %add3A_1235 = arith.constant 96 : i32
              %add3A_1236 = arith.addi %add3A_1234, %add3A_1235 : i32
              %get3A_1237 = tpu.memref_slice %run_scoped3A[%mul3A_275] : memref<51200xf32, #tpu.memory_space<vmem>> -> memref<25600xf32, #tpu.memory_space<vmem>>
              %get3A_1238 = arith.index_cast %add3A_1236 : i32 to index
              %get3A_1239 = tpu.vector_load %get3A_1237[%get3A_1238] {strides = array<i32>} : memref<25600xf32, #tpu.memory_space<vmem>>, vector<16xf32>,
              %add3A_1240 = arith.constant 1408 : i32
              %add3A_1241 = arith.addi %mul3A_365, %add3A_1240 : i32
              %add3A_1242 = arith.constant 96 : i32
              %add3A_1243 = arith.addi %add3A_1241, %add3A_1242 : i32
              %get3A_1244 = tpu.memref_slice %run_scoped3A[%mul3A_275] : memref<51200xf32, #tpu.memory_space<vmem>> -> memref<25600xf32, #tpu.memory_space<vmem>>
              %get3A_1245 = arith.index_cast %add3A_1243 : i32 to index
              %get3A_1246 = tpu.vector_load %get3A_1244[%get3A_1245] {strides = array<i32>} : memref<25600xf32, #tpu.memory_space<vmem>>, vector<16xf32>,
              %add3A_1247 = arith.constant 1536 : i32
              %add3A_1248 = arith.addi %mul3A_365, %add3A_1247 : i32
              %add3A_1249 = arith.constant 96 : i32
              %add3A_1250 = arith.addi %add3A_1248, %add3A_1249 : i32
              %get3A_1251 = tpu.memref_slice %run_scoped3A[%mul3A_275] : memref<51200xf32, #tpu.memory_space<vmem>> -> memref<25600xf32, #tpu.memory_space<vmem>>
              %get3A_1252 = arith.index_cast %add3A_1250 : i32 to index
              %get3A_1253 = tpu.vector_load %get3A_1251[%get3A_1252] {strides = array<i32>} : memref<25600xf32, #tpu.memory_space<vmem>>, vector<16xf32>,
              %add3A_1254 = arith.constant 1664 : i32
              %add3A_1255 = arith.addi %mul3A_365, %add3A_1254 : i32
              %add3A_1256 = arith.constant 96 : i32
              %add3A_1257 = arith.addi %add3A_1255, %add3A_1256 : i32
              %get3A_1258 = tpu.memref_slice %run_scoped3A[%mul3A_275] : memref<51200xf32, #tpu.memory_space<vmem>> -> memref<25600xf32, #tpu.memory_space<vmem>>
              %get3A_1259 = arith.index_cast %add3A_1257 : i32 to index
              %get3A_1260 = tpu.vector_load %get3A_1258[%get3A_1259] {strides = array<i32>} : memref<25600xf32, #tpu.memory_space<vmem>>, vector<16xf32>,
              %add3A_1261 = arith.constant 1792 : i32
              %add3A_1262 = arith.addi %mul3A_365, %add3A_1261 : i32
              %add3A_1263 = arith.constant 96 : i32
              %add3A_1264 = arith.addi %add3A_1262, %add3A_1263 : i32
              %get3A_1265 = tpu.memref_slice %run_scoped3A[%mul3A_275] : memref<51200xf32, #tpu.memory_space<vmem>> -> memref<25600xf32, #tpu.memory_space<vmem>>
              %get3A_1266 = arith.index_cast %add3A_1264 : i32 to index
              %get3A_1267 = tpu.vector_load %get3A_1265[%get3A_1266] {strides = array<i32>} : memref<25600xf32, #tpu.memory_space<vmem>>, vector<16xf32>,
              %add3A_1268 = arith.constant 1920 : i32
              %add3A_1269 = arith.addi %mul3A_365, %add3A_1268 : i32
              %add3A_1270 = arith.constant 96 : i32
              %add3A_1271 = arith.addi %add3A_1269, %add3A_1270 : i32
              %get3A_1272 = tpu.memref_slice %run_scoped3A[%mul3A_275] : memref<51200xf32, #tpu.memory_space<vmem>> -> memref<25600xf32, #tpu.memory_space<vmem>>
              %get3A_1273 = arith.index_cast %add3A_1271 : i32 to index
              %get3A_1274 = tpu.vector_load %get3A_1272[%get3A_1273] {strides = array<i32>} : memref<25600xf32, #tpu.memory_space<vmem>>, vector<16xf32>,
              %add3A_1275 = arith.addf %get3A_1169, %get3A_1176 : vector<16xf32>
              %add3A_1276 = arith.addf %get3A_1183, %get3A_1190 : vector<16xf32>
              %add3A_1277 = arith.addf %get3A_1197, %get3A_1204 : vector<16xf32>
              %add3A_1278 = arith.addf %get3A_1211, %get3A_1218 : vector<16xf32>
              %add3A_1279 = arith.addf %get3A_1225, %get3A_1232 : vector<16xf32>
              %add3A_1280 = arith.addf %get3A_1239, %get3A_1246 : vector<16xf32>
              %add3A_1281 = arith.addf %get3A_1253, %get3A_1260 : vector<16xf32>
              %add3A_1282 = arith.addf %get3A_1267, %get3A_1274 : vector<16xf32>
              %add3A_1283 = arith.addf %add3A_1275, %add3A_1276 : vector<16xf32>
              %add3A_1284 = arith.addf %add3A_1277, %add3A_1278 : vector<16xf32>
              %add3A_1285 = arith.addf %add3A_1279, %add3A_1280 : vector<16xf32>
              %add3A_1286 = arith.addf %add3A_1281, %add3A_1282 : vector<16xf32>
              %add3A_1287 = arith.addf %add3A_1283, %add3A_1284 : vector<16xf32>
              %add3A_1288 = arith.addf %add3A_1285, %add3A_1286 : vector<16xf32>
              %add3A_1289 = arith.addf %add3A_1287, %add3A_1288 : vector<16xf32>
              %add3A_1290 = arith.constant 96 : i32
              %add3A_1291 = arith.addi %mul3A_377, %add3A_1290 : i32
              %swap3A_1292 = arith.index_cast %add3A_1291 : i32 to index
              %swap3A_1293 = tpu.vector_load %arg6[%swap3A_1292] {strides = array<i32>} : memref<32768xf32, #tpu.memory_space<vmem>>, vector<16xf32>,
              tpu.vector_store %arg6[%swap3A_1292], %add3A_1289 {add = true, strides = array<i32>} : memref<32768xf32, #tpu.memory_space<vmem>>, vector<16xf32>,
              %add3A_1294 = arith.constant 0 : i32
              %add3A_1295 = arith.addi %mul3A_365, %add3A_1294 : i32
              %add3A_1296 = arith.constant 112 : i32
              %add3A_1297 = arith.addi %add3A_1295, %add3A_1296 : i32
              %get3A_1298 = tpu.memref_slice %run_scoped3A[%mul3A_275] : memref<51200xf32, #tpu.memory_space<vmem>> -> memref<25600xf32, #tpu.memory_space<vmem>>
              %get3A_1299 = arith.index_cast %add3A_1297 : i32 to index
              %get3A_1300 = tpu.vector_load %get3A_1298[%get3A_1299] {strides = array<i32>} : memref<25600xf32, #tpu.memory_space<vmem>>, vector<16xf32>,
              %add3A_1301 = arith.constant 128 : i32
              %add3A_1302 = arith.addi %mul3A_365, %add3A_1301 : i32
              %add3A_1303 = arith.constant 112 : i32
              %add3A_1304 = arith.addi %add3A_1302, %add3A_1303 : i32
              %get3A_1305 = tpu.memref_slice %run_scoped3A[%mul3A_275] : memref<51200xf32, #tpu.memory_space<vmem>> -> memref<25600xf32, #tpu.memory_space<vmem>>
              %get3A_1306 = arith.index_cast %add3A_1304 : i32 to index
              %get3A_1307 = tpu.vector_load %get3A_1305[%get3A_1306] {strides = array<i32>} : memref<25600xf32, #tpu.memory_space<vmem>>, vector<16xf32>,
              %add3A_1308 = arith.constant 256 : i32
              %add3A_1309 = arith.addi %mul3A_365, %add3A_1308 : i32
              %add3A_1310 = arith.constant 112 : i32
              %add3A_1311 = arith.addi %add3A_1309, %add3A_1310 : i32
              %get3A_1312 = tpu.memref_slice %run_scoped3A[%mul3A_275] : memref<51200xf32, #tpu.memory_space<vmem>> -> memref<25600xf32, #tpu.memory_space<vmem>>
              %get3A_1313 = arith.index_cast %add3A_1311 : i32 to index
              %get3A_1314 = tpu.vector_load %get3A_1312[%get3A_1313] {strides = array<i32>} : memref<25600xf32, #tpu.memory_space<vmem>>, vector<16xf32>,
              %add3A_1315 = arith.constant 384 : i32
              %add3A_1316 = arith.addi %mul3A_365, %add3A_1315 : i32
              %add3A_1317 = arith.constant 112 : i32
              %add3A_1318 = arith.addi %add3A_1316, %add3A_1317 : i32
              %get3A_1319 = tpu.memref_slice %run_scoped3A[%mul3A_275] : memref<51200xf32, #tpu.memory_space<vmem>> -> memref<25600xf32, #tpu.memory_space<vmem>>
              %get3A_1320 = arith.index_cast %add3A_1318 : i32 to index
              %get3A_1321 = tpu.vector_load %get3A_1319[%get3A_1320] {strides = array<i32>} : memref<25600xf32, #tpu.memory_space<vmem>>, vector<16xf32>,
              %add3A_1322 = arith.constant 512 : i32
              %add3A_1323 = arith.addi %mul3A_365, %add3A_1322 : i32
              %add3A_1324 = arith.constant 112 : i32
              %add3A_1325 = arith.addi %add3A_1323, %add3A_1324 : i32
              %get3A_1326 = tpu.memref_slice %run_scoped3A[%mul3A_275] : memref<51200xf32, #tpu.memory_space<vmem>> -> memref<25600xf32, #tpu.memory_space<vmem>>
              %get3A_1327 = arith.index_cast %add3A_1325 : i32 to index
              %get3A_1328 = tpu.vector_load %get3A_1326[%get3A_1327] {strides = array<i32>} : memref<25600xf32, #tpu.memory_space<vmem>>, vector<16xf32>,
              %add3A_1329 = arith.constant 640 : i32
              %add3A_1330 = arith.addi %mul3A_365, %add3A_1329 : i32
              %add3A_1331 = arith.constant 112 : i32
              %add3A_1332 = arith.addi %add3A_1330, %add3A_1331 : i32
              %get3A_1333 = tpu.memref_slice %run_scoped3A[%mul3A_275] : memref<51200xf32, #tpu.memory_space<vmem>> -> memref<25600xf32, #tpu.memory_space<vmem>>
              %get3A_1334 = arith.index_cast %add3A_1332 : i32 to index
              %get3A_1335 = tpu.vector_load %get3A_1333[%get3A_1334] {strides = array<i32>} : memref<25600xf32, #tpu.memory_space<vmem>>, vector<16xf32>,
              %add3A_1336 = arith.constant 768 : i32
              %add3A_1337 = arith.addi %mul3A_365, %add3A_1336 : i32
              %add3A_1338 = arith.constant 112 : i32
              %add3A_1339 = arith.addi %add3A_1337, %add3A_1338 : i32
              %get3A_1340 = tpu.memref_slice %run_scoped3A[%mul3A_275] : memref<51200xf32, #tpu.memory_space<vmem>> -> memref<25600xf32, #tpu.memory_space<vmem>>
              %get3A_1341 = arith.index_cast %add3A_1339 : i32 to index
              %get3A_1342 = tpu.vector_load %get3A_1340[%get3A_1341] {strides = array<i32>} : memref<25600xf32, #tpu.memory_space<vmem>>, vector<16xf32>,
              %add3A_1343 = arith.constant 896 : i32
              %add3A_1344 = arith.addi %mul3A_365, %add3A_1343 : i32
              %add3A_1345 = arith.constant 112 : i32
              %add3A_1346 = arith.addi %add3A_1344, %add3A_1345 : i32
              %get3A_1347 = tpu.memref_slice %run_scoped3A[%mul3A_275] : memref<51200xf32, #tpu.memory_space<vmem>> -> memref<25600xf32, #tpu.memory_space<vmem>>
              %get3A_1348 = arith.index_cast %add3A_1346 : i32 to index
              %get3A_1349 = tpu.vector_load %get3A_1347[%get3A_1348] {strides = array<i32>} : memref<25600xf32, #tpu.memory_space<vmem>>, vector<16xf32>,
              %add3A_1350 = arith.constant 1024 : i32
              %add3A_1351 = arith.addi %mul3A_365, %add3A_1350 : i32
              %add3A_1352 = arith.constant 112 : i32
              %add3A_1353 = arith.addi %add3A_1351, %add3A_1352 : i32
              %get3A_1354 = tpu.memref_slice %run_scoped3A[%mul3A_275] : memref<51200xf32, #tpu.memory_space<vmem>> -> memref<25600xf32, #tpu.memory_space<vmem>>
              %get3A_1355 = arith.index_cast %add3A_1353 : i32 to index
              %get3A_1356 = tpu.vector_load %get3A_1354[%get3A_1355] {strides = array<i32>} : memref<25600xf32, #tpu.memory_space<vmem>>, vector<16xf32>,
              %add3A_1357 = arith.constant 1152 : i32
              %add3A_1358 = arith.addi %mul3A_365, %add3A_1357 : i32
              %add3A_1359 = arith.constant 112 : i32
              %add3A_1360 = arith.addi %add3A_1358, %add3A_1359 : i32
              %get3A_1361 = tpu.memref_slice %run_scoped3A[%mul3A_275] : memref<51200xf32, #tpu.memory_space<vmem>> -> memref<25600xf32, #tpu.memory_space<vmem>>
              %get3A_1362 = arith.index_cast %add3A_1360 : i32 to index
              %get3A_1363 = tpu.vector_load %get3A_1361[%get3A_1362] {strides = array<i32>} : memref<25600xf32, #tpu.memory_space<vmem>>, vector<16xf32>,
              %add3A_1364 = arith.constant 1280 : i32
              %add3A_1365 = arith.addi %mul3A_365, %add3A_1364 : i32
              %add3A_1366 = arith.constant 112 : i32
              %add3A_1367 = arith.addi %add3A_1365, %add3A_1366 : i32
              %get3A_1368 = tpu.memref_slice %run_scoped3A[%mul3A_275] : memref<51200xf32, #tpu.memory_space<vmem>> -> memref<25600xf32, #tpu.memory_space<vmem>>
              %get3A_1369 = arith.index_cast %add3A_1367 : i32 to index
              %get3A_1370 = tpu.vector_load %get3A_1368[%get3A_1369] {strides = array<i32>} : memref<25600xf32, #tpu.memory_space<vmem>>, vector<16xf32>,
              %add3A_1371 = arith.constant 1408 : i32
              %add3A_1372 = arith.addi %mul3A_365, %add3A_1371 : i32
              %add3A_1373 = arith.constant 112 : i32
              %add3A_1374 = arith.addi %add3A_1372, %add3A_1373 : i32
              %get3A_1375 = tpu.memref_slice %run_scoped3A[%mul3A_275] : memref<51200xf32, #tpu.memory_space<vmem>> -> memref<25600xf32, #tpu.memory_space<vmem>>
              %get3A_1376 = arith.index_cast %add3A_1374 : i32 to index
              %get3A_1377 = tpu.vector_load %get3A_1375[%get3A_1376] {strides = array<i32>} : memref<25600xf32, #tpu.memory_space<vmem>>, vector<16xf32>,
              %add3A_1378 = arith.constant 1536 : i32
              %add3A_1379 = arith.addi %mul3A_365, %add3A_1378 : i32
              %add3A_1380 = arith.constant 112 : i32
              %add3A_1381 = arith.addi %add3A_1379, %add3A_1380 : i32
              %get3A_1382 = tpu.memref_slice %run_scoped3A[%mul3A_275] : memref<51200xf32, #tpu.memory_space<vmem>> -> memref<25600xf32, #tpu.memory_space<vmem>>
              %get3A_1383 = arith.index_cast %add3A_1381 : i32 to index
              %get3A_1384 = tpu.vector_load %get3A_1382[%get3A_1383] {strides = array<i32>} : memref<25600xf32, #tpu.memory_space<vmem>>, vector<16xf32>,
              %add3A_1385 = arith.constant 1664 : i32
              %add3A_1386 = arith.addi %mul3A_365, %add3A_1385 : i32
              %add3A_1387 = arith.constant 112 : i32
              %add3A_1388 = arith.addi %add3A_1386, %add3A_1387 : i32
              %get3A_1389 = tpu.memref_slice %run_scoped3A[%mul3A_275] : memref<51200xf32, #tpu.memory_space<vmem>> -> memref<25600xf32, #tpu.memory_space<vmem>>
              %get3A_1390 = arith.index_cast %add3A_1388 : i32 to index
              %get3A_1391 = tpu.vector_load %get3A_1389[%get3A_1390] {strides = array<i32>} : memref<25600xf32, #tpu.memory_space<vmem>>, vector<16xf32>,
              %add3A_1392 = arith.constant 1792 : i32
              %add3A_1393 = arith.addi %mul3A_365, %add3A_1392 : i32
              %add3A_1394 = arith.constant 112 : i32
              %add3A_1395 = arith.addi %add3A_1393, %add3A_1394 : i32
              %get3A_1396 = tpu.memref_slice %run_scoped3A[%mul3A_275] : memref<51200xf32, #tpu.memory_space<vmem>> -> memref<25600xf32, #tpu.memory_space<vmem>>
              %get3A_1397 = arith.index_cast %add3A_1395 : i32 to index
              %get3A_1398 = tpu.vector_load %get3A_1396[%get3A_1397] {strides = array<i32>} : memref<25600xf32, #tpu.memory_space<vmem>>, vector<16xf32>,
              %add3A_1399 = arith.constant 1920 : i32
              %add3A_1400 = arith.addi %mul3A_365, %add3A_1399 : i32
              %add3A_1401 = arith.constant 112 : i32
              %add3A_1402 = arith.addi %add3A_1400, %add3A_1401 : i32
              %get3A_1403 = tpu.memref_slice %run_scoped3A[%mul3A_275] : memref<51200xf32, #tpu.memory_space<vmem>> -> memref<25600xf32, #tpu.memory_space<vmem>>
              %get3A_1404 = arith.index_cast %add3A_1402 : i32 to index
              %get3A_1405 = tpu.vector_load %get3A_1403[%get3A_1404] {strides = array<i32>} : memref<25600xf32, #tpu.memory_space<vmem>>, vector<16xf32>,
              %add3A_1406 = arith.addf %get3A_1300, %get3A_1307 : vector<16xf32>
              %add3A_1407 = arith.addf %get3A_1314, %get3A_1321 : vector<16xf32>
              %add3A_1408 = arith.addf %get3A_1328, %get3A_1335 : vector<16xf32>
              %add3A_1409 = arith.addf %get3A_1342, %get3A_1349 : vector<16xf32>
              %add3A_1410 = arith.addf %get3A_1356, %get3A_1363 : vector<16xf32>
              %add3A_1411 = arith.addf %get3A_1370, %get3A_1377 : vector<16xf32>
              %add3A_1412 = arith.addf %get3A_1384, %get3A_1391 : vector<16xf32>
              %add3A_1413 = arith.addf %get3A_1398, %get3A_1405 : vector<16xf32>
              %add3A_1414 = arith.addf %add3A_1406, %add3A_1407 : vector<16xf32>
              %add3A_1415 = arith.addf %add3A_1408, %add3A_1409 : vector<16xf32>
              %add3A_1416 = arith.addf %add3A_1410, %add3A_1411 : vector<16xf32>
              %add3A_1417 = arith.addf %add3A_1412, %add3A_1413 : vector<16xf32>
              %add3A_1418 = arith.addf %add3A_1414, %add3A_1415 : vector<16xf32>
              %add3A_1419 = arith.addf %add3A_1416, %add3A_1417 : vector<16xf32>
              %add3A_1420 = arith.addf %add3A_1418, %add3A_1419 : vector<16xf32>
              %add3A_1421 = arith.constant 112 : i32
              %add3A_1422 = arith.addi %mul3A_377, %add3A_1421 : i32
              %swap3A_1423 = arith.index_cast %add3A_1422 : i32 to index
              %swap3A_1424 = tpu.vector_load %arg6[%swap3A_1423] {strides = array<i32>} : memref<32768xf32, #tpu.memory_space<vmem>>, vector<16xf32>,
              tpu.vector_store %arg6[%swap3A_1423], %add3A_1420 {add = true, strides = array<i32>} : memref<32768xf32, #tpu.memory_space<vmem>>, vector<16xf32>,
            } else {
            }
            %ne3A_372 = arith.cmpi ne, %squeeze3A, %squeeze3A_367 : i32
            %convert_element_type3A_373 = arith.extui %ne3A_372 : i1 to i32
            %cond3A_374 = arith.constant 0 : i32
            %cond3A_375 = arith.cmpi ne, %convert_element_type3A_373, %cond3A_374 : i32
            scf.if %cond3A_375 {
              %mul3A_376 = arith.constant 128 : i32
              %mul3A_377 = vector.broadcast %mul3A_376 : i32 to vector<16xi32>
              %mul3A_378 = arith.muli %get3A_363, %mul3A_377 : vector<16xi32>
              %slice3A_379 = vector.extract_strided_slice %mul3A_378 {offsets = [0], sizes = [1], strides = [1]} : vector<16xi32> to vector<1xi32>
              %squeeze3A_380 = vector.extract %slice3A_379[0] : i32 from vector<1xi32>
              %add3A_381 = arith.constant 0 : i32
              %add3A_382 = arith.addi %mul3A_365, %add3A_381 : i32
              %add3A_383 = arith.constant 0 : i32
              %add3A_384 = arith.addi %squeeze3A_380, %add3A_383 : i32
              %add3A_385 = arith.constant 0 : i32
              %add3A_386 = arith.addi %add3A_382, %add3A_385 : i32
              %get3A_387 = tpu.memref_slice %run_scoped3A[%mul3A_275] : memref<51200xf32, #tpu.memory_space<vmem>> -> memref<25600xf32, #tpu.memory_space<vmem>>
              %get3A_388 = arith.index_cast %add3A_386 : i32 to index
              %get3A_389 = tpu.vector_load %get3A_387[%get3A_388] {strides = array<i32>} : memref<25600xf32, #tpu.memory_space<vmem>>, vector<16xf32>,
              %swap3A = arith.index_cast %add3A_384 : i32 to index
              %swap3A_390 = tpu.vector_load %arg6[%swap3A] {strides = array<i32>} : memref<32768xf32, #tpu.memory_space<vmem>>, vector<16xf32>,
              tpu.vector_store %arg6[%swap3A], %get3A_389 {add = true, strides = array<i32>} : memref<32768xf32, #tpu.memory_space<vmem>>, vector<16xf32>,
              %add3A_391 = arith.constant 16 : i32
              %add3A_392 = arith.addi %squeeze3A_380, %add3A_391 : i32
              %add3A_393 = arith.constant 16 : i32
              %add3A_394 = arith.addi %add3A_382, %add3A_393 : i32
              %get3A_395 = tpu.memref_slice %run_scoped3A[%mul3A_275] : memref<51200xf32, #tpu.memory_space<vmem>> -> memref<25600xf32, #tpu.memory_space<vmem>>
              %get3A_396 = arith.index_cast %add3A_394 : i32 to index
              %get3A_397 = tpu.vector_load %get3A_395[%get3A_396] {strides = array<i32>} : memref<25600xf32, #tpu.memory_space<vmem>>, vector<16xf32>,
              %swap3A_398 = arith.index_cast %add3A_392 : i32 to index
              %swap3A_399 = tpu.vector_load %arg6[%swap3A_398] {strides = array<i32>} : memref<32768xf32, #tpu.memory_space<vmem>>, vector<16xf32>,
              tpu.vector_store %arg6[%swap3A_398], %get3A_397 {add = true, strides = array<i32>} : memref<32768xf32, #tpu.memory_space<vmem>>, vector<16xf32>,
              %add3A_400 = arith.constant 32 : i32
              %add3A_401 = arith.addi %squeeze3A_380, %add3A_400 : i32
              %add3A_402 = arith.constant 32 : i32
              %add3A_403 = arith.addi %add3A_382, %add3A_402 : i32
              %get3A_404 = tpu.memref_slice %run_scoped3A[%mul3A_275] : memref<51200xf32, #tpu.memory_space<vmem>> -> memref<25600xf32, #tpu.memory_space<vmem>>
              %get3A_405 = arith.index_cast %add3A_403 : i32 to index
              %get3A_406 = tpu.vector_load %get3A_404[%get3A_405] {strides = array<i32>} : memref<25600xf32, #tpu.memory_space<vmem>>, vector<16xf32>,
              %swap3A_407 = arith.index_cast %add3A_401 : i32 to index
              %swap3A_408 = tpu.vector_load %arg6[%swap3A_407] {strides = array<i32>} : memref<32768xf32, #tpu.memory_space<vmem>>, vector<16xf32>,
              tpu.vector_store %arg6[%swap3A_407], %get3A_406 {add = true, strides = array<i32>} : memref<32768xf32, #tpu.memory_space<vmem>>, vector<16xf32>,
              %add3A_409 = arith.constant 48 : i32
              %add3A_410 = arith.addi %squeeze3A_380, %add3A_409 : i32
              %add3A_411 = arith.constant 48 : i32
              %add3A_412 = arith.addi %add3A_382, %add3A_411 : i32
              %get3A_413 = tpu.memref_slice %run_scoped3A[%mul3A_275] : memref<51200xf32, #tpu.memory_space<vmem>> -> memref<25600xf32, #tpu.memory_space<vmem>>
              %get3A_414 = arith.index_cast %add3A_412 : i32 to index
              %get3A_415 = tpu.vector_load %get3A_413[%get3A_414] {strides = array<i32>} : memref<25600xf32, #tpu.memory_space<vmem>>, vector<16xf32>,
              %swap3A_416 = arith.index_cast %add3A_410 : i32 to index
              %swap3A_417 = tpu.vector_load %arg6[%swap3A_416] {strides = array<i32>} : memref<32768xf32, #tpu.memory_space<vmem>>, vector<16xf32>,
              tpu.vector_store %arg6[%swap3A_416], %get3A_415 {add = true, strides = array<i32>} : memref<32768xf32, #tpu.memory_space<vmem>>, vector<16xf32>,
              %add3A_418 = arith.constant 64 : i32
              %add3A_419 = arith.addi %squeeze3A_380, %add3A_418 : i32
              %add3A_420 = arith.constant 64 : i32
              %add3A_421 = arith.addi %add3A_382, %add3A_420 : i32
              %get3A_422 = tpu.memref_slice %run_scoped3A[%mul3A_275] : memref<51200xf32, #tpu.memory_space<vmem>> -> memref<25600xf32, #tpu.memory_space<vmem>>
              %get3A_423 = arith.index_cast %add3A_421 : i32 to index
              %get3A_424 = tpu.vector_load %get3A_422[%get3A_423] {strides = array<i32>} : memref<25600xf32, #tpu.memory_space<vmem>>, vector<16xf32>,
              %swap3A_425 = arith.index_cast %add3A_419 : i32 to index
              %swap3A_426 = tpu.vector_load %arg6[%swap3A_425] {strides = array<i32>} : memref<32768xf32, #tpu.memory_space<vmem>>, vector<16xf32>,
              tpu.vector_store %arg6[%swap3A_425], %get3A_424 {add = true, strides = array<i32>} : memref<32768xf32, #tpu.memory_space<vmem>>, vector<16xf32>,
              %add3A_427 = arith.constant 80 : i32
              %add3A_428 = arith.addi %squeeze3A_380, %add3A_427 : i32
              %add3A_429 = arith.constant 80 : i32
              %add3A_430 = arith.addi %add3A_382, %add3A_429 : i32
              %get3A_431 = tpu.memref_slice %run_scoped3A[%mul3A_275] : memref<51200xf32, #tpu.memory_space<vmem>> -> memref<25600xf32, #tpu.memory_space<vmem>>
              %get3A_432 = arith.index_cast %add3A_430 : i32 to index
              %get3A_433 = tpu.vector_load %get3A_431[%get3A_432] {strides = array<i32>} : memref<25600xf32, #tpu.memory_space<vmem>>, vector<16xf32>,
              %swap3A_434 = arith.index_cast %add3A_428 : i32 to index
              %swap3A_435 = tpu.vector_load %arg6[%swap3A_434] {strides = array<i32>} : memref<32768xf32, #tpu.memory_space<vmem>>, vector<16xf32>,
              tpu.vector_store %arg6[%swap3A_434], %get3A_433 {add = true, strides = array<i32>} : memref<32768xf32, #tpu.memory_space<vmem>>, vector<16xf32>,
              %add3A_436 = arith.constant 96 : i32
              %add3A_437 = arith.addi %squeeze3A_380, %add3A_436 : i32
              %add3A_438 = arith.constant 96 : i32
              %add3A_439 = arith.addi %add3A_382, %add3A_438 : i32
              %get3A_440 = tpu.memref_slice %run_scoped3A[%mul3A_275] : memref<51200xf32, #tpu.memory_space<vmem>> -> memref<25600xf32, #tpu.memory_space<vmem>>
              %get3A_441 = arith.index_cast %add3A_439 : i32 to index
              %get3A_442 = tpu.vector_load %get3A_440[%get3A_441] {strides = array<i32>} : memref<25600xf32, #tpu.memory_space<vmem>>, vector<16xf32>,
              %swap3A_443 = arith.index_cast %add3A_437 : i32 to index
              %swap3A_444 = tpu.vector_load %arg6[%swap3A_443] {strides = array<i32>} : memref<32768xf32, #tpu.memory_space<vmem>>, vector<16xf32>,
              tpu.vector_store %arg6[%swap3A_443], %get3A_442 {add = true, strides = array<i32>} : memref<32768xf32, #tpu.memory_space<vmem>>, vector<16xf32>,
              %add3A_445 = arith.constant 112 : i32
              %add3A_446 = arith.addi %squeeze3A_380, %add3A_445 : i32
              %add3A_447 = arith.constant 112 : i32
              %add3A_448 = arith.addi %add3A_382, %add3A_447 : i32
              %get3A_449 = tpu.memref_slice %run_scoped3A[%mul3A_275] : memref<51200xf32, #tpu.memory_space<vmem>> -> memref<25600xf32, #tpu.memory_space<vmem>>
              %get3A_450 = arith.index_cast %add3A_448 : i32 to index
              %get3A_451 = tpu.vector_load %get3A_449[%get3A_450] {strides = array<i32>} : memref<25600xf32, #tpu.memory_space<vmem>>, vector<16xf32>,
              %swap3A_452 = arith.index_cast %add3A_446 : i32 to index
              %swap3A_453 = tpu.vector_load %arg6[%swap3A_452] {strides = array<i32>} : memref<32768xf32, #tpu.memory_space<vmem>>, vector<16xf32>,
              tpu.vector_store %arg6[%swap3A_452], %get3A_451 {add = true, strides = array<i32>} : memref<32768xf32, #tpu.memory_space<vmem>>, vector<16xf32>,
              %slice3A_454 = vector.extract_strided_slice %mul3A_378 {offsets = [1], sizes = [1], strides = [1]} : vector<16xi32> to vector<1xi32>
              %squeeze3A_455 = vector.extract %slice3A_454[0] : i32 from vector<1xi32>
              %add3A_456 = arith.constant 128 : i32
              %add3A_457 = arith.addi %mul3A_365, %add3A_456 : i32
              %add3A_458 = arith.constant 0 : i32
              %add3A_459 = arith.addi %squeeze3A_455, %add3A_458 : i32
              %add3A_460 = arith.constant 0 : i32
              %add3A_461 = arith.addi %add3A_457, %add3A_460 : i32
              %get3A_462 = tpu.memref_slice %run_scoped3A[%mul3A_275] : memref<51200xf32, #tpu.memory_space<vmem>> -> memref<25600xf32, #tpu.memory_space<vmem>>
              %get3A_463 = arith.index_cast %add3A_461 : i32 to index
              %get3A_464 = tpu.vector_load %get3A_462[%get3A_463] {strides = array<i32>} : memref<25600xf32, #tpu.memory_space<vmem>>, vector<16xf32>,
              %swap3A_465 = arith.index_cast %add3A_459 : i32 to index
              %swap3A_466 = tpu.vector_load %arg6[%swap3A_465] {strides = array<i32>} : memref<32768xf32, #tpu.memory_space<vmem>>, vector<16xf32>,
              tpu.vector_store %arg6[%swap3A_465], %get3A_464 {add = true, strides = array<i32>} : memref<32768xf32, #tpu.memory_space<vmem>>, vector<16xf32>,
              %add3A_467 = arith.constant 16 : i32
              %add3A_468 = arith.addi %squeeze3A_455, %add3A_467 : i32
              %add3A_469 = arith.constant 16 : i32
              %add3A_470 = arith.addi %add3A_457, %add3A_469 : i32
              %get3A_471 = tpu.memref_slice %run_scoped3A[%mul3A_275] : memref<51200xf32, #tpu.memory_space<vmem>> -> memref<25600xf32, #tpu.memory_space<vmem>>
              %get3A_472 = arith.index_cast %add3A_470 : i32 to index
              %get3A_473 = tpu.vector_load %get3A_471[%get3A_472] {strides = array<i32>} : memref<25600xf32, #tpu.memory_space<vmem>>, vector<16xf32>,
              %swap3A_474 = arith.index_cast %add3A_468 : i32 to index
              %swap3A_475 = tpu.vector_load %arg6[%swap3A_474] {strides = array<i32>} : memref<32768xf32, #tpu.memory_space<vmem>>, vector<16xf32>,
              tpu.vector_store %arg6[%swap3A_474], %get3A_473 {add = true, strides = array<i32>} : memref<32768xf32, #tpu.memory_space<vmem>>, vector<16xf32>,
              %add3A_476 = arith.constant 32 : i32
              %add3A_477 = arith.addi %squeeze3A_455, %add3A_476 : i32
              %add3A_478 = arith.constant 32 : i32
              %add3A_479 = arith.addi %add3A_457, %add3A_478 : i32
              %get3A_480 = tpu.memref_slice %run_scoped3A[%mul3A_275] : memref<51200xf32, #tpu.memory_space<vmem>> -> memref<25600xf32, #tpu.memory_space<vmem>>
              %get3A_481 = arith.index_cast %add3A_479 : i32 to index
              %get3A_482 = tpu.vector_load %get3A_480[%get3A_481] {strides = array<i32>} : memref<25600xf32, #tpu.memory_space<vmem>>, vector<16xf32>,
              %swap3A_483 = arith.index_cast %add3A_477 : i32 to index
              %swap3A_484 = tpu.vector_load %arg6[%swap3A_483] {strides = array<i32>} : memref<32768xf32, #tpu.memory_space<vmem>>, vector<16xf32>,
              tpu.vector_store %arg6[%swap3A_483], %get3A_482 {add = true, strides = array<i32>} : memref<32768xf32, #tpu.memory_space<vmem>>, vector<16xf32>,
              %add3A_485 = arith.constant 48 : i32
              %add3A_486 = arith.addi %squeeze3A_455, %add3A_485 : i32
              %add3A_487 = arith.constant 48 : i32
              %add3A_488 = arith.addi %add3A_457, %add3A_487 : i32
              %get3A_489 = tpu.memref_slice %run_scoped3A[%mul3A_275] : memref<51200xf32, #tpu.memory_space<vmem>> -> memref<25600xf32, #tpu.memory_space<vmem>>
              %get3A_490 = arith.index_cast %add3A_488 : i32 to index
              %get3A_491 = tpu.vector_load %get3A_489[%get3A_490] {strides = array<i32>} : memref<25600xf32, #tpu.memory_space<vmem>>, vector<16xf32>,
              %swap3A_492 = arith.index_cast %add3A_486 : i32 to index
              %swap3A_493 = tpu.vector_load %arg6[%swap3A_492] {strides = array<i32>} : memref<32768xf32, #tpu.memory_space<vmem>>, vector<16xf32>,
              tpu.vector_store %arg6[%swap3A_492], %get3A_491 {add = true, strides = array<i32>} : memref<32768xf32, #tpu.memory_space<vmem>>, vector<16xf32>,
              %add3A_494 = arith.constant 64 : i32
              %add3A_495 = arith.addi %squeeze3A_455, %add3A_494 : i32
              %add3A_496 = arith.constant 64 : i32
              %add3A_497 = arith.addi %add3A_457, %add3A_496 : i32
              %get3A_498 = tpu.memref_slice %run_scoped3A[%mul3A_275] : memref<51200xf32, #tpu.memory_space<vmem>> -> memref<25600xf32, #tpu.memory_space<vmem>>
              %get3A_499 = arith.index_cast %add3A_497 : i32 to index
              %get3A_500 = tpu.vector_load %get3A_498[%get3A_499] {strides = array<i32>} : memref<25600xf32, #tpu.memory_space<vmem>>, vector<16xf32>,
              %swap3A_501 = arith.index_cast %add3A_495 : i32 to index
              %swap3A_502 = tpu.vector_load %arg6[%swap3A_501] {strides = array<i32>} : memref<32768xf32, #tpu.memory_space<vmem>>, vector<16xf32>,
              tpu.vector_store %arg6[%swap3A_501], %get3A_500 {add = true, strides = array<i32>} : memref<32768xf32, #tpu.memory_space<vmem>>, vector<16xf32>,
              %add3A_503 = arith.constant 80 : i32
              %add3A_504 = arith.addi %squeeze3A_455, %add3A_503 : i32
              %add3A_505 = arith.constant 80 : i32
              %add3A_506 = arith.addi %add3A_457, %add3A_505 : i32
              %get3A_507 = tpu.memref_slice %run_scoped3A[%mul3A_275] : memref<51200xf32, #tpu.memory_space<vmem>> -> memref<25600xf32, #tpu.memory_space<vmem>>
              %get3A_508 = arith.index_cast %add3A_506 : i32 to index
              %get3A_509 = tpu.vector_load %get3A_507[%get3A_508] {strides = array<i32>} : memref<25600xf32, #tpu.memory_space<vmem>>, vector<16xf32>,
              %swap3A_510 = arith.index_cast %add3A_504 : i32 to index
              %swap3A_511 = tpu.vector_load %arg6[%swap3A_510] {strides = array<i32>} : memref<32768xf32, #tpu.memory_space<vmem>>, vector<16xf32>,
              tpu.vector_store %arg6[%swap3A_510], %get3A_509 {add = true, strides = array<i32>} : memref<32768xf32, #tpu.memory_space<vmem>>, vector<16xf32>,
              %add3A_512 = arith.constant 96 : i32
              %add3A_513 = arith.addi %squeeze3A_455, %add3A_512 : i32
              %add3A_514 = arith.constant 96 : i32
              %add3A_515 = arith.addi %add3A_457, %add3A_514 : i32
              %get3A_516 = tpu.memref_slice %run_scoped3A[%mul3A_275] : memref<51200xf32, #tpu.memory_space<vmem>> -> memref<25600xf32, #tpu.memory_space<vmem>>
              %get3A_517 = arith.index_cast %add3A_515 : i32 to index
              %get3A_518 = tpu.vector_load %get3A_516[%get3A_517] {strides = array<i32>} : memref<25600xf32, #tpu.memory_space<vmem>>, vector<16xf32>,
              %swap3A_519 = arith.index_cast %add3A_513 : i32 to index
              %swap3A_520 = tpu.vector_load %arg6[%swap3A_519] {strides = array<i32>} : memref<32768xf32, #tpu.memory_space<vmem>>, vector<16xf32>,
              tpu.vector_store %arg6[%swap3A_519], %get3A_518 {add = true, strides = array<i32>} : memref<32768xf32, #tpu.memory_space<vmem>>, vector<16xf32>,
              %add3A_521 = arith.constant 112 : i32
              %add3A_522 = arith.addi %squeeze3A_455, %add3A_521 : i32
              %add3A_523 = arith.constant 112 : i32
              %add3A_524 = arith.addi %add3A_457, %add3A_523 : i32
              %get3A_525 = tpu.memref_slice %run_scoped3A[%mul3A_275] : memref<51200xf32, #tpu.memory_space<vmem>> -> memref<25600xf32, #tpu.memory_space<vmem>>
              %get3A_526 = arith.index_cast %add3A_524 : i32 to index
              %get3A_527 = tpu.vector_load %get3A_525[%get3A_526] {strides = array<i32>} : memref<25600xf32, #tpu.memory_space<vmem>>, vector<16xf32>,
              %swap3A_528 = arith.index_cast %add3A_522 : i32 to index
              %swap3A_529 = tpu.vector_load %arg6[%swap3A_528] {strides = array<i32>} : memref<32768xf32, #tpu.memory_space<vmem>>, vector<16xf32>,
              tpu.vector_store %arg6[%swap3A_528], %get3A_527 {add = true, strides = array<i32>} : memref<32768xf32, #tpu.memory_space<vmem>>, vector<16xf32>,
              %slice3A_530 = vector.extract_strided_slice %mul3A_378 {offsets = [2], sizes = [1], strides = [1]} : vector<16xi32> to vector<1xi32>
              %squeeze3A_531 = vector.extract %slice3A_530[0] : i32 from vector<1xi32>
              %add3A_532 = arith.constant 256 : i32
              %add3A_533 = arith.addi %mul3A_365, %add3A_532 : i32
              %add3A_534 = arith.constant 0 : i32
              %add3A_535 = arith.addi %squeeze3A_531, %add3A_534 : i32
              %add3A_536 = arith.constant 0 : i32
              %add3A_537 = arith.addi %add3A_533, %add3A_536 : i32
              %get3A_538 = tpu.memref_slice %run_scoped3A[%mul3A_275] : memref<51200xf32, #tpu.memory_space<vmem>> -> memref<25600xf32, #tpu.memory_space<vmem>>
              %get3A_539 = arith.index_cast %add3A_537 : i32 to index
              %get3A_540 = tpu.vector_load %get3A_538[%get3A_539] {strides = array<i32>} : memref<25600xf32, #tpu.memory_space<vmem>>, vector<16xf32>,
              %swap3A_541 = arith.index_cast %add3A_535 : i32 to index
              %swap3A_542 = tpu.vector_load %arg6[%swap3A_541] {strides = array<i32>} : memref<32768xf32, #tpu.memory_space<vmem>>, vector<16xf32>,
              tpu.vector_store %arg6[%swap3A_541], %get3A_540 {add = true, strides = array<i32>} : memref<32768xf32, #tpu.memory_space<vmem>>, vector<16xf32>,
              %add3A_543 = arith.constant 16 : i32
              %add3A_544 = arith.addi %squeeze3A_531, %add3A_543 : i32
              %add3A_545 = arith.constant 16 : i32
              %add3A_546 = arith.addi %add3A_533, %add3A_545 : i32
              %get3A_547 = tpu.memref_slice %run_scoped3A[%mul3A_275] : memref<51200xf32, #tpu.memory_space<vmem>> -> memref<25600xf32, #tpu.memory_space<vmem>>
              %get3A_548 = arith.index_cast %add3A_546 : i32 to index
              %get3A_549 = tpu.vector_load %get3A_547[%get3A_548] {strides = array<i32>} : memref<25600xf32, #tpu.memory_space<vmem>>, vector<16xf32>,
              %swap3A_550 = arith.index_cast %add3A_544 : i32 to index
              %swap3A_551 = tpu.vector_load %arg6[%swap3A_550] {strides = array<i32>} : memref<32768xf32, #tpu.memory_space<vmem>>, vector<16xf32>,
              tpu.vector_store %arg6[%swap3A_550], %get3A_549 {add = true, strides = array<i32>} : memref<32768xf32, #tpu.memory_space<vmem>>, vector<16xf32>,
              %add3A_552 = arith.constant 32 : i32
              %add3A_553 = arith.addi %squeeze3A_531, %add3A_552 : i32
              %add3A_554 = arith.constant 32 : i32
              %add3A_555 = arith.addi %add3A_533, %add3A_554 : i32
              %get3A_556 = tpu.memref_slice %run_scoped3A[%mul3A_275] : memref<51200xf32, #tpu.memory_space<vmem>> -> memref<25600xf32, #tpu.memory_space<vmem>>
              %get3A_557 = arith.index_cast %add3A_555 : i32 to index
              %get3A_558 = tpu.vector_load %get3A_556[%get3A_557] {strides = array<i32>} : memref<25600xf32, #tpu.memory_space<vmem>>, vector<16xf32>,
              %swap3A_559 = arith.index_cast %add3A_553 : i32 to index
              %swap3A_560 = tpu.vector_load %arg6[%swap3A_559] {strides = array<i32>} : memref<32768xf32, #tpu.memory_space<vmem>>, vector<16xf32>,
              tpu.vector_store %arg6[%swap3A_559], %get3A_558 {add = true, strides = array<i32>} : memref<32768xf32, #tpu.memory_space<vmem>>, vector<16xf32>,
              %add3A_561 = arith.constant 48 : i32
              %add3A_562 = arith.addi %squeeze3A_531, %add3A_561 : i32
              %add3A_563 = arith.constant 48 : i32
              %add3A_564 = arith.addi %add3A_533, %add3A_563 : i32
              %get3A_565 = tpu.memref_slice %run_scoped3A[%mul3A_275] : memref<51200xf32, #tpu.memory_space<vmem>> -> memref<25600xf32, #tpu.memory_space<vmem>>
              %get3A_566 = arith.index_cast %add3A_564 : i32 to index
              %get3A_567 = tpu.vector_load %get3A_565[%get3A_566] {strides = array<i32>} : memref<25600xf32, #tpu.memory_space<vmem>>, vector<16xf32>,
              %swap3A_568 = arith.index_cast %add3A_562 : i32 to index
              %swap3A_569 = tpu.vector_load %arg6[%swap3A_568] {strides = array<i32>} : memref<32768xf32, #tpu.memory_space<vmem>>, vector<16xf32>,
              tpu.vector_store %arg6[%swap3A_568], %get3A_567 {add = true, strides = array<i32>} : memref<32768xf32, #tpu.memory_space<vmem>>, vector<16xf32>,
              %add3A_570 = arith.constant 64 : i32
              %add3A_571 = arith.addi %squeeze3A_531, %add3A_570 : i32
              %add3A_572 = arith.constant 64 : i32
              %add3A_573 = arith.addi %add3A_533, %add3A_572 : i32
              %get3A_574 = tpu.memref_slice %run_scoped3A[%mul3A_275] : memref<51200xf32, #tpu.memory_space<vmem>> -> memref<25600xf32, #tpu.memory_space<vmem>>
              %get3A_575 = arith.index_cast %add3A_573 : i32 to index
              %get3A_576 = tpu.vector_load %get3A_574[%get3A_575] {strides = array<i32>} : memref<25600xf32, #tpu.memory_space<vmem>>, vector<16xf32>,
              %swap3A_577 = arith.index_cast %add3A_571 : i32 to index
              %swap3A_578 = tpu.vector_load %arg6[%swap3A_577] {strides = array<i32>} : memref<32768xf32, #tpu.memory_space<vmem>>, vector<16xf32>,
              tpu.vector_store %arg6[%swap3A_577], %get3A_576 {add = true, strides = array<i32>} : memref<32768xf32, #tpu.memory_space<vmem>>, vector<16xf32>,
              %add3A_579 = arith.constant 80 : i32
              %add3A_580 = arith.addi %squeeze3A_531, %add3A_579 : i32
              %add3A_581 = arith.constant 80 : i32
              %add3A_582 = arith.addi %add3A_533, %add3A_581 : i32
              %get3A_583 = tpu.memref_slice %run_scoped3A[%mul3A_275] : memref<51200xf32, #tpu.memory_space<vmem>> -> memref<25600xf32, #tpu.memory_space<vmem>>
              %get3A_584 = arith.index_cast %add3A_582 : i32 to index
              %get3A_585 = tpu.vector_load %get3A_583[%get3A_584] {strides = array<i32>} : memref<25600xf32, #tpu.memory_space<vmem>>, vector<16xf32>,
              %swap3A_586 = arith.index_cast %add3A_580 : i32 to index
              %swap3A_587 = tpu.vector_load %arg6[%swap3A_586] {strides = array<i32>} : memref<32768xf32, #tpu.memory_space<vmem>>, vector<16xf32>,
              tpu.vector_store %arg6[%swap3A_586], %get3A_585 {add = true, strides = array<i32>} : memref<32768xf32, #tpu.memory_space<vmem>>, vector<16xf32>,
              %add3A_588 = arith.constant 96 : i32
              %add3A_589 = arith.addi %squeeze3A_531, %add3A_588 : i32
              %add3A_590 = arith.constant 96 : i32
              %add3A_591 = arith.addi %add3A_533, %add3A_590 : i32
              %get3A_592 = tpu.memref_slice %run_scoped3A[%mul3A_275] : memref<51200xf32, #tpu.memory_space<vmem>> -> memref<25600xf32, #tpu.memory_space<vmem>>
              %get3A_593 = arith.index_cast %add3A_591 : i32 to index
              %get3A_594 = tpu.vector_load %get3A_592[%get3A_593] {strides = array<i32>} : memref<25600xf32, #tpu.memory_space<vmem>>, vector<16xf32>,
              %swap3A_595 = arith.index_cast %add3A_589 : i32 to index
              %swap3A_596 = tpu.vector_load %arg6[%swap3A_595] {strides = array<i32>} : memref<32768xf32, #tpu.memory_space<vmem>>, vector<16xf32>,
              tpu.vector_store %arg6[%swap3A_595], %get3A_594 {add = true, strides = array<i32>} : memref<32768xf32, #tpu.memory_space<vmem>>, vector<16xf32>,
              %add3A_597 = arith.constant 112 : i32
              %add3A_598 = arith.addi %squeeze3A_531, %add3A_597 : i32
              %add3A_599 = arith.constant 112 : i32
              %add3A_600 = arith.addi %add3A_533, %add3A_599 : i32
              %get3A_601 = tpu.memref_slice %run_scoped3A[%mul3A_275] : memref<51200xf32, #tpu.memory_space<vmem>> -> memref<25600xf32, #tpu.memory_space<vmem>>
              %get3A_602 = arith.index_cast %add3A_600 : i32 to index
              %get3A_603 = tpu.vector_load %get3A_601[%get3A_602] {strides = array<i32>} : memref<25600xf32, #tpu.memory_space<vmem>>, vector<16xf32>,
              %swap3A_604 = arith.index_cast %add3A_598 : i32 to index
              %swap3A_605 = tpu.vector_load %arg6[%swap3A_604] {strides = array<i32>} : memref<32768xf32, #tpu.memory_space<vmem>>, vector<16xf32>,
              tpu.vector_store %arg6[%swap3A_604], %get3A_603 {add = true, strides = array<i32>} : memref<32768xf32, #tpu.memory_space<vmem>>, vector<16xf32>,
              %slice3A_606 = vector.extract_strided_slice %mul3A_378 {offsets = [3], sizes = [1], strides = [1]} : vector<16xi32> to vector<1xi32>
              %squeeze3A_607 = vector.extract %slice3A_606[0] : i32 from vector<1xi32>
              %add3A_608 = arith.constant 384 : i32
              %add3A_609 = arith.addi %mul3A_365, %add3A_608 : i32
              %add3A_610 = arith.constant 0 : i32
              %add3A_611 = arith.addi %squeeze3A_607, %add3A_610 : i32
              %add3A_612 = arith.constant 0 : i32
              %add3A_613 = arith.addi %add3A_609, %add3A_612 : i32
              %get3A_614 = tpu.memref_slice %run_scoped3A[%mul3A_275] : memref<51200xf32, #tpu.memory_space<vmem>> -> memref<25600xf32, #tpu.memory_space<vmem>>
              %get3A_615 = arith.index_cast %add3A_613 : i32 to index
              %get3A_616 = tpu.vector_load %get3A_614[%get3A_615] {strides = array<i32>} : memref<25600xf32, #tpu.memory_space<vmem>>, vector<16xf32>,
              %swap3A_617 = arith.index_cast %add3A_611 : i32 to index
              %swap3A_618 = tpu.vector_load %arg6[%swap3A_617] {strides = array<i32>} : memref<32768xf32, #tpu.memory_space<vmem>>, vector<16xf32>,
              tpu.vector_store %arg6[%swap3A_617], %get3A_616 {add = true, strides = array<i32>} : memref<32768xf32, #tpu.memory_space<vmem>>, vector<16xf32>,
              %add3A_619 = arith.constant 16 : i32
              %add3A_620 = arith.addi %squeeze3A_607, %add3A_619 : i32
              %add3A_621 = arith.constant 16 : i32
              %add3A_622 = arith.addi %add3A_609, %add3A_621 : i32
              %get3A_623 = tpu.memref_slice %run_scoped3A[%mul3A_275] : memref<51200xf32, #tpu.memory_space<vmem>> -> memref<25600xf32, #tpu.memory_space<vmem>>
              %get3A_624 = arith.index_cast %add3A_622 : i32 to index
              %get3A_625 = tpu.vector_load %get3A_623[%get3A_624] {strides = array<i32>} : memref<25600xf32, #tpu.memory_space<vmem>>, vector<16xf32>,
              %swap3A_626 = arith.index_cast %add3A_620 : i32 to index
              %swap3A_627 = tpu.vector_load %arg6[%swap3A_626] {strides = array<i32>} : memref<32768xf32, #tpu.memory_space<vmem>>, vector<16xf32>,
              tpu.vector_store %arg6[%swap3A_626], %get3A_625 {add = true, strides = array<i32>} : memref<32768xf32, #tpu.memory_space<vmem>>, vector<16xf32>,
              %add3A_628 = arith.constant 32 : i32
              %add3A_629 = arith.addi %squeeze3A_607, %add3A_628 : i32
              %add3A_630 = arith.constant 32 : i32
              %add3A_631 = arith.addi %add3A_609, %add3A_630 : i32
              %get3A_632 = tpu.memref_slice %run_scoped3A[%mul3A_275] : memref<51200xf32, #tpu.memory_space<vmem>> -> memref<25600xf32, #tpu.memory_space<vmem>>
              %get3A_633 = arith.index_cast %add3A_631 : i32 to index
              %get3A_634 = tpu.vector_load %get3A_632[%get3A_633] {strides = array<i32>} : memref<25600xf32, #tpu.memory_space<vmem>>, vector<16xf32>,
              %swap3A_635 = arith.index_cast %add3A_629 : i32 to index
              %swap3A_636 = tpu.vector_load %arg6[%swap3A_635] {strides = array<i32>} : memref<32768xf32, #tpu.memory_space<vmem>>, vector<16xf32>,
              tpu.vector_store %arg6[%swap3A_635], %get3A_634 {add = true, strides = array<i32>} : memref<32768xf32, #tpu.memory_space<vmem>>, vector<16xf32>,
              %add3A_637 = arith.constant 48 : i32
              %add3A_638 = arith.addi %squeeze3A_607, %add3A_637 : i32
              %add3A_639 = arith.constant 48 : i32
              %add3A_640 = arith.addi %add3A_609, %add3A_639 : i32
              %get3A_641 = tpu.memref_slice %run_scoped3A[%mul3A_275] : memref<51200xf32, #tpu.memory_space<vmem>> -> memref<25600xf32, #tpu.memory_space<vmem>>
              %get3A_642 = arith.index_cast %add3A_640 : i32 to index
              %get3A_643 = tpu.vector_load %get3A_641[%get3A_642] {strides = array<i32>} : memref<25600xf32, #tpu.memory_space<vmem>>, vector<16xf32>,
              %swap3A_644 = arith.index_cast %add3A_638 : i32 to index
              %swap3A_645 = tpu.vector_load %arg6[%swap3A_644] {strides = array<i32>} : memref<32768xf32, #tpu.memory_space<vmem>>, vector<16xf32>,
              tpu.vector_store %arg6[%swap3A_644], %get3A_643 {add = true, strides = array<i32>} : memref<32768xf32, #tpu.memory_space<vmem>>, vector<16xf32>,
              %add3A_646 = arith.constant 64 : i32
              %add3A_647 = arith.addi %squeeze3A_607, %add3A_646 : i32
              %add3A_648 = arith.constant 64 : i32
              %add3A_649 = arith.addi %add3A_609, %add3A_648 : i32
              %get3A_650 = tpu.memref_slice %run_scoped3A[%mul3A_275] : memref<51200xf32, #tpu.memory_space<vmem>> -> memref<25600xf32, #tpu.memory_space<vmem>>
              %get3A_651 = arith.index_cast %add3A_649 : i32 to index
              %get3A_652 = tpu.vector_load %get3A_650[%get3A_651] {strides = array<i32>} : memref<25600xf32, #tpu.memory_space<vmem>>, vector<16xf32>,
              %swap3A_653 = arith.index_cast %add3A_647 : i32 to index
              %swap3A_654 = tpu.vector_load %arg6[%swap3A_653] {strides = array<i32>} : memref<32768xf32, #tpu.memory_space<vmem>>, vector<16xf32>,
              tpu.vector_store %arg6[%swap3A_653], %get3A_652 {add = true, strides = array<i32>} : memref<32768xf32, #tpu.memory_space<vmem>>, vector<16xf32>,
              %add3A_655 = arith.constant 80 : i32
              %add3A_656 = arith.addi %squeeze3A_607, %add3A_655 : i32
              %add3A_657 = arith.constant 80 : i32
              %add3A_658 = arith.addi %add3A_609, %add3A_657 : i32
              %get3A_659 = tpu.memref_slice %run_scoped3A[%mul3A_275] : memref<51200xf32, #tpu.memory_space<vmem>> -> memref<25600xf32, #tpu.memory_space<vmem>>
              %get3A_660 = arith.index_cast %add3A_658 : i32 to index
              %get3A_661 = tpu.vector_load %get3A_659[%get3A_660] {strides = array<i32>} : memref<25600xf32, #tpu.memory_space<vmem>>, vector<16xf32>,
              %swap3A_662 = arith.index_cast %add3A_656 : i32 to index
              %swap3A_663 = tpu.vector_load %arg6[%swap3A_662] {strides = array<i32>} : memref<32768xf32, #tpu.memory_space<vmem>>, vector<16xf32>,
              tpu.vector_store %arg6[%swap3A_662], %get3A_661 {add = true, strides = array<i32>} : memref<32768xf32, #tpu.memory_space<vmem>>, vector<16xf32>,
              %add3A_664 = arith.constant 96 : i32
              %add3A_665 = arith.addi %squeeze3A_607, %add3A_664 : i32
              %add3A_666 = arith.constant 96 : i32
              %add3A_667 = arith.addi %add3A_609, %add3A_666 : i32
              %get3A_668 = tpu.memref_slice %run_scoped3A[%mul3A_275] : memref<51200xf32, #tpu.memory_space<vmem>> -> memref<25600xf32, #tpu.memory_space<vmem>>
              %get3A_669 = arith.index_cast %add3A_667 : i32 to index
              %get3A_670 = tpu.vector_load %get3A_668[%get3A_669] {strides = array<i32>} : memref<25600xf32, #tpu.memory_space<vmem>>, vector<16xf32>,
              %swap3A_671 = arith.index_cast %add3A_665 : i32 to index
              %swap3A_672 = tpu.vector_load %arg6[%swap3A_671] {strides = array<i32>} : memref<32768xf32, #tpu.memory_space<vmem>>, vector<16xf32>,
              tpu.vector_store %arg6[%swap3A_671], %get3A_670 {add = true, strides = array<i32>} : memref<32768xf32, #tpu.memory_space<vmem>>, vector<16xf32>,
              %add3A_673 = arith.constant 112 : i32
              %add3A_674 = arith.addi %squeeze3A_607, %add3A_673 : i32
              %add3A_675 = arith.constant 112 : i32
              %add3A_676 = arith.addi %add3A_609, %add3A_675 : i32
              %get3A_677 = tpu.memref_slice %run_scoped3A[%mul3A_275] : memref<51200xf32, #tpu.memory_space<vmem>> -> memref<25600xf32, #tpu.memory_space<vmem>>
              %get3A_678 = arith.index_cast %add3A_676 : i32 to index
              %get3A_679 = tpu.vector_load %get3A_677[%get3A_678] {strides = array<i32>} : memref<25600xf32, #tpu.memory_space<vmem>>, vector<16xf32>,
              %swap3A_680 = arith.index_cast %add3A_674 : i32 to index
              %swap3A_681 = tpu.vector_load %arg6[%swap3A_680] {strides = array<i32>} : memref<32768xf32, #tpu.memory_space<vmem>>, vector<16xf32>,
              tpu.vector_store %arg6[%swap3A_680], %get3A_679 {add = true, strides = array<i32>} : memref<32768xf32, #tpu.memory_space<vmem>>, vector<16xf32>,
              %slice3A_682 = vector.extract_strided_slice %mul3A_378 {offsets = [4], sizes = [1], strides = [1]} : vector<16xi32> to vector<1xi32>
              %squeeze3A_683 = vector.extract %slice3A_682[0] : i32 from vector<1xi32>
              %add3A_684 = arith.constant 512 : i32
              %add3A_685 = arith.addi %mul3A_365, %add3A_684 : i32
              %add3A_686 = arith.constant 0 : i32
              %add3A_687 = arith.addi %squeeze3A_683, %add3A_686 : i32
              %add3A_688 = arith.constant 0 : i32
              %add3A_689 = arith.addi %add3A_685, %add3A_688 : i32
              %get3A_690 = tpu.memref_slice %run_scoped3A[%mul3A_275] : memref<51200xf32, #tpu.memory_space<vmem>> -> memref<25600xf32, #tpu.memory_space<vmem>>
              %get3A_691 = arith.index_cast %add3A_689 : i32 to index
              %get3A_692 = tpu.vector_load %get3A_690[%get3A_691] {strides = array<i32>} : memref<25600xf32, #tpu.memory_space<vmem>>, vector<16xf32>,
              %swap3A_693 = arith.index_cast %add3A_687 : i32 to index
              %swap3A_694 = tpu.vector_load %arg6[%swap3A_693] {strides = array<i32>} : memref<32768xf32, #tpu.memory_space<vmem>>, vector<16xf32>,
              tpu.vector_store %arg6[%swap3A_693], %get3A_692 {add = true, strides = array<i32>} : memref<32768xf32, #tpu.memory_space<vmem>>, vector<16xf32>,
              %add3A_695 = arith.constant 16 : i32
              %add3A_696 = arith.addi %squeeze3A_683, %add3A_695 : i32
              %add3A_697 = arith.constant 16 : i32
              %add3A_698 = arith.addi %add3A_685, %add3A_697 : i32
              %get3A_699 = tpu.memref_slice %run_scoped3A[%mul3A_275] : memref<51200xf32, #tpu.memory_space<vmem>> -> memref<25600xf32, #tpu.memory_space<vmem>>
              %get3A_700 = arith.index_cast %add3A_698 : i32 to index
              %get3A_701 = tpu.vector_load %get3A_699[%get3A_700] {strides = array<i32>} : memref<25600xf32, #tpu.memory_space<vmem>>, vector<16xf32>,
              %swap3A_702 = arith.index_cast %add3A_696 : i32 to index
              %swap3A_703 = tpu.vector_load %arg6[%swap3A_702] {strides = array<i32>} : memref<32768xf32, #tpu.memory_space<vmem>>, vector<16xf32>,
              tpu.vector_store %arg6[%swap3A_702], %get3A_701 {add = true, strides = array<i32>} : memref<32768xf32, #tpu.memory_space<vmem>>, vector<16xf32>,
              %add3A_704 = arith.constant 32 : i32
              %add3A_705 = arith.addi %squeeze3A_683, %add3A_704 : i32
              %add3A_706 = arith.constant 32 : i32
              %add3A_707 = arith.addi %add3A_685, %add3A_706 : i32
              %get3A_708 = tpu.memref_slice %run_scoped3A[%mul3A_275] : memref<51200xf32, #tpu.memory_space<vmem>> -> memref<25600xf32, #tpu.memory_space<vmem>>
              %get3A_709 = arith.index_cast %add3A_707 : i32 to index
              %get3A_710 = tpu.vector_load %get3A_708[%get3A_709] {strides = array<i32>} : memref<25600xf32, #tpu.memory_space<vmem>>, vector<16xf32>,
              %swap3A_711 = arith.index_cast %add3A_705 : i32 to index
              %swap3A_712 = tpu.vector_load %arg6[%swap3A_711] {strides = array<i32>} : memref<32768xf32, #tpu.memory_space<vmem>>, vector<16xf32>,
              tpu.vector_store %arg6[%swap3A_711], %get3A_710 {add = true, strides = array<i32>} : memref<32768xf32, #tpu.memory_space<vmem>>, vector<16xf32>,
              %add3A_713 = arith.constant 48 : i32
              %add3A_714 = arith.addi %squeeze3A_683, %add3A_713 : i32
              %add3A_715 = arith.constant 48 : i32
              %add3A_716 = arith.addi %add3A_685, %add3A_715 : i32
              %get3A_717 = tpu.memref_slice %run_scoped3A[%mul3A_275] : memref<51200xf32, #tpu.memory_space<vmem>> -> memref<25600xf32, #tpu.memory_space<vmem>>
              %get3A_718 = arith.index_cast %add3A_716 : i32 to index
              %get3A_719 = tpu.vector_load %get3A_717[%get3A_718] {strides = array<i32>} : memref<25600xf32, #tpu.memory_space<vmem>>, vector<16xf32>,
              %swap3A_720 = arith.index_cast %add3A_714 : i32 to index
              %swap3A_721 = tpu.vector_load %arg6[%swap3A_720] {strides = array<i32>} : memref<32768xf32, #tpu.memory_space<vmem>>, vector<16xf32>,
              tpu.vector_store %arg6[%swap3A_720], %get3A_719 {add = true, strides = array<i32>} : memref<32768xf32, #tpu.memory_space<vmem>>, vector<16xf32>,
              %add3A_722 = arith.constant 64 : i32
              %add3A_723 = arith.addi %squeeze3A_683, %add3A_722 : i32
              %add3A_724 = arith.constant 64 : i32
              %add3A_725 = arith.addi %add3A_685, %add3A_724 : i32
              %get3A_726 = tpu.memref_slice %run_scoped3A[%mul3A_275] : memref<51200xf32, #tpu.memory_space<vmem>> -> memref<25600xf32, #tpu.memory_space<vmem>>
              %get3A_727 = arith.index_cast %add3A_725 : i32 to index
              %get3A_728 = tpu.vector_load %get3A_726[%get3A_727] {strides = array<i32>} : memref<25600xf32, #tpu.memory_space<vmem>>, vector<16xf32>,
              %swap3A_729 = arith.index_cast %add3A_723 : i32 to index
              %swap3A_730 = tpu.vector_load %arg6[%swap3A_729] {strides = array<i32>} : memref<32768xf32, #tpu.memory_space<vmem>>, vector<16xf32>,
              tpu.vector_store %arg6[%swap3A_729], %get3A_728 {add = true, strides = array<i32>} : memref<32768xf32, #tpu.memory_space<vmem>>, vector<16xf32>,
              %add3A_731 = arith.constant 80 : i32
              %add3A_732 = arith.addi %squeeze3A_683, %add3A_731 : i32
              %add3A_733 = arith.constant 80 : i32
              %add3A_734 = arith.addi %add3A_685, %add3A_733 : i32
              %get3A_735 = tpu.memref_slice %run_scoped3A[%mul3A_275] : memref<51200xf32, #tpu.memory_space<vmem>> -> memref<25600xf32, #tpu.memory_space<vmem>>
              %get3A_736 = arith.index_cast %add3A_734 : i32 to index
              %get3A_737 = tpu.vector_load %get3A_735[%get3A_736] {strides = array<i32>} : memref<25600xf32, #tpu.memory_space<vmem>>, vector<16xf32>,
              %swap3A_738 = arith.index_cast %add3A_732 : i32 to index
              %swap3A_739 = tpu.vector_load %arg6[%swap3A_738] {strides = array<i32>} : memref<32768xf32, #tpu.memory_space<vmem>>, vector<16xf32>,
              tpu.vector_store %arg6[%swap3A_738], %get3A_737 {add = true, strides = array<i32>} : memref<32768xf32, #tpu.memory_space<vmem>>, vector<16xf32>,
              %add3A_740 = arith.constant 96 : i32
              %add3A_741 = arith.addi %squeeze3A_683, %add3A_740 : i32
              %add3A_742 = arith.constant 96 : i32
              %add3A_743 = arith.addi %add3A_685, %add3A_742 : i32
              %get3A_744 = tpu.memref_slice %run_scoped3A[%mul3A_275] : memref<51200xf32, #tpu.memory_space<vmem>> -> memref<25600xf32, #tpu.memory_space<vmem>>
              %get3A_745 = arith.index_cast %add3A_743 : i32 to index
              %get3A_746 = tpu.vector_load %get3A_744[%get3A_745] {strides = array<i32>} : memref<25600xf32, #tpu.memory_space<vmem>>, vector<16xf32>,
              %swap3A_747 = arith.index_cast %add3A_741 : i32 to index
              %swap3A_748 = tpu.vector_load %arg6[%swap3A_747] {strides = array<i32>} : memref<32768xf32, #tpu.memory_space<vmem>>, vector<16xf32>,
              tpu.vector_store %arg6[%swap3A_747], %get3A_746 {add = true, strides = array<i32>} : memref<32768xf32, #tpu.memory_space<vmem>>, vector<16xf32>,
              %add3A_749 = arith.constant 112 : i32
              %add3A_750 = arith.addi %squeeze3A_683, %add3A_749 : i32
              %add3A_751 = arith.constant 112 : i32
              %add3A_752 = arith.addi %add3A_685, %add3A_751 : i32
              %get3A_753 = tpu.memref_slice %run_scoped3A[%mul3A_275] : memref<51200xf32, #tpu.memory_space<vmem>> -> memref<25600xf32, #tpu.memory_space<vmem>>
              %get3A_754 = arith.index_cast %add3A_752 : i32 to index
              %get3A_755 = tpu.vector_load %get3A_753[%get3A_754] {strides = array<i32>} : memref<25600xf32, #tpu.memory_space<vmem>>, vector<16xf32>,
              %swap3A_756 = arith.index_cast %add3A_750 : i32 to index
              %swap3A_757 = tpu.vector_load %arg6[%swap3A_756] {strides = array<i32>} : memref<32768xf32, #tpu.memory_space<vmem>>, vector<16xf32>,
              tpu.vector_store %arg6[%swap3A_756], %get3A_755 {add = true, strides = array<i32>} : memref<32768xf32, #tpu.memory_space<vmem>>, vector<16xf32>,
              %slice3A_758 = vector.extract_strided_slice %mul3A_378 {offsets = [5], sizes = [1], strides = [1]} : vector<16xi32> to vector<1xi32>
              %squeeze3A_759 = vector.extract %slice3A_758[0] : i32 from vector<1xi32>
              %add3A_760 = arith.constant 640 : i32
              %add3A_761 = arith.addi %mul3A_365, %add3A_760 : i32
              %add3A_762 = arith.constant 0 : i32
              %add3A_763 = arith.addi %squeeze3A_759, %add3A_762 : i32
              %add3A_764 = arith.constant 0 : i32
              %add3A_765 = arith.addi %add3A_761, %add3A_764 : i32
              %get3A_766 = tpu.memref_slice %run_scoped3A[%mul3A_275] : memref<51200xf32, #tpu.memory_space<vmem>> -> memref<25600xf32, #tpu.memory_space<vmem>>
              %get3A_767 = arith.index_cast %add3A_765 : i32 to index
              %get3A_768 = tpu.vector_load %get3A_766[%get3A_767] {strides = array<i32>} : memref<25600xf32, #tpu.memory_space<vmem>>, vector<16xf32>,
              %swap3A_769 = arith.index_cast %add3A_763 : i32 to index
              %swap3A_770 = tpu.vector_load %arg6[%swap3A_769] {strides = array<i32>} : memref<32768xf32, #tpu.memory_space<vmem>>, vector<16xf32>,
              tpu.vector_store %arg6[%swap3A_769], %get3A_768 {add = true, strides = array<i32>} : memref<32768xf32, #tpu.memory_space<vmem>>, vector<16xf32>,
              %add3A_771 = arith.constant 16 : i32
              %add3A_772 = arith.addi %squeeze3A_759, %add3A_771 : i32
              %add3A_773 = arith.constant 16 : i32
              %add3A_774 = arith.addi %add3A_761, %add3A_773 : i32
              %get3A_775 = tpu.memref_slice %run_scoped3A[%mul3A_275] : memref<51200xf32, #tpu.memory_space<vmem>> -> memref<25600xf32, #tpu.memory_space<vmem>>
              %get3A_776 = arith.index_cast %add3A_774 : i32 to index
              %get3A_777 = tpu.vector_load %get3A_775[%get3A_776] {strides = array<i32>} : memref<25600xf32, #tpu.memory_space<vmem>>, vector<16xf32>,
              %swap3A_778 = arith.index_cast %add3A_772 : i32 to index
              %swap3A_779 = tpu.vector_load %arg6[%swap3A_778] {strides = array<i32>} : memref<32768xf32, #tpu.memory_space<vmem>>, vector<16xf32>,
              tpu.vector_store %arg6[%swap3A_778], %get3A_777 {add = true, strides = array<i32>} : memref<32768xf32, #tpu.memory_space<vmem>>, vector<16xf32>,
              %add3A_780 = arith.constant 32 : i32
              %add3A_781 = arith.addi %squeeze3A_759, %add3A_780 : i32
              %add3A_782 = arith.constant 32 : i32
              %add3A_783 = arith.addi %add3A_761, %add3A_782 : i32
              %get3A_784 = tpu.memref_slice %run_scoped3A[%mul3A_275] : memref<51200xf32, #tpu.memory_space<vmem>> -> memref<25600xf32, #tpu.memory_space<vmem>>
              %get3A_785 = arith.index_cast %add3A_783 : i32 to index
              %get3A_786 = tpu.vector_load %get3A_784[%get3A_785] {strides = array<i32>} : memref<25600xf32, #tpu.memory_space<vmem>>, vector<16xf32>,
              %swap3A_787 = arith.index_cast %add3A_781 : i32 to index
              %swap3A_788 = tpu.vector_load %arg6[%swap3A_787] {strides = array<i32>} : memref<32768xf32, #tpu.memory_space<vmem>>, vector<16xf32>,
              tpu.vector_store %arg6[%swap3A_787], %get3A_786 {add = true, strides = array<i32>} : memref<32768xf32, #tpu.memory_space<vmem>>, vector<16xf32>,
              %add3A_789 = arith.constant 48 : i32
              %add3A_790 = arith.addi %squeeze3A_759, %add3A_789 : i32
              %add3A_791 = arith.constant 48 : i32
              %add3A_792 = arith.addi %add3A_761, %add3A_791 : i32
              %get3A_793 = tpu.memref_slice %run_scoped3A[%mul3A_275] : memref<51200xf32, #tpu.memory_space<vmem>> -> memref<25600xf32, #tpu.memory_space<vmem>>
              %get3A_794 = arith.index_cast %add3A_792 : i32 to index
              %get3A_795 = tpu.vector_load %get3A_793[%get3A_794] {strides = array<i32>} : memref<25600xf32, #tpu.memory_space<vmem>>, vector<16xf32>,
              %swap3A_796 = arith.index_cast %add3A_790 : i32 to index
              %swap3A_797 = tpu.vector_load %arg6[%swap3A_796] {strides = array<i32>} : memref<32768xf32, #tpu.memory_space<vmem>>, vector<16xf32>,
              tpu.vector_store %arg6[%swap3A_796], %get3A_795 {add = true, strides = array<i32>} : memref<32768xf32, #tpu.memory_space<vmem>>, vector<16xf32>,
              %add3A_798 = arith.constant 64 : i32
              %add3A_799 = arith.addi %squeeze3A_759, %add3A_798 : i32
              %add3A_800 = arith.constant 64 : i32
              %add3A_801 = arith.addi %add3A_761, %add3A_800 : i32
              %get3A_802 = tpu.memref_slice %run_scoped3A[%mul3A_275] : memref<51200xf32, #tpu.memory_space<vmem>> -> memref<25600xf32, #tpu.memory_space<vmem>>
              %get3A_803 = arith.index_cast %add3A_801 : i32 to index
              %get3A_804 = tpu.vector_load %get3A_802[%get3A_803] {strides = array<i32>} : memref<25600xf32, #tpu.memory_space<vmem>>, vector<16xf32>,
              %swap3A_805 = arith.index_cast %add3A_799 : i32 to index
              %swap3A_806 = tpu.vector_load %arg6[%swap3A_805] {strides = array<i32>} : memref<32768xf32, #tpu.memory_space<vmem>>, vector<16xf32>,
              tpu.vector_store %arg6[%swap3A_805], %get3A_804 {add = true, strides = array<i32>} : memref<32768xf32, #tpu.memory_space<vmem>>, vector<16xf32>,
              %add3A_807 = arith.constant 80 : i32
              %add3A_808 = arith.addi %squeeze3A_759, %add3A_807 : i32
              %add3A_809 = arith.constant 80 : i32
              %add3A_810 = arith.addi %add3A_761, %add3A_809 : i32
              %get3A_811 = tpu.memref_slice %run_scoped3A[%mul3A_275] : memref<51200xf32, #tpu.memory_space<vmem>> -> memref<25600xf32, #tpu.memory_space<vmem>>
              %get3A_812 = arith.index_cast %add3A_810 : i32 to index
              %get3A_813 = tpu.vector_load %get3A_811[%get3A_812] {strides = array<i32>} : memref<25600xf32, #tpu.memory_space<vmem>>, vector<16xf32>,
              %swap3A_814 = arith.index_cast %add3A_808 : i32 to index
              %swap3A_815 = tpu.vector_load %arg6[%swap3A_814] {strides = array<i32>} : memref<32768xf32, #tpu.memory_space<vmem>>, vector<16xf32>,
              tpu.vector_store %arg6[%swap3A_814], %get3A_813 {add = true, strides = array<i32>} : memref<32768xf32, #tpu.memory_space<vmem>>, vector<16xf32>,
              %add3A_816 = arith.constant 96 : i32
              %add3A_817 = arith.addi %squeeze3A_759, %add3A_816 : i32
              %add3A_818 = arith.constant 96 : i32
              %add3A_819 = arith.addi %add3A_761, %add3A_818 : i32
              %get3A_820 = tpu.memref_slice %run_scoped3A[%mul3A_275] : memref<51200xf32, #tpu.memory_space<vmem>> -> memref<25600xf32, #tpu.memory_space<vmem>>
              %get3A_821 = arith.index_cast %add3A_819 : i32 to index
              %get3A_822 = tpu.vector_load %get3A_820[%get3A_821] {strides = array<i32>} : memref<25600xf32, #tpu.memory_space<vmem>>, vector<16xf32>,
              %swap3A_823 = arith.index_cast %add3A_817 : i32 to index
              %swap3A_824 = tpu.vector_load %arg6[%swap3A_823] {strides = array<i32>} : memref<32768xf32, #tpu.memory_space<vmem>>, vector<16xf32>,
              tpu.vector_store %arg6[%swap3A_823], %get3A_822 {add = true, strides = array<i32>} : memref<32768xf32, #tpu.memory_space<vmem>>, vector<16xf32>,
              %add3A_825 = arith.constant 112 : i32
              %add3A_826 = arith.addi %squeeze3A_759, %add3A_825 : i32
              %add3A_827 = arith.constant 112 : i32
              %add3A_828 = arith.addi %add3A_761, %add3A_827 : i32
              %get3A_829 = tpu.memref_slice %run_scoped3A[%mul3A_275] : memref<51200xf32, #tpu.memory_space<vmem>> -> memref<25600xf32, #tpu.memory_space<vmem>>
              %get3A_830 = arith.index_cast %add3A_828 : i32 to index
              %get3A_831 = tpu.vector_load %get3A_829[%get3A_830] {strides = array<i32>} : memref<25600xf32, #tpu.memory_space<vmem>>, vector<16xf32>,
              %swap3A_832 = arith.index_cast %add3A_826 : i32 to index
              %swap3A_833 = tpu.vector_load %arg6[%swap3A_832] {strides = array<i32>} : memref<32768xf32, #tpu.memory_space<vmem>>, vector<16xf32>,
              tpu.vector_store %arg6[%swap3A_832], %get3A_831 {add = true, strides = array<i32>} : memref<32768xf32, #tpu.memory_space<vmem>>, vector<16xf32>,
              %slice3A_834 = vector.extract_strided_slice %mul3A_378 {offsets = [6], sizes = [1], strides = [1]} : vector<16xi32> to vector<1xi32>
              %squeeze3A_835 = vector.extract %slice3A_834[0] : i32 from vector<1xi32>
              %add3A_836 = arith.constant 768 : i32
              %add3A_837 = arith.addi %mul3A_365, %add3A_836 : i32
              %add3A_838 = arith.constant 0 : i32
              %add3A_839 = arith.addi %squeeze3A_835, %add3A_838 : i32
              %add3A_840 = arith.constant 0 : i32
              %add3A_841 = arith.addi %add3A_837, %add3A_840 : i32
              %get3A_842 = tpu.memref_slice %run_scoped3A[%mul3A_275] : memref<51200xf32, #tpu.memory_space<vmem>> -> memref<25600xf32, #tpu.memory_space<vmem>>
              %get3A_843 = arith.index_cast %add3A_841 : i32 to index
              %get3A_844 = tpu.vector_load %get3A_842[%get3A_843] {strides = array<i32>} : memref<25600xf32, #tpu.memory_space<vmem>>, vector<16xf32>,
              %swap3A_845 = arith.index_cast %add3A_839 : i32 to index
              %swap3A_846 = tpu.vector_load %arg6[%swap3A_845] {strides = array<i32>} : memref<32768xf32, #tpu.memory_space<vmem>>, vector<16xf32>,
              tpu.vector_store %arg6[%swap3A_845], %get3A_844 {add = true, strides = array<i32>} : memref<32768xf32, #tpu.memory_space<vmem>>, vector<16xf32>,
              %add3A_847 = arith.constant 16 : i32
              %add3A_848 = arith.addi %squeeze3A_835, %add3A_847 : i32
              %add3A_849 = arith.constant 16 : i32
              %add3A_850 = arith.addi %add3A_837, %add3A_849 : i32
              %get3A_851 = tpu.memref_slice %run_scoped3A[%mul3A_275] : memref<51200xf32, #tpu.memory_space<vmem>> -> memref<25600xf32, #tpu.memory_space<vmem>>
              %get3A_852 = arith.index_cast %add3A_850 : i32 to index
              %get3A_853 = tpu.vector_load %get3A_851[%get3A_852] {strides = array<i32>} : memref<25600xf32, #tpu.memory_space<vmem>>, vector<16xf32>,
              %swap3A_854 = arith.index_cast %add3A_848 : i32 to index
              %swap3A_855 = tpu.vector_load %arg6[%swap3A_854] {strides = array<i32>} : memref<32768xf32, #tpu.memory_space<vmem>>, vector<16xf32>,
              tpu.vector_store %arg6[%swap3A_854], %get3A_853 {add = true, strides = array<i32>} : memref<32768xf32, #tpu.memory_space<vmem>>, vector<16xf32>,
              %add3A_856 = arith.constant 32 : i32
              %add3A_857 = arith.addi %squeeze3A_835, %add3A_856 : i32
              %add3A_858 = arith.constant 32 : i32
              %add3A_859 = arith.addi %add3A_837, %add3A_858 : i32
              %get3A_860 = tpu.memref_slice %run_scoped3A[%mul3A_275] : memref<51200xf32, #tpu.memory_space<vmem>> -> memref<25600xf32, #tpu.memory_space<vmem>>
              %get3A_861 = arith.index_cast %add3A_859 : i32 to index
              %get3A_862 = tpu.vector_load %get3A_860[%get3A_861] {strides = array<i32>} : memref<25600xf32, #tpu.memory_space<vmem>>, vector<16xf32>,
              %swap3A_863 = arith.index_cast %add3A_857 : i32 to index
              %swap3A_864 = tpu.vector_load %arg6[%swap3A_863] {strides = array<i32>} : memref<32768xf32, #tpu.memory_space<vmem>>, vector<16xf32>,
              tpu.vector_store %arg6[%swap3A_863], %get3A_862 {add = true, strides = array<i32>} : memref<32768xf32, #tpu.memory_space<vmem>>, vector<16xf32>,
              %add3A_865 = arith.constant 48 : i32
              %add3A_866 = arith.addi %squeeze3A_835, %add3A_865 : i32
              %add3A_867 = arith.constant 48 : i32
              %add3A_868 = arith.addi %add3A_837, %add3A_867 : i32
              %get3A_869 = tpu.memref_slice %run_scoped3A[%mul3A_275] : memref<51200xf32, #tpu.memory_space<vmem>> -> memref<25600xf32, #tpu.memory_space<vmem>>
              %get3A_870 = arith.index_cast %add3A_868 : i32 to index
              %get3A_871 = tpu.vector_load %get3A_869[%get3A_870] {strides = array<i32>} : memref<25600xf32, #tpu.memory_space<vmem>>, vector<16xf32>,
              %swap3A_872 = arith.index_cast %add3A_866 : i32 to index
              %swap3A_873 = tpu.vector_load %arg6[%swap3A_872] {strides = array<i32>} : memref<32768xf32, #tpu.memory_space<vmem>>, vector<16xf32>,
              tpu.vector_store %arg6[%swap3A_872], %get3A_871 {add = true, strides = array<i32>} : memref<32768xf32, #tpu.memory_space<vmem>>, vector<16xf32>,
              %add3A_874 = arith.constant 64 : i32
              %add3A_875 = arith.addi %squeeze3A_835, %add3A_874 : i32
              %add3A_876 = arith.constant 64 : i32
              %add3A_877 = arith.addi %add3A_837, %add3A_876 : i32
              %get3A_878 = tpu.memref_slice %run_scoped3A[%mul3A_275] : memref<51200xf32, #tpu.memory_space<vmem>> -> memref<25600xf32, #tpu.memory_space<vmem>>
              %get3A_879 = arith.index_cast %add3A_877 : i32 to index
              %get3A_880 = tpu.vector_load %get3A_878[%get3A_879] {strides = array<i32>} : memref<25600xf32, #tpu.memory_space<vmem>>, vector<16xf32>,
              %swap3A_881 = arith.index_cast %add3A_875 : i32 to index
              %swap3A_882 = tpu.vector_load %arg6[%swap3A_881] {strides = array<i32>} : memref<32768xf32, #tpu.memory_space<vmem>>, vector<16xf32>,
              tpu.vector_store %arg6[%swap3A_881], %get3A_880 {add = true, strides = array<i32>} : memref<32768xf32, #tpu.memory_space<vmem>>, vector<16xf32>,
              %add3A_883 = arith.constant 80 : i32
              %add3A_884 = arith.addi %squeeze3A_835, %add3A_883 : i32
              %add3A_885 = arith.constant 80 : i32
              %add3A_886 = arith.addi %add3A_837, %add3A_885 : i32
              %get3A_887 = tpu.memref_slice %run_scoped3A[%mul3A_275] : memref<51200xf32, #tpu.memory_space<vmem>> -> memref<25600xf32, #tpu.memory_space<vmem>>
              %get3A_888 = arith.index_cast %add3A_886 : i32 to index
              %get3A_889 = tpu.vector_load %get3A_887[%get3A_888] {strides = array<i32>} : memref<25600xf32, #tpu.memory_space<vmem>>, vector<16xf32>,
              %swap3A_890 = arith.index_cast %add3A_884 : i32 to index
              %swap3A_891 = tpu.vector_load %arg6[%swap3A_890] {strides = array<i32>} : memref<32768xf32, #tpu.memory_space<vmem>>, vector<16xf32>,
              tpu.vector_store %arg6[%swap3A_890], %get3A_889 {add = true, strides = array<i32>} : memref<32768xf32, #tpu.memory_space<vmem>>, vector<16xf32>,
              %add3A_892 = arith.constant 96 : i32
              %add3A_893 = arith.addi %squeeze3A_835, %add3A_892 : i32
              %add3A_894 = arith.constant 96 : i32
              %add3A_895 = arith.addi %add3A_837, %add3A_894 : i32
              %get3A_896 = tpu.memref_slice %run_scoped3A[%mul3A_275] : memref<51200xf32, #tpu.memory_space<vmem>> -> memref<25600xf32, #tpu.memory_space<vmem>>
              %get3A_897 = arith.index_cast %add3A_895 : i32 to index
              %get3A_898 = tpu.vector_load %get3A_896[%get3A_897] {strides = array<i32>} : memref<25600xf32, #tpu.memory_space<vmem>>, vector<16xf32>,
              %swap3A_899 = arith.index_cast %add3A_893 : i32 to index
              %swap3A_900 = tpu.vector_load %arg6[%swap3A_899] {strides = array<i32>} : memref<32768xf32, #tpu.memory_space<vmem>>, vector<16xf32>,
              tpu.vector_store %arg6[%swap3A_899], %get3A_898 {add = true, strides = array<i32>} : memref<32768xf32, #tpu.memory_space<vmem>>, vector<16xf32>,
              %add3A_901 = arith.constant 112 : i32
              %add3A_902 = arith.addi %squeeze3A_835, %add3A_901 : i32
              %add3A_903 = arith.constant 112 : i32
              %add3A_904 = arith.addi %add3A_837, %add3A_903 : i32
              %get3A_905 = tpu.memref_slice %run_scoped3A[%mul3A_275] : memref<51200xf32, #tpu.memory_space<vmem>> -> memref<25600xf32, #tpu.memory_space<vmem>>
              %get3A_906 = arith.index_cast %add3A_904 : i32 to index
              %get3A_907 = tpu.vector_load %get3A_905[%get3A_906] {strides = array<i32>} : memref<25600xf32, #tpu.memory_space<vmem>>, vector<16xf32>,
              %swap3A_908 = arith.index_cast %add3A_902 : i32 to index
              %swap3A_909 = tpu.vector_load %arg6[%swap3A_908] {strides = array<i32>} : memref<32768xf32, #tpu.memory_space<vmem>>, vector<16xf32>,
              tpu.vector_store %arg6[%swap3A_908], %get3A_907 {add = true, strides = array<i32>} : memref<32768xf32, #tpu.memory_space<vmem>>, vector<16xf32>,
              %slice3A_910 = vector.extract_strided_slice %mul3A_378 {offsets = [7], sizes = [1], strides = [1]} : vector<16xi32> to vector<1xi32>
              %squeeze3A_911 = vector.extract %slice3A_910[0] : i32 from vector<1xi32>
              %add3A_912 = arith.constant 896 : i32
              %add3A_913 = arith.addi %mul3A_365, %add3A_912 : i32
              %add3A_914 = arith.constant 0 : i32
              %add3A_915 = arith.addi %squeeze3A_911, %add3A_914 : i32
              %add3A_916 = arith.constant 0 : i32
              %add3A_917 = arith.addi %add3A_913, %add3A_916 : i32
              %get3A_918 = tpu.memref_slice %run_scoped3A[%mul3A_275] : memref<51200xf32, #tpu.memory_space<vmem>> -> memref<25600xf32, #tpu.memory_space<vmem>>
              %get3A_919 = arith.index_cast %add3A_917 : i32 to index
              %get3A_920 = tpu.vector_load %get3A_918[%get3A_919] {strides = array<i32>} : memref<25600xf32, #tpu.memory_space<vmem>>, vector<16xf32>,
              %swap3A_921 = arith.index_cast %add3A_915 : i32 to index
              %swap3A_922 = tpu.vector_load %arg6[%swap3A_921] {strides = array<i32>} : memref<32768xf32, #tpu.memory_space<vmem>>, vector<16xf32>,
              tpu.vector_store %arg6[%swap3A_921], %get3A_920 {add = true, strides = array<i32>} : memref<32768xf32, #tpu.memory_space<vmem>>, vector<16xf32>,
              %add3A_923 = arith.constant 16 : i32
              %add3A_924 = arith.addi %squeeze3A_911, %add3A_923 : i32
              %add3A_925 = arith.constant 16 : i32
              %add3A_926 = arith.addi %add3A_913, %add3A_925 : i32
              %get3A_927 = tpu.memref_slice %run_scoped3A[%mul3A_275] : memref<51200xf32, #tpu.memory_space<vmem>> -> memref<25600xf32, #tpu.memory_space<vmem>>
              %get3A_928 = arith.index_cast %add3A_926 : i32 to index
              %get3A_929 = tpu.vector_load %get3A_927[%get3A_928] {strides = array<i32>} : memref<25600xf32, #tpu.memory_space<vmem>>, vector<16xf32>,
              %swap3A_930 = arith.index_cast %add3A_924 : i32 to index
              %swap3A_931 = tpu.vector_load %arg6[%swap3A_930] {strides = array<i32>} : memref<32768xf32, #tpu.memory_space<vmem>>, vector<16xf32>,
              tpu.vector_store %arg6[%swap3A_930], %get3A_929 {add = true, strides = array<i32>} : memref<32768xf32, #tpu.memory_space<vmem>>, vector<16xf32>,
              %add3A_932 = arith.constant 32 : i32
              %add3A_933 = arith.addi %squeeze3A_911, %add3A_932 : i32
              %add3A_934 = arith.constant 32 : i32
              %add3A_935 = arith.addi %add3A_913, %add3A_934 : i32
              %get3A_936 = tpu.memref_slice %run_scoped3A[%mul3A_275] : memref<51200xf32, #tpu.memory_space<vmem>> -> memref<25600xf32, #tpu.memory_space<vmem>>
              %get3A_937 = arith.index_cast %add3A_935 : i32 to index
              %get3A_938 = tpu.vector_load %get3A_936[%get3A_937] {strides = array<i32>} : memref<25600xf32, #tpu.memory_space<vmem>>, vector<16xf32>,
              %swap3A_939 = arith.index_cast %add3A_933 : i32 to index
              %swap3A_940 = tpu.vector_load %arg6[%swap3A_939] {strides = array<i32>} : memref<32768xf32, #tpu.memory_space<vmem>>, vector<16xf32>,
              tpu.vector_store %arg6[%swap3A_939], %get3A_938 {add = true, strides = array<i32>} : memref<32768xf32, #tpu.memory_space<vmem>>, vector<16xf32>,
              %add3A_941 = arith.constant 48 : i32
              %add3A_942 = arith.addi %squeeze3A_911, %add3A_941 : i32
              %add3A_943 = arith.constant 48 : i32
              %add3A_944 = arith.addi %add3A_913, %add3A_943 : i32
              %get3A_945 = tpu.memref_slice %run_scoped3A[%mul3A_275] : memref<51200xf32, #tpu.memory_space<vmem>> -> memref<25600xf32, #tpu.memory_space<vmem>>
              %get3A_946 = arith.index_cast %add3A_944 : i32 to index
              %get3A_947 = tpu.vector_load %get3A_945[%get3A_946] {strides = array<i32>} : memref<25600xf32, #tpu.memory_space<vmem>>, vector<16xf32>,
              %swap3A_948 = arith.index_cast %add3A_942 : i32 to index
              %swap3A_949 = tpu.vector_load %arg6[%swap3A_948] {strides = array<i32>} : memref<32768xf32, #tpu.memory_space<vmem>>, vector<16xf32>,
              tpu.vector_store %arg6[%swap3A_948], %get3A_947 {add = true, strides = array<i32>} : memref<32768xf32, #tpu.memory_space<vmem>>, vector<16xf32>,
              %add3A_950 = arith.constant 64 : i32
              %add3A_951 = arith.addi %squeeze3A_911, %add3A_950 : i32
              %add3A_952 = arith.constant 64 : i32
              %add3A_953 = arith.addi %add3A_913, %add3A_952 : i32
              %get3A_954 = tpu.memref_slice %run_scoped3A[%mul3A_275] : memref<51200xf32, #tpu.memory_space<vmem>> -> memref<25600xf32, #tpu.memory_space<vmem>>
              %get3A_955 = arith.index_cast %add3A_953 : i32 to index
              %get3A_956 = tpu.vector_load %get3A_954[%get3A_955] {strides = array<i32>} : memref<25600xf32, #tpu.memory_space<vmem>>, vector<16xf32>,
              %swap3A_957 = arith.index_cast %add3A_951 : i32 to index
              %swap3A_958 = tpu.vector_load %arg6[%swap3A_957] {strides = array<i32>} : memref<32768xf32, #tpu.memory_space<vmem>>, vector<16xf32>,
              tpu.vector_store %arg6[%swap3A_957], %get3A_956 {add = true, strides = array<i32>} : memref<32768xf32, #tpu.memory_space<vmem>>, vector<16xf32>,
              %add3A_959 = arith.constant 80 : i32
              %add3A_960 = arith.addi %squeeze3A_911, %add3A_959 : i32
              %add3A_961 = arith.constant 80 : i32
              %add3A_962 = arith.addi %add3A_913, %add3A_961 : i32
              %get3A_963 = tpu.memref_slice %run_scoped3A[%mul3A_275] : memref<51200xf32, #tpu.memory_space<vmem>> -> memref<25600xf32, #tpu.memory_space<vmem>>
              %get3A_964 = arith.index_cast %add3A_962 : i32 to index
              %get3A_965 = tpu.vector_load %get3A_963[%get3A_964] {strides = array<i32>} : memref<25600xf32, #tpu.memory_space<vmem>>, vector<16xf32>,
              %swap3A_966 = arith.index_cast %add3A_960 : i32 to index
              %swap3A_967 = tpu.vector_load %arg6[%swap3A_966] {strides = array<i32>} : memref<32768xf32, #tpu.memory_space<vmem>>, vector<16xf32>,
              tpu.vector_store %arg6[%swap3A_966], %get3A_965 {add = true, strides = array<i32>} : memref<32768xf32, #tpu.memory_space<vmem>>, vector<16xf32>,
              %add3A_968 = arith.constant 96 : i32
              %add3A_969 = arith.addi %squeeze3A_911, %add3A_968 : i32
              %add3A_970 = arith.constant 96 : i32
              %add3A_971 = arith.addi %add3A_913, %add3A_970 : i32
              %get3A_972 = tpu.memref_slice %run_scoped3A[%mul3A_275] : memref<51200xf32, #tpu.memory_space<vmem>> -> memref<25600xf32, #tpu.memory_space<vmem>>
              %get3A_973 = arith.index_cast %add3A_971 : i32 to index
              %get3A_974 = tpu.vector_load %get3A_972[%get3A_973] {strides = array<i32>} : memref<25600xf32, #tpu.memory_space<vmem>>, vector<16xf32>,
              %swap3A_975 = arith.index_cast %add3A_969 : i32 to index
              %swap3A_976 = tpu.vector_load %arg6[%swap3A_975] {strides = array<i32>} : memref<32768xf32, #tpu.memory_space<vmem>>, vector<16xf32>,
              tpu.vector_store %arg6[%swap3A_975], %get3A_974 {add = true, strides = array<i32>} : memref<32768xf32, #tpu.memory_space<vmem>>, vector<16xf32>,
              %add3A_977 = arith.constant 112 : i32
              %add3A_978 = arith.addi %squeeze3A_911, %add3A_977 : i32
              %add3A_979 = arith.constant 112 : i32
              %add3A_980 = arith.addi %add3A_913, %add3A_979 : i32
              %get3A_981 = tpu.memref_slice %run_scoped3A[%mul3A_275] : memref<51200xf32, #tpu.memory_space<vmem>> -> memref<25600xf32, #tpu.memory_space<vmem>>
              %get3A_982 = arith.index_cast %add3A_980 : i32 to index
              %get3A_983 = tpu.vector_load %get3A_981[%get3A_982] {strides = array<i32>} : memref<25600xf32, #tpu.memory_space<vmem>>, vector<16xf32>,
              %swap3A_984 = arith.index_cast %add3A_978 : i32 to index
              %swap3A_985 = tpu.vector_load %arg6[%swap3A_984] {strides = array<i32>} : memref<32768xf32, #tpu.memory_space<vmem>>, vector<16xf32>,
              tpu.vector_store %arg6[%swap3A_984], %get3A_983 {add = true, strides = array<i32>} : memref<32768xf32, #tpu.memory_space<vmem>>, vector<16xf32>,
              %slice3A_986 = vector.extract_strided_slice %mul3A_378 {offsets = [8], sizes = [1], strides = [1]} : vector<16xi32> to vector<1xi32>
              %squeeze3A_987 = vector.extract %slice3A_986[0] : i32 from vector<1xi32>
              %add3A_988 = arith.constant 1024 : i32
              %add3A_989 = arith.addi %mul3A_365, %add3A_988 : i32
              %add3A_990 = arith.constant 0 : i32
              %add3A_991 = arith.addi %squeeze3A_987, %add3A_990 : i32
              %add3A_992 = arith.constant 0 : i32
              %add3A_993 = arith.addi %add3A_989, %add3A_992 : i32
              %get3A_994 = tpu.memref_slice %run_scoped3A[%mul3A_275] : memref<51200xf32, #tpu.memory_space<vmem>> -> memref<25600xf32, #tpu.memory_space<vmem>>
              %get3A_995 = arith.index_cast %add3A_993 : i32 to index
              %get3A_996 = tpu.vector_load %get3A_994[%get3A_995] {strides = array<i32>} : memref<25600xf32, #tpu.memory_space<vmem>>, vector<16xf32>,
              %swap3A_997 = arith.index_cast %add3A_991 : i32 to index
              %swap3A_998 = tpu.vector_load %arg6[%swap3A_997] {strides = array<i32>} : memref<32768xf32, #tpu.memory_space<vmem>>, vector<16xf32>,
              tpu.vector_store %arg6[%swap3A_997], %get3A_996 {add = true, strides = array<i32>} : memref<32768xf32, #tpu.memory_space<vmem>>, vector<16xf32>,
              %add3A_999 = arith.constant 16 : i32
              %add3A_1000 = arith.addi %squeeze3A_987, %add3A_999 : i32
              %add3A_1001 = arith.constant 16 : i32
              %add3A_1002 = arith.addi %add3A_989, %add3A_1001 : i32
              %get3A_1003 = tpu.memref_slice %run_scoped3A[%mul3A_275] : memref<51200xf32, #tpu.memory_space<vmem>> -> memref<25600xf32, #tpu.memory_space<vmem>>
              %get3A_1004 = arith.index_cast %add3A_1002 : i32 to index
              %get3A_1005 = tpu.vector_load %get3A_1003[%get3A_1004] {strides = array<i32>} : memref<25600xf32, #tpu.memory_space<vmem>>, vector<16xf32>,
              %swap3A_1006 = arith.index_cast %add3A_1000 : i32 to index
              %swap3A_1007 = tpu.vector_load %arg6[%swap3A_1006] {strides = array<i32>} : memref<32768xf32, #tpu.memory_space<vmem>>, vector<16xf32>,
              tpu.vector_store %arg6[%swap3A_1006], %get3A_1005 {add = true, strides = array<i32>} : memref<32768xf32, #tpu.memory_space<vmem>>, vector<16xf32>,
              %add3A_1008 = arith.constant 32 : i32
              %add3A_1009 = arith.addi %squeeze3A_987, %add3A_1008 : i32
              %add3A_1010 = arith.constant 32 : i32
              %add3A_1011 = arith.addi %add3A_989, %add3A_1010 : i32
              %get3A_1012 = tpu.memref_slice %run_scoped3A[%mul3A_275] : memref<51200xf32, #tpu.memory_space<vmem>> -> memref<25600xf32, #tpu.memory_space<vmem>>
              %get3A_1013 = arith.index_cast %add3A_1011 : i32 to index
              %get3A_1014 = tpu.vector_load %get3A_1012[%get3A_1013] {strides = array<i32>} : memref<25600xf32, #tpu.memory_space<vmem>>, vector<16xf32>,
              %swap3A_1015 = arith.index_cast %add3A_1009 : i32 to index
              %swap3A_1016 = tpu.vector_load %arg6[%swap3A_1015] {strides = array<i32>} : memref<32768xf32, #tpu.memory_space<vmem>>, vector<16xf32>,
              tpu.vector_store %arg6[%swap3A_1015], %get3A_1014 {add = true, strides = array<i32>} : memref<32768xf32, #tpu.memory_space<vmem>>, vector<16xf32>,
              %add3A_1017 = arith.constant 48 : i32
              %add3A_1018 = arith.addi %squeeze3A_987, %add3A_1017 : i32
              %add3A_1019 = arith.constant 48 : i32
              %add3A_1020 = arith.addi %add3A_989, %add3A_1019 : i32
              %get3A_1021 = tpu.memref_slice %run_scoped3A[%mul3A_275] : memref<51200xf32, #tpu.memory_space<vmem>> -> memref<25600xf32, #tpu.memory_space<vmem>>
              %get3A_1022 = arith.index_cast %add3A_1020 : i32 to index
              %get3A_1023 = tpu.vector_load %get3A_1021[%get3A_1022] {strides = array<i32>} : memref<25600xf32, #tpu.memory_space<vmem>>, vector<16xf32>,
              %swap3A_1024 = arith.index_cast %add3A_1018 : i32 to index
              %swap3A_1025 = tpu.vector_load %arg6[%swap3A_1024] {strides = array<i32>} : memref<32768xf32, #tpu.memory_space<vmem>>, vector<16xf32>,
              tpu.vector_store %arg6[%swap3A_1024], %get3A_1023 {add = true, strides = array<i32>} : memref<32768xf32, #tpu.memory_space<vmem>>, vector<16xf32>,
              %add3A_1026 = arith.constant 64 : i32
              %add3A_1027 = arith.addi %squeeze3A_987, %add3A_1026 : i32
              %add3A_1028 = arith.constant 64 : i32
              %add3A_1029 = arith.addi %add3A_989, %add3A_1028 : i32
              %get3A_1030 = tpu.memref_slice %run_scoped3A[%mul3A_275] : memref<51200xf32, #tpu.memory_space<vmem>> -> memref<25600xf32, #tpu.memory_space<vmem>>
              %get3A_1031 = arith.index_cast %add3A_1029 : i32 to index
              %get3A_1032 = tpu.vector_load %get3A_1030[%get3A_1031] {strides = array<i32>} : memref<25600xf32, #tpu.memory_space<vmem>>, vector<16xf32>,
              %swap3A_1033 = arith.index_cast %add3A_1027 : i32 to index
              %swap3A_1034 = tpu.vector_load %arg6[%swap3A_1033] {strides = array<i32>} : memref<32768xf32, #tpu.memory_space<vmem>>, vector<16xf32>,
              tpu.vector_store %arg6[%swap3A_1033], %get3A_1032 {add = true, strides = array<i32>} : memref<32768xf32, #tpu.memory_space<vmem>>, vector<16xf32>,
              %add3A_1035 = arith.constant 80 : i32
              %add3A_1036 = arith.addi %squeeze3A_987, %add3A_1035 : i32
              %add3A_1037 = arith.constant 80 : i32
              %add3A_1038 = arith.addi %add3A_989, %add3A_1037 : i32
              %get3A_1039 = tpu.memref_slice %run_scoped3A[%mul3A_275] : memref<51200xf32, #tpu.memory_space<vmem>> -> memref<25600xf32, #tpu.memory_space<vmem>>
              %get3A_1040 = arith.index_cast %add3A_1038 : i32 to index
              %get3A_1041 = tpu.vector_load %get3A_1039[%get3A_1040] {strides = array<i32>} : memref<25600xf32, #tpu.memory_space<vmem>>, vector<16xf32>,
              %swap3A_1042 = arith.index_cast %add3A_1036 : i32 to index
              %swap3A_1043 = tpu.vector_load %arg6[%swap3A_1042] {strides = array<i32>} : memref<32768xf32, #tpu.memory_space<vmem>>, vector<16xf32>,
              tpu.vector_store %arg6[%swap3A_1042], %get3A_1041 {add = true, strides = array<i32>} : memref<32768xf32, #tpu.memory_space<vmem>>, vector<16xf32>,
              %add3A_1044 = arith.constant 96 : i32
              %add3A_1045 = arith.addi %squeeze3A_987, %add3A_1044 : i32
              %add3A_1046 = arith.constant 96 : i32
              %add3A_1047 = arith.addi %add3A_989, %add3A_1046 : i32
              %get3A_1048 = tpu.memref_slice %run_scoped3A[%mul3A_275] : memref<51200xf32, #tpu.memory_space<vmem>> -> memref<25600xf32, #tpu.memory_space<vmem>>
              %get3A_1049 = arith.index_cast %add3A_1047 : i32 to index
              %get3A_1050 = tpu.vector_load %get3A_1048[%get3A_1049] {strides = array<i32>} : memref<25600xf32, #tpu.memory_space<vmem>>, vector<16xf32>,
              %swap3A_1051 = arith.index_cast %add3A_1045 : i32 to index
              %swap3A_1052 = tpu.vector_load %arg6[%swap3A_1051] {strides = array<i32>} : memref<32768xf32, #tpu.memory_space<vmem>>, vector<16xf32>,
              tpu.vector_store %arg6[%swap3A_1051], %get3A_1050 {add = true, strides = array<i32>} : memref<32768xf32, #tpu.memory_space<vmem>>, vector<16xf32>,
              %add3A_1053 = arith.constant 112 : i32
              %add3A_1054 = arith.addi %squeeze3A_987, %add3A_1053 : i32
              %add3A_1055 = arith.constant 112 : i32
              %add3A_1056 = arith.addi %add3A_989, %add3A_1055 : i32
              %get3A_1057 = tpu.memref_slice %run_scoped3A[%mul3A_275] : memref<51200xf32, #tpu.memory_space<vmem>> -> memref<25600xf32, #tpu.memory_space<vmem>>
              %get3A_1058 = arith.index_cast %add3A_1056 : i32 to index
              %get3A_1059 = tpu.vector_load %get3A_1057[%get3A_1058] {strides = array<i32>} : memref<25600xf32, #tpu.memory_space<vmem>>, vector<16xf32>,
              %swap3A_1060 = arith.index_cast %add3A_1054 : i32 to index
              %swap3A_1061 = tpu.vector_load %arg6[%swap3A_1060] {strides = array<i32>} : memref<32768xf32, #tpu.memory_space<vmem>>, vector<16xf32>,
              tpu.vector_store %arg6[%swap3A_1060], %get3A_1059 {add = true, strides = array<i32>} : memref<32768xf32, #tpu.memory_space<vmem>>, vector<16xf32>,
              %slice3A_1062 = vector.extract_strided_slice %mul3A_378 {offsets = [9], sizes = [1], strides = [1]} : vector<16xi32> to vector<1xi32>
              %squeeze3A_1063 = vector.extract %slice3A_1062[0] : i32 from vector<1xi32>
              %add3A_1064 = arith.constant 1152 : i32
              %add3A_1065 = arith.addi %mul3A_365, %add3A_1064 : i32
              %add3A_1066 = arith.constant 0 : i32
              %add3A_1067 = arith.addi %squeeze3A_1063, %add3A_1066 : i32
              %add3A_1068 = arith.constant 0 : i32
              %add3A_1069 = arith.addi %add3A_1065, %add3A_1068 : i32
              %get3A_1070 = tpu.memref_slice %run_scoped3A[%mul3A_275] : memref<51200xf32, #tpu.memory_space<vmem>> -> memref<25600xf32, #tpu.memory_space<vmem>>
              %get3A_1071 = arith.index_cast %add3A_1069 : i32 to index
              %get3A_1072 = tpu.vector_load %get3A_1070[%get3A_1071] {strides = array<i32>} : memref<25600xf32, #tpu.memory_space<vmem>>, vector<16xf32>,
              %swap3A_1073 = arith.index_cast %add3A_1067 : i32 to index
              %swap3A_1074 = tpu.vector_load %arg6[%swap3A_1073] {strides = array<i32>} : memref<32768xf32, #tpu.memory_space<vmem>>, vector<16xf32>,
              tpu.vector_store %arg6[%swap3A_1073], %get3A_1072 {add = true, strides = array<i32>} : memref<32768xf32, #tpu.memory_space<vmem>>, vector<16xf32>,
              %add3A_1075 = arith.constant 16 : i32
              %add3A_1076 = arith.addi %squeeze3A_1063, %add3A_1075 : i32
              %add3A_1077 = arith.constant 16 : i32
              %add3A_1078 = arith.addi %add3A_1065, %add3A_1077 : i32
              %get3A_1079 = tpu.memref_slice %run_scoped3A[%mul3A_275] : memref<51200xf32, #tpu.memory_space<vmem>> -> memref<25600xf32, #tpu.memory_space<vmem>>
              %get3A_1080 = arith.index_cast %add3A_1078 : i32 to index
              %get3A_1081 = tpu.vector_load %get3A_1079[%get3A_1080] {strides = array<i32>} : memref<25600xf32, #tpu.memory_space<vmem>>, vector<16xf32>,
              %swap3A_1082 = arith.index_cast %add3A_1076 : i32 to index
              %swap3A_1083 = tpu.vector_load %arg6[%swap3A_1082] {strides = array<i32>} : memref<32768xf32, #tpu.memory_space<vmem>>, vector<16xf32>,
              tpu.vector_store %arg6[%swap3A_1082], %get3A_1081 {add = true, strides = array<i32>} : memref<32768xf32, #tpu.memory_space<vmem>>, vector<16xf32>,
              %add3A_1084 = arith.constant 32 : i32
              %add3A_1085 = arith.addi %squeeze3A_1063, %add3A_1084 : i32
              %add3A_1086 = arith.constant 32 : i32
              %add3A_1087 = arith.addi %add3A_1065, %add3A_1086 : i32
              %get3A_1088 = tpu.memref_slice %run_scoped3A[%mul3A_275] : memref<51200xf32, #tpu.memory_space<vmem>> -> memref<25600xf32, #tpu.memory_space<vmem>>
              %get3A_1089 = arith.index_cast %add3A_1087 : i32 to index
              %get3A_1090 = tpu.vector_load %get3A_1088[%get3A_1089] {strides = array<i32>} : memref<25600xf32, #tpu.memory_space<vmem>>, vector<16xf32>,
              %swap3A_1091 = arith.index_cast %add3A_1085 : i32 to index
              %swap3A_1092 = tpu.vector_load %arg6[%swap3A_1091] {strides = array<i32>} : memref<32768xf32, #tpu.memory_space<vmem>>, vector<16xf32>,
              tpu.vector_store %arg6[%swap3A_1091], %get3A_1090 {add = true, strides = array<i32>} : memref<32768xf32, #tpu.memory_space<vmem>>, vector<16xf32>,
              %add3A_1093 = arith.constant 48 : i32
              %add3A_1094 = arith.addi %squeeze3A_1063, %add3A_1093 : i32
              %add3A_1095 = arith.constant 48 : i32
              %add3A_1096 = arith.addi %add3A_1065, %add3A_1095 : i32
              %get3A_1097 = tpu.memref_slice %run_scoped3A[%mul3A_275] : memref<51200xf32, #tpu.memory_space<vmem>> -> memref<25600xf32, #tpu.memory_space<vmem>>
              %get3A_1098 = arith.index_cast %add3A_1096 : i32 to index
              %get3A_1099 = tpu.vector_load %get3A_1097[%get3A_1098] {strides = array<i32>} : memref<25600xf32, #tpu.memory_space<vmem>>, vector<16xf32>,
              %swap3A_1100 = arith.index_cast %add3A_1094 : i32 to index
              %swap3A_1101 = tpu.vector_load %arg6[%swap3A_1100] {strides = array<i32>} : memref<32768xf32, #tpu.memory_space<vmem>>, vector<16xf32>,
              tpu.vector_store %arg6[%swap3A_1100], %get3A_1099 {add = true, strides = array<i32>} : memref<32768xf32, #tpu.memory_space<vmem>>, vector<16xf32>,
              %add3A_1102 = arith.constant 64 : i32
              %add3A_1103 = arith.addi %squeeze3A_1063, %add3A_1102 : i32
              %add3A_1104 = arith.constant 64 : i32
              %add3A_1105 = arith.addi %add3A_1065, %add3A_1104 : i32
              %get3A_1106 = tpu.memref_slice %run_scoped3A[%mul3A_275] : memref<51200xf32, #tpu.memory_space<vmem>> -> memref<25600xf32, #tpu.memory_space<vmem>>
              %get3A_1107 = arith.index_cast %add3A_1105 : i32 to index
              %get3A_1108 = tpu.vector_load %get3A_1106[%get3A_1107] {strides = array<i32>} : memref<25600xf32, #tpu.memory_space<vmem>>, vector<16xf32>,
              %swap3A_1109 = arith.index_cast %add3A_1103 : i32 to index
              %swap3A_1110 = tpu.vector_load %arg6[%swap3A_1109] {strides = array<i32>} : memref<32768xf32, #tpu.memory_space<vmem>>, vector<16xf32>,
              tpu.vector_store %arg6[%swap3A_1109], %get3A_1108 {add = true, strides = array<i32>} : memref<32768xf32, #tpu.memory_space<vmem>>, vector<16xf32>,
              %add3A_1111 = arith.constant 80 : i32
              %add3A_1112 = arith.addi %squeeze3A_1063, %add3A_1111 : i32
              %add3A_1113 = arith.constant 80 : i32
              %add3A_1114 = arith.addi %add3A_1065, %add3A_1113 : i32
              %get3A_1115 = tpu.memref_slice %run_scoped3A[%mul3A_275] : memref<51200xf32, #tpu.memory_space<vmem>> -> memref<25600xf32, #tpu.memory_space<vmem>>
              %get3A_1116 = arith.index_cast %add3A_1114 : i32 to index
              %get3A_1117 = tpu.vector_load %get3A_1115[%get3A_1116] {strides = array<i32>} : memref<25600xf32, #tpu.memory_space<vmem>>, vector<16xf32>,
              %swap3A_1118 = arith.index_cast %add3A_1112 : i32 to index
              %swap3A_1119 = tpu.vector_load %arg6[%swap3A_1118] {strides = array<i32>} : memref<32768xf32, #tpu.memory_space<vmem>>, vector<16xf32>,
              tpu.vector_store %arg6[%swap3A_1118], %get3A_1117 {add = true, strides = array<i32>} : memref<32768xf32, #tpu.memory_space<vmem>>, vector<16xf32>,
              %add3A_1120 = arith.constant 96 : i32
              %add3A_1121 = arith.addi %squeeze3A_1063, %add3A_1120 : i32
              %add3A_1122 = arith.constant 96 : i32
              %add3A_1123 = arith.addi %add3A_1065, %add3A_1122 : i32
              %get3A_1124 = tpu.memref_slice %run_scoped3A[%mul3A_275] : memref<51200xf32, #tpu.memory_space<vmem>> -> memref<25600xf32, #tpu.memory_space<vmem>>
              %get3A_1125 = arith.index_cast %add3A_1123 : i32 to index
              %get3A_1126 = tpu.vector_load %get3A_1124[%get3A_1125] {strides = array<i32>} : memref<25600xf32, #tpu.memory_space<vmem>>, vector<16xf32>,
              %swap3A_1127 = arith.index_cast %add3A_1121 : i32 to index
              %swap3A_1128 = tpu.vector_load %arg6[%swap3A_1127] {strides = array<i32>} : memref<32768xf32, #tpu.memory_space<vmem>>, vector<16xf32>,
              tpu.vector_store %arg6[%swap3A_1127], %get3A_1126 {add = true, strides = array<i32>} : memref<32768xf32, #tpu.memory_space<vmem>>, vector<16xf32>,
              %add3A_1129 = arith.constant 112 : i32
              %add3A_1130 = arith.addi %squeeze3A_1063, %add3A_1129 : i32
              %add3A_1131 = arith.constant 112 : i32
              %add3A_1132 = arith.addi %add3A_1065, %add3A_1131 : i32
              %get3A_1133 = tpu.memref_slice %run_scoped3A[%mul3A_275] : memref<51200xf32, #tpu.memory_space<vmem>> -> memref<25600xf32, #tpu.memory_space<vmem>>
              %get3A_1134 = arith.index_cast %add3A_1132 : i32 to index
              %get3A_1135 = tpu.vector_load %get3A_1133[%get3A_1134] {strides = array<i32>} : memref<25600xf32, #tpu.memory_space<vmem>>, vector<16xf32>,
              %swap3A_1136 = arith.index_cast %add3A_1130 : i32 to index
              %swap3A_1137 = tpu.vector_load %arg6[%swap3A_1136] {strides = array<i32>} : memref<32768xf32, #tpu.memory_space<vmem>>, vector<16xf32>,
              tpu.vector_store %arg6[%swap3A_1136], %get3A_1135 {add = true, strides = array<i32>} : memref<32768xf32, #tpu.memory_space<vmem>>, vector<16xf32>,
              %slice3A_1138 = vector.extract_strided_slice %mul3A_378 {offsets = [10], sizes = [1], strides = [1]} : vector<16xi32> to vector<1xi32>
              %squeeze3A_1139 = vector.extract %slice3A_1138[0] : i32 from vector<1xi32>
              %add3A_1140 = arith.constant 1280 : i32
              %add3A_1141 = arith.addi %mul3A_365, %add3A_1140 : i32
              %add3A_1142 = arith.constant 0 : i32
              %add3A_1143 = arith.addi %squeeze3A_1139, %add3A_1142 : i32
              %add3A_1144 = arith.constant 0 : i32
              %add3A_1145 = arith.addi %add3A_1141, %add3A_1144 : i32
              %get3A_1146 = tpu.memref_slice %run_scoped3A[%mul3A_275] : memref<51200xf32, #tpu.memory_space<vmem>> -> memref<25600xf32, #tpu.memory_space<vmem>>
              %get3A_1147 = arith.index_cast %add3A_1145 : i32 to index
              %get3A_1148 = tpu.vector_load %get3A_1146[%get3A_1147] {strides = array<i32>} : memref<25600xf32, #tpu.memory_space<vmem>>, vector<16xf32>,
              %swap3A_1149 = arith.index_cast %add3A_1143 : i32 to index
              %swap3A_1150 = tpu.vector_load %arg6[%swap3A_1149] {strides = array<i32>} : memref<32768xf32, #tpu.memory_space<vmem>>, vector<16xf32>,
              tpu.vector_store %arg6[%swap3A_1149], %get3A_1148 {add = true, strides = array<i32>} : memref<32768xf32, #tpu.memory_space<vmem>>, vector<16xf32>,
              %add3A_1151 = arith.constant 16 : i32
              %add3A_1152 = arith.addi %squeeze3A_1139, %add3A_1151 : i32
              %add3A_1153 = arith.constant 16 : i32
              %add3A_1154 = arith.addi %add3A_1141, %add3A_1153 : i32
              %get3A_1155 = tpu.memref_slice %run_scoped3A[%mul3A_275] : memref<51200xf32, #tpu.memory_space<vmem>> -> memref<25600xf32, #tpu.memory_space<vmem>>
              %get3A_1156 = arith.index_cast %add3A_1154 : i32 to index
              %get3A_1157 = tpu.vector_load %get3A_1155[%get3A_1156] {strides = array<i32>} : memref<25600xf32, #tpu.memory_space<vmem>>, vector<16xf32>,
              %swap3A_1158 = arith.index_cast %add3A_1152 : i32 to index
              %swap3A_1159 = tpu.vector_load %arg6[%swap3A_1158] {strides = array<i32>} : memref<32768xf32, #tpu.memory_space<vmem>>, vector<16xf32>,
              tpu.vector_store %arg6[%swap3A_1158], %get3A_1157 {add = true, strides = array<i32>} : memref<32768xf32, #tpu.memory_space<vmem>>, vector<16xf32>,
              %add3A_1160 = arith.constant 32 : i32
              %add3A_1161 = arith.addi %squeeze3A_1139, %add3A_1160 : i32
              %add3A_1162 = arith.constant 32 : i32
              %add3A_1163 = arith.addi %add3A_1141, %add3A_1162 : i32
              %get3A_1164 = tpu.memref_slice %run_scoped3A[%mul3A_275] : memref<51200xf32, #tpu.memory_space<vmem>> -> memref<25600xf32, #tpu.memory_space<vmem>>
              %get3A_1165 = arith.index_cast %add3A_1163 : i32 to index
              %get3A_1166 = tpu.vector_load %get3A_1164[%get3A_1165] {strides = array<i32>} : memref<25600xf32, #tpu.memory_space<vmem>>, vector<16xf32>,
              %swap3A_1167 = arith.index_cast %add3A_1161 : i32 to index
              %swap3A_1168 = tpu.vector_load %arg6[%swap3A_1167] {strides = array<i32>} : memref<32768xf32, #tpu.memory_space<vmem>>, vector<16xf32>,
              tpu.vector_store %arg6[%swap3A_1167], %get3A_1166 {add = true, strides = array<i32>} : memref<32768xf32, #tpu.memory_space<vmem>>, vector<16xf32>,
              %add3A_1169 = arith.constant 48 : i32
              %add3A_1170 = arith.addi %squeeze3A_1139, %add3A_1169 : i32
              %add3A_1171 = arith.constant 48 : i32
              %add3A_1172 = arith.addi %add3A_1141, %add3A_1171 : i32
              %get3A_1173 = tpu.memref_slice %run_scoped3A[%mul3A_275] : memref<51200xf32, #tpu.memory_space<vmem>> -> memref<25600xf32, #tpu.memory_space<vmem>>
              %get3A_1174 = arith.index_cast %add3A_1172 : i32 to index
              %get3A_1175 = tpu.vector_load %get3A_1173[%get3A_1174] {strides = array<i32>} : memref<25600xf32, #tpu.memory_space<vmem>>, vector<16xf32>,
              %swap3A_1176 = arith.index_cast %add3A_1170 : i32 to index
              %swap3A_1177 = tpu.vector_load %arg6[%swap3A_1176] {strides = array<i32>} : memref<32768xf32, #tpu.memory_space<vmem>>, vector<16xf32>,
              tpu.vector_store %arg6[%swap3A_1176], %get3A_1175 {add = true, strides = array<i32>} : memref<32768xf32, #tpu.memory_space<vmem>>, vector<16xf32>,
              %add3A_1178 = arith.constant 64 : i32
              %add3A_1179 = arith.addi %squeeze3A_1139, %add3A_1178 : i32
              %add3A_1180 = arith.constant 64 : i32
              %add3A_1181 = arith.addi %add3A_1141, %add3A_1180 : i32
              %get3A_1182 = tpu.memref_slice %run_scoped3A[%mul3A_275] : memref<51200xf32, #tpu.memory_space<vmem>> -> memref<25600xf32, #tpu.memory_space<vmem>>
              %get3A_1183 = arith.index_cast %add3A_1181 : i32 to index
              %get3A_1184 = tpu.vector_load %get3A_1182[%get3A_1183] {strides = array<i32>} : memref<25600xf32, #tpu.memory_space<vmem>>, vector<16xf32>,
              %swap3A_1185 = arith.index_cast %add3A_1179 : i32 to index
              %swap3A_1186 = tpu.vector_load %arg6[%swap3A_1185] {strides = array<i32>} : memref<32768xf32, #tpu.memory_space<vmem>>, vector<16xf32>,
              tpu.vector_store %arg6[%swap3A_1185], %get3A_1184 {add = true, strides = array<i32>} : memref<32768xf32, #tpu.memory_space<vmem>>, vector<16xf32>,
              %add3A_1187 = arith.constant 80 : i32
              %add3A_1188 = arith.addi %squeeze3A_1139, %add3A_1187 : i32
              %add3A_1189 = arith.constant 80 : i32
              %add3A_1190 = arith.addi %add3A_1141, %add3A_1189 : i32
              %get3A_1191 = tpu.memref_slice %run_scoped3A[%mul3A_275] : memref<51200xf32, #tpu.memory_space<vmem>> -> memref<25600xf32, #tpu.memory_space<vmem>>
              %get3A_1192 = arith.index_cast %add3A_1190 : i32 to index
              %get3A_1193 = tpu.vector_load %get3A_1191[%get3A_1192] {strides = array<i32>} : memref<25600xf32, #tpu.memory_space<vmem>>, vector<16xf32>,
              %swap3A_1194 = arith.index_cast %add3A_1188 : i32 to index
              %swap3A_1195 = tpu.vector_load %arg6[%swap3A_1194] {strides = array<i32>} : memref<32768xf32, #tpu.memory_space<vmem>>, vector<16xf32>,
              tpu.vector_store %arg6[%swap3A_1194], %get3A_1193 {add = true, strides = array<i32>} : memref<32768xf32, #tpu.memory_space<vmem>>, vector<16xf32>,
              %add3A_1196 = arith.constant 96 : i32
              %add3A_1197 = arith.addi %squeeze3A_1139, %add3A_1196 : i32
              %add3A_1198 = arith.constant 96 : i32
              %add3A_1199 = arith.addi %add3A_1141, %add3A_1198 : i32
              %get3A_1200 = tpu.memref_slice %run_scoped3A[%mul3A_275] : memref<51200xf32, #tpu.memory_space<vmem>> -> memref<25600xf32, #tpu.memory_space<vmem>>
              %get3A_1201 = arith.index_cast %add3A_1199 : i32 to index
              %get3A_1202 = tpu.vector_load %get3A_1200[%get3A_1201] {strides = array<i32>} : memref<25600xf32, #tpu.memory_space<vmem>>, vector<16xf32>,
              %swap3A_1203 = arith.index_cast %add3A_1197 : i32 to index
              %swap3A_1204 = tpu.vector_load %arg6[%swap3A_1203] {strides = array<i32>} : memref<32768xf32, #tpu.memory_space<vmem>>, vector<16xf32>,
              tpu.vector_store %arg6[%swap3A_1203], %get3A_1202 {add = true, strides = array<i32>} : memref<32768xf32, #tpu.memory_space<vmem>>, vector<16xf32>,
              %add3A_1205 = arith.constant 112 : i32
              %add3A_1206 = arith.addi %squeeze3A_1139, %add3A_1205 : i32
              %add3A_1207 = arith.constant 112 : i32
              %add3A_1208 = arith.addi %add3A_1141, %add3A_1207 : i32
              %get3A_1209 = tpu.memref_slice %run_scoped3A[%mul3A_275] : memref<51200xf32, #tpu.memory_space<vmem>> -> memref<25600xf32, #tpu.memory_space<vmem>>
              %get3A_1210 = arith.index_cast %add3A_1208 : i32 to index
              %get3A_1211 = tpu.vector_load %get3A_1209[%get3A_1210] {strides = array<i32>} : memref<25600xf32, #tpu.memory_space<vmem>>, vector<16xf32>,
              %swap3A_1212 = arith.index_cast %add3A_1206 : i32 to index
              %swap3A_1213 = tpu.vector_load %arg6[%swap3A_1212] {strides = array<i32>} : memref<32768xf32, #tpu.memory_space<vmem>>, vector<16xf32>,
              tpu.vector_store %arg6[%swap3A_1212], %get3A_1211 {add = true, strides = array<i32>} : memref<32768xf32, #tpu.memory_space<vmem>>, vector<16xf32>,
              %slice3A_1214 = vector.extract_strided_slice %mul3A_378 {offsets = [11], sizes = [1], strides = [1]} : vector<16xi32> to vector<1xi32>
              %squeeze3A_1215 = vector.extract %slice3A_1214[0] : i32 from vector<1xi32>
              %add3A_1216 = arith.constant 1408 : i32
              %add3A_1217 = arith.addi %mul3A_365, %add3A_1216 : i32
              %add3A_1218 = arith.constant 0 : i32
              %add3A_1219 = arith.addi %squeeze3A_1215, %add3A_1218 : i32
              %add3A_1220 = arith.constant 0 : i32
              %add3A_1221 = arith.addi %add3A_1217, %add3A_1220 : i32
              %get3A_1222 = tpu.memref_slice %run_scoped3A[%mul3A_275] : memref<51200xf32, #tpu.memory_space<vmem>> -> memref<25600xf32, #tpu.memory_space<vmem>>
              %get3A_1223 = arith.index_cast %add3A_1221 : i32 to index
              %get3A_1224 = tpu.vector_load %get3A_1222[%get3A_1223] {strides = array<i32>} : memref<25600xf32, #tpu.memory_space<vmem>>, vector<16xf32>,
              %swap3A_1225 = arith.index_cast %add3A_1219 : i32 to index
              %swap3A_1226 = tpu.vector_load %arg6[%swap3A_1225] {strides = array<i32>} : memref<32768xf32, #tpu.memory_space<vmem>>, vector<16xf32>,
              tpu.vector_store %arg6[%swap3A_1225], %get3A_1224 {add = true, strides = array<i32>} : memref<32768xf32, #tpu.memory_space<vmem>>, vector<16xf32>,
              %add3A_1227 = arith.constant 16 : i32
              %add3A_1228 = arith.addi %squeeze3A_1215, %add3A_1227 : i32
              %add3A_1229 = arith.constant 16 : i32
              %add3A_1230 = arith.addi %add3A_1217, %add3A_1229 : i32
              %get3A_1231 = tpu.memref_slice %run_scoped3A[%mul3A_275] : memref<51200xf32, #tpu.memory_space<vmem>> -> memref<25600xf32, #tpu.memory_space<vmem>>
              %get3A_1232 = arith.index_cast %add3A_1230 : i32 to index
              %get3A_1233 = tpu.vector_load %get3A_1231[%get3A_1232] {strides = array<i32>} : memref<25600xf32, #tpu.memory_space<vmem>>, vector<16xf32>,
              %swap3A_1234 = arith.index_cast %add3A_1228 : i32 to index
              %swap3A_1235 = tpu.vector_load %arg6[%swap3A_1234] {strides = array<i32>} : memref<32768xf32, #tpu.memory_space<vmem>>, vector<16xf32>,
              tpu.vector_store %arg6[%swap3A_1234], %get3A_1233 {add = true, strides = array<i32>} : memref<32768xf32, #tpu.memory_space<vmem>>, vector<16xf32>,
              %add3A_1236 = arith.constant 32 : i32
              %add3A_1237 = arith.addi %squeeze3A_1215, %add3A_1236 : i32
              %add3A_1238 = arith.constant 32 : i32
              %add3A_1239 = arith.addi %add3A_1217, %add3A_1238 : i32
              %get3A_1240 = tpu.memref_slice %run_scoped3A[%mul3A_275] : memref<51200xf32, #tpu.memory_space<vmem>> -> memref<25600xf32, #tpu.memory_space<vmem>>
              %get3A_1241 = arith.index_cast %add3A_1239 : i32 to index
              %get3A_1242 = tpu.vector_load %get3A_1240[%get3A_1241] {strides = array<i32>} : memref<25600xf32, #tpu.memory_space<vmem>>, vector<16xf32>,
              %swap3A_1243 = arith.index_cast %add3A_1237 : i32 to index
              %swap3A_1244 = tpu.vector_load %arg6[%swap3A_1243] {strides = array<i32>} : memref<32768xf32, #tpu.memory_space<vmem>>, vector<16xf32>,
              tpu.vector_store %arg6[%swap3A_1243], %get3A_1242 {add = true, strides = array<i32>} : memref<32768xf32, #tpu.memory_space<vmem>>, vector<16xf32>,
              %add3A_1245 = arith.constant 48 : i32
              %add3A_1246 = arith.addi %squeeze3A_1215, %add3A_1245 : i32
              %add3A_1247 = arith.constant 48 : i32
              %add3A_1248 = arith.addi %add3A_1217, %add3A_1247 : i32
              %get3A_1249 = tpu.memref_slice %run_scoped3A[%mul3A_275] : memref<51200xf32, #tpu.memory_space<vmem>> -> memref<25600xf32, #tpu.memory_space<vmem>>
              %get3A_1250 = arith.index_cast %add3A_1248 : i32 to index
              %get3A_1251 = tpu.vector_load %get3A_1249[%get3A_1250] {strides = array<i32>} : memref<25600xf32, #tpu.memory_space<vmem>>, vector<16xf32>,
              %swap3A_1252 = arith.index_cast %add3A_1246 : i32 to index
              %swap3A_1253 = tpu.vector_load %arg6[%swap3A_1252] {strides = array<i32>} : memref<32768xf32, #tpu.memory_space<vmem>>, vector<16xf32>,
              tpu.vector_store %arg6[%swap3A_1252], %get3A_1251 {add = true, strides = array<i32>} : memref<32768xf32, #tpu.memory_space<vmem>>, vector<16xf32>,
              %add3A_1254 = arith.constant 64 : i32
              %add3A_1255 = arith.addi %squeeze3A_1215, %add3A_1254 : i32
              %add3A_1256 = arith.constant 64 : i32
              %add3A_1257 = arith.addi %add3A_1217, %add3A_1256 : i32
              %get3A_1258 = tpu.memref_slice %run_scoped3A[%mul3A_275] : memref<51200xf32, #tpu.memory_space<vmem>> -> memref<25600xf32, #tpu.memory_space<vmem>>
              %get3A_1259 = arith.index_cast %add3A_1257 : i32 to index
              %get3A_1260 = tpu.vector_load %get3A_1258[%get3A_1259] {strides = array<i32>} : memref<25600xf32, #tpu.memory_space<vmem>>, vector<16xf32>,
              %swap3A_1261 = arith.index_cast %add3A_1255 : i32 to index
              %swap3A_1262 = tpu.vector_load %arg6[%swap3A_1261] {strides = array<i32>} : memref<32768xf32, #tpu.memory_space<vmem>>, vector<16xf32>,
              tpu.vector_store %arg6[%swap3A_1261], %get3A_1260 {add = true, strides = array<i32>} : memref<32768xf32, #tpu.memory_space<vmem>>, vector<16xf32>,
              %add3A_1263 = arith.constant 80 : i32
              %add3A_1264 = arith.addi %squeeze3A_1215, %add3A_1263 : i32
              %add3A_1265 = arith.constant 80 : i32
              %add3A_1266 = arith.addi %add3A_1217, %add3A_1265 : i32
              %get3A_1267 = tpu.memref_slice %run_scoped3A[%mul3A_275] : memref<51200xf32, #tpu.memory_space<vmem>> -> memref<25600xf32, #tpu.memory_space<vmem>>
              %get3A_1268 = arith.index_cast %add3A_1266 : i32 to index
              %get3A_1269 = tpu.vector_load %get3A_1267[%get3A_1268] {strides = array<i32>} : memref<25600xf32, #tpu.memory_space<vmem>>, vector<16xf32>,
              %swap3A_1270 = arith.index_cast %add3A_1264 : i32 to index
              %swap3A_1271 = tpu.vector_load %arg6[%swap3A_1270] {strides = array<i32>} : memref<32768xf32, #tpu.memory_space<vmem>>, vector<16xf32>,
              tpu.vector_store %arg6[%swap3A_1270], %get3A_1269 {add = true, strides = array<i32>} : memref<32768xf32, #tpu.memory_space<vmem>>, vector<16xf32>,
              %add3A_1272 = arith.constant 96 : i32
              %add3A_1273 = arith.addi %squeeze3A_1215, %add3A_1272 : i32
              %add3A_1274 = arith.constant 96 : i32
              %add3A_1275 = arith.addi %add3A_1217, %add3A_1274 : i32
              %get3A_1276 = tpu.memref_slice %run_scoped3A[%mul3A_275] : memref<51200xf32, #tpu.memory_space<vmem>> -> memref<25600xf32, #tpu.memory_space<vmem>>
              %get3A_1277 = arith.index_cast %add3A_1275 : i32 to index
              %get3A_1278 = tpu.vector_load %get3A_1276[%get3A_1277] {strides = array<i32>} : memref<25600xf32, #tpu.memory_space<vmem>>, vector<16xf32>,
              %swap3A_1279 = arith.index_cast %add3A_1273 : i32 to index
              %swap3A_1280 = tpu.vector_load %arg6[%swap3A_1279] {strides = array<i32>} : memref<32768xf32, #tpu.memory_space<vmem>>, vector<16xf32>,
              tpu.vector_store %arg6[%swap3A_1279], %get3A_1278 {add = true, strides = array<i32>} : memref<32768xf32, #tpu.memory_space<vmem>>, vector<16xf32>,
              %add3A_1281 = arith.constant 112 : i32
              %add3A_1282 = arith.addi %squeeze3A_1215, %add3A_1281 : i32
              %add3A_1283 = arith.constant 112 : i32
              %add3A_1284 = arith.addi %add3A_1217, %add3A_1283 : i32
              %get3A_1285 = tpu.memref_slice %run_scoped3A[%mul3A_275] : memref<51200xf32, #tpu.memory_space<vmem>> -> memref<25600xf32, #tpu.memory_space<vmem>>
              %get3A_1286 = arith.index_cast %add3A_1284 : i32 to index
              %get3A_1287 = tpu.vector_load %get3A_1285[%get3A_1286] {strides = array<i32>} : memref<25600xf32, #tpu.memory_space<vmem>>, vector<16xf32>,
              %swap3A_1288 = arith.index_cast %add3A_1282 : i32 to index
              %swap3A_1289 = tpu.vector_load %arg6[%swap3A_1288] {strides = array<i32>} : memref<32768xf32, #tpu.memory_space<vmem>>, vector<16xf32>,
              tpu.vector_store %arg6[%swap3A_1288], %get3A_1287 {add = true, strides = array<i32>} : memref<32768xf32, #tpu.memory_space<vmem>>, vector<16xf32>,
              %slice3A_1290 = vector.extract_strided_slice %mul3A_378 {offsets = [12], sizes = [1], strides = [1]} : vector<16xi32> to vector<1xi32>
              %squeeze3A_1291 = vector.extract %slice3A_1290[0] : i32 from vector<1xi32>
              %add3A_1292 = arith.constant 1536 : i32
              %add3A_1293 = arith.addi %mul3A_365, %add3A_1292 : i32
              %add3A_1294 = arith.constant 0 : i32
              %add3A_1295 = arith.addi %squeeze3A_1291, %add3A_1294 : i32
              %add3A_1296 = arith.constant 0 : i32
              %add3A_1297 = arith.addi %add3A_1293, %add3A_1296 : i32
              %get3A_1298 = tpu.memref_slice %run_scoped3A[%mul3A_275] : memref<51200xf32, #tpu.memory_space<vmem>> -> memref<25600xf32, #tpu.memory_space<vmem>>
              %get3A_1299 = arith.index_cast %add3A_1297 : i32 to index
              %get3A_1300 = tpu.vector_load %get3A_1298[%get3A_1299] {strides = array<i32>} : memref<25600xf32, #tpu.memory_space<vmem>>, vector<16xf32>,
              %swap3A_1301 = arith.index_cast %add3A_1295 : i32 to index
              %swap3A_1302 = tpu.vector_load %arg6[%swap3A_1301] {strides = array<i32>} : memref<32768xf32, #tpu.memory_space<vmem>>, vector<16xf32>,
              tpu.vector_store %arg6[%swap3A_1301], %get3A_1300 {add = true, strides = array<i32>} : memref<32768xf32, #tpu.memory_space<vmem>>, vector<16xf32>,
              %add3A_1303 = arith.constant 16 : i32
              %add3A_1304 = arith.addi %squeeze3A_1291, %add3A_1303 : i32
              %add3A_1305 = arith.constant 16 : i32
              %add3A_1306 = arith.addi %add3A_1293, %add3A_1305 : i32
              %get3A_1307 = tpu.memref_slice %run_scoped3A[%mul3A_275] : memref<51200xf32, #tpu.memory_space<vmem>> -> memref<25600xf32, #tpu.memory_space<vmem>>
              %get3A_1308 = arith.index_cast %add3A_1306 : i32 to index
              %get3A_1309 = tpu.vector_load %get3A_1307[%get3A_1308] {strides = array<i32>} : memref<25600xf32, #tpu.memory_space<vmem>>, vector<16xf32>,
              %swap3A_1310 = arith.index_cast %add3A_1304 : i32 to index
              %swap3A_1311 = tpu.vector_load %arg6[%swap3A_1310] {strides = array<i32>} : memref<32768xf32, #tpu.memory_space<vmem>>, vector<16xf32>,
              tpu.vector_store %arg6[%swap3A_1310], %get3A_1309 {add = true, strides = array<i32>} : memref<32768xf32, #tpu.memory_space<vmem>>, vector<16xf32>,
              %add3A_1312 = arith.constant 32 : i32
              %add3A_1313 = arith.addi %squeeze3A_1291, %add3A_1312 : i32
              %add3A_1314 = arith.constant 32 : i32
              %add3A_1315 = arith.addi %add3A_1293, %add3A_1314 : i32
              %get3A_1316 = tpu.memref_slice %run_scoped3A[%mul3A_275] : memref<51200xf32, #tpu.memory_space<vmem>> -> memref<25600xf32, #tpu.memory_space<vmem>>
              %get3A_1317 = arith.index_cast %add3A_1315 : i32 to index
              %get3A_1318 = tpu.vector_load %get3A_1316[%get3A_1317] {strides = array<i32>} : memref<25600xf32, #tpu.memory_space<vmem>>, vector<16xf32>,
              %swap3A_1319 = arith.index_cast %add3A_1313 : i32 to index
              %swap3A_1320 = tpu.vector_load %arg6[%swap3A_1319] {strides = array<i32>} : memref<32768xf32, #tpu.memory_space<vmem>>, vector<16xf32>,
              tpu.vector_store %arg6[%swap3A_1319], %get3A_1318 {add = true, strides = array<i32>} : memref<32768xf32, #tpu.memory_space<vmem>>, vector<16xf32>,
              %add3A_1321 = arith.constant 48 : i32
              %add3A_1322 = arith.addi %squeeze3A_1291, %add3A_1321 : i32
              %add3A_1323 = arith.constant 48 : i32
              %add3A_1324 = arith.addi %add3A_1293, %add3A_1323 : i32
              %get3A_1325 = tpu.memref_slice %run_scoped3A[%mul3A_275] : memref<51200xf32, #tpu.memory_space<vmem>> -> memref<25600xf32, #tpu.memory_space<vmem>>
              %get3A_1326 = arith.index_cast %add3A_1324 : i32 to index
              %get3A_1327 = tpu.vector_load %get3A_1325[%get3A_1326] {strides = array<i32>} : memref<25600xf32, #tpu.memory_space<vmem>>, vector<16xf32>,
              %swap3A_1328 = arith.index_cast %add3A_1322 : i32 to index
              %swap3A_1329 = tpu.vector_load %arg6[%swap3A_1328] {strides = array<i32>} : memref<32768xf32, #tpu.memory_space<vmem>>, vector<16xf32>,
              tpu.vector_store %arg6[%swap3A_1328], %get3A_1327 {add = true, strides = array<i32>} : memref<32768xf32, #tpu.memory_space<vmem>>, vector<16xf32>,
              %add3A_1330 = arith.constant 64 : i32
              %add3A_1331 = arith.addi %squeeze3A_1291, %add3A_1330 : i32
              %add3A_1332 = arith.constant 64 : i32
              %add3A_1333 = arith.addi %add3A_1293, %add3A_1332 : i32
              %get3A_1334 = tpu.memref_slice %run_scoped3A[%mul3A_275] : memref<51200xf32, #tpu.memory_space<vmem>> -> memref<25600xf32, #tpu.memory_space<vmem>>
              %get3A_1335 = arith.index_cast %add3A_1333 : i32 to index
              %get3A_1336 = tpu.vector_load %get3A_1334[%get3A_1335] {strides = array<i32>} : memref<25600xf32, #tpu.memory_space<vmem>>, vector<16xf32>,
              %swap3A_1337 = arith.index_cast %add3A_1331 : i32 to index
              %swap3A_1338 = tpu.vector_load %arg6[%swap3A_1337] {strides = array<i32>} : memref<32768xf32, #tpu.memory_space<vmem>>, vector<16xf32>,
              tpu.vector_store %arg6[%swap3A_1337], %get3A_1336 {add = true, strides = array<i32>} : memref<32768xf32, #tpu.memory_space<vmem>>, vector<16xf32>,
              %add3A_1339 = arith.constant 80 : i32
              %add3A_1340 = arith.addi %squeeze3A_1291, %add3A_1339 : i32
              %add3A_1341 = arith.constant 80 : i32
              %add3A_1342 = arith.addi %add3A_1293, %add3A_1341 : i32
              %get3A_1343 = tpu.memref_slice %run_scoped3A[%mul3A_275] : memref<51200xf32, #tpu.memory_space<vmem>> -> memref<25600xf32, #tpu.memory_space<vmem>>
              %get3A_1344 = arith.index_cast %add3A_1342 : i32 to index
              %get3A_1345 = tpu.vector_load %get3A_1343[%get3A_1344] {strides = array<i32>} : memref<25600xf32, #tpu.memory_space<vmem>>, vector<16xf32>,
              %swap3A_1346 = arith.index_cast %add3A_1340 : i32 to index
              %swap3A_1347 = tpu.vector_load %arg6[%swap3A_1346] {strides = array<i32>} : memref<32768xf32, #tpu.memory_space<vmem>>, vector<16xf32>,
              tpu.vector_store %arg6[%swap3A_1346], %get3A_1345 {add = true, strides = array<i32>} : memref<32768xf32, #tpu.memory_space<vmem>>, vector<16xf32>,
              %add3A_1348 = arith.constant 96 : i32
              %add3A_1349 = arith.addi %squeeze3A_1291, %add3A_1348 : i32
              %add3A_1350 = arith.constant 96 : i32
              %add3A_1351 = arith.addi %add3A_1293, %add3A_1350 : i32
              %get3A_1352 = tpu.memref_slice %run_scoped3A[%mul3A_275] : memref<51200xf32, #tpu.memory_space<vmem>> -> memref<25600xf32, #tpu.memory_space<vmem>>
              %get3A_1353 = arith.index_cast %add3A_1351 : i32 to index
              %get3A_1354 = tpu.vector_load %get3A_1352[%get3A_1353] {strides = array<i32>} : memref<25600xf32, #tpu.memory_space<vmem>>, vector<16xf32>,
              %swap3A_1355 = arith.index_cast %add3A_1349 : i32 to index
              %swap3A_1356 = tpu.vector_load %arg6[%swap3A_1355] {strides = array<i32>} : memref<32768xf32, #tpu.memory_space<vmem>>, vector<16xf32>,
              tpu.vector_store %arg6[%swap3A_1355], %get3A_1354 {add = true, strides = array<i32>} : memref<32768xf32, #tpu.memory_space<vmem>>, vector<16xf32>,
              %add3A_1357 = arith.constant 112 : i32
              %add3A_1358 = arith.addi %squeeze3A_1291, %add3A_1357 : i32
              %add3A_1359 = arith.constant 112 : i32
              %add3A_1360 = arith.addi %add3A_1293, %add3A_1359 : i32
              %get3A_1361 = tpu.memref_slice %run_scoped3A[%mul3A_275] : memref<51200xf32, #tpu.memory_space<vmem>> -> memref<25600xf32, #tpu.memory_space<vmem>>
              %get3A_1362 = arith.index_cast %add3A_1360 : i32 to index
              %get3A_1363 = tpu.vector_load %get3A_1361[%get3A_1362] {strides = array<i32>} : memref<25600xf32, #tpu.memory_space<vmem>>, vector<16xf32>,
              %swap3A_1364 = arith.index_cast %add3A_1358 : i32 to index
              %swap3A_1365 = tpu.vector_load %arg6[%swap3A_1364] {strides = array<i32>} : memref<32768xf32, #tpu.memory_space<vmem>>, vector<16xf32>,
              tpu.vector_store %arg6[%swap3A_1364], %get3A_1363 {add = true, strides = array<i32>} : memref<32768xf32, #tpu.memory_space<vmem>>, vector<16xf32>,
              %slice3A_1366 = vector.extract_strided_slice %mul3A_378 {offsets = [13], sizes = [1], strides = [1]} : vector<16xi32> to vector<1xi32>
              %squeeze3A_1367 = vector.extract %slice3A_1366[0] : i32 from vector<1xi32>
              %add3A_1368 = arith.constant 1664 : i32
              %add3A_1369 = arith.addi %mul3A_365, %add3A_1368 : i32
              %add3A_1370 = arith.constant 0 : i32
              %add3A_1371 = arith.addi %squeeze3A_1367, %add3A_1370 : i32
              %add3A_1372 = arith.constant 0 : i32
              %add3A_1373 = arith.addi %add3A_1369, %add3A_1372 : i32
              %get3A_1374 = tpu.memref_slice %run_scoped3A[%mul3A_275] : memref<51200xf32, #tpu.memory_space<vmem>> -> memref<25600xf32, #tpu.memory_space<vmem>>
              %get3A_1375 = arith.index_cast %add3A_1373 : i32 to index
              %get3A_1376 = tpu.vector_load %get3A_1374[%get3A_1375] {strides = array<i32>} : memref<25600xf32, #tpu.memory_space<vmem>>, vector<16xf32>,
              %swap3A_1377 = arith.index_cast %add3A_1371 : i32 to index
              %swap3A_1378 = tpu.vector_load %arg6[%swap3A_1377] {strides = array<i32>} : memref<32768xf32, #tpu.memory_space<vmem>>, vector<16xf32>,
              tpu.vector_store %arg6[%swap3A_1377], %get3A_1376 {add = true, strides = array<i32>} : memref<32768xf32, #tpu.memory_space<vmem>>, vector<16xf32>,
              %add3A_1379 = arith.constant 16 : i32
              %add3A_1380 = arith.addi %squeeze3A_1367, %add3A_1379 : i32
              %add3A_1381 = arith.constant 16 : i32
              %add3A_1382 = arith.addi %add3A_1369, %add3A_1381 : i32
              %get3A_1383 = tpu.memref_slice %run_scoped3A[%mul3A_275] : memref<51200xf32, #tpu.memory_space<vmem>> -> memref<25600xf32, #tpu.memory_space<vmem>>
              %get3A_1384 = arith.index_cast %add3A_1382 : i32 to index
              %get3A_1385 = tpu.vector_load %get3A_1383[%get3A_1384] {strides = array<i32>} : memref<25600xf32, #tpu.memory_space<vmem>>, vector<16xf32>,
              %swap3A_1386 = arith.index_cast %add3A_1380 : i32 to index
              %swap3A_1387 = tpu.vector_load %arg6[%swap3A_1386] {strides = array<i32>} : memref<32768xf32, #tpu.memory_space<vmem>>, vector<16xf32>,
              tpu.vector_store %arg6[%swap3A_1386], %get3A_1385 {add = true, strides = array<i32>} : memref<32768xf32, #tpu.memory_space<vmem>>, vector<16xf32>,
              %add3A_1388 = arith.constant 32 : i32
              %add3A_1389 = arith.addi %squeeze3A_1367, %add3A_1388 : i32
              %add3A_1390 = arith.constant 32 : i32
              %add3A_1391 = arith.addi %add3A_1369, %add3A_1390 : i32
              %get3A_1392 = tpu.memref_slice %run_scoped3A[%mul3A_275] : memref<51200xf32, #tpu.memory_space<vmem>> -> memref<25600xf32, #tpu.memory_space<vmem>>
              %get3A_1393 = arith.index_cast %add3A_1391 : i32 to index
              %get3A_1394 = tpu.vector_load %get3A_1392[%get3A_1393] {strides = array<i32>} : memref<25600xf32, #tpu.memory_space<vmem>>, vector<16xf32>,
              %swap3A_1395 = arith.index_cast %add3A_1389 : i32 to index
              %swap3A_1396 = tpu.vector_load %arg6[%swap3A_1395] {strides = array<i32>} : memref<32768xf32, #tpu.memory_space<vmem>>, vector<16xf32>,
              tpu.vector_store %arg6[%swap3A_1395], %get3A_1394 {add = true, strides = array<i32>} : memref<32768xf32, #tpu.memory_space<vmem>>, vector<16xf32>,
              %add3A_1397 = arith.constant 48 : i32
              %add3A_1398 = arith.addi %squeeze3A_1367, %add3A_1397 : i32
              %add3A_1399 = arith.constant 48 : i32
              %add3A_1400 = arith.addi %add3A_1369, %add3A_1399 : i32
              %get3A_1401 = tpu.memref_slice %run_scoped3A[%mul3A_275] : memref<51200xf32, #tpu.memory_space<vmem>> -> memref<25600xf32, #tpu.memory_space<vmem>>
              %get3A_1402 = arith.index_cast %add3A_1400 : i32 to index
              %get3A_1403 = tpu.vector_load %get3A_1401[%get3A_1402] {strides = array<i32>} : memref<25600xf32, #tpu.memory_space<vmem>>, vector<16xf32>,
              %swap3A_1404 = arith.index_cast %add3A_1398 : i32 to index
              %swap3A_1405 = tpu.vector_load %arg6[%swap3A_1404] {strides = array<i32>} : memref<32768xf32, #tpu.memory_space<vmem>>, vector<16xf32>,
              tpu.vector_store %arg6[%swap3A_1404], %get3A_1403 {add = true, strides = array<i32>} : memref<32768xf32, #tpu.memory_space<vmem>>, vector<16xf32>,
              %add3A_1406 = arith.constant 64 : i32
              %add3A_1407 = arith.addi %squeeze3A_1367, %add3A_1406 : i32
              %add3A_1408 = arith.constant 64 : i32
              %add3A_1409 = arith.addi %add3A_1369, %add3A_1408 : i32
              %get3A_1410 = tpu.memref_slice %run_scoped3A[%mul3A_275] : memref<51200xf32, #tpu.memory_space<vmem>> -> memref<25600xf32, #tpu.memory_space<vmem>>
              %get3A_1411 = arith.index_cast %add3A_1409 : i32 to index
              %get3A_1412 = tpu.vector_load %get3A_1410[%get3A_1411] {strides = array<i32>} : memref<25600xf32, #tpu.memory_space<vmem>>, vector<16xf32>,
              %swap3A_1413 = arith.index_cast %add3A_1407 : i32 to index
              %swap3A_1414 = tpu.vector_load %arg6[%swap3A_1413] {strides = array<i32>} : memref<32768xf32, #tpu.memory_space<vmem>>, vector<16xf32>,
              tpu.vector_store %arg6[%swap3A_1413], %get3A_1412 {add = true, strides = array<i32>} : memref<32768xf32, #tpu.memory_space<vmem>>, vector<16xf32>,
              %add3A_1415 = arith.constant 80 : i32
              %add3A_1416 = arith.addi %squeeze3A_1367, %add3A_1415 : i32
              %add3A_1417 = arith.constant 80 : i32
              %add3A_1418 = arith.addi %add3A_1369, %add3A_1417 : i32
              %get3A_1419 = tpu.memref_slice %run_scoped3A[%mul3A_275] : memref<51200xf32, #tpu.memory_space<vmem>> -> memref<25600xf32, #tpu.memory_space<vmem>>
              %get3A_1420 = arith.index_cast %add3A_1418 : i32 to index
              %get3A_1421 = tpu.vector_load %get3A_1419[%get3A_1420] {strides = array<i32>} : memref<25600xf32, #tpu.memory_space<vmem>>, vector<16xf32>,
              %swap3A_1422 = arith.index_cast %add3A_1416 : i32 to index
              %swap3A_1423 = tpu.vector_load %arg6[%swap3A_1422] {strides = array<i32>} : memref<32768xf32, #tpu.memory_space<vmem>>, vector<16xf32>,
              tpu.vector_store %arg6[%swap3A_1422], %get3A_1421 {add = true, strides = array<i32>} : memref<32768xf32, #tpu.memory_space<vmem>>, vector<16xf32>,
              %add3A_1424 = arith.constant 96 : i32
              %add3A_1425 = arith.addi %squeeze3A_1367, %add3A_1424 : i32
              %add3A_1426 = arith.constant 96 : i32
              %add3A_1427 = arith.addi %add3A_1369, %add3A_1426 : i32
              %get3A_1428 = tpu.memref_slice %run_scoped3A[%mul3A_275] : memref<51200xf32, #tpu.memory_space<vmem>> -> memref<25600xf32, #tpu.memory_space<vmem>>
              %get3A_1429 = arith.index_cast %add3A_1427 : i32 to index
              %get3A_1430 = tpu.vector_load %get3A_1428[%get3A_1429] {strides = array<i32>} : memref<25600xf32, #tpu.memory_space<vmem>>, vector<16xf32>,
              %swap3A_1431 = arith.index_cast %add3A_1425 : i32 to index
              %swap3A_1432 = tpu.vector_load %arg6[%swap3A_1431] {strides = array<i32>} : memref<32768xf32, #tpu.memory_space<vmem>>, vector<16xf32>,
              tpu.vector_store %arg6[%swap3A_1431], %get3A_1430 {add = true, strides = array<i32>} : memref<32768xf32, #tpu.memory_space<vmem>>, vector<16xf32>,
              %add3A_1433 = arith.constant 112 : i32
              %add3A_1434 = arith.addi %squeeze3A_1367, %add3A_1433 : i32
              %add3A_1435 = arith.constant 112 : i32
              %add3A_1436 = arith.addi %add3A_1369, %add3A_1435 : i32
              %get3A_1437 = tpu.memref_slice %run_scoped3A[%mul3A_275] : memref<51200xf32, #tpu.memory_space<vmem>> -> memref<25600xf32, #tpu.memory_space<vmem>>
              %get3A_1438 = arith.index_cast %add3A_1436 : i32 to index
              %get3A_1439 = tpu.vector_load %get3A_1437[%get3A_1438] {strides = array<i32>} : memref<25600xf32, #tpu.memory_space<vmem>>, vector<16xf32>,
              %swap3A_1440 = arith.index_cast %add3A_1434 : i32 to index
              %swap3A_1441 = tpu.vector_load %arg6[%swap3A_1440] {strides = array<i32>} : memref<32768xf32, #tpu.memory_space<vmem>>, vector<16xf32>,
              tpu.vector_store %arg6[%swap3A_1440], %get3A_1439 {add = true, strides = array<i32>} : memref<32768xf32, #tpu.memory_space<vmem>>, vector<16xf32>,
              %slice3A_1442 = vector.extract_strided_slice %mul3A_378 {offsets = [14], sizes = [1], strides = [1]} : vector<16xi32> to vector<1xi32>
              %squeeze3A_1443 = vector.extract %slice3A_1442[0] : i32 from vector<1xi32>
              %add3A_1444 = arith.constant 1792 : i32
              %add3A_1445 = arith.addi %mul3A_365, %add3A_1444 : i32
              %add3A_1446 = arith.constant 0 : i32
              %add3A_1447 = arith.addi %squeeze3A_1443, %add3A_1446 : i32
              %add3A_1448 = arith.constant 0 : i32
              %add3A_1449 = arith.addi %add3A_1445, %add3A_1448 : i32
              %get3A_1450 = tpu.memref_slice %run_scoped3A[%mul3A_275] : memref<51200xf32, #tpu.memory_space<vmem>> -> memref<25600xf32, #tpu.memory_space<vmem>>
              %get3A_1451 = arith.index_cast %add3A_1449 : i32 to index
              %get3A_1452 = tpu.vector_load %get3A_1450[%get3A_1451] {strides = array<i32>} : memref<25600xf32, #tpu.memory_space<vmem>>, vector<16xf32>,
              %swap3A_1453 = arith.index_cast %add3A_1447 : i32 to index
              %swap3A_1454 = tpu.vector_load %arg6[%swap3A_1453] {strides = array<i32>} : memref<32768xf32, #tpu.memory_space<vmem>>, vector<16xf32>,
              tpu.vector_store %arg6[%swap3A_1453], %get3A_1452 {add = true, strides = array<i32>} : memref<32768xf32, #tpu.memory_space<vmem>>, vector<16xf32>,
              %add3A_1455 = arith.constant 16 : i32
              %add3A_1456 = arith.addi %squeeze3A_1443, %add3A_1455 : i32
              %add3A_1457 = arith.constant 16 : i32
              %add3A_1458 = arith.addi %add3A_1445, %add3A_1457 : i32
              %get3A_1459 = tpu.memref_slice %run_scoped3A[%mul3A_275] : memref<51200xf32, #tpu.memory_space<vmem>> -> memref<25600xf32, #tpu.memory_space<vmem>>
              %get3A_1460 = arith.index_cast %add3A_1458 : i32 to index
              %get3A_1461 = tpu.vector_load %get3A_1459[%get3A_1460] {strides = array<i32>} : memref<25600xf32, #tpu.memory_space<vmem>>, vector<16xf32>,
              %swap3A_1462 = arith.index_cast %add3A_1456 : i32 to index
              %swap3A_1463 = tpu.vector_load %arg6[%swap3A_1462] {strides = array<i32>} : memref<32768xf32, #tpu.memory_space<vmem>>, vector<16xf32>,
              tpu.vector_store %arg6[%swap3A_1462], %get3A_1461 {add = true, strides = array<i32>} : memref<32768xf32, #tpu.memory_space<vmem>>, vector<16xf32>,
              %add3A_1464 = arith.constant 32 : i32
              %add3A_1465 = arith.addi %squeeze3A_1443, %add3A_1464 : i32
              %add3A_1466 = arith.constant 32 : i32
              %add3A_1467 = arith.addi %add3A_1445, %add3A_1466 : i32
              %get3A_1468 = tpu.memref_slice %run_scoped3A[%mul3A_275] : memref<51200xf32, #tpu.memory_space<vmem>> -> memref<25600xf32, #tpu.memory_space<vmem>>
              %get3A_1469 = arith.index_cast %add3A_1467 : i32 to index
              %get3A_1470 = tpu.vector_load %get3A_1468[%get3A_1469] {strides = array<i32>} : memref<25600xf32, #tpu.memory_space<vmem>>, vector<16xf32>,
              %swap3A_1471 = arith.index_cast %add3A_1465 : i32 to index
              %swap3A_1472 = tpu.vector_load %arg6[%swap3A_1471] {strides = array<i32>} : memref<32768xf32, #tpu.memory_space<vmem>>, vector<16xf32>,
              tpu.vector_store %arg6[%swap3A_1471], %get3A_1470 {add = true, strides = array<i32>} : memref<32768xf32, #tpu.memory_space<vmem>>, vector<16xf32>,
              %add3A_1473 = arith.constant 48 : i32
              %add3A_1474 = arith.addi %squeeze3A_1443, %add3A_1473 : i32
              %add3A_1475 = arith.constant 48 : i32
              %add3A_1476 = arith.addi %add3A_1445, %add3A_1475 : i32
              %get3A_1477 = tpu.memref_slice %run_scoped3A[%mul3A_275] : memref<51200xf32, #tpu.memory_space<vmem>> -> memref<25600xf32, #tpu.memory_space<vmem>>
              %get3A_1478 = arith.index_cast %add3A_1476 : i32 to index
              %get3A_1479 = tpu.vector_load %get3A_1477[%get3A_1478] {strides = array<i32>} : memref<25600xf32, #tpu.memory_space<vmem>>, vector<16xf32>,
              %swap3A_1480 = arith.index_cast %add3A_1474 : i32 to index
              %swap3A_1481 = tpu.vector_load %arg6[%swap3A_1480] {strides = array<i32>} : memref<32768xf32, #tpu.memory_space<vmem>>, vector<16xf32>,
              tpu.vector_store %arg6[%swap3A_1480], %get3A_1479 {add = true, strides = array<i32>} : memref<32768xf32, #tpu.memory_space<vmem>>, vector<16xf32>,
              %add3A_1482 = arith.constant 64 : i32
              %add3A_1483 = arith.addi %squeeze3A_1443, %add3A_1482 : i32
              %add3A_1484 = arith.constant 64 : i32
              %add3A_1485 = arith.addi %add3A_1445, %add3A_1484 : i32
              %get3A_1486 = tpu.memref_slice %run_scoped3A[%mul3A_275] : memref<51200xf32, #tpu.memory_space<vmem>> -> memref<25600xf32, #tpu.memory_space<vmem>>
              %get3A_1487 = arith.index_cast %add3A_1485 : i32 to index
              %get3A_1488 = tpu.vector_load %get3A_1486[%get3A_1487] {strides = array<i32>} : memref<25600xf32, #tpu.memory_space<vmem>>, vector<16xf32>,
              %swap3A_1489 = arith.index_cast %add3A_1483 : i32 to index
              %swap3A_1490 = tpu.vector_load %arg6[%swap3A_1489] {strides = array<i32>} : memref<32768xf32, #tpu.memory_space<vmem>>, vector<16xf32>,
              tpu.vector_store %arg6[%swap3A_1489], %get3A_1488 {add = true, strides = array<i32>} : memref<32768xf32, #tpu.memory_space<vmem>>, vector<16xf32>,
              %add3A_1491 = arith.constant 80 : i32
              %add3A_1492 = arith.addi %squeeze3A_1443, %add3A_1491 : i32
              %add3A_1493 = arith.constant 80 : i32
              %add3A_1494 = arith.addi %add3A_1445, %add3A_1493 : i32
              %get3A_1495 = tpu.memref_slice %run_scoped3A[%mul3A_275] : memref<51200xf32, #tpu.memory_space<vmem>> -> memref<25600xf32, #tpu.memory_space<vmem>>
              %get3A_1496 = arith.index_cast %add3A_1494 : i32 to index
              %get3A_1497 = tpu.vector_load %get3A_1495[%get3A_1496] {strides = array<i32>} : memref<25600xf32, #tpu.memory_space<vmem>>, vector<16xf32>,
              %swap3A_1498 = arith.index_cast %add3A_1492 : i32 to index
              %swap3A_1499 = tpu.vector_load %arg6[%swap3A_1498] {strides = array<i32>} : memref<32768xf32, #tpu.memory_space<vmem>>, vector<16xf32>,
              tpu.vector_store %arg6[%swap3A_1498], %get3A_1497 {add = true, strides = array<i32>} : memref<32768xf32, #tpu.memory_space<vmem>>, vector<16xf32>,
              %add3A_1500 = arith.constant 96 : i32
              %add3A_1501 = arith.addi %squeeze3A_1443, %add3A_1500 : i32
              %add3A_1502 = arith.constant 96 : i32
              %add3A_1503 = arith.addi %add3A_1445, %add3A_1502 : i32
              %get3A_1504 = tpu.memref_slice %run_scoped3A[%mul3A_275] : memref<51200xf32, #tpu.memory_space<vmem>> -> memref<25600xf32, #tpu.memory_space<vmem>>
              %get3A_1505 = arith.index_cast %add3A_1503 : i32 to index
              %get3A_1506 = tpu.vector_load %get3A_1504[%get3A_1505] {strides = array<i32>} : memref<25600xf32, #tpu.memory_space<vmem>>, vector<16xf32>,
              %swap3A_1507 = arith.index_cast %add3A_1501 : i32 to index
              %swap3A_1508 = tpu.vector_load %arg6[%swap3A_1507] {strides = array<i32>} : memref<32768xf32, #tpu.memory_space<vmem>>, vector<16xf32>,
              tpu.vector_store %arg6[%swap3A_1507], %get3A_1506 {add = true, strides = array<i32>} : memref<32768xf32, #tpu.memory_space<vmem>>, vector<16xf32>,
              %add3A_1509 = arith.constant 112 : i32
              %add3A_1510 = arith.addi %squeeze3A_1443, %add3A_1509 : i32
              %add3A_1511 = arith.constant 112 : i32
              %add3A_1512 = arith.addi %add3A_1445, %add3A_1511 : i32
              %get3A_1513 = tpu.memref_slice %run_scoped3A[%mul3A_275] : memref<51200xf32, #tpu.memory_space<vmem>> -> memref<25600xf32, #tpu.memory_space<vmem>>
              %get3A_1514 = arith.index_cast %add3A_1512 : i32 to index
              %get3A_1515 = tpu.vector_load %get3A_1513[%get3A_1514] {strides = array<i32>} : memref<25600xf32, #tpu.memory_space<vmem>>, vector<16xf32>,
              %swap3A_1516 = arith.index_cast %add3A_1510 : i32 to index
              %swap3A_1517 = tpu.vector_load %arg6[%swap3A_1516] {strides = array<i32>} : memref<32768xf32, #tpu.memory_space<vmem>>, vector<16xf32>,
              tpu.vector_store %arg6[%swap3A_1516], %get3A_1515 {add = true, strides = array<i32>} : memref<32768xf32, #tpu.memory_space<vmem>>, vector<16xf32>,
              %slice3A_1518 = vector.extract_strided_slice %mul3A_378 {offsets = [15], sizes = [1], strides = [1]} : vector<16xi32> to vector<1xi32>
              %squeeze3A_1519 = vector.extract %slice3A_1518[0] : i32 from vector<1xi32>
              %add3A_1520 = arith.constant 1920 : i32
              %add3A_1521 = arith.addi %mul3A_365, %add3A_1520 : i32
              %add3A_1522 = arith.constant 0 : i32
              %add3A_1523 = arith.addi %squeeze3A_1519, %add3A_1522 : i32
              %add3A_1524 = arith.constant 0 : i32
              %add3A_1525 = arith.addi %add3A_1521, %add3A_1524 : i32
              %get3A_1526 = tpu.memref_slice %run_scoped3A[%mul3A_275] : memref<51200xf32, #tpu.memory_space<vmem>> -> memref<25600xf32, #tpu.memory_space<vmem>>
              %get3A_1527 = arith.index_cast %add3A_1525 : i32 to index
              %get3A_1528 = tpu.vector_load %get3A_1526[%get3A_1527] {strides = array<i32>} : memref<25600xf32, #tpu.memory_space<vmem>>, vector<16xf32>,
              %swap3A_1529 = arith.index_cast %add3A_1523 : i32 to index
              %swap3A_1530 = tpu.vector_load %arg6[%swap3A_1529] {strides = array<i32>} : memref<32768xf32, #tpu.memory_space<vmem>>, vector<16xf32>,
              tpu.vector_store %arg6[%swap3A_1529], %get3A_1528 {add = true, strides = array<i32>} : memref<32768xf32, #tpu.memory_space<vmem>>, vector<16xf32>,
              %add3A_1531 = arith.constant 16 : i32
              %add3A_1532 = arith.addi %squeeze3A_1519, %add3A_1531 : i32
              %add3A_1533 = arith.constant 16 : i32
              %add3A_1534 = arith.addi %add3A_1521, %add3A_1533 : i32
              %get3A_1535 = tpu.memref_slice %run_scoped3A[%mul3A_275] : memref<51200xf32, #tpu.memory_space<vmem>> -> memref<25600xf32, #tpu.memory_space<vmem>>
              %get3A_1536 = arith.index_cast %add3A_1534 : i32 to index
              %get3A_1537 = tpu.vector_load %get3A_1535[%get3A_1536] {strides = array<i32>} : memref<25600xf32, #tpu.memory_space<vmem>>, vector<16xf32>,
              %swap3A_1538 = arith.index_cast %add3A_1532 : i32 to index
              %swap3A_1539 = tpu.vector_load %arg6[%swap3A_1538] {strides = array<i32>} : memref<32768xf32, #tpu.memory_space<vmem>>, vector<16xf32>,
              tpu.vector_store %arg6[%swap3A_1538], %get3A_1537 {add = true, strides = array<i32>} : memref<32768xf32, #tpu.memory_space<vmem>>, vector<16xf32>,
              %add3A_1540 = arith.constant 32 : i32
              %add3A_1541 = arith.addi %squeeze3A_1519, %add3A_1540 : i32
              %add3A_1542 = arith.constant 32 : i32
              %add3A_1543 = arith.addi %add3A_1521, %add3A_1542 : i32
              %get3A_1544 = tpu.memref_slice %run_scoped3A[%mul3A_275] : memref<51200xf32, #tpu.memory_space<vmem>> -> memref<25600xf32, #tpu.memory_space<vmem>>
              %get3A_1545 = arith.index_cast %add3A_1543 : i32 to index
              %get3A_1546 = tpu.vector_load %get3A_1544[%get3A_1545] {strides = array<i32>} : memref<25600xf32, #tpu.memory_space<vmem>>, vector<16xf32>,
              %swap3A_1547 = arith.index_cast %add3A_1541 : i32 to index
              %swap3A_1548 = tpu.vector_load %arg6[%swap3A_1547] {strides = array<i32>} : memref<32768xf32, #tpu.memory_space<vmem>>, vector<16xf32>,
              tpu.vector_store %arg6[%swap3A_1547], %get3A_1546 {add = true, strides = array<i32>} : memref<32768xf32, #tpu.memory_space<vmem>>, vector<16xf32>,
              %add3A_1549 = arith.constant 48 : i32
              %add3A_1550 = arith.addi %squeeze3A_1519, %add3A_1549 : i32
              %add3A_1551 = arith.constant 48 : i32
              %add3A_1552 = arith.addi %add3A_1521, %add3A_1551 : i32
              %get3A_1553 = tpu.memref_slice %run_scoped3A[%mul3A_275] : memref<51200xf32, #tpu.memory_space<vmem>> -> memref<25600xf32, #tpu.memory_space<vmem>>
              %get3A_1554 = arith.index_cast %add3A_1552 : i32 to index
              %get3A_1555 = tpu.vector_load %get3A_1553[%get3A_1554] {strides = array<i32>} : memref<25600xf32, #tpu.memory_space<vmem>>, vector<16xf32>,
              %swap3A_1556 = arith.index_cast %add3A_1550 : i32 to index
              %swap3A_1557 = tpu.vector_load %arg6[%swap3A_1556] {strides = array<i32>} : memref<32768xf32, #tpu.memory_space<vmem>>, vector<16xf32>,
              tpu.vector_store %arg6[%swap3A_1556], %get3A_1555 {add = true, strides = array<i32>} : memref<32768xf32, #tpu.memory_space<vmem>>, vector<16xf32>,
              %add3A_1558 = arith.constant 64 : i32
              %add3A_1559 = arith.addi %squeeze3A_1519, %add3A_1558 : i32
              %add3A_1560 = arith.constant 64 : i32
              %add3A_1561 = arith.addi %add3A_1521, %add3A_1560 : i32
              %get3A_1562 = tpu.memref_slice %run_scoped3A[%mul3A_275] : memref<51200xf32, #tpu.memory_space<vmem>> -> memref<25600xf32, #tpu.memory_space<vmem>>
              %get3A_1563 = arith.index_cast %add3A_1561 : i32 to index
              %get3A_1564 = tpu.vector_load %get3A_1562[%get3A_1563] {strides = array<i32>} : memref<25600xf32, #tpu.memory_space<vmem>>, vector<16xf32>,
              %swap3A_1565 = arith.index_cast %add3A_1559 : i32 to index
              %swap3A_1566 = tpu.vector_load %arg6[%swap3A_1565] {strides = array<i32>} : memref<32768xf32, #tpu.memory_space<vmem>>, vector<16xf32>,
              tpu.vector_store %arg6[%swap3A_1565], %get3A_1564 {add = true, strides = array<i32>} : memref<32768xf32, #tpu.memory_space<vmem>>, vector<16xf32>,
              %add3A_1567 = arith.constant 80 : i32
              %add3A_1568 = arith.addi %squeeze3A_1519, %add3A_1567 : i32
              %add3A_1569 = arith.constant 80 : i32
              %add3A_1570 = arith.addi %add3A_1521, %add3A_1569 : i32
              %get3A_1571 = tpu.memref_slice %run_scoped3A[%mul3A_275] : memref<51200xf32, #tpu.memory_space<vmem>> -> memref<25600xf32, #tpu.memory_space<vmem>>
              %get3A_1572 = arith.index_cast %add3A_1570 : i32 to index
              %get3A_1573 = tpu.vector_load %get3A_1571[%get3A_1572] {strides = array<i32>} : memref<25600xf32, #tpu.memory_space<vmem>>, vector<16xf32>,
              %swap3A_1574 = arith.index_cast %add3A_1568 : i32 to index
              %swap3A_1575 = tpu.vector_load %arg6[%swap3A_1574] {strides = array<i32>} : memref<32768xf32, #tpu.memory_space<vmem>>, vector<16xf32>,
              tpu.vector_store %arg6[%swap3A_1574], %get3A_1573 {add = true, strides = array<i32>} : memref<32768xf32, #tpu.memory_space<vmem>>, vector<16xf32>,
              %add3A_1576 = arith.constant 96 : i32
              %add3A_1577 = arith.addi %squeeze3A_1519, %add3A_1576 : i32
              %add3A_1578 = arith.constant 96 : i32
              %add3A_1579 = arith.addi %add3A_1521, %add3A_1578 : i32
              %get3A_1580 = tpu.memref_slice %run_scoped3A[%mul3A_275] : memref<51200xf32, #tpu.memory_space<vmem>> -> memref<25600xf32, #tpu.memory_space<vmem>>
              %get3A_1581 = arith.index_cast %add3A_1579 : i32 to index
              %get3A_1582 = tpu.vector_load %get3A_1580[%get3A_1581] {strides = array<i32>} : memref<25600xf32, #tpu.memory_space<vmem>>, vector<16xf32>,
              %swap3A_1583 = arith.index_cast %add3A_1577 : i32 to index
              %swap3A_1584 = tpu.vector_load %arg6[%swap3A_1583] {strides = array<i32>} : memref<32768xf32, #tpu.memory_space<vmem>>, vector<16xf32>,
              tpu.vector_store %arg6[%swap3A_1583], %get3A_1582 {add = true, strides = array<i32>} : memref<32768xf32, #tpu.memory_space<vmem>>, vector<16xf32>,
              %add3A_1585 = arith.constant 112 : i32
              %add3A_1586 = arith.addi %squeeze3A_1519, %add3A_1585 : i32
              %add3A_1587 = arith.constant 112 : i32
              %add3A_1588 = arith.addi %add3A_1521, %add3A_1587 : i32
              %get3A_1589 = tpu.memref_slice %run_scoped3A[%mul3A_275] : memref<51200xf32, #tpu.memory_space<vmem>> -> memref<25600xf32, #tpu.memory_space<vmem>>
              %get3A_1590 = arith.index_cast %add3A_1588 : i32 to index
              %get3A_1591 = tpu.vector_load %get3A_1589[%get3A_1590] {strides = array<i32>} : memref<25600xf32, #tpu.memory_space<vmem>>, vector<16xf32>,
              %swap3A_1592 = arith.index_cast %add3A_1586 : i32 to index
              %swap3A_1593 = tpu.vector_load %arg6[%swap3A_1592] {strides = array<i32>} : memref<32768xf32, #tpu.memory_space<vmem>>, vector<16xf32>,
              tpu.vector_store %arg6[%swap3A_1592], %get3A_1591 {add = true, strides = array<i32>} : memref<32768xf32, #tpu.memory_space<vmem>>, vector<16xf32>,
            } else {
            }
          }
          %scan3A_282 = arith.constant 12 : i32
          "tpu.trace_stop"() : () -> ()
          %ne3A_283 = arith.cmpi ne, %add3A_194, %add3A_212 : i32
          %or3A_284 = arith.constant false
          %or3A_285 = arith.ori %or3A_284, %ne3A_283 : i1
          %or3A_286 = arith.ori %or3A_285, %eq3A_193 : i1
          %convert_element_type3A_287 = arith.extui %or3A_286 : i1 to i32
          %cond3A_288 = arith.constant 0 : i32
          %cond3A_289 = arith.cmpi ne, %convert_element_type3A_287, %cond3A_288 : i32
          scf.if %cond3A_289 {
          } else {
          }
          %and3A_290 = arith.constant false
          %and3A_291 = arith.andi %or3A_286, %and3A_290 : i1
          %ne3A_292 = arith.cmpi ne, %add3A_194, %add3A_212 : i32
          %or3A_293 = arith.constant false
          %or3A_294 = arith.ori %or3A_293, %ne3A_292 : i1
          %or3A_295 = arith.constant false
          %or3A_296 = arith.ori %or3A_294, %or3A_295 : i1
          %or3A_297 = arith.ori %or3A_296, %eq3A_193 : i1
          %convert_element_type3A_298 = arith.extui %or3A_297 : i1 to i32
          %cond3A_299 = arith.constant 0 : i32
          %cond3A_300 = arith.cmpi ne, %convert_element_type3A_298, %cond3A_299 : i32
          scf.if %cond3A_300 {
          } else {
          }
          %and3A_301 = arith.constant false
          %and3A_302 = arith.andi %or3A_297, %and3A_301 : i1
          %ne3A_303 = arith.cmpi ne, %add3A_194, %add3A_204 : i32
          %or3A_304 = arith.constant false
          %or3A_305 = arith.ori %or3A_304, %ne3A_303 : i1
          %not3A_306 = arith.constant true
          %not3A_307 = arith.xori %eq3A_190, %not3A_306 : i1
          %and3A_308 = arith.andi %or3A_305, %not3A_307 : i1
          %convert_element_type3A_309 = arith.extui %and3A_308 : i1 to i32
          %cond3A_310 = arith.constant 0 : i32
          %cond3A_311 = arith.cmpi ne, %convert_element_type3A_309, %cond3A_310 : i32
          scf.if %cond3A_311 {
          } else {
          }
          %and3A_312 = arith.constant false
          %and3A_313 = arith.andi %and3A_308, %and3A_312 : i1
          %ne3A_314 = arith.cmpi ne, %add3A_194, %add3A_204 : i32
          %or3A_315 = arith.constant false
          %or3A_316 = arith.ori %or3A_315, %ne3A_314 : i1
          %or3A_317 = arith.constant false
          %or3A_318 = arith.ori %or3A_316, %or3A_317 : i1
          %not3A_319 = arith.constant true
          %not3A_320 = arith.xori %eq3A_190, %not3A_319 : i1
          %and3A_321 = arith.andi %or3A_318, %not3A_320 : i1
          %convert_element_type3A_322 = arith.extui %and3A_321 : i1 to i32
          %cond3A_323 = arith.constant 0 : i32
          %cond3A_324 = arith.cmpi ne, %convert_element_type3A_322, %cond3A_323 : i32
          scf.if %cond3A_324 {
          } else {
          }
          %and3A_325 = arith.constant false
          %and3A_326 = arith.andi %and3A_321, %and3A_325 : i1
          %ne3A_327 = arith.cmpi ne, %add3A_194, %add3A_212 : i32
          %or3A_328 = arith.constant false
          %or3A_329 = arith.ori %or3A_328, %ne3A_327 : i1
          %or3A_330 = arith.ori %or3A_329, %eq3A_193 : i1
          %add3A_331 = arith.constant 1 : i32
          %add3A_332 = arith.addi %while3A_183, %add3A_331 : i32
          %select_n3A_333 = arith.select %or3A_330, %add3A_332, %while3A_183 : i32
          %ne3A_334 = arith.cmpi ne, %add3A_194, %add3A_212 : i32
          %or3A_335 = arith.constant false
          %or3A_336 = arith.ori %or3A_335, %ne3A_334 : i1
          %or3A_337 = arith.constant false
          %or3A_338 = arith.ori %or3A_336, %or3A_337 : i1
          %or3A_339 = arith.ori %or3A_338, %eq3A_193 : i1
          %add3A_340 = arith.constant 1 : i32
          %add3A_341 = arith.addi %while3A_185, %add3A_340 : i32
          %select_n3A_342 = arith.select %or3A_339, %add3A_341, %while3A_185 : i32
          %add3A_343 = arith.constant 1 : i32
          %add3A_344 = arith.addi %while3A_186, %add3A_343 : i32
          %select_n3A_345 = arith.constant true
          %select_n3A_346 = arith.select %select_n3A_345, %add3A_344, %while3A_186 : i32
          %eq3A_347 = arith.cmpi eq, %select_n3A_346, %select_n3A : i32
          %select_n3A_348 = arith.constant 0 : i32
          %select_n3A_349 = arith.select %eq3A_347, %select_n3A_348, %select_n3A_346 : i32
          scf.yield %select_n3A_234, %select_n3A_333, %select_n3A_255, %select_n3A_342, %select_n3A_349 : i32, i32, i32, i32, i32
        }
        %while3A_128 = arith.constant 1 : i32
        %while3A_129:5 = scf.for %while3A_181 = %while3A_125 to %while3A_121 step %while3A_128 iter_args(%while3A_182 = %while3A_127#0, %while3A_183 = %while3A_127#1, %while3A_184 = %while3A_127#2, %while3A_185 = %while3A_127#3, %while3A_186 = %while3A_127#4) -> (i32, i32, i32, i32, i32)  : i32 {
          %mul3A_187 = arith.constant 1 : i32
          %mul3A_188 = arith.muli %mul3A_187, %select_n3A : i32
          %eq3A_189 = arith.constant 0 : i32
          %eq3A_190 = arith.cmpi eq, %while3A_181, %eq3A_189 : i32
          %sub3A_191 = arith.constant 1 : i32
          %sub3A_192 = arith.subi %mul3A_188, %sub3A_191 : i32
          %eq3A_193 = arith.cmpi eq, %while3A_181, %sub3A_192 : i32
          %add3A_194 = arith.addi %while3A_186, %select_n3A_29 : i32
          %sub3A_195 = arith.constant 1 : i32
          %sub3A_196 = arith.subi %while3A_186, %sub3A_195 : i32
          %select_n3A_197 = arith.constant true
          %select_n3A_198 = arith.select %select_n3A_197, %sub3A_196, %while3A_186 : i32
          %eq3A_199 = arith.constant -1 : i32
          %eq3A_200 = arith.cmpi eq, %select_n3A_198, %eq3A_199 : i32
          %sub3A_201 = arith.constant 1 : i32
          %sub3A_202 = arith.subi %select_n3A, %sub3A_201 : i32
          %select_n3A_203 = arith.select %eq3A_200, %sub3A_202, %select_n3A_198 : i32
          %add3A_204 = arith.addi %select_n3A_203, %select_n3A_29 : i32
          %add3A_205 = arith.constant 1 : i32
          %add3A_206 = arith.addi %while3A_186, %add3A_205 : i32
          %select_n3A_207 = arith.constant true
          %select_n3A_208 = arith.select %select_n3A_207, %add3A_206, %while3A_186 : i32
          %eq3A_209 = arith.cmpi eq, %select_n3A_208, %select_n3A : i32
          %select_n3A_210 = arith.constant 0 : i32
          %select_n3A_211 = arith.select %eq3A_209, %select_n3A_210, %select_n3A_208 : i32
          %add3A_212 = arith.addi %select_n3A_211, %select_n3A_29 : i32
          %add3A_213 = arith.constant 1 : i32
          %add3A_214 = arith.addi %select_n3A_211, %add3A_213 : i32
          %select_n3A_215 = arith.constant true
          %select_n3A_216 = arith.select %select_n3A_215, %add3A_214, %select_n3A_211 : i32
          %eq3A_217 = arith.cmpi eq, %select_n3A_216, %select_n3A : i32
          %select_n3A_218 = arith.constant 0 : i32
          %select_n3A_219 = arith.select %eq3A_217, %select_n3A_218, %select_n3A_216 : i32
          %add3A_220 = arith.addi %select_n3A_219, %select_n3A_29 : i32
          %ne3A = arith.cmpi ne, %add3A_194, %add3A_212 : i32
          %or3A = arith.constant false
          %or3A_221 = arith.ori %or3A, %ne3A : i1
          %sub3A_222 = arith.constant 2 : i32
          %sub3A_223 = arith.subi %mul3A_188, %sub3A_222 : i32
          %add3A_224 = arith.constant 1 : i32
          %add3A_225 = arith.addi %sub3A_223, %add3A_224 : i32
          %ge3A = arith.cmpi sge, %while3A_181, %add3A_225 : i32
          %not3A = arith.constant true
          %not3A_226 = arith.xori %ge3A, %not3A : i1
          %and3A = arith.andi %or3A_221, %not3A_226 : i1
          %convert_element_type3A_227 = arith.extui %and3A : i1 to i32
          %cond3A_228 = arith.constant 0 : i32
          %cond3A_229 = arith.cmpi ne, %convert_element_type3A_227, %cond3A_228 : i32
          scf.if %cond3A_229 {
            "tpu.trace_start"() <{level = 10 : i32, message = "ep_copy_in"}> : () -> ()
            %rem3A_350 = arith.constant 2 : i32
            %rem3A_351 = arith.remui %while3A_182, %rem3A_350 : i32
            %mul3A_352 = arith.constant 25600 : i32
            %mul3A_353 = arith.muli %mul3A_352, %add3A_212 : i32
            %mul3A_354 = arith.constant 25600 : i32
            %mul3A_355 = arith.muli %rem3A_351, %mul3A_354 : i32
            %add3A_356 = arith.constant 0 : i32
            %add3A_357 = arith.addi %mul3A_355, %add3A_356 : i32
            %dma_start3A_358 = tpu.memref_slice %run_scoped3A[%add3A_357] : memref<51200xf32, #tpu.memory_space<vmem>> -> memref<25600xf32, #tpu.memory_space<vmem>>
            %dma_start3A_359 = tpu.memref_slice %arg2[%mul3A_353] : memref<12800000xf32, #tpu.memory_space<hbm>> -> memref<25600xf32, #tpu.memory_space<hbm>>
            %dma_start3A_360 = tpu.memref_slice %run_scoped3A_36[%rem3A_351] : memref<2x!tpu.dma_semaphore, #tpu.memory_space<semaphore_mem>> -> memref<1x!tpu.dma_semaphore, #tpu.memory_space<semaphore_mem>>
            %dma_start3A_361 = tpu.memref_squeeze %dma_start3A_360 : memref<1x!tpu.dma_semaphore, #tpu.memory_space<semaphore_mem>> -> memref<!tpu.dma_semaphore, #tpu.memory_space<semaphore_mem>>
            %dma_start3A_362 = tpu.memref_slice %run_scoped3A[%add3A_357] : memref<51200xf32, #tpu.memory_space<vmem>> -> memref<25600xf32, #tpu.memory_space<vmem>>
            %dma_start3A_363 = tpu.memref_slice %arg2[%mul3A_353] : memref<12800000xf32, #tpu.memory_space<hbm>> -> memref<25600xf32, #tpu.memory_space<hbm>>
            tpu.enqueue_dma source(%dma_start3A_363 : memref<25600xf32, #tpu.memory_space<hbm>>) target(%dma_start3A_362 : memref<25600xf32, #tpu.memory_space<vmem>>) target_semaphore(%dma_start3A_361 : memref<!tpu.dma_semaphore, #tpu.memory_space<semaphore_mem>>)
            "tpu.trace_stop"() : () -> ()
          } else {
          }
          %and3A_230 = arith.constant true
          %and3A_231 = arith.andi %and3A, %and3A_230 : i1
          %add3A_232 = arith.constant 1 : i32
          %add3A_233 = arith.addi %while3A_182, %add3A_232 : i32
          %select_n3A_234 = arith.select %and3A_231, %add3A_233, %while3A_182 : i32
          %ne3A_235 = arith.cmpi ne, %add3A_194, %add3A_212 : i32
          %or3A_236 = arith.constant false
          %or3A_237 = arith.ori %or3A_236, %ne3A_235 : i1
          %or3A_238 = arith.constant false
          %or3A_239 = arith.ori %or3A_237, %or3A_238 : i1
          %sub3A_240 = arith.constant 2 : i32
          %sub3A_241 = arith.subi %mul3A_188, %sub3A_240 : i32
          %add3A_242 = arith.constant 1 : i32
          %add3A_243 = arith.addi %sub3A_241, %add3A_242 : i32
          %ge3A_244 = arith.cmpi sge, %while3A_181, %add3A_243 : i32
          %not3A_245 = arith.constant true
          %not3A_246 = arith.xori %ge3A_244, %not3A_245 : i1
          %and3A_247 = arith.andi %or3A_239, %not3A_246 : i1
          %convert_element_type3A_248 = arith.extui %and3A_247 : i1 to i32
          %cond3A_249 = arith.constant 0 : i32
          %cond3A_250 = arith.cmpi ne, %convert_element_type3A_248, %cond3A_249 : i32
          scf.if %cond3A_250 {
            "tpu.trace_start"() <{level = 10 : i32, message = "ep_copy_in"}> : () -> ()
            %rem3A_350 = arith.constant 2 : i32
            %rem3A_351 = arith.remui %while3A_184, %rem3A_350 : i32
            %mul3A_352 = arith.constant 1 : i32
            %mul3A_353 = arith.muli %mul3A_352, %add3A_212 : i32
            %dma_start3A_354 = arith.constant 0 : i32
            %dma_start3A_355 = arith.constant 0 : i32
            %dma_start3A_356 = tpu.memref_slice %run_scoped3A_37[%rem3A_351, %dma_start3A_354, %dma_start3A_355] : memref<2x1x200xi32, #tpu.memory_space<vmem>> -> memref<1x1x200xi32, #tpu.memory_space<vmem>>
            %dma_start3A_357 = tpu.memref_squeeze %dma_start3A_356 : memref<1x1x200xi32, #tpu.memory_space<vmem>> -> memref<1x200xi32, #tpu.memory_space<vmem>>
            %dma_start3A_358 = arith.constant 0 : i32
            %dma_start3A_359 = tpu.memref_slice %arg3[%mul3A_353, %dma_start3A_358] : memref<500x200xi32, #tpu.memory_space<hbm>> -> memref<1x200xi32, #tpu.memory_space<hbm>>
            %dma_start3A_360 = tpu.memref_slice %run_scoped3A_38[%rem3A_351] : memref<2x!tpu.dma_semaphore, #tpu.memory_space<semaphore_mem>> -> memref<1x!tpu.dma_semaphore, #tpu.memory_space<semaphore_mem>>
            %dma_start3A_361 = tpu.memref_squeeze %dma_start3A_360 : memref<1x!tpu.dma_semaphore, #tpu.memory_space<semaphore_mem>> -> memref<!tpu.dma_semaphore, #tpu.memory_space<semaphore_mem>>
            %dma_start3A_362 = arith.constant 0 : i32
            %dma_start3A_363 = arith.constant 0 : i32
            %dma_start3A_364 = tpu.memref_slice %run_scoped3A_37[%rem3A_351, %dma_start3A_362, %dma_start3A_363] : memref<2x1x200xi32, #tpu.memory_space<vmem>> -> memref<1x1x200xi32, #tpu.memory_space<vmem>>
            %dma_start3A_365 = tpu.memref_squeeze %dma_start3A_364 : memref<1x1x200xi32, #tpu.memory_space<vmem>> -> memref<1x200xi32, #tpu.memory_space<vmem>>
            %dma_start3A_366 = arith.constant 0 : i32
            %dma_start3A_367 = tpu.memref_slice %arg3[%mul3A_353, %dma_start3A_366] : memref<500x200xi32, #tpu.memory_space<hbm>> -> memref<1x200xi32, #tpu.memory_space<hbm>>
            tpu.enqueue_dma source(%dma_start3A_367 : memref<1x200xi32, #tpu.memory_space<hbm>>) target(%dma_start3A_365 : memref<1x200xi32, #tpu.memory_space<vmem>>) target_semaphore(%dma_start3A_361 : memref<!tpu.dma_semaphore, #tpu.memory_space<semaphore_mem>>)
            "tpu.trace_stop"() : () -> ()
          } else {
          }
          %and3A_251 = arith.constant true
          %and3A_252 = arith.andi %and3A_247, %and3A_251 : i1
          %add3A_253 = arith.constant 1 : i32
          %add3A_254 = arith.addi %while3A_184, %add3A_253 : i32
          %select_n3A_255 = arith.select %and3A_252, %add3A_254, %while3A_184 : i32
          %ne3A_256 = arith.cmpi ne, %add3A_194, %add3A_204 : i32
          %or3A_257 = arith.constant false
          %or3A_258 = arith.ori %or3A_257, %ne3A_256 : i1
          %or3A_259 = arith.ori %or3A_258, %eq3A_190 : i1
          %convert_element_type3A_260 = arith.extui %or3A_259 : i1 to i32
          %cond3A_261 = arith.constant 0 : i32
          %cond3A_262 = arith.cmpi ne, %convert_element_type3A_260, %cond3A_261 : i32
          scf.if %cond3A_262 {
            "tpu.trace_start"() <{level = 10 : i32, message = "ep_wait_in"}> : () -> ()
            %mul3A_350 = arith.constant 25600 : i32
            %mul3A_351 = arith.muli %mul3A_350, %add3A_194 : i32
            %rem3A_352 = arith.constant 2 : i32
            %rem3A_353 = arith.remui %while3A_183, %rem3A_352 : i32
            %mul3A_354 = arith.constant 25600 : i32
            %mul3A_355 = arith.muli %rem3A_353, %mul3A_354 : i32
            %add3A_356 = arith.constant 0 : i32
            %add3A_357 = arith.addi %mul3A_355, %add3A_356 : i32
            %dma_wait3A = tpu.memref_slice %run_scoped3A[%add3A_357] : memref<51200xf32, #tpu.memory_space<vmem>> -> memref<25600xf32, #tpu.memory_space<vmem>>
            %dma_wait3A_358 = tpu.memref_slice %arg2[%mul3A_351] : memref<12800000xf32, #tpu.memory_space<hbm>> -> memref<25600xf32, #tpu.memory_space<hbm>>
            %dma_wait3A_359 = tpu.memref_slice %run_scoped3A_36[%rem3A_353] : memref<2x!tpu.dma_semaphore, #tpu.memory_space<semaphore_mem>> -> memref<1x!tpu.dma_semaphore, #tpu.memory_space<semaphore_mem>>
            %dma_wait3A_360 = tpu.memref_squeeze %dma_wait3A_359 : memref<1x!tpu.dma_semaphore, #tpu.memory_space<semaphore_mem>> -> memref<!tpu.dma_semaphore, #tpu.memory_space<semaphore_mem>>
            %dma_wait3A_361 = tpu.memref_slice %run_scoped3A[%add3A_357] : memref<51200xf32, #tpu.memory_space<vmem>> -> memref<25600xf32, #tpu.memory_space<vmem>>
            %dma_wait3A_362 = tpu.memref_slice %arg2[%mul3A_351] : memref<12800000xf32, #tpu.memory_space<hbm>> -> memref<25600xf32, #tpu.memory_space<hbm>>
            tpu.wait_dma2 semaphore(%dma_wait3A_360 : memref<!tpu.dma_semaphore, #tpu.memory_space<semaphore_mem>>) src(%dma_wait3A_362 : memref<25600xf32, #tpu.memory_space<hbm>>) dst(%dma_wait3A_361 : memref<25600xf32, #tpu.memory_space<vmem>>)
            "tpu.trace_stop"() : () -> ()
          } else {
          }
          %ne3A_263 = arith.cmpi ne, %add3A_194, %add3A_204 : i32
          %or3A_264 = arith.constant false
          %or3A_265 = arith.ori %or3A_264, %ne3A_263 : i1
          %or3A_266 = arith.constant false
          %or3A_267 = arith.ori %or3A_265, %or3A_266 : i1
          %or3A_268 = arith.ori %or3A_267, %eq3A_190 : i1
          %convert_element_type3A_269 = arith.extui %or3A_268 : i1 to i32
          %cond3A_270 = arith.constant 0 : i32
          %cond3A_271 = arith.cmpi ne, %convert_element_type3A_269, %cond3A_270 : i32
          scf.if %cond3A_271 {
            "tpu.trace_start"() <{level = 10 : i32, message = "ep_wait_in"}> : () -> ()
            %mul3A_350 = arith.constant 1 : i32
            %mul3A_351 = arith.muli %mul3A_350, %add3A_194 : i32
            %rem3A_352 = arith.constant 2 : i32
            %rem3A_353 = arith.remui %while3A_185, %rem3A_352 : i32
            %dma_wait3A = arith.constant 0 : i32
            %dma_wait3A_354 = arith.constant 0 : i32
            %dma_wait3A_355 = tpu.memref_slice %run_scoped3A_37[%rem3A_353, %dma_wait3A, %dma_wait3A_354] : memref<2x1x200xi32, #tpu.memory_space<vmem>> -> memref<1x1x200xi32, #tpu.memory_space<vmem>>
            %dma_wait3A_356 = tpu.memref_squeeze %dma_wait3A_355 : memref<1x1x200xi32, #tpu.memory_space<vmem>> -> memref<1x200xi32, #tpu.memory_space<vmem>>
            %dma_wait3A_357 = arith.constant 0 : i32
            %dma_wait3A_358 = tpu.memref_slice %arg3[%mul3A_351, %dma_wait3A_357] : memref<500x200xi32, #tpu.memory_space<hbm>> -> memref<1x200xi32, #tpu.memory_space<hbm>>
            %dma_wait3A_359 = tpu.memref_slice %run_scoped3A_38[%rem3A_353] : memref<2x!tpu.dma_semaphore, #tpu.memory_space<semaphore_mem>> -> memref<1x!tpu.dma_semaphore, #tpu.memory_space<semaphore_mem>>
            %dma_wait3A_360 = tpu.memref_squeeze %dma_wait3A_359 : memref<1x!tpu.dma_semaphore, #tpu.memory_space<semaphore_mem>> -> memref<!tpu.dma_semaphore, #tpu.memory_space<semaphore_mem>>
            %dma_wait3A_361 = arith.constant 0 : i32
            %dma_wait3A_362 = arith.constant 0 : i32
            %dma_wait3A_363 = tpu.memref_slice %run_scoped3A_37[%rem3A_353, %dma_wait3A_361, %dma_wait3A_362] : memref<2x1x200xi32, #tpu.memory_space<vmem>> -> memref<1x1x200xi32, #tpu.memory_space<vmem>>
            %dma_wait3A_364 = tpu.memref_squeeze %dma_wait3A_363 : memref<1x1x200xi32, #tpu.memory_space<vmem>> -> memref<1x200xi32, #tpu.memory_space<vmem>>
            %dma_wait3A_365 = arith.constant 0 : i32
            %dma_wait3A_366 = tpu.memref_slice %arg3[%mul3A_351, %dma_wait3A_365] : memref<500x200xi32, #tpu.memory_space<hbm>> -> memref<1x200xi32, #tpu.memory_space<hbm>>
            tpu.wait_dma2 semaphore(%dma_wait3A_360 : memref<!tpu.dma_semaphore, #tpu.memory_space<semaphore_mem>>) src(%dma_wait3A_366 : memref<1x200xi32, #tpu.memory_space<hbm>>) dst(%dma_wait3A_364 : memref<1x200xi32, #tpu.memory_space<vmem>>)
            "tpu.trace_stop"() : () -> ()
          } else {
          }
          %rem3A_272 = arith.constant 2 : i32
          %rem3A_273 = arith.remui %while3A_183, %rem3A_272 : i32
          %mul3A_274 = arith.constant 25600 : i32
          %mul3A_275 = arith.muli %rem3A_273, %mul3A_274 : i32
          %rem3A_276 = arith.constant 2 : i32
          %rem3A_277 = arith.remui %while3A_185, %rem3A_276 : i32
          "tpu.trace_start"() <{level = 10 : i32, message = "ep_run_kernel"}> : () -> ()
          %scan3A_278 = arith.constant 0 : i32
          %scan3A_279 = arith.constant 12 : i32
          %scan3A_280 = arith.addi %scan3A_278, %scan3A_279 : i32
          %scan3A_281 = arith.constant 1 : i32
          scf.for %scan3A_350 = %scan3A_278 to %scan3A_280 step %scan3A_281  : i32 {
            %mul3A_351 = arith.constant 1 : i32
            %mul3A_352 = arith.muli %scan3A_350, %mul3A_351 : i32
            %add3A_353 = arith.constant 0 : i32
            %add3A_354 = arith.addi %add3A_353, %mul3A_352 : i32
            %mul3A_355 = arith.constant 16 : i32
            %mul3A_356 = arith.muli %add3A_354, %mul3A_355 : i32
            %get3A = arith.constant 0 : i32
            %get3A_357 = arith.constant 0 : i32
            %get3A_358 = arith.constant 0 : i32
            %get3A_359 = tpu.memref_slice %run_scoped3A_37[%rem3A_277, %get3A_357, %get3A_358] : memref<2x1x200xi32, #tpu.memory_space<vmem>> -> memref<1x1x200xi32, #tpu.memory_space<vmem>>
            %get3A_360 = tpu.memref_squeeze %get3A_359 : memref<1x1x200xi32, #tpu.memory_space<vmem>> -> memref<1x200xi32, #tpu.memory_space<vmem>>
            %get3A_361 = arith.index_cast %get3A : i32 to index
            %get3A_362 = arith.index_cast %mul3A_356 : i32 to index
            %get3A_363 = tpu.vector_load %get3A_360[%get3A_361, %get3A_362] {strides = array<i32>} : memref<1x200xi32, #tpu.memory_space<vmem>>, vector<16xi32>,
            tpu.vector_store_idx %arg7[%get3A_363], %broadcast_in_dim3A_12 {add = true} : memref<256xf32, #tpu.memory_space<vmem>>[vector<16xi32>], vector<16xf32>,
            %mul3A_364 = arith.constant 2048 : i32
            %mul3A_365 = arith.muli %add3A_354, %mul3A_364 : i32
            %slice3A = vector.extract_strided_slice %get3A_363 {offsets = [0], sizes = [1], strides = [1]} : vector<16xi32> to vector<1xi32>
            %squeeze3A = vector.extract %slice3A[0] : i32 from vector<1xi32>
            %slice3A_366 = vector.extract_strided_slice %get3A_363 {offsets = [15], sizes = [1], strides = [1]} : vector<16xi32> to vector<1xi32>
            %squeeze3A_367 = vector.extract %slice3A_366[0] : i32 from vector<1xi32>
            %eq3A_368 = arith.cmpi eq, %squeeze3A, %squeeze3A_367 : i32
            %convert_element_type3A_369 = arith.extui %eq3A_368 : i1 to i32
            %cond3A_370 = arith.constant 0 : i32
            %cond3A_371 = arith.cmpi ne, %convert_element_type3A_369, %cond3A_370 : i32
            scf.if %cond3A_371 {
              %mul3A_376 = arith.constant 128 : i32
              %mul3A_377 = arith.muli %squeeze3A, %mul3A_376 : i32
              %add3A_378 = arith.constant 0 : i32
              %add3A_379 = arith.addi %mul3A_365, %add3A_378 : i32
              %add3A_380 = arith.constant 0 : i32
              %add3A_381 = arith.addi %add3A_379, %add3A_380 : i32
              %get3A_382 = tpu.memref_slice %run_scoped3A[%mul3A_275] : memref<51200xf32, #tpu.memory_space<vmem>> -> memref<25600xf32, #tpu.memory_space<vmem>>
              %get3A_383 = arith.index_cast %add3A_381 : i32 to index
              %get3A_384 = tpu.vector_load %get3A_382[%get3A_383] {strides = array<i32>} : memref<25600xf32, #tpu.memory_space<vmem>>, vector<16xf32>,
              %add3A_385 = arith.constant 128 : i32
              %add3A_386 = arith.addi %mul3A_365, %add3A_385 : i32
              %add3A_387 = arith.constant 0 : i32
              %add3A_388 = arith.addi %add3A_386, %add3A_387 : i32
              %get3A_389 = tpu.memref_slice %run_scoped3A[%mul3A_275] : memref<51200xf32, #tpu.memory_space<vmem>> -> memref<25600xf32, #tpu.memory_space<vmem>>
              %get3A_390 = arith.index_cast %add3A_388 : i32 to index
              %get3A_391 = tpu.vector_load %get3A_389[%get3A_390] {strides = array<i32>} : memref<25600xf32, #tpu.memory_space<vmem>>, vector<16xf32>,
              %add3A_392 = arith.constant 256 : i32
              %add3A_393 = arith.addi %mul3A_365, %add3A_392 : i32
              %add3A_394 = arith.constant 0 : i32
              %add3A_395 = arith.addi %add3A_393, %add3A_394 : i32
              %get3A_396 = tpu.memref_slice %run_scoped3A[%mul3A_275] : memref<51200xf32, #tpu.memory_space<vmem>> -> memref<25600xf32, #tpu.memory_space<vmem>>
              %get3A_397 = arith.index_cast %add3A_395 : i32 to index
              %get3A_398 = tpu.vector_load %get3A_396[%get3A_397] {strides = array<i32>} : memref<25600xf32, #tpu.memory_space<vmem>>, vector<16xf32>,
              %add3A_399 = arith.constant 384 : i32
              %add3A_400 = arith.addi %mul3A_365, %add3A_399 : i32
              %add3A_401 = arith.constant 0 : i32
              %add3A_402 = arith.addi %add3A_400, %add3A_401 : i32
              %get3A_403 = tpu.memref_slice %run_scoped3A[%mul3A_275] : memref<51200xf32, #tpu.memory_space<vmem>> -> memref<25600xf32, #tpu.memory_space<vmem>>
              %get3A_404 = arith.index_cast %add3A_402 : i32 to index
              %get3A_405 = tpu.vector_load %get3A_403[%get3A_404] {strides = array<i32>} : memref<25600xf32, #tpu.memory_space<vmem>>, vector<16xf32>,
              %add3A_406 = arith.constant 512 : i32
              %add3A_407 = arith.addi %mul3A_365, %add3A_406 : i32
              %add3A_408 = arith.constant 0 : i32
              %add3A_409 = arith.addi %add3A_407, %add3A_408 : i32
              %get3A_410 = tpu.memref_slice %run_scoped3A[%mul3A_275] : memref<51200xf32, #tpu.memory_space<vmem>> -> memref<25600xf32, #tpu.memory_space<vmem>>
              %get3A_411 = arith.index_cast %add3A_409 : i32 to index
              %get3A_412 = tpu.vector_load %get3A_410[%get3A_411] {strides = array<i32>} : memref<25600xf32, #tpu.memory_space<vmem>>, vector<16xf32>,
              %add3A_413 = arith.constant 640 : i32
              %add3A_414 = arith.addi %mul3A_365, %add3A_413 : i32
              %add3A_415 = arith.constant 0 : i32
              %add3A_416 = arith.addi %add3A_414, %add3A_415 : i32
              %get3A_417 = tpu.memref_slice %run_scoped3A[%mul3A_275] : memref<51200xf32, #tpu.memory_space<vmem>> -> memref<25600xf32, #tpu.memory_space<vmem>>
              %get3A_418 = arith.index_cast %add3A_416 : i32 to index
              %get3A_419 = tpu.vector_load %get3A_417[%get3A_418] {strides = array<i32>} : memref<25600xf32, #tpu.memory_space<vmem>>, vector<16xf32>,
              %add3A_420 = arith.constant 768 : i32
              %add3A_421 = arith.addi %mul3A_365, %add3A_420 : i32
              %add3A_422 = arith.constant 0 : i32
              %add3A_423 = arith.addi %add3A_421, %add3A_422 : i32
              %get3A_424 = tpu.memref_slice %run_scoped3A[%mul3A_275] : memref<51200xf32, #tpu.memory_space<vmem>> -> memref<25600xf32, #tpu.memory_space<vmem>>
              %get3A_425 = arith.index_cast %add3A_423 : i32 to index
              %get3A_426 = tpu.vector_load %get3A_424[%get3A_425] {strides = array<i32>} : memref<25600xf32, #tpu.memory_space<vmem>>, vector<16xf32>,
              %add3A_427 = arith.constant 896 : i32
              %add3A_428 = arith.addi %mul3A_365, %add3A_427 : i32
              %add3A_429 = arith.constant 0 : i32
              %add3A_430 = arith.addi %add3A_428, %add3A_429 : i32
              %get3A_431 = tpu.memref_slice %run_scoped3A[%mul3A_275] : memref<51200xf32, #tpu.memory_space<vmem>> -> memref<25600xf32, #tpu.memory_space<vmem>>
              %get3A_432 = arith.index_cast %add3A_430 : i32 to index
              %get3A_433 = tpu.vector_load %get3A_431[%get3A_432] {strides = array<i32>} : memref<25600xf32, #tpu.memory_space<vmem>>, vector<16xf32>,
              %add3A_434 = arith.constant 1024 : i32
              %add3A_435 = arith.addi %mul3A_365, %add3A_434 : i32
              %add3A_436 = arith.constant 0 : i32
              %add3A_437 = arith.addi %add3A_435, %add3A_436 : i32
              %get3A_438 = tpu.memref_slice %run_scoped3A[%mul3A_275] : memref<51200xf32, #tpu.memory_space<vmem>> -> memref<25600xf32, #tpu.memory_space<vmem>>
              %get3A_439 = arith.index_cast %add3A_437 : i32 to index
              %get3A_440 = tpu.vector_load %get3A_438[%get3A_439] {strides = array<i32>} : memref<25600xf32, #tpu.memory_space<vmem>>, vector<16xf32>,
              %add3A_441 = arith.constant 1152 : i32
              %add3A_442 = arith.addi %mul3A_365, %add3A_441 : i32
              %add3A_443 = arith.constant 0 : i32
              %add3A_444 = arith.addi %add3A_442, %add3A_443 : i32
              %get3A_445 = tpu.memref_slice %run_scoped3A[%mul3A_275] : memref<51200xf32, #tpu.memory_space<vmem>> -> memref<25600xf32, #tpu.memory_space<vmem>>
              %get3A_446 = arith.index_cast %add3A_444 : i32 to index
              %get3A_447 = tpu.vector_load %get3A_445[%get3A_446] {strides = array<i32>} : memref<25600xf32, #tpu.memory_space<vmem>>, vector<16xf32>,
              %add3A_448 = arith.constant 1280 : i32
              %add3A_449 = arith.addi %mul3A_365, %add3A_448 : i32
              %add3A_450 = arith.constant 0 : i32
              %add3A_451 = arith.addi %add3A_449, %add3A_450 : i32
              %get3A_452 = tpu.memref_slice %run_scoped3A[%mul3A_275] : memref<51200xf32, #tpu.memory_space<vmem>> -> memref<25600xf32, #tpu.memory_space<vmem>>
              %get3A_453 = arith.index_cast %add3A_451 : i32 to index
              %get3A_454 = tpu.vector_load %get3A_452[%get3A_453] {strides = array<i32>} : memref<25600xf32, #tpu.memory_space<vmem>>, vector<16xf32>,
              %add3A_455 = arith.constant 1408 : i32
              %add3A_456 = arith.addi %mul3A_365, %add3A_455 : i32
              %add3A_457 = arith.constant 0 : i32
              %add3A_458 = arith.addi %add3A_456, %add3A_457 : i32
              %get3A_459 = tpu.memref_slice %run_scoped3A[%mul3A_275] : memref<51200xf32, #tpu.memory_space<vmem>> -> memref<25600xf32, #tpu.memory_space<vmem>>
              %get3A_460 = arith.index_cast %add3A_458 : i32 to index
              %get3A_461 = tpu.vector_load %get3A_459[%get3A_460] {strides = array<i32>} : memref<25600xf32, #tpu.memory_space<vmem>>, vector<16xf32>,
              %add3A_462 = arith.constant 1536 : i32
              %add3A_463 = arith.addi %mul3A_365, %add3A_462 : i32
              %add3A_464 = arith.constant 0 : i32
              %add3A_465 = arith.addi %add3A_463, %add3A_464 : i32
              %get3A_466 = tpu.memref_slice %run_scoped3A[%mul3A_275] : memref<51200xf32, #tpu.memory_space<vmem>> -> memref<25600xf32, #tpu.memory_space<vmem>>
              %get3A_467 = arith.index_cast %add3A_465 : i32 to index
              %get3A_468 = tpu.vector_load %get3A_466[%get3A_467] {strides = array<i32>} : memref<25600xf32, #tpu.memory_space<vmem>>, vector<16xf32>,
              %add3A_469 = arith.constant 1664 : i32
              %add3A_470 = arith.addi %mul3A_365, %add3A_469 : i32
              %add3A_471 = arith.constant 0 : i32
              %add3A_472 = arith.addi %add3A_470, %add3A_471 : i32
              %get3A_473 = tpu.memref_slice %run_scoped3A[%mul3A_275] : memref<51200xf32, #tpu.memory_space<vmem>> -> memref<25600xf32, #tpu.memory_space<vmem>>
              %get3A_474 = arith.index_cast %add3A_472 : i32 to index
              %get3A_475 = tpu.vector_load %get3A_473[%get3A_474] {strides = array<i32>} : memref<25600xf32, #tpu.memory_space<vmem>>, vector<16xf32>,
              %add3A_476 = arith.constant 1792 : i32
              %add3A_477 = arith.addi %mul3A_365, %add3A_476 : i32
              %add3A_478 = arith.constant 0 : i32
              %add3A_479 = arith.addi %add3A_477, %add3A_478 : i32
              %get3A_480 = tpu.memref_slice %run_scoped3A[%mul3A_275] : memref<51200xf32, #tpu.memory_space<vmem>> -> memref<25600xf32, #tpu.memory_space<vmem>>
              %get3A_481 = arith.index_cast %add3A_479 : i32 to index
              %get3A_482 = tpu.vector_load %get3A_480[%get3A_481] {strides = array<i32>} : memref<25600xf32, #tpu.memory_space<vmem>>, vector<16xf32>,
              %add3A_483 = arith.constant 1920 : i32
              %add3A_484 = arith.addi %mul3A_365, %add3A_483 : i32
              %add3A_485 = arith.constant 0 : i32
              %add3A_486 = arith.addi %add3A_484, %add3A_485 : i32
              %get3A_487 = tpu.memref_slice %run_scoped3A[%mul3A_275] : memref<51200xf32, #tpu.memory_space<vmem>> -> memref<25600xf32, #tpu.memory_space<vmem>>
              %get3A_488 = arith.index_cast %add3A_486 : i32 to index
              %get3A_489 = tpu.vector_load %get3A_487[%get3A_488] {strides = array<i32>} : memref<25600xf32, #tpu.memory_space<vmem>>, vector<16xf32>,
              %add3A_490 = arith.addf %get3A_384, %get3A_391 : vector<16xf32>
              %add3A_491 = arith.addf %get3A_398, %get3A_405 : vector<16xf32>
              %add3A_492 = arith.addf %get3A_412, %get3A_419 : vector<16xf32>
              %add3A_493 = arith.addf %get3A_426, %get3A_433 : vector<16xf32>
              %add3A_494 = arith.addf %get3A_440, %get3A_447 : vector<16xf32>
              %add3A_495 = arith.addf %get3A_454, %get3A_461 : vector<16xf32>
              %add3A_496 = arith.addf %get3A_468, %get3A_475 : vector<16xf32>
              %add3A_497 = arith.addf %get3A_482, %get3A_489 : vector<16xf32>
              %add3A_498 = arith.addf %add3A_490, %add3A_491 : vector<16xf32>
              %add3A_499 = arith.addf %add3A_492, %add3A_493 : vector<16xf32>
              %add3A_500 = arith.addf %add3A_494, %add3A_495 : vector<16xf32>
              %add3A_501 = arith.addf %add3A_496, %add3A_497 : vector<16xf32>
              %add3A_502 = arith.addf %add3A_498, %add3A_499 : vector<16xf32>
              %add3A_503 = arith.addf %add3A_500, %add3A_501 : vector<16xf32>
              %add3A_504 = arith.addf %add3A_502, %add3A_503 : vector<16xf32>
              %add3A_505 = arith.constant 0 : i32
              %add3A_506 = arith.addi %mul3A_377, %add3A_505 : i32
              %swap3A = arith.index_cast %add3A_506 : i32 to index
              %swap3A_507 = tpu.vector_load %arg6[%swap3A] {strides = array<i32>} : memref<32768xf32, #tpu.memory_space<vmem>>, vector<16xf32>,
              tpu.vector_store %arg6[%swap3A], %add3A_504 {add = true, strides = array<i32>} : memref<32768xf32, #tpu.memory_space<vmem>>, vector<16xf32>,
              %add3A_508 = arith.constant 0 : i32
              %add3A_509 = arith.addi %mul3A_365, %add3A_508 : i32
              %add3A_510 = arith.constant 16 : i32
              %add3A_511 = arith.addi %add3A_509, %add3A_510 : i32
              %get3A_512 = tpu.memref_slice %run_scoped3A[%mul3A_275] : memref<51200xf32, #tpu.memory_space<vmem>> -> memref<25600xf32, #tpu.memory_space<vmem>>
              %get3A_513 = arith.index_cast %add3A_511 : i32 to index
              %get3A_514 = tpu.vector_load %get3A_512[%get3A_513] {strides = array<i32>} : memref<25600xf32, #tpu.memory_space<vmem>>, vector<16xf32>,
              %add3A_515 = arith.constant 128 : i32
              %add3A_516 = arith.addi %mul3A_365, %add3A_515 : i32
              %add3A_517 = arith.constant 16 : i32
              %add3A_518 = arith.addi %add3A_516, %add3A_517 : i32
              %get3A_519 = tpu.memref_slice %run_scoped3A[%mul3A_275] : memref<51200xf32, #tpu.memory_space<vmem>> -> memref<25600xf32, #tpu.memory_space<vmem>>
              %get3A_520 = arith.index_cast %add3A_518 : i32 to index
              %get3A_521 = tpu.vector_load %get3A_519[%get3A_520] {strides = array<i32>} : memref<25600xf32, #tpu.memory_space<vmem>>, vector<16xf32>,
              %add3A_522 = arith.constant 256 : i32
              %add3A_523 = arith.addi %mul3A_365, %add3A_522 : i32
              %add3A_524 = arith.constant 16 : i32
              %add3A_525 = arith.addi %add3A_523, %add3A_524 : i32
              %get3A_526 = tpu.memref_slice %run_scoped3A[%mul3A_275] : memref<51200xf32, #tpu.memory_space<vmem>> -> memref<25600xf32, #tpu.memory_space<vmem>>
              %get3A_527 = arith.index_cast %add3A_525 : i32 to index
              %get3A_528 = tpu.vector_load %get3A_526[%get3A_527] {strides = array<i32>} : memref<25600xf32, #tpu.memory_space<vmem>>, vector<16xf32>,
              %add3A_529 = arith.constant 384 : i32
              %add3A_530 = arith.addi %mul3A_365, %add3A_529 : i32
              %add3A_531 = arith.constant 16 : i32
              %add3A_532 = arith.addi %add3A_530, %add3A_531 : i32
              %get3A_533 = tpu.memref_slice %run_scoped3A[%mul3A_275] : memref<51200xf32, #tpu.memory_space<vmem>> -> memref<25600xf32, #tpu.memory_space<vmem>>
              %get3A_534 = arith.index_cast %add3A_532 : i32 to index
              %get3A_535 = tpu.vector_load %get3A_533[%get3A_534] {strides = array<i32>} : memref<25600xf32, #tpu.memory_space<vmem>>, vector<16xf32>,
              %add3A_536 = arith.constant 512 : i32
              %add3A_537 = arith.addi %mul3A_365, %add3A_536 : i32
              %add3A_538 = arith.constant 16 : i32
              %add3A_539 = arith.addi %add3A_537, %add3A_538 : i32
              %get3A_540 = tpu.memref_slice %run_scoped3A[%mul3A_275] : memref<51200xf32, #tpu.memory_space<vmem>> -> memref<25600xf32, #tpu.memory_space<vmem>>
              %get3A_541 = arith.index_cast %add3A_539 : i32 to index
              %get3A_542 = tpu.vector_load %get3A_540[%get3A_541] {strides = array<i32>} : memref<25600xf32, #tpu.memory_space<vmem>>, vector<16xf32>,
              %add3A_543 = arith.constant 640 : i32
              %add3A_544 = arith.addi %mul3A_365, %add3A_543 : i32
              %add3A_545 = arith.constant 16 : i32
              %add3A_546 = arith.addi %add3A_544, %add3A_545 : i32
              %get3A_547 = tpu.memref_slice %run_scoped3A[%mul3A_275] : memref<51200xf32, #tpu.memory_space<vmem>> -> memref<25600xf32, #tpu.memory_space<vmem>>
              %get3A_548 = arith.index_cast %add3A_546 : i32 to index
              %get3A_549 = tpu.vector_load %get3A_547[%get3A_548] {strides = array<i32>} : memref<25600xf32, #tpu.memory_space<vmem>>, vector<16xf32>,
              %add3A_550 = arith.constant 768 : i32
              %add3A_551 = arith.addi %mul3A_365, %add3A_550 : i32
              %add3A_552 = arith.constant 16 : i32
              %add3A_553 = arith.addi %add3A_551, %add3A_552 : i32
              %get3A_554 = tpu.memref_slice %run_scoped3A[%mul3A_275] : memref<51200xf32, #tpu.memory_space<vmem>> -> memref<25600xf32, #tpu.memory_space<vmem>>
              %get3A_555 = arith.index_cast %add3A_553 : i32 to index
              %get3A_556 = tpu.vector_load %get3A_554[%get3A_555] {strides = array<i32>} : memref<25600xf32, #tpu.memory_space<vmem>>, vector<16xf32>,
              %add3A_557 = arith.constant 896 : i32
              %add3A_558 = arith.addi %mul3A_365, %add3A_557 : i32
              %add3A_559 = arith.constant 16 : i32
              %add3A_560 = arith.addi %add3A_558, %add3A_559 : i32
              %get3A_561 = tpu.memref_slice %run_scoped3A[%mul3A_275] : memref<51200xf32, #tpu.memory_space<vmem>> -> memref<25600xf32, #tpu.memory_space<vmem>>
              %get3A_562 = arith.index_cast %add3A_560 : i32 to index
              %get3A_563 = tpu.vector_load %get3A_561[%get3A_562] {strides = array<i32>} : memref<25600xf32, #tpu.memory_space<vmem>>, vector<16xf32>,
              %add3A_564 = arith.constant 1024 : i32
              %add3A_565 = arith.addi %mul3A_365, %add3A_564 : i32
              %add3A_566 = arith.constant 16 : i32
              %add3A_567 = arith.addi %add3A_565, %add3A_566 : i32
              %get3A_568 = tpu.memref_slice %run_scoped3A[%mul3A_275] : memref<51200xf32, #tpu.memory_space<vmem>> -> memref<25600xf32, #tpu.memory_space<vmem>>
              %get3A_569 = arith.index_cast %add3A_567 : i32 to index
              %get3A_570 = tpu.vector_load %get3A_568[%get3A_569] {strides = array<i32>} : memref<25600xf32, #tpu.memory_space<vmem>>, vector<16xf32>,
              %add3A_571 = arith.constant 1152 : i32
              %add3A_572 = arith.addi %mul3A_365, %add3A_571 : i32
              %add3A_573 = arith.constant 16 : i32
              %add3A_574 = arith.addi %add3A_572, %add3A_573 : i32
              %get3A_575 = tpu.memref_slice %run_scoped3A[%mul3A_275] : memref<51200xf32, #tpu.memory_space<vmem>> -> memref<25600xf32, #tpu.memory_space<vmem>>
              %get3A_576 = arith.index_cast %add3A_574 : i32 to index
              %get3A_577 = tpu.vector_load %get3A_575[%get3A_576] {strides = array<i32>} : memref<25600xf32, #tpu.memory_space<vmem>>, vector<16xf32>,
              %add3A_578 = arith.constant 1280 : i32
              %add3A_579 = arith.addi %mul3A_365, %add3A_578 : i32
              %add3A_580 = arith.constant 16 : i32
              %add3A_581 = arith.addi %add3A_579, %add3A_580 : i32
              %get3A_582 = tpu.memref_slice %run_scoped3A[%mul3A_275] : memref<51200xf32, #tpu.memory_space<vmem>> -> memref<25600xf32, #tpu.memory_space<vmem>>
              %get3A_583 = arith.index_cast %add3A_581 : i32 to index
              %get3A_584 = tpu.vector_load %get3A_582[%get3A_583] {strides = array<i32>} : memref<25600xf32, #tpu.memory_space<vmem>>, vector<16xf32>,
              %add3A_585 = arith.constant 1408 : i32
              %add3A_586 = arith.addi %mul3A_365, %add3A_585 : i32
              %add3A_587 = arith.constant 16 : i32
              %add3A_588 = arith.addi %add3A_586, %add3A_587 : i32
              %get3A_589 = tpu.memref_slice %run_scoped3A[%mul3A_275] : memref<51200xf32, #tpu.memory_space<vmem>> -> memref<25600xf32, #tpu.memory_space<vmem>>
              %get3A_590 = arith.index_cast %add3A_588 : i32 to index
              %get3A_591 = tpu.vector_load %get3A_589[%get3A_590] {strides = array<i32>} : memref<25600xf32, #tpu.memory_space<vmem>>, vector<16xf32>,
              %add3A_592 = arith.constant 1536 : i32
              %add3A_593 = arith.addi %mul3A_365, %add3A_592 : i32
              %add3A_594 = arith.constant 16 : i32
              %add3A_595 = arith.addi %add3A_593, %add3A_594 : i32
              %get3A_596 = tpu.memref_slice %run_scoped3A[%mul3A_275] : memref<51200xf32, #tpu.memory_space<vmem>> -> memref<25600xf32, #tpu.memory_space<vmem>>
              %get3A_597 = arith.index_cast %add3A_595 : i32 to index
              %get3A_598 = tpu.vector_load %get3A_596[%get3A_597] {strides = array<i32>} : memref<25600xf32, #tpu.memory_space<vmem>>, vector<16xf32>,
              %add3A_599 = arith.constant 1664 : i32
              %add3A_600 = arith.addi %mul3A_365, %add3A_599 : i32
              %add3A_601 = arith.constant 16 : i32
              %add3A_602 = arith.addi %add3A_600, %add3A_601 : i32
              %get3A_603 = tpu.memref_slice %run_scoped3A[%mul3A_275] : memref<51200xf32, #tpu.memory_space<vmem>> -> memref<25600xf32, #tpu.memory_space<vmem>>
              %get3A_604 = arith.index_cast %add3A_602 : i32 to index
              %get3A_605 = tpu.vector_load %get3A_603[%get3A_604] {strides = array<i32>} : memref<25600xf32, #tpu.memory_space<vmem>>, vector<16xf32>,
              %add3A_606 = arith.constant 1792 : i32
              %add3A_607 = arith.addi %mul3A_365, %add3A_606 : i32
              %add3A_608 = arith.constant 16 : i32
              %add3A_609 = arith.addi %add3A_607, %add3A_608 : i32
              %get3A_610 = tpu.memref_slice %run_scoped3A[%mul3A_275] : memref<51200xf32, #tpu.memory_space<vmem>> -> memref<25600xf32, #tpu.memory_space<vmem>>
              %get3A_611 = arith.index_cast %add3A_609 : i32 to index
              %get3A_612 = tpu.vector_load %get3A_610[%get3A_611] {strides = array<i32>} : memref<25600xf32, #tpu.memory_space<vmem>>, vector<16xf32>,
              %add3A_613 = arith.constant 1920 : i32
              %add3A_614 = arith.addi %mul3A_365, %add3A_613 : i32
              %add3A_615 = arith.constant 16 : i32
              %add3A_616 = arith.addi %add3A_614, %add3A_615 : i32
              %get3A_617 = tpu.memref_slice %run_scoped3A[%mul3A_275] : memref<51200xf32, #tpu.memory_space<vmem>> -> memref<25600xf32, #tpu.memory_space<vmem>>
              %get3A_618 = arith.index_cast %add3A_616 : i32 to index
              %get3A_619 = tpu.vector_load %get3A_617[%get3A_618] {strides = array<i32>} : memref<25600xf32, #tpu.memory_space<vmem>>, vector<16xf32>,
              %add3A_620 = arith.addf %get3A_514, %get3A_521 : vector<16xf32>
              %add3A_621 = arith.addf %get3A_528, %get3A_535 : vector<16xf32>
              %add3A_622 = arith.addf %get3A_542, %get3A_549 : vector<16xf32>
              %add3A_623 = arith.addf %get3A_556, %get3A_563 : vector<16xf32>
              %add3A_624 = arith.addf %get3A_570, %get3A_577 : vector<16xf32>
              %add3A_625 = arith.addf %get3A_584, %get3A_591 : vector<16xf32>
              %add3A_626 = arith.addf %get3A_598, %get3A_605 : vector<16xf32>
              %add3A_627 = arith.addf %get3A_612, %get3A_619 : vector<16xf32>
              %add3A_628 = arith.addf %add3A_620, %add3A_621 : vector<16xf32>
              %add3A_629 = arith.addf %add3A_622, %add3A_623 : vector<16xf32>
              %add3A_630 = arith.addf %add3A_624, %add3A_625 : vector<16xf32>
              %add3A_631 = arith.addf %add3A_626, %add3A_627 : vector<16xf32>
              %add3A_632 = arith.addf %add3A_628, %add3A_629 : vector<16xf32>
              %add3A_633 = arith.addf %add3A_630, %add3A_631 : vector<16xf32>
              %add3A_634 = arith.addf %add3A_632, %add3A_633 : vector<16xf32>
              %add3A_635 = arith.constant 16 : i32
              %add3A_636 = arith.addi %mul3A_377, %add3A_635 : i32
              %swap3A_637 = arith.index_cast %add3A_636 : i32 to index
              %swap3A_638 = tpu.vector_load %arg6[%swap3A_637] {strides = array<i32>} : memref<32768xf32, #tpu.memory_space<vmem>>, vector<16xf32>,
              tpu.vector_store %arg6[%swap3A_637], %add3A_634 {add = true, strides = array<i32>} : memref<32768xf32, #tpu.memory_space<vmem>>, vector<16xf32>,
              %add3A_639 = arith.constant 0 : i32
              %add3A_640 = arith.addi %mul3A_365, %add3A_639 : i32
              %add3A_641 = arith.constant 32 : i32
              %add3A_642 = arith.addi %add3A_640, %add3A_641 : i32
              %get3A_643 = tpu.memref_slice %run_scoped3A[%mul3A_275] : memref<51200xf32, #tpu.memory_space<vmem>> -> memref<25600xf32, #tpu.memory_space<vmem>>
              %get3A_644 = arith.index_cast %add3A_642 : i32 to index
              %get3A_645 = tpu.vector_load %get3A_643[%get3A_644] {strides = array<i32>} : memref<25600xf32, #tpu.memory_space<vmem>>, vector<16xf32>,
              %add3A_646 = arith.constant 128 : i32
              %add3A_647 = arith.addi %mul3A_365, %add3A_646 : i32
              %add3A_648 = arith.constant 32 : i32
              %add3A_649 = arith.addi %add3A_647, %add3A_648 : i32
              %get3A_650 = tpu.memref_slice %run_scoped3A[%mul3A_275] : memref<51200xf32, #tpu.memory_space<vmem>> -> memref<25600xf32, #tpu.memory_space<vmem>>
              %get3A_651 = arith.index_cast %add3A_649 : i32 to index
              %get3A_652 = tpu.vector_load %get3A_650[%get3A_651] {strides = array<i32>} : memref<25600xf32, #tpu.memory_space<vmem>>, vector<16xf32>,
              %add3A_653 = arith.constant 256 : i32
              %add3A_654 = arith.addi %mul3A_365, %add3A_653 : i32
              %add3A_655 = arith.constant 32 : i32
              %add3A_656 = arith.addi %add3A_654, %add3A_655 : i32
              %get3A_657 = tpu.memref_slice %run_scoped3A[%mul3A_275] : memref<51200xf32, #tpu.memory_space<vmem>> -> memref<25600xf32, #tpu.memory_space<vmem>>
              %get3A_658 = arith.index_cast %add3A_656 : i32 to index
              %get3A_659 = tpu.vector_load %get3A_657[%get3A_658] {strides = array<i32>} : memref<25600xf32, #tpu.memory_space<vmem>>, vector<16xf32>,
              %add3A_660 = arith.constant 384 : i32
              %add3A_661 = arith.addi %mul3A_365, %add3A_660 : i32
              %add3A_662 = arith.constant 32 : i32
              %add3A_663 = arith.addi %add3A_661, %add3A_662 : i32
              %get3A_664 = tpu.memref_slice %run_scoped3A[%mul3A_275] : memref<51200xf32, #tpu.memory_space<vmem>> -> memref<25600xf32, #tpu.memory_space<vmem>>
              %get3A_665 = arith.index_cast %add3A_663 : i32 to index
              %get3A_666 = tpu.vector_load %get3A_664[%get3A_665] {strides = array<i32>} : memref<25600xf32, #tpu.memory_space<vmem>>, vector<16xf32>,
              %add3A_667 = arith.constant 512 : i32
              %add3A_668 = arith.addi %mul3A_365, %add3A_667 : i32
              %add3A_669 = arith.constant 32 : i32
              %add3A_670 = arith.addi %add3A_668, %add3A_669 : i32
              %get3A_671 = tpu.memref_slice %run_scoped3A[%mul3A_275] : memref<51200xf32, #tpu.memory_space<vmem>> -> memref<25600xf32, #tpu.memory_space<vmem>>
              %get3A_672 = arith.index_cast %add3A_670 : i32 to index
              %get3A_673 = tpu.vector_load %get3A_671[%get3A_672] {strides = array<i32>} : memref<25600xf32, #tpu.memory_space<vmem>>, vector<16xf32>,
              %add3A_674 = arith.constant 640 : i32
              %add3A_675 = arith.addi %mul3A_365, %add3A_674 : i32
              %add3A_676 = arith.constant 32 : i32
              %add3A_677 = arith.addi %add3A_675, %add3A_676 : i32
              %get3A_678 = tpu.memref_slice %run_scoped3A[%mul3A_275] : memref<51200xf32, #tpu.memory_space<vmem>> -> memref<25600xf32, #tpu.memory_space<vmem>>
              %get3A_679 = arith.index_cast %add3A_677 : i32 to index
              %get3A_680 = tpu.vector_load %get3A_678[%get3A_679] {strides = array<i32>} : memref<25600xf32, #tpu.memory_space<vmem>>, vector<16xf32>,
              %add3A_681 = arith.constant 768 : i32
              %add3A_682 = arith.addi %mul3A_365, %add3A_681 : i32
              %add3A_683 = arith.constant 32 : i32
              %add3A_684 = arith.addi %add3A_682, %add3A_683 : i32
              %get3A_685 = tpu.memref_slice %run_scoped3A[%mul3A_275] : memref<51200xf32, #tpu.memory_space<vmem>> -> memref<25600xf32, #tpu.memory_space<vmem>>
              %get3A_686 = arith.index_cast %add3A_684 : i32 to index
              %get3A_687 = tpu.vector_load %get3A_685[%get3A_686] {strides = array<i32>} : memref<25600xf32, #tpu.memory_space<vmem>>, vector<16xf32>,
              %add3A_688 = arith.constant 896 : i32
              %add3A_689 = arith.addi %mul3A_365, %add3A_688 : i32
              %add3A_690 = arith.constant 32 : i32
              %add3A_691 = arith.addi %add3A_689, %add3A_690 : i32
              %get3A_692 = tpu.memref_slice %run_scoped3A[%mul3A_275] : memref<51200xf32, #tpu.memory_space<vmem>> -> memref<25600xf32, #tpu.memory_space<vmem>>
              %get3A_693 = arith.index_cast %add3A_691 : i32 to index
              %get3A_694 = tpu.vector_load %get3A_692[%get3A_693] {strides = array<i32>} : memref<25600xf32, #tpu.memory_space<vmem>>, vector<16xf32>,
              %add3A_695 = arith.constant 1024 : i32
              %add3A_696 = arith.addi %mul3A_365, %add3A_695 : i32
              %add3A_697 = arith.constant 32 : i32
              %add3A_698 = arith.addi %add3A_696, %add3A_697 : i32
              %get3A_699 = tpu.memref_slice %run_scoped3A[%mul3A_275] : memref<51200xf32, #tpu.memory_space<vmem>> -> memref<25600xf32, #tpu.memory_space<vmem>>
              %get3A_700 = arith.index_cast %add3A_698 : i32 to index
              %get3A_701 = tpu.vector_load %get3A_699[%get3A_700] {strides = array<i32>} : memref<25600xf32, #tpu.memory_space<vmem>>, vector<16xf32>,
              %add3A_702 = arith.constant 1152 : i32
              %add3A_703 = arith.addi %mul3A_365, %add3A_702 : i32
              %add3A_704 = arith.constant 32 : i32
              %add3A_705 = arith.addi %add3A_703, %add3A_704 : i32
              %get3A_706 = tpu.memref_slice %run_scoped3A[%mul3A_275] : memref<51200xf32, #tpu.memory_space<vmem>> -> memref<25600xf32, #tpu.memory_space<vmem>>
              %get3A_707 = arith.index_cast %add3A_705 : i32 to index
              %get3A_708 = tpu.vector_load %get3A_706[%get3A_707] {strides = array<i32>} : memref<25600xf32, #tpu.memory_space<vmem>>, vector<16xf32>,
              %add3A_709 = arith.constant 1280 : i32
              %add3A_710 = arith.addi %mul3A_365, %add3A_709 : i32
              %add3A_711 = arith.constant 32 : i32
              %add3A_712 = arith.addi %add3A_710, %add3A_711 : i32
              %get3A_713 = tpu.memref_slice %run_scoped3A[%mul3A_275] : memref<51200xf32, #tpu.memory_space<vmem>> -> memref<25600xf32, #tpu.memory_space<vmem>>
              %get3A_714 = arith.index_cast %add3A_712 : i32 to index
              %get3A_715 = tpu.vector_load %get3A_713[%get3A_714] {strides = array<i32>} : memref<25600xf32, #tpu.memory_space<vmem>>, vector<16xf32>,
              %add3A_716 = arith.constant 1408 : i32
              %add3A_717 = arith.addi %mul3A_365, %add3A_716 : i32
              %add3A_718 = arith.constant 32 : i32
              %add3A_719 = arith.addi %add3A_717, %add3A_718 : i32
              %get3A_720 = tpu.memref_slice %run_scoped3A[%mul3A_275] : memref<51200xf32, #tpu.memory_space<vmem>> -> memref<25600xf32, #tpu.memory_space<vmem>>
              %get3A_721 = arith.index_cast %add3A_719 : i32 to index
              %get3A_722 = tpu.vector_load %get3A_720[%get3A_721] {strides = array<i32>} : memref<25600xf32, #tpu.memory_space<vmem>>, vector<16xf32>,
              %add3A_723 = arith.constant 1536 : i32
              %add3A_724 = arith.addi %mul3A_365, %add3A_723 : i32
              %add3A_725 = arith.constant 32 : i32
              %add3A_726 = arith.addi %add3A_724, %add3A_725 : i32
              %get3A_727 = tpu.memref_slice %run_scoped3A[%mul3A_275] : memref<51200xf32, #tpu.memory_space<vmem>> -> memref<25600xf32, #tpu.memory_space<vmem>>
              %get3A_728 = arith.index_cast %add3A_726 : i32 to index
              %get3A_729 = tpu.vector_load %get3A_727[%get3A_728] {strides = array<i32>} : memref<25600xf32, #tpu.memory_space<vmem>>, vector<16xf32>,
              %add3A_730 = arith.constant 1664 : i32
              %add3A_731 = arith.addi %mul3A_365, %add3A_730 : i32
              %add3A_732 = arith.constant 32 : i32
              %add3A_733 = arith.addi %add3A_731, %add3A_732 : i32
              %get3A_734 = tpu.memref_slice %run_scoped3A[%mul3A_275] : memref<51200xf32, #tpu.memory_space<vmem>> -> memref<25600xf32, #tpu.memory_space<vmem>>
              %get3A_735 = arith.index_cast %add3A_733 : i32 to index
              %get3A_736 = tpu.vector_load %get3A_734[%get3A_735] {strides = array<i32>} : memref<25600xf32, #tpu.memory_space<vmem>>, vector<16xf32>,
              %add3A_737 = arith.constant 1792 : i32
              %add3A_738 = arith.addi %mul3A_365, %add3A_737 : i32
              %add3A_739 = arith.constant 32 : i32
              %add3A_740 = arith.addi %add3A_738, %add3A_739 : i32
              %get3A_741 = tpu.memref_slice %run_scoped3A[%mul3A_275] : memref<51200xf32, #tpu.memory_space<vmem>> -> memref<25600xf32, #tpu.memory_space<vmem>>
              %get3A_742 = arith.index_cast %add3A_740 : i32 to index
              %get3A_743 = tpu.vector_load %get3A_741[%get3A_742] {strides = array<i32>} : memref<25600xf32, #tpu.memory_space<vmem>>, vector<16xf32>,
              %add3A_744 = arith.constant 1920 : i32
              %add3A_745 = arith.addi %mul3A_365, %add3A_744 : i32
              %add3A_746 = arith.constant 32 : i32
              %add3A_747 = arith.addi %add3A_745, %add3A_746 : i32
              %get3A_748 = tpu.memref_slice %run_scoped3A[%mul3A_275] : memref<51200xf32, #tpu.memory_space<vmem>> -> memref<25600xf32, #tpu.memory_space<vmem>>
              %get3A_749 = arith.index_cast %add3A_747 : i32 to index
              %get3A_750 = tpu.vector_load %get3A_748[%get3A_749] {strides = array<i32>} : memref<25600xf32, #tpu.memory_space<vmem>>, vector<16xf32>,
              %add3A_751 = arith.addf %get3A_645, %get3A_652 : vector<16xf32>
              %add3A_752 = arith.addf %get3A_659, %get3A_666 : vector<16xf32>
              %add3A_753 = arith.addf %get3A_673, %get3A_680 : vector<16xf32>
              %add3A_754 = arith.addf %get3A_687, %get3A_694 : vector<16xf32>
              %add3A_755 = arith.addf %get3A_701, %get3A_708 : vector<16xf32>
              %add3A_756 = arith.addf %get3A_715, %get3A_722 : vector<16xf32>
              %add3A_757 = arith.addf %get3A_729, %get3A_736 : vector<16xf32>
              %add3A_758 = arith.addf %get3A_743, %get3A_750 : vector<16xf32>
              %add3A_759 = arith.addf %add3A_751, %add3A_752 : vector<16xf32>
              %add3A_760 = arith.addf %add3A_753, %add3A_754 : vector<16xf32>
              %add3A_761 = arith.addf %add3A_755, %add3A_756 : vector<16xf32>
              %add3A_762 = arith.addf %add3A_757, %add3A_758 : vector<16xf32>
              %add3A_763 = arith.addf %add3A_759, %add3A_760 : vector<16xf32>
              %add3A_764 = arith.addf %add3A_761, %add3A_762 : vector<16xf32>
              %add3A_765 = arith.addf %add3A_763, %add3A_764 : vector<16xf32>
              %add3A_766 = arith.constant 32 : i32
              %add3A_767 = arith.addi %mul3A_377, %add3A_766 : i32
              %swap3A_768 = arith.index_cast %add3A_767 : i32 to index
              %swap3A_769 = tpu.vector_load %arg6[%swap3A_768] {strides = array<i32>} : memref<32768xf32, #tpu.memory_space<vmem>>, vector<16xf32>,
              tpu.vector_store %arg6[%swap3A_768], %add3A_765 {add = true, strides = array<i32>} : memref<32768xf32, #tpu.memory_space<vmem>>, vector<16xf32>,
              %add3A_770 = arith.constant 0 : i32
              %add3A_771 = arith.addi %mul3A_365, %add3A_770 : i32
              %add3A_772 = arith.constant 48 : i32
              %add3A_773 = arith.addi %add3A_771, %add3A_772 : i32
              %get3A_774 = tpu.memref_slice %run_scoped3A[%mul3A_275] : memref<51200xf32, #tpu.memory_space<vmem>> -> memref<25600xf32, #tpu.memory_space<vmem>>
              %get3A_775 = arith.index_cast %add3A_773 : i32 to index
              %get3A_776 = tpu.vector_load %get3A_774[%get3A_775] {strides = array<i32>} : memref<25600xf32, #tpu.memory_space<vmem>>, vector<16xf32>,
              %add3A_777 = arith.constant 128 : i32
              %add3A_778 = arith.addi %mul3A_365, %add3A_777 : i32
              %add3A_779 = arith.constant 48 : i32
              %add3A_780 = arith.addi %add3A_778, %add3A_779 : i32
              %get3A_781 = tpu.memref_slice %run_scoped3A[%mul3A_275] : memref<51200xf32, #tpu.memory_space<vmem>> -> memref<25600xf32, #tpu.memory_space<vmem>>
              %get3A_782 = arith.index_cast %add3A_780 : i32 to index
              %get3A_783 = tpu.vector_load %get3A_781[%get3A_782] {strides = array<i32>} : memref<25600xf32, #tpu.memory_space<vmem>>, vector<16xf32>,
              %add3A_784 = arith.constant 256 : i32
              %add3A_785 = arith.addi %mul3A_365, %add3A_784 : i32
              %add3A_786 = arith.constant 48 : i32
              %add3A_787 = arith.addi %add3A_785, %add3A_786 : i32
              %get3A_788 = tpu.memref_slice %run_scoped3A[%mul3A_275] : memref<51200xf32, #tpu.memory_space<vmem>> -> memref<25600xf32, #tpu.memory_space<vmem>>
              %get3A_789 = arith.index_cast %add3A_787 : i32 to index
              %get3A_790 = tpu.vector_load %get3A_788[%get3A_789] {strides = array<i32>} : memref<25600xf32, #tpu.memory_space<vmem>>, vector<16xf32>,
              %add3A_791 = arith.constant 384 : i32
              %add3A_792 = arith.addi %mul3A_365, %add3A_791 : i32
              %add3A_793 = arith.constant 48 : i32
              %add3A_794 = arith.addi %add3A_792, %add3A_793 : i32
              %get3A_795 = tpu.memref_slice %run_scoped3A[%mul3A_275] : memref<51200xf32, #tpu.memory_space<vmem>> -> memref<25600xf32, #tpu.memory_space<vmem>>
              %get3A_796 = arith.index_cast %add3A_794 : i32 to index
              %get3A_797 = tpu.vector_load %get3A_795[%get3A_796] {strides = array<i32>} : memref<25600xf32, #tpu.memory_space<vmem>>, vector<16xf32>,
              %add3A_798 = arith.constant 512 : i32
              %add3A_799 = arith.addi %mul3A_365, %add3A_798 : i32
              %add3A_800 = arith.constant 48 : i32
              %add3A_801 = arith.addi %add3A_799, %add3A_800 : i32
              %get3A_802 = tpu.memref_slice %run_scoped3A[%mul3A_275] : memref<51200xf32, #tpu.memory_space<vmem>> -> memref<25600xf32, #tpu.memory_space<vmem>>
              %get3A_803 = arith.index_cast %add3A_801 : i32 to index
              %get3A_804 = tpu.vector_load %get3A_802[%get3A_803] {strides = array<i32>} : memref<25600xf32, #tpu.memory_space<vmem>>, vector<16xf32>,
              %add3A_805 = arith.constant 640 : i32
              %add3A_806 = arith.addi %mul3A_365, %add3A_805 : i32
              %add3A_807 = arith.constant 48 : i32
              %add3A_808 = arith.addi %add3A_806, %add3A_807 : i32
              %get3A_809 = tpu.memref_slice %run_scoped3A[%mul3A_275] : memref<51200xf32, #tpu.memory_space<vmem>> -> memref<25600xf32, #tpu.memory_space<vmem>>
              %get3A_810 = arith.index_cast %add3A_808 : i32 to index
              %get3A_811 = tpu.vector_load %get3A_809[%get3A_810] {strides = array<i32>} : memref<25600xf32, #tpu.memory_space<vmem>>, vector<16xf32>,
              %add3A_812 = arith.constant 768 : i32
              %add3A_813 = arith.addi %mul3A_365, %add3A_812 : i32
              %add3A_814 = arith.constant 48 : i32
              %add3A_815 = arith.addi %add3A_813, %add3A_814 : i32
              %get3A_816 = tpu.memref_slice %run_scoped3A[%mul3A_275] : memref<51200xf32, #tpu.memory_space<vmem>> -> memref<25600xf32, #tpu.memory_space<vmem>>
              %get3A_817 = arith.index_cast %add3A_815 : i32 to index
              %get3A_818 = tpu.vector_load %get3A_816[%get3A_817] {strides = array<i32>} : memref<25600xf32, #tpu.memory_space<vmem>>, vector<16xf32>,
              %add3A_819 = arith.constant 896 : i32
              %add3A_820 = arith.addi %mul3A_365, %add3A_819 : i32
              %add3A_821 = arith.constant 48 : i32
              %add3A_822 = arith.addi %add3A_820, %add3A_821 : i32
              %get3A_823 = tpu.memref_slice %run_scoped3A[%mul3A_275] : memref<51200xf32, #tpu.memory_space<vmem>> -> memref<25600xf32, #tpu.memory_space<vmem>>
              %get3A_824 = arith.index_cast %add3A_822 : i32 to index
              %get3A_825 = tpu.vector_load %get3A_823[%get3A_824] {strides = array<i32>} : memref<25600xf32, #tpu.memory_space<vmem>>, vector<16xf32>,
              %add3A_826 = arith.constant 1024 : i32
              %add3A_827 = arith.addi %mul3A_365, %add3A_826 : i32
              %add3A_828 = arith.constant 48 : i32
              %add3A_829 = arith.addi %add3A_827, %add3A_828 : i32
              %get3A_830 = tpu.memref_slice %run_scoped3A[%mul3A_275] : memref<51200xf32, #tpu.memory_space<vmem>> -> memref<25600xf32, #tpu.memory_space<vmem>>
              %get3A_831 = arith.index_cast %add3A_829 : i32 to index
              %get3A_832 = tpu.vector_load %get3A_830[%get3A_831] {strides = array<i32>} : memref<25600xf32, #tpu.memory_space<vmem>>, vector<16xf32>,
              %add3A_833 = arith.constant 1152 : i32
              %add3A_834 = arith.addi %mul3A_365, %add3A_833 : i32
              %add3A_835 = arith.constant 48 : i32
              %add3A_836 = arith.addi %add3A_834, %add3A_835 : i32
              %get3A_837 = tpu.memref_slice %run_scoped3A[%mul3A_275] : memref<51200xf32, #tpu.memory_space<vmem>> -> memref<25600xf32, #tpu.memory_space<vmem>>
              %get3A_838 = arith.index_cast %add3A_836 : i32 to index
              %get3A_839 = tpu.vector_load %get3A_837[%get3A_838] {strides = array<i32>} : memref<25600xf32, #tpu.memory_space<vmem>>, vector<16xf32>,
              %add3A_840 = arith.constant 1280 : i32
              %add3A_841 = arith.addi %mul3A_365, %add3A_840 : i32
              %add3A_842 = arith.constant 48 : i32
              %add3A_843 = arith.addi %add3A_841, %add3A_842 : i32
              %get3A_844 = tpu.memref_slice %run_scoped3A[%mul3A_275] : memref<51200xf32, #tpu.memory_space<vmem>> -> memref<25600xf32, #tpu.memory_space<vmem>>
              %get3A_845 = arith.index_cast %add3A_843 : i32 to index
              %get3A_846 = tpu.vector_load %get3A_844[%get3A_845] {strides = array<i32>} : memref<25600xf32, #tpu.memory_space<vmem>>, vector<16xf32>,
              %add3A_847 = arith.constant 1408 : i32
              %add3A_848 = arith.addi %mul3A_365, %add3A_847 : i32
              %add3A_849 = arith.constant 48 : i32
              %add3A_850 = arith.addi %add3A_848, %add3A_849 : i32
              %get3A_851 = tpu.memref_slice %run_scoped3A[%mul3A_275] : memref<51200xf32, #tpu.memory_space<vmem>> -> memref<25600xf32, #tpu.memory_space<vmem>>
              %get3A_852 = arith.index_cast %add3A_850 : i32 to index
              %get3A_853 = tpu.vector_load %get3A_851[%get3A_852] {strides = array<i32>} : memref<25600xf32, #tpu.memory_space<vmem>>, vector<16xf32>,
              %add3A_854 = arith.constant 1536 : i32
              %add3A_855 = arith.addi %mul3A_365, %add3A_854 : i32
              %add3A_856 = arith.constant 48 : i32
              %add3A_857 = arith.addi %add3A_855, %add3A_856 : i32
              %get3A_858 = tpu.memref_slice %run_scoped3A[%mul3A_275] : memref<51200xf32, #tpu.memory_space<vmem>> -> memref<25600xf32, #tpu.memory_space<vmem>>
              %get3A_859 = arith.index_cast %add3A_857 : i32 to index
              %get3A_860 = tpu.vector_load %get3A_858[%get3A_859] {strides = array<i32>} : memref<25600xf32, #tpu.memory_space<vmem>>, vector<16xf32>,
              %add3A_861 = arith.constant 1664 : i32
              %add3A_862 = arith.addi %mul3A_365, %add3A_861 : i32
              %add3A_863 = arith.constant 48 : i32
              %add3A_864 = arith.addi %add3A_862, %add3A_863 : i32
              %get3A_865 = tpu.memref_slice %run_scoped3A[%mul3A_275] : memref<51200xf32, #tpu.memory_space<vmem>> -> memref<25600xf32, #tpu.memory_space<vmem>>
              %get3A_866 = arith.index_cast %add3A_864 : i32 to index
              %get3A_867 = tpu.vector_load %get3A_865[%get3A_866] {strides = array<i32>} : memref<25600xf32, #tpu.memory_space<vmem>>, vector<16xf32>,
              %add3A_868 = arith.constant 1792 : i32
              %add3A_869 = arith.addi %mul3A_365, %add3A_868 : i32
              %add3A_870 = arith.constant 48 : i32
              %add3A_871 = arith.addi %add3A_869, %add3A_870 : i32
              %get3A_872 = tpu.memref_slice %run_scoped3A[%mul3A_275] : memref<51200xf32, #tpu.memory_space<vmem>> -> memref<25600xf32, #tpu.memory_space<vmem>>
              %get3A_873 = arith.index_cast %add3A_871 : i32 to index
              %get3A_874 = tpu.vector_load %get3A_872[%get3A_873] {strides = array<i32>} : memref<25600xf32, #tpu.memory_space<vmem>>, vector<16xf32>,
              %add3A_875 = arith.constant 1920 : i32
              %add3A_876 = arith.addi %mul3A_365, %add3A_875 : i32
              %add3A_877 = arith.constant 48 : i32
              %add3A_878 = arith.addi %add3A_876, %add3A_877 : i32
              %get3A_879 = tpu.memref_slice %run_scoped3A[%mul3A_275] : memref<51200xf32, #tpu.memory_space<vmem>> -> memref<25600xf32, #tpu.memory_space<vmem>>
              %get3A_880 = arith.index_cast %add3A_878 : i32 to index
              %get3A_881 = tpu.vector_load %get3A_879[%get3A_880] {strides = array<i32>} : memref<25600xf32, #tpu.memory_space<vmem>>, vector<16xf32>,
              %add3A_882 = arith.addf %get3A_776, %get3A_783 : vector<16xf32>
              %add3A_883 = arith.addf %get3A_790, %get3A_797 : vector<16xf32>
              %add3A_884 = arith.addf %get3A_804, %get3A_811 : vector<16xf32>
              %add3A_885 = arith.addf %get3A_818, %get3A_825 : vector<16xf32>
              %add3A_886 = arith.addf %get3A_832, %get3A_839 : vector<16xf32>
              %add3A_887 = arith.addf %get3A_846, %get3A_853 : vector<16xf32>
              %add3A_888 = arith.addf %get3A_860, %get3A_867 : vector<16xf32>
              %add3A_889 = arith.addf %get3A_874, %get3A_881 : vector<16xf32>
              %add3A_890 = arith.addf %add3A_882, %add3A_883 : vector<16xf32>
              %add3A_891 = arith.addf %add3A_884, %add3A_885 : vector<16xf32>
              %add3A_892 = arith.addf %add3A_886, %add3A_887 : vector<16xf32>
              %add3A_893 = arith.addf %add3A_888, %add3A_889 : vector<16xf32>
              %add3A_894 = arith.addf %add3A_890, %add3A_891 : vector<16xf32>
              %add3A_895 = arith.addf %add3A_892, %add3A_893 : vector<16xf32>
              %add3A_896 = arith.addf %add3A_894, %add3A_895 : vector<16xf32>
              %add3A_897 = arith.constant 48 : i32
              %add3A_898 = arith.addi %mul3A_377, %add3A_897 : i32
              %swap3A_899 = arith.index_cast %add3A_898 : i32 to index
              %swap3A_900 = tpu.vector_load %arg6[%swap3A_899] {strides = array<i32>} : memref<32768xf32, #tpu.memory_space<vmem>>, vector<16xf32>,
              tpu.vector_store %arg6[%swap3A_899], %add3A_896 {add = true, strides = array<i32>} : memref<32768xf32, #tpu.memory_space<vmem>>, vector<16xf32>,
              %add3A_901 = arith.constant 0 : i32
              %add3A_902 = arith.addi %mul3A_365, %add3A_901 : i32
              %add3A_903 = arith.constant 64 : i32
              %add3A_904 = arith.addi %add3A_902, %add3A_903 : i32
              %get3A_905 = tpu.memref_slice %run_scoped3A[%mul3A_275] : memref<51200xf32, #tpu.memory_space<vmem>> -> memref<25600xf32, #tpu.memory_space<vmem>>
              %get3A_906 = arith.index_cast %add3A_904 : i32 to index
              %get3A_907 = tpu.vector_load %get3A_905[%get3A_906] {strides = array<i32>} : memref<25600xf32, #tpu.memory_space<vmem>>, vector<16xf32>,
              %add3A_908 = arith.constant 128 : i32
              %add3A_909 = arith.addi %mul3A_365, %add3A_908 : i32
              %add3A_910 = arith.constant 64 : i32
              %add3A_911 = arith.addi %add3A_909, %add3A_910 : i32
              %get3A_912 = tpu.memref_slice %run_scoped3A[%mul3A_275] : memref<51200xf32, #tpu.memory_space<vmem>> -> memref<25600xf32, #tpu.memory_space<vmem>>
              %get3A_913 = arith.index_cast %add3A_911 : i32 to index
              %get3A_914 = tpu.vector_load %get3A_912[%get3A_913] {strides = array<i32>} : memref<25600xf32, #tpu.memory_space<vmem>>, vector<16xf32>,
              %add3A_915 = arith.constant 256 : i32
              %add3A_916 = arith.addi %mul3A_365, %add3A_915 : i32
              %add3A_917 = arith.constant 64 : i32
              %add3A_918 = arith.addi %add3A_916, %add3A_917 : i32
              %get3A_919 = tpu.memref_slice %run_scoped3A[%mul3A_275] : memref<51200xf32, #tpu.memory_space<vmem>> -> memref<25600xf32, #tpu.memory_space<vmem>>
              %get3A_920 = arith.index_cast %add3A_918 : i32 to index
              %get3A_921 = tpu.vector_load %get3A_919[%get3A_920] {strides = array<i32>} : memref<25600xf32, #tpu.memory_space<vmem>>, vector<16xf32>,
              %add3A_922 = arith.constant 384 : i32
              %add3A_923 = arith.addi %mul3A_365, %add3A_922 : i32
              %add3A_924 = arith.constant 64 : i32
              %add3A_925 = arith.addi %add3A_923, %add3A_924 : i32
              %get3A_926 = tpu.memref_slice %run_scoped3A[%mul3A_275] : memref<51200xf32, #tpu.memory_space<vmem>> -> memref<25600xf32, #tpu.memory_space<vmem>>
              %get3A_927 = arith.index_cast %add3A_925 : i32 to index
              %get3A_928 = tpu.vector_load %get3A_926[%get3A_927] {strides = array<i32>} : memref<25600xf32, #tpu.memory_space<vmem>>, vector<16xf32>,
              %add3A_929 = arith.constant 512 : i32
              %add3A_930 = arith.addi %mul3A_365, %add3A_929 : i32
              %add3A_931 = arith.constant 64 : i32
              %add3A_932 = arith.addi %add3A_930, %add3A_931 : i32
              %get3A_933 = tpu.memref_slice %run_scoped3A[%mul3A_275] : memref<51200xf32, #tpu.memory_space<vmem>> -> memref<25600xf32, #tpu.memory_space<vmem>>
              %get3A_934 = arith.index_cast %add3A_932 : i32 to index
              %get3A_935 = tpu.vector_load %get3A_933[%get3A_934] {strides = array<i32>} : memref<25600xf32, #tpu.memory_space<vmem>>, vector<16xf32>,
              %add3A_936 = arith.constant 640 : i32
              %add3A_937 = arith.addi %mul3A_365, %add3A_936 : i32
              %add3A_938 = arith.constant 64 : i32
              %add3A_939 = arith.addi %add3A_937, %add3A_938 : i32
              %get3A_940 = tpu.memref_slice %run_scoped3A[%mul3A_275] : memref<51200xf32, #tpu.memory_space<vmem>> -> memref<25600xf32, #tpu.memory_space<vmem>>
              %get3A_941 = arith.index_cast %add3A_939 : i32 to index
              %get3A_942 = tpu.vector_load %get3A_940[%get3A_941] {strides = array<i32>} : memref<25600xf32, #tpu.memory_space<vmem>>, vector<16xf32>,
              %add3A_943 = arith.constant 768 : i32
              %add3A_944 = arith.addi %mul3A_365, %add3A_943 : i32
              %add3A_945 = arith.constant 64 : i32
              %add3A_946 = arith.addi %add3A_944, %add3A_945 : i32
              %get3A_947 = tpu.memref_slice %run_scoped3A[%mul3A_275] : memref<51200xf32, #tpu.memory_space<vmem>> -> memref<25600xf32, #tpu.memory_space<vmem>>
              %get3A_948 = arith.index_cast %add3A_946 : i32 to index
              %get3A_949 = tpu.vector_load %get3A_947[%get3A_948] {strides = array<i32>} : memref<25600xf32, #tpu.memory_space<vmem>>, vector<16xf32>,
              %add3A_950 = arith.constant 896 : i32
              %add3A_951 = arith.addi %mul3A_365, %add3A_950 : i32
              %add3A_952 = arith.constant 64 : i32
              %add3A_953 = arith.addi %add3A_951, %add3A_952 : i32
              %get3A_954 = tpu.memref_slice %run_scoped3A[%mul3A_275] : memref<51200xf32, #tpu.memory_space<vmem>> -> memref<25600xf32, #tpu.memory_space<vmem>>
              %get3A_955 = arith.index_cast %add3A_953 : i32 to index
              %get3A_956 = tpu.vector_load %get3A_954[%get3A_955] {strides = array<i32>} : memref<25600xf32, #tpu.memory_space<vmem>>, vector<16xf32>,
              %add3A_957 = arith.constant 1024 : i32
              %add3A_958 = arith.addi %mul3A_365, %add3A_957 : i32
              %add3A_959 = arith.constant 64 : i32
              %add3A_960 = arith.addi %add3A_958, %add3A_959 : i32
              %get3A_961 = tpu.memref_slice %run_scoped3A[%mul3A_275] : memref<51200xf32, #tpu.memory_space<vmem>> -> memref<25600xf32, #tpu.memory_space<vmem>>
              %get3A_962 = arith.index_cast %add3A_960 : i32 to index
              %get3A_963 = tpu.vector_load %get3A_961[%get3A_962] {strides = array<i32>} : memref<25600xf32, #tpu.memory_space<vmem>>, vector<16xf32>,
              %add3A_964 = arith.constant 1152 : i32
              %add3A_965 = arith.addi %mul3A_365, %add3A_964 : i32
              %add3A_966 = arith.constant 64 : i32
              %add3A_967 = arith.addi %add3A_965, %add3A_966 : i32
              %get3A_968 = tpu.memref_slice %run_scoped3A[%mul3A_275] : memref<51200xf32, #tpu.memory_space<vmem>> -> memref<25600xf32, #tpu.memory_space<vmem>>
              %get3A_969 = arith.index_cast %add3A_967 : i32 to index
              %get3A_970 = tpu.vector_load %get3A_968[%get3A_969] {strides = array<i32>} : memref<25600xf32, #tpu.memory_space<vmem>>, vector<16xf32>,
              %add3A_971 = arith.constant 1280 : i32
              %add3A_972 = arith.addi %mul3A_365, %add3A_971 : i32
              %add3A_973 = arith.constant 64 : i32
              %add3A_974 = arith.addi %add3A_972, %add3A_973 : i32
              %get3A_975 = tpu.memref_slice %run_scoped3A[%mul3A_275] : memref<51200xf32, #tpu.memory_space<vmem>> -> memref<25600xf32, #tpu.memory_space<vmem>>
              %get3A_976 = arith.index_cast %add3A_974 : i32 to index
              %get3A_977 = tpu.vector_load %get3A_975[%get3A_976] {strides = array<i32>} : memref<25600xf32, #tpu.memory_space<vmem>>, vector<16xf32>,
              %add3A_978 = arith.constant 1408 : i32
              %add3A_979 = arith.addi %mul3A_365, %add3A_978 : i32
              %add3A_980 = arith.constant 64 : i32
              %add3A_981 = arith.addi %add3A_979, %add3A_980 : i32
              %get3A_982 = tpu.memref_slice %run_scoped3A[%mul3A_275] : memref<51200xf32, #tpu.memory_space<vmem>> -> memref<25600xf32, #tpu.memory_space<vmem>>
              %get3A_983 = arith.index_cast %add3A_981 : i32 to index
              %get3A_984 = tpu.vector_load %get3A_982[%get3A_983] {strides = array<i32>} : memref<25600xf32, #tpu.memory_space<vmem>>, vector<16xf32>,
              %add3A_985 = arith.constant 1536 : i32
              %add3A_986 = arith.addi %mul3A_365, %add3A_985 : i32
              %add3A_987 = arith.constant 64 : i32
              %add3A_988 = arith.addi %add3A_986, %add3A_987 : i32
              %get3A_989 = tpu.memref_slice %run_scoped3A[%mul3A_275] : memref<51200xf32, #tpu.memory_space<vmem>> -> memref<25600xf32, #tpu.memory_space<vmem>>
              %get3A_990 = arith.index_cast %add3A_988 : i32 to index
              %get3A_991 = tpu.vector_load %get3A_989[%get3A_990] {strides = array<i32>} : memref<25600xf32, #tpu.memory_space<vmem>>, vector<16xf32>,
              %add3A_992 = arith.constant 1664 : i32
              %add3A_993 = arith.addi %mul3A_365, %add3A_992 : i32
              %add3A_994 = arith.constant 64 : i32
              %add3A_995 = arith.addi %add3A_993, %add3A_994 : i32
              %get3A_996 = tpu.memref_slice %run_scoped3A[%mul3A_275] : memref<51200xf32, #tpu.memory_space<vmem>> -> memref<25600xf32, #tpu.memory_space<vmem>>
              %get3A_997 = arith.index_cast %add3A_995 : i32 to index
              %get3A_998 = tpu.vector_load %get3A_996[%get3A_997] {strides = array<i32>} : memref<25600xf32, #tpu.memory_space<vmem>>, vector<16xf32>,
              %add3A_999 = arith.constant 1792 : i32
              %add3A_1000 = arith.addi %mul3A_365, %add3A_999 : i32
              %add3A_1001 = arith.constant 64 : i32
              %add3A_1002 = arith.addi %add3A_1000, %add3A_1001 : i32
              %get3A_1003 = tpu.memref_slice %run_scoped3A[%mul3A_275] : memref<51200xf32, #tpu.memory_space<vmem>> -> memref<25600xf32, #tpu.memory_space<vmem>>
              %get3A_1004 = arith.index_cast %add3A_1002 : i32 to index
              %get3A_1005 = tpu.vector_load %get3A_1003[%get3A_1004] {strides = array<i32>} : memref<25600xf32, #tpu.memory_space<vmem>>, vector<16xf32>,
              %add3A_1006 = arith.constant 1920 : i32
              %add3A_1007 = arith.addi %mul3A_365, %add3A_1006 : i32
              %add3A_1008 = arith.constant 64 : i32
              %add3A_1009 = arith.addi %add3A_1007, %add3A_1008 : i32
              %get3A_1010 = tpu.memref_slice %run_scoped3A[%mul3A_275] : memref<51200xf32, #tpu.memory_space<vmem>> -> memref<25600xf32, #tpu.memory_space<vmem>>
              %get3A_1011 = arith.index_cast %add3A_1009 : i32 to index
              %get3A_1012 = tpu.vector_load %get3A_1010[%get3A_1011] {strides = array<i32>} : memref<25600xf32, #tpu.memory_space<vmem>>, vector<16xf32>,
              %add3A_1013 = arith.addf %get3A_907, %get3A_914 : vector<16xf32>
              %add3A_1014 = arith.addf %get3A_921, %get3A_928 : vector<16xf32>
              %add3A_1015 = arith.addf %get3A_935, %get3A_942 : vector<16xf32>
              %add3A_1016 = arith.addf %get3A_949, %get3A_956 : vector<16xf32>
              %add3A_1017 = arith.addf %get3A_963, %get3A_970 : vector<16xf32>
              %add3A_1018 = arith.addf %get3A_977, %get3A_984 : vector<16xf32>
              %add3A_1019 = arith.addf %get3A_991, %get3A_998 : vector<16xf32>
              %add3A_1020 = arith.addf %get3A_1005, %get3A_1012 : vector<16xf32>
              %add3A_1021 = arith.addf %add3A_1013, %add3A_1014 : vector<16xf32>
              %add3A_1022 = arith.addf %add3A_1015, %add3A_1016 : vector<16xf32>
              %add3A_1023 = arith.addf %add3A_1017, %add3A_1018 : vector<16xf32>
              %add3A_1024 = arith.addf %add3A_1019, %add3A_1020 : vector<16xf32>
              %add3A_1025 = arith.addf %add3A_1021, %add3A_1022 : vector<16xf32>
              %add3A_1026 = arith.addf %add3A_1023, %add3A_1024 : vector<16xf32>
              %add3A_1027 = arith.addf %add3A_1025, %add3A_1026 : vector<16xf32>
              %add3A_1028 = arith.constant 64 : i32
              %add3A_1029 = arith.addi %mul3A_377, %add3A_1028 : i32
              %swap3A_1030 = arith.index_cast %add3A_1029 : i32 to index
              %swap3A_1031 = tpu.vector_load %arg6[%swap3A_1030] {strides = array<i32>} : memref<32768xf32, #tpu.memory_space<vmem>>, vector<16xf32>,
              tpu.vector_store %arg6[%swap3A_1030], %add3A_1027 {add = true, strides = array<i32>} : memref<32768xf32, #tpu.memory_space<vmem>>, vector<16xf32>,
              %add3A_1032 = arith.constant 0 : i32
              %add3A_1033 = arith.addi %mul3A_365, %add3A_1032 : i32
              %add3A_1034 = arith.constant 80 : i32
              %add3A_1035 = arith.addi %add3A_1033, %add3A_1034 : i32
              %get3A_1036 = tpu.memref_slice %run_scoped3A[%mul3A_275] : memref<51200xf32, #tpu.memory_space<vmem>> -> memref<25600xf32, #tpu.memory_space<vmem>>
              %get3A_1037 = arith.index_cast %add3A_1035 : i32 to index
              %get3A_1038 = tpu.vector_load %get3A_1036[%get3A_1037] {strides = array<i32>} : memref<25600xf32, #tpu.memory_space<vmem>>, vector<16xf32>,
              %add3A_1039 = arith.constant 128 : i32
              %add3A_1040 = arith.addi %mul3A_365, %add3A_1039 : i32
              %add3A_1041 = arith.constant 80 : i32
              %add3A_1042 = arith.addi %add3A_1040, %add3A_1041 : i32
              %get3A_1043 = tpu.memref_slice %run_scoped3A[%mul3A_275] : memref<51200xf32, #tpu.memory_space<vmem>> -> memref<25600xf32, #tpu.memory_space<vmem>>
              %get3A_1044 = arith.index_cast %add3A_1042 : i32 to index
              %get3A_1045 = tpu.vector_load %get3A_1043[%get3A_1044] {strides = array<i32>} : memref<25600xf32, #tpu.memory_space<vmem>>, vector<16xf32>,
              %add3A_1046 = arith.constant 256 : i32
              %add3A_1047 = arith.addi %mul3A_365, %add3A_1046 : i32
              %add3A_1048 = arith.constant 80 : i32
              %add3A_1049 = arith.addi %add3A_1047, %add3A_1048 : i32
              %get3A_1050 = tpu.memref_slice %run_scoped3A[%mul3A_275] : memref<51200xf32, #tpu.memory_space<vmem>> -> memref<25600xf32, #tpu.memory_space<vmem>>
              %get3A_1051 = arith.index_cast %add3A_1049 : i32 to index
              %get3A_1052 = tpu.vector_load %get3A_1050[%get3A_1051] {strides = array<i32>} : memref<25600xf32, #tpu.memory_space<vmem>>, vector<16xf32>,
              %add3A_1053 = arith.constant 384 : i32
              %add3A_1054 = arith.addi %mul3A_365, %add3A_1053 : i32
              %add3A_1055 = arith.constant 80 : i32
              %add3A_1056 = arith.addi %add3A_1054, %add3A_1055 : i32
              %get3A_1057 = tpu.memref_slice %run_scoped3A[%mul3A_275] : memref<51200xf32, #tpu.memory_space<vmem>> -> memref<25600xf32, #tpu.memory_space<vmem>>
              %get3A_1058 = arith.index_cast %add3A_1056 : i32 to index
              %get3A_1059 = tpu.vector_load %get3A_1057[%get3A_1058] {strides = array<i32>} : memref<25600xf32, #tpu.memory_space<vmem>>, vector<16xf32>,
              %add3A_1060 = arith.constant 512 : i32
              %add3A_1061 = arith.addi %mul3A_365, %add3A_1060 : i32
              %add3A_1062 = arith.constant 80 : i32
              %add3A_1063 = arith.addi %add3A_1061, %add3A_1062 : i32
              %get3A_1064 = tpu.memref_slice %run_scoped3A[%mul3A_275] : memref<51200xf32, #tpu.memory_space<vmem>> -> memref<25600xf32, #tpu.memory_space<vmem>>
              %get3A_1065 = arith.index_cast %add3A_1063 : i32 to index
              %get3A_1066 = tpu.vector_load %get3A_1064[%get3A_1065] {strides = array<i32>} : memref<25600xf32, #tpu.memory_space<vmem>>, vector<16xf32>,
              %add3A_1067 = arith.constant 640 : i32
              %add3A_1068 = arith.addi %mul3A_365, %add3A_1067 : i32
              %add3A_1069 = arith.constant 80 : i32
              %add3A_1070 = arith.addi %add3A_1068, %add3A_1069 : i32
              %get3A_1071 = tpu.memref_slice %run_scoped3A[%mul3A_275] : memref<51200xf32, #tpu.memory_space<vmem>> -> memref<25600xf32, #tpu.memory_space<vmem>>
              %get3A_1072 = arith.index_cast %add3A_1070 : i32 to index
              %get3A_1073 = tpu.vector_load %get3A_1071[%get3A_1072] {strides = array<i32>} : memref<25600xf32, #tpu.memory_space<vmem>>, vector<16xf32>,
              %add3A_1074 = arith.constant 768 : i32
              %add3A_1075 = arith.addi %mul3A_365, %add3A_1074 : i32
              %add3A_1076 = arith.constant 80 : i32
              %add3A_1077 = arith.addi %add3A_1075, %add3A_1076 : i32
              %get3A_1078 = tpu.memref_slice %run_scoped3A[%mul3A_275] : memref<51200xf32, #tpu.memory_space<vmem>> -> memref<25600xf32, #tpu.memory_space<vmem>>
              %get3A_1079 = arith.index_cast %add3A_1077 : i32 to index
              %get3A_1080 = tpu.vector_load %get3A_1078[%get3A_1079] {strides = array<i32>} : memref<25600xf32, #tpu.memory_space<vmem>>, vector<16xf32>,
              %add3A_1081 = arith.constant 896 : i32
              %add3A_1082 = arith.addi %mul3A_365, %add3A_1081 : i32
              %add3A_1083 = arith.constant 80 : i32
              %add3A_1084 = arith.addi %add3A_1082, %add3A_1083 : i32
              %get3A_1085 = tpu.memref_slice %run_scoped3A[%mul3A_275] : memref<51200xf32, #tpu.memory_space<vmem>> -> memref<25600xf32, #tpu.memory_space<vmem>>
              %get3A_1086 = arith.index_cast %add3A_1084 : i32 to index
              %get3A_1087 = tpu.vector_load %get3A_1085[%get3A_1086] {strides = array<i32>} : memref<25600xf32, #tpu.memory_space<vmem>>, vector<16xf32>,
              %add3A_1088 = arith.constant 1024 : i32
              %add3A_1089 = arith.addi %mul3A_365, %add3A_1088 : i32
              %add3A_1090 = arith.constant 80 : i32
              %add3A_1091 = arith.addi %add3A_1089, %add3A_1090 : i32
              %get3A_1092 = tpu.memref_slice %run_scoped3A[%mul3A_275] : memref<51200xf32, #tpu.memory_space<vmem>> -> memref<25600xf32, #tpu.memory_space<vmem>>
              %get3A_1093 = arith.index_cast %add3A_1091 : i32 to index
              %get3A_1094 = tpu.vector_load %get3A_1092[%get3A_1093] {strides = array<i32>} : memref<25600xf32, #tpu.memory_space<vmem>>, vector<16xf32>,
              %add3A_1095 = arith.constant 1152 : i32
              %add3A_1096 = arith.addi %mul3A_365, %add3A_1095 : i32
              %add3A_1097 = arith.constant 80 : i32
              %add3A_1098 = arith.addi %add3A_1096, %add3A_1097 : i32
              %get3A_1099 = tpu.memref_slice %run_scoped3A[%mul3A_275] : memref<51200xf32, #tpu.memory_space<vmem>> -> memref<25600xf32, #tpu.memory_space<vmem>>
              %get3A_1100 = arith.index_cast %add3A_1098 : i32 to index
              %get3A_1101 = tpu.vector_load %get3A_1099[%get3A_1100] {strides = array<i32>} : memref<25600xf32, #tpu.memory_space<vmem>>, vector<16xf32>,
              %add3A_1102 = arith.constant 1280 : i32
              %add3A_1103 = arith.addi %mul3A_365, %add3A_1102 : i32
              %add3A_1104 = arith.constant 80 : i32
              %add3A_1105 = arith.addi %add3A_1103, %add3A_1104 : i32
              %get3A_1106 = tpu.memref_slice %run_scoped3A[%mul3A_275] : memref<51200xf32, #tpu.memory_space<vmem>> -> memref<25600xf32, #tpu.memory_space<vmem>>
              %get3A_1107 = arith.index_cast %add3A_1105 : i32 to index
              %get3A_1108 = tpu.vector_load %get3A_1106[%get3A_1107] {strides = array<i32>} : memref<25600xf32, #tpu.memory_space<vmem>>, vector<16xf32>,
              %add3A_1109 = arith.constant 1408 : i32
              %add3A_1110 = arith.addi %mul3A_365, %add3A_1109 : i32
              %add3A_1111 = arith.constant 80 : i32
              %add3A_1112 = arith.addi %add3A_1110, %add3A_1111 : i32
              %get3A_1113 = tpu.memref_slice %run_scoped3A[%mul3A_275] : memref<51200xf32, #tpu.memory_space<vmem>> -> memref<25600xf32, #tpu.memory_space<vmem>>
              %get3A_1114 = arith.index_cast %add3A_1112 : i32 to index
              %get3A_1115 = tpu.vector_load %get3A_1113[%get3A_1114] {strides = array<i32>} : memref<25600xf32, #tpu.memory_space<vmem>>, vector<16xf32>,
              %add3A_1116 = arith.constant 1536 : i32
              %add3A_1117 = arith.addi %mul3A_365, %add3A_1116 : i32
              %add3A_1118 = arith.constant 80 : i32
              %add3A_1119 = arith.addi %add3A_1117, %add3A_1118 : i32
              %get3A_1120 = tpu.memref_slice %run_scoped3A[%mul3A_275] : memref<51200xf32, #tpu.memory_space<vmem>> -> memref<25600xf32, #tpu.memory_space<vmem>>
              %get3A_1121 = arith.index_cast %add3A_1119 : i32 to index
              %get3A_1122 = tpu.vector_load %get3A_1120[%get3A_1121] {strides = array<i32>} : memref<25600xf32, #tpu.memory_space<vmem>>, vector<16xf32>,
              %add3A_1123 = arith.constant 1664 : i32
              %add3A_1124 = arith.addi %mul3A_365, %add3A_1123 : i32
              %add3A_1125 = arith.constant 80 : i32
              %add3A_1126 = arith.addi %add3A_1124, %add3A_1125 : i32
              %get3A_1127 = tpu.memref_slice %run_scoped3A[%mul3A_275] : memref<51200xf32, #tpu.memory_space<vmem>> -> memref<25600xf32, #tpu.memory_space<vmem>>
              %get3A_1128 = arith.index_cast %add3A_1126 : i32 to index
              %get3A_1129 = tpu.vector_load %get3A_1127[%get3A_1128] {strides = array<i32>} : memref<25600xf32, #tpu.memory_space<vmem>>, vector<16xf32>,
              %add3A_1130 = arith.constant 1792 : i32
              %add3A_1131 = arith.addi %mul3A_365, %add3A_1130 : i32
              %add3A_1132 = arith.constant 80 : i32
              %add3A_1133 = arith.addi %add3A_1131, %add3A_1132 : i32
              %get3A_1134 = tpu.memref_slice %run_scoped3A[%mul3A_275] : memref<51200xf32, #tpu.memory_space<vmem>> -> memref<25600xf32, #tpu.memory_space<vmem>>
              %get3A_1135 = arith.index_cast %add3A_1133 : i32 to index
              %get3A_1136 = tpu.vector_load %get3A_1134[%get3A_1135] {strides = array<i32>} : memref<25600xf32, #tpu.memory_space<vmem>>, vector<16xf32>,
              %add3A_1137 = arith.constant 1920 : i32
              %add3A_1138 = arith.addi %mul3A_365, %add3A_1137 : i32
              %add3A_1139 = arith.constant 80 : i32
              %add3A_1140 = arith.addi %add3A_1138, %add3A_1139 : i32
              %get3A_1141 = tpu.memref_slice %run_scoped3A[%mul3A_275] : memref<51200xf32, #tpu.memory_space<vmem>> -> memref<25600xf32, #tpu.memory_space<vmem>>
              %get3A_1142 = arith.index_cast %add3A_1140 : i32 to index
              %get3A_1143 = tpu.vector_load %get3A_1141[%get3A_1142] {strides = array<i32>} : memref<25600xf32, #tpu.memory_space<vmem>>, vector<16xf32>,
              %add3A_1144 = arith.addf %get3A_1038, %get3A_1045 : vector<16xf32>
              %add3A_1145 = arith.addf %get3A_1052, %get3A_1059 : vector<16xf32>
              %add3A_1146 = arith.addf %get3A_1066, %get3A_1073 : vector<16xf32>
              %add3A_1147 = arith.addf %get3A_1080, %get3A_1087 : vector<16xf32>
              %add3A_1148 = arith.addf %get3A_1094, %get3A_1101 : vector<16xf32>
              %add3A_1149 = arith.addf %get3A_1108, %get3A_1115 : vector<16xf32>
              %add3A_1150 = arith.addf %get3A_1122, %get3A_1129 : vector<16xf32>
              %add3A_1151 = arith.addf %get3A_1136, %get3A_1143 : vector<16xf32>
              %add3A_1152 = arith.addf %add3A_1144, %add3A_1145 : vector<16xf32>
              %add3A_1153 = arith.addf %add3A_1146, %add3A_1147 : vector<16xf32>
              %add3A_1154 = arith.addf %add3A_1148, %add3A_1149 : vector<16xf32>
              %add3A_1155 = arith.addf %add3A_1150, %add3A_1151 : vector<16xf32>
              %add3A_1156 = arith.addf %add3A_1152, %add3A_1153 : vector<16xf32>
              %add3A_1157 = arith.addf %add3A_1154, %add3A_1155 : vector<16xf32>
              %add3A_1158 = arith.addf %add3A_1156, %add3A_1157 : vector<16xf32>
              %add3A_1159 = arith.constant 80 : i32
              %add3A_1160 = arith.addi %mul3A_377, %add3A_1159 : i32
              %swap3A_1161 = arith.index_cast %add3A_1160 : i32 to index
              %swap3A_1162 = tpu.vector_load %arg6[%swap3A_1161] {strides = array<i32>} : memref<32768xf32, #tpu.memory_space<vmem>>, vector<16xf32>,
              tpu.vector_store %arg6[%swap3A_1161], %add3A_1158 {add = true, strides = array<i32>} : memref<32768xf32, #tpu.memory_space<vmem>>, vector<16xf32>,
              %add3A_1163 = arith.constant 0 : i32
              %add3A_1164 = arith.addi %mul3A_365, %add3A_1163 : i32
              %add3A_1165 = arith.constant 96 : i32
              %add3A_1166 = arith.addi %add3A_1164, %add3A_1165 : i32
              %get3A_1167 = tpu.memref_slice %run_scoped3A[%mul3A_275] : memref<51200xf32, #tpu.memory_space<vmem>> -> memref<25600xf32, #tpu.memory_space<vmem>>
              %get3A_1168 = arith.index_cast %add3A_1166 : i32 to index
              %get3A_1169 = tpu.vector_load %get3A_1167[%get3A_1168] {strides = array<i32>} : memref<25600xf32, #tpu.memory_space<vmem>>, vector<16xf32>,
              %add3A_1170 = arith.constant 128 : i32
              %add3A_1171 = arith.addi %mul3A_365, %add3A_1170 : i32
              %add3A_1172 = arith.constant 96 : i32
              %add3A_1173 = arith.addi %add3A_1171, %add3A_1172 : i32
              %get3A_1174 = tpu.memref_slice %run_scoped3A[%mul3A_275] : memref<51200xf32, #tpu.memory_space<vmem>> -> memref<25600xf32, #tpu.memory_space<vmem>>
              %get3A_1175 = arith.index_cast %add3A_1173 : i32 to index
              %get3A_1176 = tpu.vector_load %get3A_1174[%get3A_1175] {strides = array<i32>} : memref<25600xf32, #tpu.memory_space<vmem>>, vector<16xf32>,
              %add3A_1177 = arith.constant 256 : i32
              %add3A_1178 = arith.addi %mul3A_365, %add3A_1177 : i32
              %add3A_1179 = arith.constant 96 : i32
              %add3A_1180 = arith.addi %add3A_1178, %add3A_1179 : i32
              %get3A_1181 = tpu.memref_slice %run_scoped3A[%mul3A_275] : memref<51200xf32, #tpu.memory_space<vmem>> -> memref<25600xf32, #tpu.memory_space<vmem>>
              %get3A_1182 = arith.index_cast %add3A_1180 : i32 to index
              %get3A_1183 = tpu.vector_load %get3A_1181[%get3A_1182] {strides = array<i32>} : memref<25600xf32, #tpu.memory_space<vmem>>, vector<16xf32>,
              %add3A_1184 = arith.constant 384 : i32
              %add3A_1185 = arith.addi %mul3A_365, %add3A_1184 : i32
              %add3A_1186 = arith.constant 96 : i32
              %add3A_1187 = arith.addi %add3A_1185, %add3A_1186 : i32
              %get3A_1188 = tpu.memref_slice %run_scoped3A[%mul3A_275] : memref<51200xf32, #tpu.memory_space<vmem>> -> memref<25600xf32, #tpu.memory_space<vmem>>
              %get3A_1189 = arith.index_cast %add3A_1187 : i32 to index
              %get3A_1190 = tpu.vector_load %get3A_1188[%get3A_1189] {strides = array<i32>} : memref<25600xf32, #tpu.memory_space<vmem>>, vector<16xf32>,
              %add3A_1191 = arith.constant 512 : i32
              %add3A_1192 = arith.addi %mul3A_365, %add3A_1191 : i32
              %add3A_1193 = arith.constant 96 : i32
              %add3A_1194 = arith.addi %add3A_1192, %add3A_1193 : i32
              %get3A_1195 = tpu.memref_slice %run_scoped3A[%mul3A_275] : memref<51200xf32, #tpu.memory_space<vmem>> -> memref<25600xf32, #tpu.memory_space<vmem>>
              %get3A_1196 = arith.index_cast %add3A_1194 : i32 to index
              %get3A_1197 = tpu.vector_load %get3A_1195[%get3A_1196] {strides = array<i32>} : memref<25600xf32, #tpu.memory_space<vmem>>, vector<16xf32>,
              %add3A_1198 = arith.constant 640 : i32
              %add3A_1199 = arith.addi %mul3A_365, %add3A_1198 : i32
              %add3A_1200 = arith.constant 96 : i32
              %add3A_1201 = arith.addi %add3A_1199, %add3A_1200 : i32
              %get3A_1202 = tpu.memref_slice %run_scoped3A[%mul3A_275] : memref<51200xf32, #tpu.memory_space<vmem>> -> memref<25600xf32, #tpu.memory_space<vmem>>
              %get3A_1203 = arith.index_cast %add3A_1201 : i32 to index
              %get3A_1204 = tpu.vector_load %get3A_1202[%get3A_1203] {strides = array<i32>} : memref<25600xf32, #tpu.memory_space<vmem>>, vector<16xf32>,
              %add3A_1205 = arith.constant 768 : i32
              %add3A_1206 = arith.addi %mul3A_365, %add3A_1205 : i32
              %add3A_1207 = arith.constant 96 : i32
              %add3A_1208 = arith.addi %add3A_1206, %add3A_1207 : i32
              %get3A_1209 = tpu.memref_slice %run_scoped3A[%mul3A_275] : memref<51200xf32, #tpu.memory_space<vmem>> -> memref<25600xf32, #tpu.memory_space<vmem>>
              %get3A_1210 = arith.index_cast %add3A_1208 : i32 to index
              %get3A_1211 = tpu.vector_load %get3A_1209[%get3A_1210] {strides = array<i32>} : memref<25600xf32, #tpu.memory_space<vmem>>, vector<16xf32>,
              %add3A_1212 = arith.constant 896 : i32
              %add3A_1213 = arith.addi %mul3A_365, %add3A_1212 : i32
              %add3A_1214 = arith.constant 96 : i32
              %add3A_1215 = arith.addi %add3A_1213, %add3A_1214 : i32
              %get3A_1216 = tpu.memref_slice %run_scoped3A[%mul3A_275] : memref<51200xf32, #tpu.memory_space<vmem>> -> memref<25600xf32, #tpu.memory_space<vmem>>
              %get3A_1217 = arith.index_cast %add3A_1215 : i32 to index
              %get3A_1218 = tpu.vector_load %get3A_1216[%get3A_1217] {strides = array<i32>} : memref<25600xf32, #tpu.memory_space<vmem>>, vector<16xf32>,
              %add3A_1219 = arith.constant 1024 : i32
              %add3A_1220 = arith.addi %mul3A_365, %add3A_1219 : i32
              %add3A_1221 = arith.constant 96 : i32
              %add3A_1222 = arith.addi %add3A_1220, %add3A_1221 : i32
              %get3A_1223 = tpu.memref_slice %run_scoped3A[%mul3A_275] : memref<51200xf32, #tpu.memory_space<vmem>> -> memref<25600xf32, #tpu.memory_space<vmem>>
              %get3A_1224 = arith.index_cast %add3A_1222 : i32 to index
              %get3A_1225 = tpu.vector_load %get3A_1223[%get3A_1224] {strides = array<i32>} : memref<25600xf32, #tpu.memory_space<vmem>>, vector<16xf32>,
              %add3A_1226 = arith.constant 1152 : i32
              %add3A_1227 = arith.addi %mul3A_365, %add3A_1226 : i32
              %add3A_1228 = arith.constant 96 : i32
              %add3A_1229 = arith.addi %add3A_1227, %add3A_1228 : i32
              %get3A_1230 = tpu.memref_slice %run_scoped3A[%mul3A_275] : memref<51200xf32, #tpu.memory_space<vmem>> -> memref<25600xf32, #tpu.memory_space<vmem>>
              %get3A_1231 = arith.index_cast %add3A_1229 : i32 to index
              %get3A_1232 = tpu.vector_load %get3A_1230[%get3A_1231] {strides = array<i32>} : memref<25600xf32, #tpu.memory_space<vmem>>, vector<16xf32>,
              %add3A_1233 = arith.constant 1280 : i32
              %add3A_1234 = arith.addi %mul3A_365, %add3A_1233 : i32
              %add3A_1235 = arith.constant 96 : i32
              %add3A_1236 = arith.addi %add3A_1234, %add3A_1235 : i32
              %get3A_1237 = tpu.memref_slice %run_scoped3A[%mul3A_275] : memref<51200xf32, #tpu.memory_space<vmem>> -> memref<25600xf32, #tpu.memory_space<vmem>>
              %get3A_1238 = arith.index_cast %add3A_1236 : i32 to index
              %get3A_1239 = tpu.vector_load %get3A_1237[%get3A_1238] {strides = array<i32>} : memref<25600xf32, #tpu.memory_space<vmem>>, vector<16xf32>,
              %add3A_1240 = arith.constant 1408 : i32
              %add3A_1241 = arith.addi %mul3A_365, %add3A_1240 : i32
              %add3A_1242 = arith.constant 96 : i32
              %add3A_1243 = arith.addi %add3A_1241, %add3A_1242 : i32
              %get3A_1244 = tpu.memref_slice %run_scoped3A[%mul3A_275] : memref<51200xf32, #tpu.memory_space<vmem>> -> memref<25600xf32, #tpu.memory_space<vmem>>
              %get3A_1245 = arith.index_cast %add3A_1243 : i32 to index
              %get3A_1246 = tpu.vector_load %get3A_1244[%get3A_1245] {strides = array<i32>} : memref<25600xf32, #tpu.memory_space<vmem>>, vector<16xf32>,
              %add3A_1247 = arith.constant 1536 : i32
              %add3A_1248 = arith.addi %mul3A_365, %add3A_1247 : i32
              %add3A_1249 = arith.constant 96 : i32
              %add3A_1250 = arith.addi %add3A_1248, %add3A_1249 : i32
              %get3A_1251 = tpu.memref_slice %run_scoped3A[%mul3A_275] : memref<51200xf32, #tpu.memory_space<vmem>> -> memref<25600xf32, #tpu.memory_space<vmem>>
              %get3A_1252 = arith.index_cast %add3A_1250 : i32 to index
              %get3A_1253 = tpu.vector_load %get3A_1251[%get3A_1252] {strides = array<i32>} : memref<25600xf32, #tpu.memory_space<vmem>>, vector<16xf32>,
              %add3A_1254 = arith.constant 1664 : i32
              %add3A_1255 = arith.addi %mul3A_365, %add3A_1254 : i32
              %add3A_1256 = arith.constant 96 : i32
              %add3A_1257 = arith.addi %add3A_1255, %add3A_1256 : i32
              %get3A_1258 = tpu.memref_slice %run_scoped3A[%mul3A_275] : memref<51200xf32, #tpu.memory_space<vmem>> -> memref<25600xf32, #tpu.memory_space<vmem>>
              %get3A_1259 = arith.index_cast %add3A_1257 : i32 to index
              %get3A_1260 = tpu.vector_load %get3A_1258[%get3A_1259] {strides = array<i32>} : memref<25600xf32, #tpu.memory_space<vmem>>, vector<16xf32>,
              %add3A_1261 = arith.constant 1792 : i32
              %add3A_1262 = arith.addi %mul3A_365, %add3A_1261 : i32
              %add3A_1263 = arith.constant 96 : i32
              %add3A_1264 = arith.addi %add3A_1262, %add3A_1263 : i32
              %get3A_1265 = tpu.memref_slice %run_scoped3A[%mul3A_275] : memref<51200xf32, #tpu.memory_space<vmem>> -> memref<25600xf32, #tpu.memory_space<vmem>>
              %get3A_1266 = arith.index_cast %add3A_1264 : i32 to index
              %get3A_1267 = tpu.vector_load %get3A_1265[%get3A_1266] {strides = array<i32>} : memref<25600xf32, #tpu.memory_space<vmem>>, vector<16xf32>,
              %add3A_1268 = arith.constant 1920 : i32
              %add3A_1269 = arith.addi %mul3A_365, %add3A_1268 : i32
              %add3A_1270 = arith.constant 96 : i32
              %add3A_1271 = arith.addi %add3A_1269, %add3A_1270 : i32
              %get3A_1272 = tpu.memref_slice %run_scoped3A[%mul3A_275] : memref<51200xf32, #tpu.memory_space<vmem>> -> memref<25600xf32, #tpu.memory_space<vmem>>
              %get3A_1273 = arith.index_cast %add3A_1271 : i32 to index
              %get3A_1274 = tpu.vector_load %get3A_1272[%get3A_1273] {strides = array<i32>} : memref<25600xf32, #tpu.memory_space<vmem>>, vector<16xf32>,
              %add3A_1275 = arith.addf %get3A_1169, %get3A_1176 : vector<16xf32>
              %add3A_1276 = arith.addf %get3A_1183, %get3A_1190 : vector<16xf32>
              %add3A_1277 = arith.addf %get3A_1197, %get3A_1204 : vector<16xf32>
              %add3A_1278 = arith.addf %get3A_1211, %get3A_1218 : vector<16xf32>
              %add3A_1279 = arith.addf %get3A_1225, %get3A_1232 : vector<16xf32>
              %add3A_1280 = arith.addf %get3A_1239, %get3A_1246 : vector<16xf32>
              %add3A_1281 = arith.addf %get3A_1253, %get3A_1260 : vector<16xf32>
              %add3A_1282 = arith.addf %get3A_1267, %get3A_1274 : vector<16xf32>
              %add3A_1283 = arith.addf %add3A_1275, %add3A_1276 : vector<16xf32>
              %add3A_1284 = arith.addf %add3A_1277, %add3A_1278 : vector<16xf32>
              %add3A_1285 = arith.addf %add3A_1279, %add3A_1280 : vector<16xf32>
              %add3A_1286 = arith.addf %add3A_1281, %add3A_1282 : vector<16xf32>
              %add3A_1287 = arith.addf %add3A_1283, %add3A_1284 : vector<16xf32>
              %add3A_1288 = arith.addf %add3A_1285, %add3A_1286 : vector<16xf32>
              %add3A_1289 = arith.addf %add3A_1287, %add3A_1288 : vector<16xf32>
              %add3A_1290 = arith.constant 96 : i32
              %add3A_1291 = arith.addi %mul3A_377, %add3A_1290 : i32
              %swap3A_1292 = arith.index_cast %add3A_1291 : i32 to index
              %swap3A_1293 = tpu.vector_load %arg6[%swap3A_1292] {strides = array<i32>} : memref<32768xf32, #tpu.memory_space<vmem>>, vector<16xf32>,
              tpu.vector_store %arg6[%swap3A_1292], %add3A_1289 {add = true, strides = array<i32>} : memref<32768xf32, #tpu.memory_space<vmem>>, vector<16xf32>,
              %add3A_1294 = arith.constant 0 : i32
              %add3A_1295 = arith.addi %mul3A_365, %add3A_1294 : i32
              %add3A_1296 = arith.constant 112 : i32
              %add3A_1297 = arith.addi %add3A_1295, %add3A_1296 : i32
              %get3A_1298 = tpu.memref_slice %run_scoped3A[%mul3A_275] : memref<51200xf32, #tpu.memory_space<vmem>> -> memref<25600xf32, #tpu.memory_space<vmem>>
              %get3A_1299 = arith.index_cast %add3A_1297 : i32 to index
              %get3A_1300 = tpu.vector_load %get3A_1298[%get3A_1299] {strides = array<i32>} : memref<25600xf32, #tpu.memory_space<vmem>>, vector<16xf32>,
              %add3A_1301 = arith.constant 128 : i32
              %add3A_1302 = arith.addi %mul3A_365, %add3A_1301 : i32
              %add3A_1303 = arith.constant 112 : i32
              %add3A_1304 = arith.addi %add3A_1302, %add3A_1303 : i32
              %get3A_1305 = tpu.memref_slice %run_scoped3A[%mul3A_275] : memref<51200xf32, #tpu.memory_space<vmem>> -> memref<25600xf32, #tpu.memory_space<vmem>>
              %get3A_1306 = arith.index_cast %add3A_1304 : i32 to index
              %get3A_1307 = tpu.vector_load %get3A_1305[%get3A_1306] {strides = array<i32>} : memref<25600xf32, #tpu.memory_space<vmem>>, vector<16xf32>,
              %add3A_1308 = arith.constant 256 : i32
              %add3A_1309 = arith.addi %mul3A_365, %add3A_1308 : i32
              %add3A_1310 = arith.constant 112 : i32
              %add3A_1311 = arith.addi %add3A_1309, %add3A_1310 : i32
              %get3A_1312 = tpu.memref_slice %run_scoped3A[%mul3A_275] : memref<51200xf32, #tpu.memory_space<vmem>> -> memref<25600xf32, #tpu.memory_space<vmem>>
              %get3A_1313 = arith.index_cast %add3A_1311 : i32 to index
              %get3A_1314 = tpu.vector_load %get3A_1312[%get3A_1313] {strides = array<i32>} : memref<25600xf32, #tpu.memory_space<vmem>>, vector<16xf32>,
              %add3A_1315 = arith.constant 384 : i32
              %add3A_1316 = arith.addi %mul3A_365, %add3A_1315 : i32
              %add3A_1317 = arith.constant 112 : i32
              %add3A_1318 = arith.addi %add3A_1316, %add3A_1317 : i32
              %get3A_1319 = tpu.memref_slice %run_scoped3A[%mul3A_275] : memref<51200xf32, #tpu.memory_space<vmem>> -> memref<25600xf32, #tpu.memory_space<vmem>>
              %get3A_1320 = arith.index_cast %add3A_1318 : i32 to index
              %get3A_1321 = tpu.vector_load %get3A_1319[%get3A_1320] {strides = array<i32>} : memref<25600xf32, #tpu.memory_space<vmem>>, vector<16xf32>,
              %add3A_1322 = arith.constant 512 : i32
              %add3A_1323 = arith.addi %mul3A_365, %add3A_1322 : i32
              %add3A_1324 = arith.constant 112 : i32
              %add3A_1325 = arith.addi %add3A_1323, %add3A_1324 : i32
              %get3A_1326 = tpu.memref_slice %run_scoped3A[%mul3A_275] : memref<51200xf32, #tpu.memory_space<vmem>> -> memref<25600xf32, #tpu.memory_space<vmem>>
              %get3A_1327 = arith.index_cast %add3A_1325 : i32 to index
              %get3A_1328 = tpu.vector_load %get3A_1326[%get3A_1327] {strides = array<i32>} : memref<25600xf32, #tpu.memory_space<vmem>>, vector<16xf32>,
              %add3A_1329 = arith.constant 640 : i32
              %add3A_1330 = arith.addi %mul3A_365, %add3A_1329 : i32
              %add3A_1331 = arith.constant 112 : i32
              %add3A_1332 = arith.addi %add3A_1330, %add3A_1331 : i32
              %get3A_1333 = tpu.memref_slice %run_scoped3A[%mul3A_275] : memref<51200xf32, #tpu.memory_space<vmem>> -> memref<25600xf32, #tpu.memory_space<vmem>>
              %get3A_1334 = arith.index_cast %add3A_1332 : i32 to index
              %get3A_1335 = tpu.vector_load %get3A_1333[%get3A_1334] {strides = array<i32>} : memref<25600xf32, #tpu.memory_space<vmem>>, vector<16xf32>,
              %add3A_1336 = arith.constant 768 : i32
              %add3A_1337 = arith.addi %mul3A_365, %add3A_1336 : i32
              %add3A_1338 = arith.constant 112 : i32
              %add3A_1339 = arith.addi %add3A_1337, %add3A_1338 : i32
              %get3A_1340 = tpu.memref_slice %run_scoped3A[%mul3A_275] : memref<51200xf32, #tpu.memory_space<vmem>> -> memref<25600xf32, #tpu.memory_space<vmem>>
              %get3A_1341 = arith.index_cast %add3A_1339 : i32 to index
              %get3A_1342 = tpu.vector_load %get3A_1340[%get3A_1341] {strides = array<i32>} : memref<25600xf32, #tpu.memory_space<vmem>>, vector<16xf32>,
              %add3A_1343 = arith.constant 896 : i32
              %add3A_1344 = arith.addi %mul3A_365, %add3A_1343 : i32
              %add3A_1345 = arith.constant 112 : i32
              %add3A_1346 = arith.addi %add3A_1344, %add3A_1345 : i32
              %get3A_1347 = tpu.memref_slice %run_scoped3A[%mul3A_275] : memref<51200xf32, #tpu.memory_space<vmem>> -> memref<25600xf32, #tpu.memory_space<vmem>>
              %get3A_1348 = arith.index_cast %add3A_1346 : i32 to index
              %get3A_1349 = tpu.vector_load %get3A_1347[%get3A_1348] {strides = array<i32>} : memref<25600xf32, #tpu.memory_space<vmem>>, vector<16xf32>,
              %add3A_1350 = arith.constant 1024 : i32
              %add3A_1351 = arith.addi %mul3A_365, %add3A_1350 : i32
              %add3A_1352 = arith.constant 112 : i32
              %add3A_1353 = arith.addi %add3A_1351, %add3A_1352 : i32
              %get3A_1354 = tpu.memref_slice %run_scoped3A[%mul3A_275] : memref<51200xf32, #tpu.memory_space<vmem>> -> memref<25600xf32, #tpu.memory_space<vmem>>
              %get3A_1355 = arith.index_cast %add3A_1353 : i32 to index
              %get3A_1356 = tpu.vector_load %get3A_1354[%get3A_1355] {strides = array<i32>} : memref<25600xf32, #tpu.memory_space<vmem>>, vector<16xf32>,
              %add3A_1357 = arith.constant 1152 : i32
              %add3A_1358 = arith.addi %mul3A_365, %add3A_1357 : i32
              %add3A_1359 = arith.constant 112 : i32
              %add3A_1360 = arith.addi %add3A_1358, %add3A_1359 : i32
              %get3A_1361 = tpu.memref_slice %run_scoped3A[%mul3A_275] : memref<51200xf32, #tpu.memory_space<vmem>> -> memref<25600xf32, #tpu.memory_space<vmem>>
              %get3A_1362 = arith.index_cast %add3A_1360 : i32 to index
              %get3A_1363 = tpu.vector_load %get3A_1361[%get3A_1362] {strides = array<i32>} : memref<25600xf32, #tpu.memory_space<vmem>>, vector<16xf32>,
              %add3A_1364 = arith.constant 1280 : i32
              %add3A_1365 = arith.addi %mul3A_365, %add3A_1364 : i32
              %add3A_1366 = arith.constant 112 : i32
              %add3A_1367 = arith.addi %add3A_1365, %add3A_1366 : i32
              %get3A_1368 = tpu.memref_slice %run_scoped3A[%mul3A_275] : memref<51200xf32, #tpu.memory_space<vmem>> -> memref<25600xf32, #tpu.memory_space<vmem>>
              %get3A_1369 = arith.index_cast %add3A_1367 : i32 to index
              %get3A_1370 = tpu.vector_load %get3A_1368[%get3A_1369] {strides = array<i32>} : memref<25600xf32, #tpu.memory_space<vmem>>, vector<16xf32>,
              %add3A_1371 = arith.constant 1408 : i32
              %add3A_1372 = arith.addi %mul3A_365, %add3A_1371 : i32
              %add3A_1373 = arith.constant 112 : i32
              %add3A_1374 = arith.addi %add3A_1372, %add3A_1373 : i32
              %get3A_1375 = tpu.memref_slice %run_scoped3A[%mul3A_275] : memref<51200xf32, #tpu.memory_space<vmem>> -> memref<25600xf32, #tpu.memory_space<vmem>>
              %get3A_1376 = arith.index_cast %add3A_1374 : i32 to index
              %get3A_1377 = tpu.vector_load %get3A_1375[%get3A_1376] {strides = array<i32>} : memref<25600xf32, #tpu.memory_space<vmem>>, vector<16xf32>,
              %add3A_1378 = arith.constant 1536 : i32
              %add3A_1379 = arith.addi %mul3A_365, %add3A_1378 : i32
              %add3A_1380 = arith.constant 112 : i32
              %add3A_1381 = arith.addi %add3A_1379, %add3A_1380 : i32
              %get3A_1382 = tpu.memref_slice %run_scoped3A[%mul3A_275] : memref<51200xf32, #tpu.memory_space<vmem>> -> memref<25600xf32, #tpu.memory_space<vmem>>
              %get3A_1383 = arith.index_cast %add3A_1381 : i32 to index
              %get3A_1384 = tpu.vector_load %get3A_1382[%get3A_1383] {strides = array<i32>} : memref<25600xf32, #tpu.memory_space<vmem>>, vector<16xf32>,
              %add3A_1385 = arith.constant 1664 : i32
              %add3A_1386 = arith.addi %mul3A_365, %add3A_1385 : i32
              %add3A_1387 = arith.constant 112 : i32
              %add3A_1388 = arith.addi %add3A_1386, %add3A_1387 : i32
              %get3A_1389 = tpu.memref_slice %run_scoped3A[%mul3A_275] : memref<51200xf32, #tpu.memory_space<vmem>> -> memref<25600xf32, #tpu.memory_space<vmem>>
              %get3A_1390 = arith.index_cast %add3A_1388 : i32 to index
              %get3A_1391 = tpu.vector_load %get3A_1389[%get3A_1390] {strides = array<i32>} : memref<25600xf32, #tpu.memory_space<vmem>>, vector<16xf32>,
              %add3A_1392 = arith.constant 1792 : i32
              %add3A_1393 = arith.addi %mul3A_365, %add3A_1392 : i32
              %add3A_1394 = arith.constant 112 : i32
              %add3A_1395 = arith.addi %add3A_1393, %add3A_1394 : i32
              %get3A_1396 = tpu.memref_slice %run_scoped3A[%mul3A_275] : memref<51200xf32, #tpu.memory_space<vmem>> -> memref<25600xf32, #tpu.memory_space<vmem>>
              %get3A_1397 = arith.index_cast %add3A_1395 : i32 to index
              %get3A_1398 = tpu.vector_load %get3A_1396[%get3A_1397] {strides = array<i32>} : memref<25600xf32, #tpu.memory_space<vmem>>, vector<16xf32>,
              %add3A_1399 = arith.constant 1920 : i32
              %add3A_1400 = arith.addi %mul3A_365, %add3A_1399 : i32
              %add3A_1401 = arith.constant 112 : i32
              %add3A_1402 = arith.addi %add3A_1400, %add3A_1401 : i32
              %get3A_1403 = tpu.memref_slice %run_scoped3A[%mul3A_275] : memref<51200xf32, #tpu.memory_space<vmem>> -> memref<25600xf32, #tpu.memory_space<vmem>>
              %get3A_1404 = arith.index_cast %add3A_1402 : i32 to index
              %get3A_1405 = tpu.vector_load %get3A_1403[%get3A_1404] {strides = array<i32>} : memref<25600xf32, #tpu.memory_space<vmem>>, vector<16xf32>,
              %add3A_1406 = arith.addf %get3A_1300, %get3A_1307 : vector<16xf32>
              %add3A_1407 = arith.addf %get3A_1314, %get3A_1321 : vector<16xf32>
              %add3A_1408 = arith.addf %get3A_1328, %get3A_1335 : vector<16xf32>
              %add3A_1409 = arith.addf %get3A_1342, %get3A_1349 : vector<16xf32>
              %add3A_1410 = arith.addf %get3A_1356, %get3A_1363 : vector<16xf32>
              %add3A_1411 = arith.addf %get3A_1370, %get3A_1377 : vector<16xf32>
              %add3A_1412 = arith.addf %get3A_1384, %get3A_1391 : vector<16xf32>
              %add3A_1413 = arith.addf %get3A_1398, %get3A_1405 : vector<16xf32>
              %add3A_1414 = arith.addf %add3A_1406, %add3A_1407 : vector<16xf32>
              %add3A_1415 = arith.addf %add3A_1408, %add3A_1409 : vector<16xf32>
              %add3A_1416 = arith.addf %add3A_1410, %add3A_1411 : vector<16xf32>
              %add3A_1417 = arith.addf %add3A_1412, %add3A_1413 : vector<16xf32>
              %add3A_1418 = arith.addf %add3A_1414, %add3A_1415 : vector<16xf32>
              %add3A_1419 = arith.addf %add3A_1416, %add3A_1417 : vector<16xf32>
              %add3A_1420 = arith.addf %add3A_1418, %add3A_1419 : vector<16xf32>
              %add3A_1421 = arith.constant 112 : i32
              %add3A_1422 = arith.addi %mul3A_377, %add3A_1421 : i32
              %swap3A_1423 = arith.index_cast %add3A_1422 : i32 to index
              %swap3A_1424 = tpu.vector_load %arg6[%swap3A_1423] {strides = array<i32>} : memref<32768xf32, #tpu.memory_space<vmem>>, vector<16xf32>,
              tpu.vector_store %arg6[%swap3A_1423], %add3A_1420 {add = true, strides = array<i32>} : memref<32768xf32, #tpu.memory_space<vmem>>, vector<16xf32>,
            } else {
            }
            %ne3A_372 = arith.cmpi ne, %squeeze3A, %squeeze3A_367 : i32
            %convert_element_type3A_373 = arith.extui %ne3A_372 : i1 to i32
            %cond3A_374 = arith.constant 0 : i32
            %cond3A_375 = arith.cmpi ne, %convert_element_type3A_373, %cond3A_374 : i32
            scf.if %cond3A_375 {
              %mul3A_376 = arith.constant 128 : i32
              %mul3A_377 = vector.broadcast %mul3A_376 : i32 to vector<16xi32>
              %mul3A_378 = arith.muli %get3A_363, %mul3A_377 : vector<16xi32>
              %slice3A_379 = vector.extract_strided_slice %mul3A_378 {offsets = [0], sizes = [1], strides = [1]} : vector<16xi32> to vector<1xi32>
              %squeeze3A_380 = vector.extract %slice3A_379[0] : i32 from vector<1xi32>
              %add3A_381 = arith.constant 0 : i32
              %add3A_382 = arith.addi %mul3A_365, %add3A_381 : i32
              %add3A_383 = arith.constant 0 : i32
              %add3A_384 = arith.addi %squeeze3A_380, %add3A_383 : i32
              %add3A_385 = arith.constant 0 : i32
              %add3A_386 = arith.addi %add3A_382, %add3A_385 : i32
              %get3A_387 = tpu.memref_slice %run_scoped3A[%mul3A_275] : memref<51200xf32, #tpu.memory_space<vmem>> -> memref<25600xf32, #tpu.memory_space<vmem>>
              %get3A_388 = arith.index_cast %add3A_386 : i32 to index
              %get3A_389 = tpu.vector_load %get3A_387[%get3A_388] {strides = array<i32>} : memref<25600xf32, #tpu.memory_space<vmem>>, vector<16xf32>,
              %swap3A = arith.index_cast %add3A_384 : i32 to index
              %swap3A_390 = tpu.vector_load %arg6[%swap3A] {strides = array<i32>} : memref<32768xf32, #tpu.memory_space<vmem>>, vector<16xf32>,
              tpu.vector_store %arg6[%swap3A], %get3A_389 {add = true, strides = array<i32>} : memref<32768xf32, #tpu.memory_space<vmem>>, vector<16xf32>,
              %add3A_391 = arith.constant 16 : i32
              %add3A_392 = arith.addi %squeeze3A_380, %add3A_391 : i32
              %add3A_393 = arith.constant 16 : i32
              %add3A_394 = arith.addi %add3A_382, %add3A_393 : i32
              %get3A_395 = tpu.memref_slice %run_scoped3A[%mul3A_275] : memref<51200xf32, #tpu.memory_space<vmem>> -> memref<25600xf32, #tpu.memory_space<vmem>>
              %get3A_396 = arith.index_cast %add3A_394 : i32 to index
              %get3A_397 = tpu.vector_load %get3A_395[%get3A_396] {strides = array<i32>} : memref<25600xf32, #tpu.memory_space<vmem>>, vector<16xf32>,
              %swap3A_398 = arith.index_cast %add3A_392 : i32 to index
              %swap3A_399 = tpu.vector_load %arg6[%swap3A_398] {strides = array<i32>} : memref<32768xf32, #tpu.memory_space<vmem>>, vector<16xf32>,
              tpu.vector_store %arg6[%swap3A_398], %get3A_397 {add = true, strides = array<i32>} : memref<32768xf32, #tpu.memory_space<vmem>>, vector<16xf32>,
              %add3A_400 = arith.constant 32 : i32
              %add3A_401 = arith.addi %squeeze3A_380, %add3A_400 : i32
              %add3A_402 = arith.constant 32 : i32
              %add3A_403 = arith.addi %add3A_382, %add3A_402 : i32
              %get3A_404 = tpu.memref_slice %run_scoped3A[%mul3A_275] : memref<51200xf32, #tpu.memory_space<vmem>> -> memref<25600xf32, #tpu.memory_space<vmem>>
              %get3A_405 = arith.index_cast %add3A_403 : i32 to index
              %get3A_406 = tpu.vector_load %get3A_404[%get3A_405] {strides = array<i32>} : memref<25600xf32, #tpu.memory_space<vmem>>, vector<16xf32>,
              %swap3A_407 = arith.index_cast %add3A_401 : i32 to index
              %swap3A_408 = tpu.vector_load %arg6[%swap3A_407] {strides = array<i32>} : memref<32768xf32, #tpu.memory_space<vmem>>, vector<16xf32>,
              tpu.vector_store %arg6[%swap3A_407], %get3A_406 {add = true, strides = array<i32>} : memref<32768xf32, #tpu.memory_space<vmem>>, vector<16xf32>,
              %add3A_409 = arith.constant 48 : i32
              %add3A_410 = arith.addi %squeeze3A_380, %add3A_409 : i32
              %add3A_411 = arith.constant 48 : i32
              %add3A_412 = arith.addi %add3A_382, %add3A_411 : i32
              %get3A_413 = tpu.memref_slice %run_scoped3A[%mul3A_275] : memref<51200xf32, #tpu.memory_space<vmem>> -> memref<25600xf32, #tpu.memory_space<vmem>>
              %get3A_414 = arith.index_cast %add3A_412 : i32 to index
              %get3A_415 = tpu.vector_load %get3A_413[%get3A_414] {strides = array<i32>} : memref<25600xf32, #tpu.memory_space<vmem>>, vector<16xf32>,
              %swap3A_416 = arith.index_cast %add3A_410 : i32 to index
              %swap3A_417 = tpu.vector_load %arg6[%swap3A_416] {strides = array<i32>} : memref<32768xf32, #tpu.memory_space<vmem>>, vector<16xf32>,
              tpu.vector_store %arg6[%swap3A_416], %get3A_415 {add = true, strides = array<i32>} : memref<32768xf32, #tpu.memory_space<vmem>>, vector<16xf32>,
              %add3A_418 = arith.constant 64 : i32
              %add3A_419 = arith.addi %squeeze3A_380, %add3A_418 : i32
              %add3A_420 = arith.constant 64 : i32
              %add3A_421 = arith.addi %add3A_382, %add3A_420 : i32
              %get3A_422 = tpu.memref_slice %run_scoped3A[%mul3A_275] : memref<51200xf32, #tpu.memory_space<vmem>> -> memref<25600xf32, #tpu.memory_space<vmem>>
              %get3A_423 = arith.index_cast %add3A_421 : i32 to index
              %get3A_424 = tpu.vector_load %get3A_422[%get3A_423] {strides = array<i32>} : memref<25600xf32, #tpu.memory_space<vmem>>, vector<16xf32>,
              %swap3A_425 = arith.index_cast %add3A_419 : i32 to index
              %swap3A_426 = tpu.vector_load %arg6[%swap3A_425] {strides = array<i32>} : memref<32768xf32, #tpu.memory_space<vmem>>, vector<16xf32>,
              tpu.vector_store %arg6[%swap3A_425], %get3A_424 {add = true, strides = array<i32>} : memref<32768xf32, #tpu.memory_space<vmem>>, vector<16xf32>,
              %add3A_427 = arith.constant 80 : i32
              %add3A_428 = arith.addi %squeeze3A_380, %add3A_427 : i32
              %add3A_429 = arith.constant 80 : i32
              %add3A_430 = arith.addi %add3A_382, %add3A_429 : i32
              %get3A_431 = tpu.memref_slice %run_scoped3A[%mul3A_275] : memref<51200xf32, #tpu.memory_space<vmem>> -> memref<25600xf32, #tpu.memory_space<vmem>>
              %get3A_432 = arith.index_cast %add3A_430 : i32 to index
              %get3A_433 = tpu.vector_load %get3A_431[%get3A_432] {strides = array<i32>} : memref<25600xf32, #tpu.memory_space<vmem>>, vector<16xf32>,
              %swap3A_434 = arith.index_cast %add3A_428 : i32 to index
              %swap3A_435 = tpu.vector_load %arg6[%swap3A_434] {strides = array<i32>} : memref<32768xf32, #tpu.memory_space<vmem>>, vector<16xf32>,
              tpu.vector_store %arg6[%swap3A_434], %get3A_433 {add = true, strides = array<i32>} : memref<32768xf32, #tpu.memory_space<vmem>>, vector<16xf32>,
              %add3A_436 = arith.constant 96 : i32
              %add3A_437 = arith.addi %squeeze3A_380, %add3A_436 : i32
              %add3A_438 = arith.constant 96 : i32
              %add3A_439 = arith.addi %add3A_382, %add3A_438 : i32
              %get3A_440 = tpu.memref_slice %run_scoped3A[%mul3A_275] : memref<51200xf32, #tpu.memory_space<vmem>> -> memref<25600xf32, #tpu.memory_space<vmem>>
              %get3A_441 = arith.index_cast %add3A_439 : i32 to index
              %get3A_442 = tpu.vector_load %get3A_440[%get3A_441] {strides = array<i32>} : memref<25600xf32, #tpu.memory_space<vmem>>, vector<16xf32>,
              %swap3A_443 = arith.index_cast %add3A_437 : i32 to index
              %swap3A_444 = tpu.vector_load %arg6[%swap3A_443] {strides = array<i32>} : memref<32768xf32, #tpu.memory_space<vmem>>, vector<16xf32>,
              tpu.vector_store %arg6[%swap3A_443], %get3A_442 {add = true, strides = array<i32>} : memref<32768xf32, #tpu.memory_space<vmem>>, vector<16xf32>,
              %add3A_445 = arith.constant 112 : i32
              %add3A_446 = arith.addi %squeeze3A_380, %add3A_445 : i32
              %add3A_447 = arith.constant 112 : i32
              %add3A_448 = arith.addi %add3A_382, %add3A_447 : i32
              %get3A_449 = tpu.memref_slice %run_scoped3A[%mul3A_275] : memref<51200xf32, #tpu.memory_space<vmem>> -> memref<25600xf32, #tpu.memory_space<vmem>>
              %get3A_450 = arith.index_cast %add3A_448 : i32 to index
              %get3A_451 = tpu.vector_load %get3A_449[%get3A_450] {strides = array<i32>} : memref<25600xf32, #tpu.memory_space<vmem>>, vector<16xf32>,
              %swap3A_452 = arith.index_cast %add3A_446 : i32 to index
              %swap3A_453 = tpu.vector_load %arg6[%swap3A_452] {strides = array<i32>} : memref<32768xf32, #tpu.memory_space<vmem>>, vector<16xf32>,
              tpu.vector_store %arg6[%swap3A_452], %get3A_451 {add = true, strides = array<i32>} : memref<32768xf32, #tpu.memory_space<vmem>>, vector<16xf32>,
              %slice3A_454 = vector.extract_strided_slice %mul3A_378 {offsets = [1], sizes = [1], strides = [1]} : vector<16xi32> to vector<1xi32>
              %squeeze3A_455 = vector.extract %slice3A_454[0] : i32 from vector<1xi32>
              %add3A_456 = arith.constant 128 : i32
              %add3A_457 = arith.addi %mul3A_365, %add3A_456 : i32
              %add3A_458 = arith.constant 0 : i32
              %add3A_459 = arith.addi %squeeze3A_455, %add3A_458 : i32
              %add3A_460 = arith.constant 0 : i32
              %add3A_461 = arith.addi %add3A_457, %add3A_460 : i32
              %get3A_462 = tpu.memref_slice %run_scoped3A[%mul3A_275] : memref<51200xf32, #tpu.memory_space<vmem>> -> memref<25600xf32, #tpu.memory_space<vmem>>
              %get3A_463 = arith.index_cast %add3A_461 : i32 to index
              %get3A_464 = tpu.vector_load %get3A_462[%get3A_463] {strides = array<i32>} : memref<25600xf32, #tpu.memory_space<vmem>>, vector<16xf32>,
              %swap3A_465 = arith.index_cast %add3A_459 : i32 to index
              %swap3A_466 = tpu.vector_load %arg6[%swap3A_465] {strides = array<i32>} : memref<32768xf32, #tpu.memory_space<vmem>>, vector<16xf32>,
              tpu.vector_store %arg6[%swap3A_465], %get3A_464 {add = true, strides = array<i32>} : memref<32768xf32, #tpu.memory_space<vmem>>, vector<16xf32>,
              %add3A_467 = arith.constant 16 : i32
              %add3A_468 = arith.addi %squeeze3A_455, %add3A_467 : i32
              %add3A_469 = arith.constant 16 : i32
              %add3A_470 = arith.addi %add3A_457, %add3A_469 : i32
              %get3A_471 = tpu.memref_slice %run_scoped3A[%mul3A_275] : memref<51200xf32, #tpu.memory_space<vmem>> -> memref<25600xf32, #tpu.memory_space<vmem>>
              %get3A_472 = arith.index_cast %add3A_470 : i32 to index
              %get3A_473 = tpu.vector_load %get3A_471[%get3A_472] {strides = array<i32>} : memref<25600xf32, #tpu.memory_space<vmem>>, vector<16xf32>,
              %swap3A_474 = arith.index_cast %add3A_468 : i32 to index
              %swap3A_475 = tpu.vector_load %arg6[%swap3A_474] {strides = array<i32>} : memref<32768xf32, #tpu.memory_space<vmem>>, vector<16xf32>,
              tpu.vector_store %arg6[%swap3A_474], %get3A_473 {add = true, strides = array<i32>} : memref<32768xf32, #tpu.memory_space<vmem>>, vector<16xf32>,
              %add3A_476 = arith.constant 32 : i32
              %add3A_477 = arith.addi %squeeze3A_455, %add3A_476 : i32
              %add3A_478 = arith.constant 32 : i32
              %add3A_479 = arith.addi %add3A_457, %add3A_478 : i32
              %get3A_480 = tpu.memref_slice %run_scoped3A[%mul3A_275] : memref<51200xf32, #tpu.memory_space<vmem>> -> memref<25600xf32, #tpu.memory_space<vmem>>
              %get3A_481 = arith.index_cast %add3A_479 : i32 to index
              %get3A_482 = tpu.vector_load %get3A_480[%get3A_481] {strides = array<i32>} : memref<25600xf32, #tpu.memory_space<vmem>>, vector<16xf32>,
              %swap3A_483 = arith.index_cast %add3A_477 : i32 to index
              %swap3A_484 = tpu.vector_load %arg6[%swap3A_483] {strides = array<i32>} : memref<32768xf32, #tpu.memory_space<vmem>>, vector<16xf32>,
              tpu.vector_store %arg6[%swap3A_483], %get3A_482 {add = true, strides = array<i32>} : memref<32768xf32, #tpu.memory_space<vmem>>, vector<16xf32>,
              %add3A_485 = arith.constant 48 : i32
              %add3A_486 = arith.addi %squeeze3A_455, %add3A_485 : i32
              %add3A_487 = arith.constant 48 : i32
              %add3A_488 = arith.addi %add3A_457, %add3A_487 : i32
              %get3A_489 = tpu.memref_slice %run_scoped3A[%mul3A_275] : memref<51200xf32, #tpu.memory_space<vmem>> -> memref<25600xf32, #tpu.memory_space<vmem>>
              %get3A_490 = arith.index_cast %add3A_488 : i32 to index
              %get3A_491 = tpu.vector_load %get3A_489[%get3A_490] {strides = array<i32>} : memref<25600xf32, #tpu.memory_space<vmem>>, vector<16xf32>,
              %swap3A_492 = arith.index_cast %add3A_486 : i32 to index
              %swap3A_493 = tpu.vector_load %arg6[%swap3A_492] {strides = array<i32>} : memref<32768xf32, #tpu.memory_space<vmem>>, vector<16xf32>,
              tpu.vector_store %arg6[%swap3A_492], %get3A_491 {add = true, strides = array<i32>} : memref<32768xf32, #tpu.memory_space<vmem>>, vector<16xf32>,
              %add3A_494 = arith.constant 64 : i32
              %add3A_495 = arith.addi %squeeze3A_455, %add3A_494 : i32
              %add3A_496 = arith.constant 64 : i32
              %add3A_497 = arith.addi %add3A_457, %add3A_496 : i32
              %get3A_498 = tpu.memref_slice %run_scoped3A[%mul3A_275] : memref<51200xf32, #tpu.memory_space<vmem>> -> memref<25600xf32, #tpu.memory_space<vmem>>
              %get3A_499 = arith.index_cast %add3A_497 : i32 to index
              %get3A_500 = tpu.vector_load %get3A_498[%get3A_499] {strides = array<i32>} : memref<25600xf32, #tpu.memory_space<vmem>>, vector<16xf32>,
              %swap3A_501 = arith.index_cast %add3A_495 : i32 to index
              %swap3A_502 = tpu.vector_load %arg6[%swap3A_501] {strides = array<i32>} : memref<32768xf32, #tpu.memory_space<vmem>>, vector<16xf32>,
              tpu.vector_store %arg6[%swap3A_501], %get3A_500 {add = true, strides = array<i32>} : memref<32768xf32, #tpu.memory_space<vmem>>, vector<16xf32>,
              %add3A_503 = arith.constant 80 : i32
              %add3A_504 = arith.addi %squeeze3A_455, %add3A_503 : i32
              %add3A_505 = arith.constant 80 : i32
              %add3A_506 = arith.addi %add3A_457, %add3A_505 : i32
              %get3A_507 = tpu.memref_slice %run_scoped3A[%mul3A_275] : memref<51200xf32, #tpu.memory_space<vmem>> -> memref<25600xf32, #tpu.memory_space<vmem>>
              %get3A_508 = arith.index_cast %add3A_506 : i32 to index
              %get3A_509 = tpu.vector_load %get3A_507[%get3A_508] {strides = array<i32>} : memref<25600xf32, #tpu.memory_space<vmem>>, vector<16xf32>,
              %swap3A_510 = arith.index_cast %add3A_504 : i32 to index
              %swap3A_511 = tpu.vector_load %arg6[%swap3A_510] {strides = array<i32>} : memref<32768xf32, #tpu.memory_space<vmem>>, vector<16xf32>,
              tpu.vector_store %arg6[%swap3A_510], %get3A_509 {add = true, strides = array<i32>} : memref<32768xf32, #tpu.memory_space<vmem>>, vector<16xf32>,
              %add3A_512 = arith.constant 96 : i32
              %add3A_513 = arith.addi %squeeze3A_455, %add3A_512 : i32
              %add3A_514 = arith.constant 96 : i32
              %add3A_515 = arith.addi %add3A_457, %add3A_514 : i32
              %get3A_516 = tpu.memref_slice %run_scoped3A[%mul3A_275] : memref<51200xf32, #tpu.memory_space<vmem>> -> memref<25600xf32, #tpu.memory_space<vmem>>
              %get3A_517 = arith.index_cast %add3A_515 : i32 to index
              %get3A_518 = tpu.vector_load %get3A_516[%get3A_517] {strides = array<i32>} : memref<25600xf32, #tpu.memory_space<vmem>>, vector<16xf32>,
              %swap3A_519 = arith.index_cast %add3A_513 : i32 to index
              %swap3A_520 = tpu.vector_load %arg6[%swap3A_519] {strides = array<i32>} : memref<32768xf32, #tpu.memory_space<vmem>>, vector<16xf32>,
              tpu.vector_store %arg6[%swap3A_519], %get3A_518 {add = true, strides = array<i32>} : memref<32768xf32, #tpu.memory_space<vmem>>, vector<16xf32>,
              %add3A_521 = arith.constant 112 : i32
              %add3A_522 = arith.addi %squeeze3A_455, %add3A_521 : i32
              %add3A_523 = arith.constant 112 : i32
              %add3A_524 = arith.addi %add3A_457, %add3A_523 : i32
              %get3A_525 = tpu.memref_slice %run_scoped3A[%mul3A_275] : memref<51200xf32, #tpu.memory_space<vmem>> -> memref<25600xf32, #tpu.memory_space<vmem>>
              %get3A_526 = arith.index_cast %add3A_524 : i32 to index
              %get3A_527 = tpu.vector_load %get3A_525[%get3A_526] {strides = array<i32>} : memref<25600xf32, #tpu.memory_space<vmem>>, vector<16xf32>,
              %swap3A_528 = arith.index_cast %add3A_522 : i32 to index
              %swap3A_529 = tpu.vector_load %arg6[%swap3A_528] {strides = array<i32>} : memref<32768xf32, #tpu.memory_space<vmem>>, vector<16xf32>,
              tpu.vector_store %arg6[%swap3A_528], %get3A_527 {add = true, strides = array<i32>} : memref<32768xf32, #tpu.memory_space<vmem>>, vector<16xf32>,
              %slice3A_530 = vector.extract_strided_slice %mul3A_378 {offsets = [2], sizes = [1], strides = [1]} : vector<16xi32> to vector<1xi32>
              %squeeze3A_531 = vector.extract %slice3A_530[0] : i32 from vector<1xi32>
              %add3A_532 = arith.constant 256 : i32
              %add3A_533 = arith.addi %mul3A_365, %add3A_532 : i32
              %add3A_534 = arith.constant 0 : i32
              %add3A_535 = arith.addi %squeeze3A_531, %add3A_534 : i32
              %add3A_536 = arith.constant 0 : i32
              %add3A_537 = arith.addi %add3A_533, %add3A_536 : i32
              %get3A_538 = tpu.memref_slice %run_scoped3A[%mul3A_275] : memref<51200xf32, #tpu.memory_space<vmem>> -> memref<25600xf32, #tpu.memory_space<vmem>>
              %get3A_539 = arith.index_cast %add3A_537 : i32 to index
              %get3A_540 = tpu.vector_load %get3A_538[%get3A_539] {strides = array<i32>} : memref<25600xf32, #tpu.memory_space<vmem>>, vector<16xf32>,
              %swap3A_541 = arith.index_cast %add3A_535 : i32 to index
              %swap3A_542 = tpu.vector_load %arg6[%swap3A_541] {strides = array<i32>} : memref<32768xf32, #tpu.memory_space<vmem>>, vector<16xf32>,
              tpu.vector_store %arg6[%swap3A_541], %get3A_540 {add = true, strides = array<i32>} : memref<32768xf32, #tpu.memory_space<vmem>>, vector<16xf32>,
              %add3A_543 = arith.constant 16 : i32
              %add3A_544 = arith.addi %squeeze3A_531, %add3A_543 : i32
              %add3A_545 = arith.constant 16 : i32
              %add3A_546 = arith.addi %add3A_533, %add3A_545 : i32
              %get3A_547 = tpu.memref_slice %run_scoped3A[%mul3A_275] : memref<51200xf32, #tpu.memory_space<vmem>> -> memref<25600xf32, #tpu.memory_space<vmem>>
              %get3A_548 = arith.index_cast %add3A_546 : i32 to index
              %get3A_549 = tpu.vector_load %get3A_547[%get3A_548] {strides = array<i32>} : memref<25600xf32, #tpu.memory_space<vmem>>, vector<16xf32>,
              %swap3A_550 = arith.index_cast %add3A_544 : i32 to index
              %swap3A_551 = tpu.vector_load %arg6[%swap3A_550] {strides = array<i32>} : memref<32768xf32, #tpu.memory_space<vmem>>, vector<16xf32>,
              tpu.vector_store %arg6[%swap3A_550], %get3A_549 {add = true, strides = array<i32>} : memref<32768xf32, #tpu.memory_space<vmem>>, vector<16xf32>,
              %add3A_552 = arith.constant 32 : i32
              %add3A_553 = arith.addi %squeeze3A_531, %add3A_552 : i32
              %add3A_554 = arith.constant 32 : i32
              %add3A_555 = arith.addi %add3A_533, %add3A_554 : i32
              %get3A_556 = tpu.memref_slice %run_scoped3A[%mul3A_275] : memref<51200xf32, #tpu.memory_space<vmem>> -> memref<25600xf32, #tpu.memory_space<vmem>>
              %get3A_557 = arith.index_cast %add3A_555 : i32 to index
              %get3A_558 = tpu.vector_load %get3A_556[%get3A_557] {strides = array<i32>} : memref<25600xf32, #tpu.memory_space<vmem>>, vector<16xf32>,
              %swap3A_559 = arith.index_cast %add3A_553 : i32 to index
              %swap3A_560 = tpu.vector_load %arg6[%swap3A_559] {strides = array<i32>} : memref<32768xf32, #tpu.memory_space<vmem>>, vector<16xf32>,
              tpu.vector_store %arg6[%swap3A_559], %get3A_558 {add = true, strides = array<i32>} : memref<32768xf32, #tpu.memory_space<vmem>>, vector<16xf32>,
              %add3A_561 = arith.constant 48 : i32
              %add3A_562 = arith.addi %squeeze3A_531, %add3A_561 : i32
              %add3A_563 = arith.constant 48 : i32
              %add3A_564 = arith.addi %add3A_533, %add3A_563 : i32
              %get3A_565 = tpu.memref_slice %run_scoped3A[%mul3A_275] : memref<51200xf32, #tpu.memory_space<vmem>> -> memref<25600xf32, #tpu.memory_space<vmem>>
              %get3A_566 = arith.index_cast %add3A_564 : i32 to index
              %get3A_567 = tpu.vector_load %get3A_565[%get3A_566] {strides = array<i32>} : memref<25600xf32, #tpu.memory_space<vmem>>, vector<16xf32>,
              %swap3A_568 = arith.index_cast %add3A_562 : i32 to index
              %swap3A_569 = tpu.vector_load %arg6[%swap3A_568] {strides = array<i32>} : memref<32768xf32, #tpu.memory_space<vmem>>, vector<16xf32>,
              tpu.vector_store %arg6[%swap3A_568], %get3A_567 {add = true, strides = array<i32>} : memref<32768xf32, #tpu.memory_space<vmem>>, vector<16xf32>,
              %add3A_570 = arith.constant 64 : i32
              %add3A_571 = arith.addi %squeeze3A_531, %add3A_570 : i32
              %add3A_572 = arith.constant 64 : i32
              %add3A_573 = arith.addi %add3A_533, %add3A_572 : i32
              %get3A_574 = tpu.memref_slice %run_scoped3A[%mul3A_275] : memref<51200xf32, #tpu.memory_space<vmem>> -> memref<25600xf32, #tpu.memory_space<vmem>>
              %get3A_575 = arith.index_cast %add3A_573 : i32 to index
              %get3A_576 = tpu.vector_load %get3A_574[%get3A_575] {strides = array<i32>} : memref<25600xf32, #tpu.memory_space<vmem>>, vector<16xf32>,
              %swap3A_577 = arith.index_cast %add3A_571 : i32 to index
              %swap3A_578 = tpu.vector_load %arg6[%swap3A_577] {strides = array<i32>} : memref<32768xf32, #tpu.memory_space<vmem>>, vector<16xf32>,
              tpu.vector_store %arg6[%swap3A_577], %get3A_576 {add = true, strides = array<i32>} : memref<32768xf32, #tpu.memory_space<vmem>>, vector<16xf32>,
              %add3A_579 = arith.constant 80 : i32
              %add3A_580 = arith.addi %squeeze3A_531, %add3A_579 : i32
              %add3A_581 = arith.constant 80 : i32
              %add3A_582 = arith.addi %add3A_533, %add3A_581 : i32
              %get3A_583 = tpu.memref_slice %run_scoped3A[%mul3A_275] : memref<51200xf32, #tpu.memory_space<vmem>> -> memref<25600xf32, #tpu.memory_space<vmem>>
              %get3A_584 = arith.index_cast %add3A_582 : i32 to index
              %get3A_585 = tpu.vector_load %get3A_583[%get3A_584] {strides = array<i32>} : memref<25600xf32, #tpu.memory_space<vmem>>, vector<16xf32>,
              %swap3A_586 = arith.index_cast %add3A_580 : i32 to index
              %swap3A_587 = tpu.vector_load %arg6[%swap3A_586] {strides = array<i32>} : memref<32768xf32, #tpu.memory_space<vmem>>, vector<16xf32>,
              tpu.vector_store %arg6[%swap3A_586], %get3A_585 {add = true, strides = array<i32>} : memref<32768xf32, #tpu.memory_space<vmem>>, vector<16xf32>,
              %add3A_588 = arith.constant 96 : i32
              %add3A_589 = arith.addi %squeeze3A_531, %add3A_588 : i32
              %add3A_590 = arith.constant 96 : i32
              %add3A_591 = arith.addi %add3A_533, %add3A_590 : i32
              %get3A_592 = tpu.memref_slice %run_scoped3A[%mul3A_275] : memref<51200xf32, #tpu.memory_space<vmem>> -> memref<25600xf32, #tpu.memory_space<vmem>>
              %get3A_593 = arith.index_cast %add3A_591 : i32 to index
              %get3A_594 = tpu.vector_load %get3A_592[%get3A_593] {strides = array<i32>} : memref<25600xf32, #tpu.memory_space<vmem>>, vector<16xf32>,
              %swap3A_595 = arith.index_cast %add3A_589 : i32 to index
              %swap3A_596 = tpu.vector_load %arg6[%swap3A_595] {strides = array<i32>} : memref<32768xf32, #tpu.memory_space<vmem>>, vector<16xf32>,
              tpu.vector_store %arg6[%swap3A_595], %get3A_594 {add = true, strides = array<i32>} : memref<32768xf32, #tpu.memory_space<vmem>>, vector<16xf32>,
              %add3A_597 = arith.constant 112 : i32
              %add3A_598 = arith.addi %squeeze3A_531, %add3A_597 : i32
              %add3A_599 = arith.constant 112 : i32
              %add3A_600 = arith.addi %add3A_533, %add3A_599 : i32
              %get3A_601 = tpu.memref_slice %run_scoped3A[%mul3A_275] : memref<51200xf32, #tpu.memory_space<vmem>> -> memref<25600xf32, #tpu.memory_space<vmem>>
              %get3A_602 = arith.index_cast %add3A_600 : i32 to index
              %get3A_603 = tpu.vector_load %get3A_601[%get3A_602] {strides = array<i32>} : memref<25600xf32, #tpu.memory_space<vmem>>, vector<16xf32>,
              %swap3A_604 = arith.index_cast %add3A_598 : i32 to index
              %swap3A_605 = tpu.vector_load %arg6[%swap3A_604] {strides = array<i32>} : memref<32768xf32, #tpu.memory_space<vmem>>, vector<16xf32>,
              tpu.vector_store %arg6[%swap3A_604], %get3A_603 {add = true, strides = array<i32>} : memref<32768xf32, #tpu.memory_space<vmem>>, vector<16xf32>,
              %slice3A_606 = vector.extract_strided_slice %mul3A_378 {offsets = [3], sizes = [1], strides = [1]} : vector<16xi32> to vector<1xi32>
              %squeeze3A_607 = vector.extract %slice3A_606[0] : i32 from vector<1xi32>
              %add3A_608 = arith.constant 384 : i32
              %add3A_609 = arith.addi %mul3A_365, %add3A_608 : i32
              %add3A_610 = arith.constant 0 : i32
              %add3A_611 = arith.addi %squeeze3A_607, %add3A_610 : i32
              %add3A_612 = arith.constant 0 : i32
              %add3A_613 = arith.addi %add3A_609, %add3A_612 : i32
              %get3A_614 = tpu.memref_slice %run_scoped3A[%mul3A_275] : memref<51200xf32, #tpu.memory_space<vmem>> -> memref<25600xf32, #tpu.memory_space<vmem>>
              %get3A_615 = arith.index_cast %add3A_613 : i32 to index
              %get3A_616 = tpu.vector_load %get3A_614[%get3A_615] {strides = array<i32>} : memref<25600xf32, #tpu.memory_space<vmem>>, vector<16xf32>,
              %swap3A_617 = arith.index_cast %add3A_611 : i32 to index
              %swap3A_618 = tpu.vector_load %arg6[%swap3A_617] {strides = array<i32>} : memref<32768xf32, #tpu.memory_space<vmem>>, vector<16xf32>,
              tpu.vector_store %arg6[%swap3A_617], %get3A_616 {add = true, strides = array<i32>} : memref<32768xf32, #tpu.memory_space<vmem>>, vector<16xf32>,
              %add3A_619 = arith.constant 16 : i32
              %add3A_620 = arith.addi %squeeze3A_607, %add3A_619 : i32
              %add3A_621 = arith.constant 16 : i32
              %add3A_622 = arith.addi %add3A_609, %add3A_621 : i32
              %get3A_623 = tpu.memref_slice %run_scoped3A[%mul3A_275] : memref<51200xf32, #tpu.memory_space<vmem>> -> memref<25600xf32, #tpu.memory_space<vmem>>
              %get3A_624 = arith.index_cast %add3A_622 : i32 to index
              %get3A_625 = tpu.vector_load %get3A_623[%get3A_624] {strides = array<i32>} : memref<25600xf32, #tpu.memory_space<vmem>>, vector<16xf32>,
              %swap3A_626 = arith.index_cast %add3A_620 : i32 to index
              %swap3A_627 = tpu.vector_load %arg6[%swap3A_626] {strides = array<i32>} : memref<32768xf32, #tpu.memory_space<vmem>>, vector<16xf32>,
              tpu.vector_store %arg6[%swap3A_626], %get3A_625 {add = true, strides = array<i32>} : memref<32768xf32, #tpu.memory_space<vmem>>, vector<16xf32>,
              %add3A_628 = arith.constant 32 : i32
              %add3A_629 = arith.addi %squeeze3A_607, %add3A_628 : i32
              %add3A_630 = arith.constant 32 : i32
              %add3A_631 = arith.addi %add3A_609, %add3A_630 : i32
              %get3A_632 = tpu.memref_slice %run_scoped3A[%mul3A_275] : memref<51200xf32, #tpu.memory_space<vmem>> -> memref<25600xf32, #tpu.memory_space<vmem>>
              %get3A_633 = arith.index_cast %add3A_631 : i32 to index
              %get3A_634 = tpu.vector_load %get3A_632[%get3A_633] {strides = array<i32>} : memref<25600xf32, #tpu.memory_space<vmem>>, vector<16xf32>,
              %swap3A_635 = arith.index_cast %add3A_629 : i32 to index
              %swap3A_636 = tpu.vector_load %arg6[%swap3A_635] {strides = array<i32>} : memref<32768xf32, #tpu.memory_space<vmem>>, vector<16xf32>,
              tpu.vector_store %arg6[%swap3A_635], %get3A_634 {add = true, strides = array<i32>} : memref<32768xf32, #tpu.memory_space<vmem>>, vector<16xf32>,
              %add3A_637 = arith.constant 48 : i32
              %add3A_638 = arith.addi %squeeze3A_607, %add3A_637 : i32
              %add3A_639 = arith.constant 48 : i32
              %add3A_640 = arith.addi %add3A_609, %add3A_639 : i32
              %get3A_641 = tpu.memref_slice %run_scoped3A[%mul3A_275] : memref<51200xf32, #tpu.memory_space<vmem>> -> memref<25600xf32, #tpu.memory_space<vmem>>
              %get3A_642 = arith.index_cast %add3A_640 : i32 to index
              %get3A_643 = tpu.vector_load %get3A_641[%get3A_642] {strides = array<i32>} : memref<25600xf32, #tpu.memory_space<vmem>>, vector<16xf32>,
              %swap3A_644 = arith.index_cast %add3A_638 : i32 to index
              %swap3A_645 = tpu.vector_load %arg6[%swap3A_644] {strides = array<i32>} : memref<32768xf32, #tpu.memory_space<vmem>>, vector<16xf32>,
              tpu.vector_store %arg6[%swap3A_644], %get3A_643 {add = true, strides = array<i32>} : memref<32768xf32, #tpu.memory_space<vmem>>, vector<16xf32>,
              %add3A_646 = arith.constant 64 : i32
              %add3A_647 = arith.addi %squeeze3A_607, %add3A_646 : i32
              %add3A_648 = arith.constant 64 : i32
              %add3A_649 = arith.addi %add3A_609, %add3A_648 : i32
              %get3A_650 = tpu.memref_slice %run_scoped3A[%mul3A_275] : memref<51200xf32, #tpu.memory_space<vmem>> -> memref<25600xf32, #tpu.memory_space<vmem>>
              %get3A_651 = arith.index_cast %add3A_649 : i32 to index
              %get3A_652 = tpu.vector_load %get3A_650[%get3A_651] {strides = array<i32>} : memref<25600xf32, #tpu.memory_space<vmem>>, vector<16xf32>,
              %swap3A_653 = arith.index_cast %add3A_647 : i32 to index
              %swap3A_654 = tpu.vector_load %arg6[%swap3A_653] {strides = array<i32>} : memref<32768xf32, #tpu.memory_space<vmem>>, vector<16xf32>,
              tpu.vector_store %arg6[%swap3A_653], %get3A_652 {add = true, strides = array<i32>} : memref<32768xf32, #tpu.memory_space<vmem>>, vector<16xf32>,
              %add3A_655 = arith.constant 80 : i32
              %add3A_656 = arith.addi %squeeze3A_607, %add3A_655 : i32
              %add3A_657 = arith.constant 80 : i32
              %add3A_658 = arith.addi %add3A_609, %add3A_657 : i32
              %get3A_659 = tpu.memref_slice %run_scoped3A[%mul3A_275] : memref<51200xf32, #tpu.memory_space<vmem>> -> memref<25600xf32, #tpu.memory_space<vmem>>
              %get3A_660 = arith.index_cast %add3A_658 : i32 to index
              %get3A_661 = tpu.vector_load %get3A_659[%get3A_660] {strides = array<i32>} : memref<25600xf32, #tpu.memory_space<vmem>>, vector<16xf32>,
              %swap3A_662 = arith.index_cast %add3A_656 : i32 to index
              %swap3A_663 = tpu.vector_load %arg6[%swap3A_662] {strides = array<i32>} : memref<32768xf32, #tpu.memory_space<vmem>>, vector<16xf32>,
              tpu.vector_store %arg6[%swap3A_662], %get3A_661 {add = true, strides = array<i32>} : memref<32768xf32, #tpu.memory_space<vmem>>, vector<16xf32>,
              %add3A_664 = arith.constant 96 : i32
              %add3A_665 = arith.addi %squeeze3A_607, %add3A_664 : i32
              %add3A_666 = arith.constant 96 : i32
              %add3A_667 = arith.addi %add3A_609, %add3A_666 : i32
              %get3A_668 = tpu.memref_slice %run_scoped3A[%mul3A_275] : memref<51200xf32, #tpu.memory_space<vmem>> -> memref<25600xf32, #tpu.memory_space<vmem>>
              %get3A_669 = arith.index_cast %add3A_667 : i32 to index
              %get3A_670 = tpu.vector_load %get3A_668[%get3A_669] {strides = array<i32>} : memref<25600xf32, #tpu.memory_space<vmem>>, vector<16xf32>,
              %swap3A_671 = arith.index_cast %add3A_665 : i32 to index
              %swap3A_672 = tpu.vector_load %arg6[%swap3A_671] {strides = array<i32>} : memref<32768xf32, #tpu.memory_space<vmem>>, vector<16xf32>,
              tpu.vector_store %arg6[%swap3A_671], %get3A_670 {add = true, strides = array<i32>} : memref<32768xf32, #tpu.memory_space<vmem>>, vector<16xf32>,
              %add3A_673 = arith.constant 112 : i32
              %add3A_674 = arith.addi %squeeze3A_607, %add3A_673 : i32
              %add3A_675 = arith.constant 112 : i32
              %add3A_676 = arith.addi %add3A_609, %add3A_675 : i32
              %get3A_677 = tpu.memref_slice %run_scoped3A[%mul3A_275] : memref<51200xf32, #tpu.memory_space<vmem>> -> memref<25600xf32, #tpu.memory_space<vmem>>
              %get3A_678 = arith.index_cast %add3A_676 : i32 to index
              %get3A_679 = tpu.vector_load %get3A_677[%get3A_678] {strides = array<i32>} : memref<25600xf32, #tpu.memory_space<vmem>>, vector<16xf32>,
              %swap3A_680 = arith.index_cast %add3A_674 : i32 to index
              %swap3A_681 = tpu.vector_load %arg6[%swap3A_680] {strides = array<i32>} : memref<32768xf32, #tpu.memory_space<vmem>>, vector<16xf32>,
              tpu.vector_store %arg6[%swap3A_680], %get3A_679 {add = true, strides = array<i32>} : memref<32768xf32, #tpu.memory_space<vmem>>, vector<16xf32>,
              %slice3A_682 = vector.extract_strided_slice %mul3A_378 {offsets = [4], sizes = [1], strides = [1]} : vector<16xi32> to vector<1xi32>
              %squeeze3A_683 = vector.extract %slice3A_682[0] : i32 from vector<1xi32>
              %add3A_684 = arith.constant 512 : i32
              %add3A_685 = arith.addi %mul3A_365, %add3A_684 : i32
              %add3A_686 = arith.constant 0 : i32
              %add3A_687 = arith.addi %squeeze3A_683, %add3A_686 : i32
              %add3A_688 = arith.constant 0 : i32
              %add3A_689 = arith.addi %add3A_685, %add3A_688 : i32
              %get3A_690 = tpu.memref_slice %run_scoped3A[%mul3A_275] : memref<51200xf32, #tpu.memory_space<vmem>> -> memref<25600xf32, #tpu.memory_space<vmem>>
              %get3A_691 = arith.index_cast %add3A_689 : i32 to index
              %get3A_692 = tpu.vector_load %get3A_690[%get3A_691] {strides = array<i32>} : memref<25600xf32, #tpu.memory_space<vmem>>, vector<16xf32>,
              %swap3A_693 = arith.index_cast %add3A_687 : i32 to index
              %swap3A_694 = tpu.vector_load %arg6[%swap3A_693] {strides = array<i32>} : memref<32768xf32, #tpu.memory_space<vmem>>, vector<16xf32>,
              tpu.vector_store %arg6[%swap3A_693], %get3A_692 {add = true, strides = array<i32>} : memref<32768xf32, #tpu.memory_space<vmem>>, vector<16xf32>,
              %add3A_695 = arith.constant 16 : i32
              %add3A_696 = arith.addi %squeeze3A_683, %add3A_695 : i32
              %add3A_697 = arith.constant 16 : i32
              %add3A_698 = arith.addi %add3A_685, %add3A_697 : i32
              %get3A_699 = tpu.memref_slice %run_scoped3A[%mul3A_275] : memref<51200xf32, #tpu.memory_space<vmem>> -> memref<25600xf32, #tpu.memory_space<vmem>>
              %get3A_700 = arith.index_cast %add3A_698 : i32 to index
              %get3A_701 = tpu.vector_load %get3A_699[%get3A_700] {strides = array<i32>} : memref<25600xf32, #tpu.memory_space<vmem>>, vector<16xf32>,
              %swap3A_702 = arith.index_cast %add3A_696 : i32 to index
              %swap3A_703 = tpu.vector_load %arg6[%swap3A_702] {strides = array<i32>} : memref<32768xf32, #tpu.memory_space<vmem>>, vector<16xf32>,
              tpu.vector_store %arg6[%swap3A_702], %get3A_701 {add = true, strides = array<i32>} : memref<32768xf32, #tpu.memory_space<vmem>>, vector<16xf32>,
              %add3A_704 = arith.constant 32 : i32
              %add3A_705 = arith.addi %squeeze3A_683, %add3A_704 : i32
              %add3A_706 = arith.constant 32 : i32
              %add3A_707 = arith.addi %add3A_685, %add3A_706 : i32
              %get3A_708 = tpu.memref_slice %run_scoped3A[%mul3A_275] : memref<51200xf32, #tpu.memory_space<vmem>> -> memref<25600xf32, #tpu.memory_space<vmem>>
              %get3A_709 = arith.index_cast %add3A_707 : i32 to index
              %get3A_710 = tpu.vector_load %get3A_708[%get3A_709] {strides = array<i32>} : memref<25600xf32, #tpu.memory_space<vmem>>, vector<16xf32>,
              %swap3A_711 = arith.index_cast %add3A_705 : i32 to index
              %swap3A_712 = tpu.vector_load %arg6[%swap3A_711] {strides = array<i32>} : memref<32768xf32, #tpu.memory_space<vmem>>, vector<16xf32>,
              tpu.vector_store %arg6[%swap3A_711], %get3A_710 {add = true, strides = array<i32>} : memref<32768xf32, #tpu.memory_space<vmem>>, vector<16xf32>,
              %add3A_713 = arith.constant 48 : i32
              %add3A_714 = arith.addi %squeeze3A_683, %add3A_713 : i32
              %add3A_715 = arith.constant 48 : i32
              %add3A_716 = arith.addi %add3A_685, %add3A_715 : i32
              %get3A_717 = tpu.memref_slice %run_scoped3A[%mul3A_275] : memref<51200xf32, #tpu.memory_space<vmem>> -> memref<25600xf32, #tpu.memory_space<vmem>>
              %get3A_718 = arith.index_cast %add3A_716 : i32 to index
              %get3A_719 = tpu.vector_load %get3A_717[%get3A_718] {strides = array<i32>} : memref<25600xf32, #tpu.memory_space<vmem>>, vector<16xf32>,
              %swap3A_720 = arith.index_cast %add3A_714 : i32 to index
              %swap3A_721 = tpu.vector_load %arg6[%swap3A_720] {strides = array<i32>} : memref<32768xf32, #tpu.memory_space<vmem>>, vector<16xf32>,
              tpu.vector_store %arg6[%swap3A_720], %get3A_719 {add = true, strides = array<i32>} : memref<32768xf32, #tpu.memory_space<vmem>>, vector<16xf32>,
              %add3A_722 = arith.constant 64 : i32
              %add3A_723 = arith.addi %squeeze3A_683, %add3A_722 : i32
              %add3A_724 = arith.constant 64 : i32
              %add3A_725 = arith.addi %add3A_685, %add3A_724 : i32
              %get3A_726 = tpu.memref_slice %run_scoped3A[%mul3A_275] : memref<51200xf32, #tpu.memory_space<vmem>> -> memref<25600xf32, #tpu.memory_space<vmem>>
              %get3A_727 = arith.index_cast %add3A_725 : i32 to index
              %get3A_728 = tpu.vector_load %get3A_726[%get3A_727] {strides = array<i32>} : memref<25600xf32, #tpu.memory_space<vmem>>, vector<16xf32>,
              %swap3A_729 = arith.index_cast %add3A_723 : i32 to index
              %swap3A_730 = tpu.vector_load %arg6[%swap3A_729] {strides = array<i32>} : memref<32768xf32, #tpu.memory_space<vmem>>, vector<16xf32>,
              tpu.vector_store %arg6[%swap3A_729], %get3A_728 {add = true, strides = array<i32>} : memref<32768xf32, #tpu.memory_space<vmem>>, vector<16xf32>,
              %add3A_731 = arith.constant 80 : i32
              %add3A_732 = arith.addi %squeeze3A_683, %add3A_731 : i32
              %add3A_733 = arith.constant 80 : i32
              %add3A_734 = arith.addi %add3A_685, %add3A_733 : i32
              %get3A_735 = tpu.memref_slice %run_scoped3A[%mul3A_275] : memref<51200xf32, #tpu.memory_space<vmem>> -> memref<25600xf32, #tpu.memory_space<vmem>>
              %get3A_736 = arith.index_cast %add3A_734 : i32 to index
              %get3A_737 = tpu.vector_load %get3A_735[%get3A_736] {strides = array<i32>} : memref<25600xf32, #tpu.memory_space<vmem>>, vector<16xf32>,
              %swap3A_738 = arith.index_cast %add3A_732 : i32 to index
              %swap3A_739 = tpu.vector_load %arg6[%swap3A_738] {strides = array<i32>} : memref<32768xf32, #tpu.memory_space<vmem>>, vector<16xf32>,
              tpu.vector_store %arg6[%swap3A_738], %get3A_737 {add = true, strides = array<i32>} : memref<32768xf32, #tpu.memory_space<vmem>>, vector<16xf32>,
              %add3A_740 = arith.constant 96 : i32
              %add3A_741 = arith.addi %squeeze3A_683, %add3A_740 : i32
              %add3A_742 = arith.constant 96 : i32
              %add3A_743 = arith.addi %add3A_685, %add3A_742 : i32
              %get3A_744 = tpu.memref_slice %run_scoped3A[%mul3A_275] : memref<51200xf32, #tpu.memory_space<vmem>> -> memref<25600xf32, #tpu.memory_space<vmem>>
              %get3A_745 = arith.index_cast %add3A_743 : i32 to index
              %get3A_746 = tpu.vector_load %get3A_744[%get3A_745] {strides = array<i32>} : memref<25600xf32, #tpu.memory_space<vmem>>, vector<16xf32>,
              %swap3A_747 = arith.index_cast %add3A_741 : i32 to index
              %swap3A_748 = tpu.vector_load %arg6[%swap3A_747] {strides = array<i32>} : memref<32768xf32, #tpu.memory_space<vmem>>, vector<16xf32>,
              tpu.vector_store %arg6[%swap3A_747], %get3A_746 {add = true, strides = array<i32>} : memref<32768xf32, #tpu.memory_space<vmem>>, vector<16xf32>,
              %add3A_749 = arith.constant 112 : i32
              %add3A_750 = arith.addi %squeeze3A_683, %add3A_749 : i32
              %add3A_751 = arith.constant 112 : i32
              %add3A_752 = arith.addi %add3A_685, %add3A_751 : i32
              %get3A_753 = tpu.memref_slice %run_scoped3A[%mul3A_275] : memref<51200xf32, #tpu.memory_space<vmem>> -> memref<25600xf32, #tpu.memory_space<vmem>>
              %get3A_754 = arith.index_cast %add3A_752 : i32 to index
              %get3A_755 = tpu.vector_load %get3A_753[%get3A_754] {strides = array<i32>} : memref<25600xf32, #tpu.memory_space<vmem>>, vector<16xf32>,
              %swap3A_756 = arith.index_cast %add3A_750 : i32 to index
              %swap3A_757 = tpu.vector_load %arg6[%swap3A_756] {strides = array<i32>} : memref<32768xf32, #tpu.memory_space<vmem>>, vector<16xf32>,
              tpu.vector_store %arg6[%swap3A_756], %get3A_755 {add = true, strides = array<i32>} : memref<32768xf32, #tpu.memory_space<vmem>>, vector<16xf32>,
              %slice3A_758 = vector.extract_strided_slice %mul3A_378 {offsets = [5], sizes = [1], strides = [1]} : vector<16xi32> to vector<1xi32>
              %squeeze3A_759 = vector.extract %slice3A_758[0] : i32 from vector<1xi32>
              %add3A_760 = arith.constant 640 : i32
              %add3A_761 = arith.addi %mul3A_365, %add3A_760 : i32
              %add3A_762 = arith.constant 0 : i32
              %add3A_763 = arith.addi %squeeze3A_759, %add3A_762 : i32
              %add3A_764 = arith.constant 0 : i32
              %add3A_765 = arith.addi %add3A_761, %add3A_764 : i32
              %get3A_766 = tpu.memref_slice %run_scoped3A[%mul3A_275] : memref<51200xf32, #tpu.memory_space<vmem>> -> memref<25600xf32, #tpu.memory_space<vmem>>
              %get3A_767 = arith.index_cast %add3A_765 : i32 to index
              %get3A_768 = tpu.vector_load %get3A_766[%get3A_767] {strides = array<i32>} : memref<25600xf32, #tpu.memory_space<vmem>>, vector<16xf32>,
              %swap3A_769 = arith.index_cast %add3A_763 : i32 to index
              %swap3A_770 = tpu.vector_load %arg6[%swap3A_769] {strides = array<i32>} : memref<32768xf32, #tpu.memory_space<vmem>>, vector<16xf32>,
              tpu.vector_store %arg6[%swap3A_769], %get3A_768 {add = true, strides = array<i32>} : memref<32768xf32, #tpu.memory_space<vmem>>, vector<16xf32>,
              %add3A_771 = arith.constant 16 : i32
              %add3A_772 = arith.addi %squeeze3A_759, %add3A_771 : i32
              %add3A_773 = arith.constant 16 : i32
              %add3A_774 = arith.addi %add3A_761, %add3A_773 : i32
              %get3A_775 = tpu.memref_slice %run_scoped3A[%mul3A_275] : memref<51200xf32, #tpu.memory_space<vmem>> -> memref<25600xf32, #tpu.memory_space<vmem>>
              %get3A_776 = arith.index_cast %add3A_774 : i32 to index
              %get3A_777 = tpu.vector_load %get3A_775[%get3A_776] {strides = array<i32>} : memref<25600xf32, #tpu.memory_space<vmem>>, vector<16xf32>,
              %swap3A_778 = arith.index_cast %add3A_772 : i32 to index
              %swap3A_779 = tpu.vector_load %arg6[%swap3A_778] {strides = array<i32>} : memref<32768xf32, #tpu.memory_space<vmem>>, vector<16xf32>,
              tpu.vector_store %arg6[%swap3A_778], %get3A_777 {add = true, strides = array<i32>} : memref<32768xf32, #tpu.memory_space<vmem>>, vector<16xf32>,
              %add3A_780 = arith.constant 32 : i32
              %add3A_781 = arith.addi %squeeze3A_759, %add3A_780 : i32
              %add3A_782 = arith.constant 32 : i32
              %add3A_783 = arith.addi %add3A_761, %add3A_782 : i32
              %get3A_784 = tpu.memref_slice %run_scoped3A[%mul3A_275] : memref<51200xf32, #tpu.memory_space<vmem>> -> memref<25600xf32, #tpu.memory_space<vmem>>
              %get3A_785 = arith.index_cast %add3A_783 : i32 to index
              %get3A_786 = tpu.vector_load %get3A_784[%get3A_785] {strides = array<i32>} : memref<25600xf32, #tpu.memory_space<vmem>>, vector<16xf32>,
              %swap3A_787 = arith.index_cast %add3A_781 : i32 to index
              %swap3A_788 = tpu.vector_load %arg6[%swap3A_787] {strides = array<i32>} : memref<32768xf32, #tpu.memory_space<vmem>>, vector<16xf32>,
              tpu.vector_store %arg6[%swap3A_787], %get3A_786 {add = true, strides = array<i32>} : memref<32768xf32, #tpu.memory_space<vmem>>, vector<16xf32>,
              %add3A_789 = arith.constant 48 : i32
              %add3A_790 = arith.addi %squeeze3A_759, %add3A_789 : i32
              %add3A_791 = arith.constant 48 : i32
              %add3A_792 = arith.addi %add3A_761, %add3A_791 : i32
              %get3A_793 = tpu.memref_slice %run_scoped3A[%mul3A_275] : memref<51200xf32, #tpu.memory_space<vmem>> -> memref<25600xf32, #tpu.memory_space<vmem>>
              %get3A_794 = arith.index_cast %add3A_792 : i32 to index
              %get3A_795 = tpu.vector_load %get3A_793[%get3A_794] {strides = array<i32>} : memref<25600xf32, #tpu.memory_space<vmem>>, vector<16xf32>,
              %swap3A_796 = arith.index_cast %add3A_790 : i32 to index
              %swap3A_797 = tpu.vector_load %arg6[%swap3A_796] {strides = array<i32>} : memref<32768xf32, #tpu.memory_space<vmem>>, vector<16xf32>,
              tpu.vector_store %arg6[%swap3A_796], %get3A_795 {add = true, strides = array<i32>} : memref<32768xf32, #tpu.memory_space<vmem>>, vector<16xf32>,
              %add3A_798 = arith.constant 64 : i32
              %add3A_799 = arith.addi %squeeze3A_759, %add3A_798 : i32
              %add3A_800 = arith.constant 64 : i32
              %add3A_801 = arith.addi %add3A_761, %add3A_800 : i32
              %get3A_802 = tpu.memref_slice %run_scoped3A[%mul3A_275] : memref<51200xf32, #tpu.memory_space<vmem>> -> memref<25600xf32, #tpu.memory_space<vmem>>
              %get3A_803 = arith.index_cast %add3A_801 : i32 to index
              %get3A_804 = tpu.vector_load %get3A_802[%get3A_803] {strides = array<i32>} : memref<25600xf32, #tpu.memory_space<vmem>>, vector<16xf32>,
              %swap3A_805 = arith.index_cast %add3A_799 : i32 to index
              %swap3A_806 = tpu.vector_load %arg6[%swap3A_805] {strides = array<i32>} : memref<32768xf32, #tpu.memory_space<vmem>>, vector<16xf32>,
              tpu.vector_store %arg6[%swap3A_805], %get3A_804 {add = true, strides = array<i32>} : memref<32768xf32, #tpu.memory_space<vmem>>, vector<16xf32>,
              %add3A_807 = arith.constant 80 : i32
              %add3A_808 = arith.addi %squeeze3A_759, %add3A_807 : i32
              %add3A_809 = arith.constant 80 : i32
              %add3A_810 = arith.addi %add3A_761, %add3A_809 : i32
              %get3A_811 = tpu.memref_slice %run_scoped3A[%mul3A_275] : memref<51200xf32, #tpu.memory_space<vmem>> -> memref<25600xf32, #tpu.memory_space<vmem>>
              %get3A_812 = arith.index_cast %add3A_810 : i32 to index
              %get3A_813 = tpu.vector_load %get3A_811[%get3A_812] {strides = array<i32>} : memref<25600xf32, #tpu.memory_space<vmem>>, vector<16xf32>,
              %swap3A_814 = arith.index_cast %add3A_808 : i32 to index
              %swap3A_815 = tpu.vector_load %arg6[%swap3A_814] {strides = array<i32>} : memref<32768xf32, #tpu.memory_space<vmem>>, vector<16xf32>,
              tpu.vector_store %arg6[%swap3A_814], %get3A_813 {add = true, strides = array<i32>} : memref<32768xf32, #tpu.memory_space<vmem>>, vector<16xf32>,
              %add3A_816 = arith.constant 96 : i32
              %add3A_817 = arith.addi %squeeze3A_759, %add3A_816 : i32
              %add3A_818 = arith.constant 96 : i32
              %add3A_819 = arith.addi %add3A_761, %add3A_818 : i32
              %get3A_820 = tpu.memref_slice %run_scoped3A[%mul3A_275] : memref<51200xf32, #tpu.memory_space<vmem>> -> memref<25600xf32, #tpu.memory_space<vmem>>
              %get3A_821 = arith.index_cast %add3A_819 : i32 to index
              %get3A_822 = tpu.vector_load %get3A_820[%get3A_821] {strides = array<i32>} : memref<25600xf32, #tpu.memory_space<vmem>>, vector<16xf32>,
              %swap3A_823 = arith.index_cast %add3A_817 : i32 to index
              %swap3A_824 = tpu.vector_load %arg6[%swap3A_823] {strides = array<i32>} : memref<32768xf32, #tpu.memory_space<vmem>>, vector<16xf32>,
              tpu.vector_store %arg6[%swap3A_823], %get3A_822 {add = true, strides = array<i32>} : memref<32768xf32, #tpu.memory_space<vmem>>, vector<16xf32>,
              %add3A_825 = arith.constant 112 : i32
              %add3A_826 = arith.addi %squeeze3A_759, %add3A_825 : i32
              %add3A_827 = arith.constant 112 : i32
              %add3A_828 = arith.addi %add3A_761, %add3A_827 : i32
              %get3A_829 = tpu.memref_slice %run_scoped3A[%mul3A_275] : memref<51200xf32, #tpu.memory_space<vmem>> -> memref<25600xf32, #tpu.memory_space<vmem>>
              %get3A_830 = arith.index_cast %add3A_828 : i32 to index
              %get3A_831 = tpu.vector_load %get3A_829[%get3A_830] {strides = array<i32>} : memref<25600xf32, #tpu.memory_space<vmem>>, vector<16xf32>,
              %swap3A_832 = arith.index_cast %add3A_826 : i32 to index
              %swap3A_833 = tpu.vector_load %arg6[%swap3A_832] {strides = array<i32>} : memref<32768xf32, #tpu.memory_space<vmem>>, vector<16xf32>,
              tpu.vector_store %arg6[%swap3A_832], %get3A_831 {add = true, strides = array<i32>} : memref<32768xf32, #tpu.memory_space<vmem>>, vector<16xf32>,
              %slice3A_834 = vector.extract_strided_slice %mul3A_378 {offsets = [6], sizes = [1], strides = [1]} : vector<16xi32> to vector<1xi32>
              %squeeze3A_835 = vector.extract %slice3A_834[0] : i32 from vector<1xi32>
              %add3A_836 = arith.constant 768 : i32
              %add3A_837 = arith.addi %mul3A_365, %add3A_836 : i32
              %add3A_838 = arith.constant 0 : i32
              %add3A_839 = arith.addi %squeeze3A_835, %add3A_838 : i32
              %add3A_840 = arith.constant 0 : i32
              %add3A_841 = arith.addi %add3A_837, %add3A_840 : i32
              %get3A_842 = tpu.memref_slice %run_scoped3A[%mul3A_275] : memref<51200xf32, #tpu.memory_space<vmem>> -> memref<25600xf32, #tpu.memory_space<vmem>>
              %get3A_843 = arith.index_cast %add3A_841 : i32 to index
              %get3A_844 = tpu.vector_load %get3A_842[%get3A_843] {strides = array<i32>} : memref<25600xf32, #tpu.memory_space<vmem>>, vector<16xf32>,
              %swap3A_845 = arith.index_cast %add3A_839 : i32 to index
              %swap3A_846 = tpu.vector_load %arg6[%swap3A_845] {strides = array<i32>} : memref<32768xf32, #tpu.memory_space<vmem>>, vector<16xf32>,
              tpu.vector_store %arg6[%swap3A_845], %get3A_844 {add = true, strides = array<i32>} : memref<32768xf32, #tpu.memory_space<vmem>>, vector<16xf32>,
              %add3A_847 = arith.constant 16 : i32
              %add3A_848 = arith.addi %squeeze3A_835, %add3A_847 : i32
              %add3A_849 = arith.constant 16 : i32
              %add3A_850 = arith.addi %add3A_837, %add3A_849 : i32
              %get3A_851 = tpu.memref_slice %run_scoped3A[%mul3A_275] : memref<51200xf32, #tpu.memory_space<vmem>> -> memref<25600xf32, #tpu.memory_space<vmem>>
              %get3A_852 = arith.index_cast %add3A_850 : i32 to index
              %get3A_853 = tpu.vector_load %get3A_851[%get3A_852] {strides = array<i32>} : memref<25600xf32, #tpu.memory_space<vmem>>, vector<16xf32>,
              %swap3A_854 = arith.index_cast %add3A_848 : i32 to index
              %swap3A_855 = tpu.vector_load %arg6[%swap3A_854] {strides = array<i32>} : memref<32768xf32, #tpu.memory_space<vmem>>, vector<16xf32>,
              tpu.vector_store %arg6[%swap3A_854], %get3A_853 {add = true, strides = array<i32>} : memref<32768xf32, #tpu.memory_space<vmem>>, vector<16xf32>,
              %add3A_856 = arith.constant 32 : i32
              %add3A_857 = arith.addi %squeeze3A_835, %add3A_856 : i32
              %add3A_858 = arith.constant 32 : i32
              %add3A_859 = arith.addi %add3A_837, %add3A_858 : i32
              %get3A_860 = tpu.memref_slice %run_scoped3A[%mul3A_275] : memref<51200xf32, #tpu.memory_space<vmem>> -> memref<25600xf32, #tpu.memory_space<vmem>>
              %get3A_861 = arith.index_cast %add3A_859 : i32 to index
              %get3A_862 = tpu.vector_load %get3A_860[%get3A_861] {strides = array<i32>} : memref<25600xf32, #tpu.memory_space<vmem>>, vector<16xf32>,
              %swap3A_863 = arith.index_cast %add3A_857 : i32 to index
              %swap3A_864 = tpu.vector_load %arg6[%swap3A_863] {strides = array<i32>} : memref<32768xf32, #tpu.memory_space<vmem>>, vector<16xf32>,
              tpu.vector_store %arg6[%swap3A_863], %get3A_862 {add = true, strides = array<i32>} : memref<32768xf32, #tpu.memory_space<vmem>>, vector<16xf32>,
              %add3A_865 = arith.constant 48 : i32
              %add3A_866 = arith.addi %squeeze3A_835, %add3A_865 : i32
              %add3A_867 = arith.constant 48 : i32
              %add3A_868 = arith.addi %add3A_837, %add3A_867 : i32
              %get3A_869 = tpu.memref_slice %run_scoped3A[%mul3A_275] : memref<51200xf32, #tpu.memory_space<vmem>> -> memref<25600xf32, #tpu.memory_space<vmem>>
              %get3A_870 = arith.index_cast %add3A_868 : i32 to index
              %get3A_871 = tpu.vector_load %get3A_869[%get3A_870] {strides = array<i32>} : memref<25600xf32, #tpu.memory_space<vmem>>, vector<16xf32>,
              %swap3A_872 = arith.index_cast %add3A_866 : i32 to index
              %swap3A_873 = tpu.vector_load %arg6[%swap3A_872] {strides = array<i32>} : memref<32768xf32, #tpu.memory_space<vmem>>, vector<16xf32>,
              tpu.vector_store %arg6[%swap3A_872], %get3A_871 {add = true, strides = array<i32>} : memref<32768xf32, #tpu.memory_space<vmem>>, vector<16xf32>,
              %add3A_874 = arith.constant 64 : i32
              %add3A_875 = arith.addi %squeeze3A_835, %add3A_874 : i32
              %add3A_876 = arith.constant 64 : i32
              %add3A_877 = arith.addi %add3A_837, %add3A_876 : i32
              %get3A_878 = tpu.memref_slice %run_scoped3A[%mul3A_275] : memref<51200xf32, #tpu.memory_space<vmem>> -> memref<25600xf32, #tpu.memory_space<vmem>>
              %get3A_879 = arith.index_cast %add3A_877 : i32 to index
              %get3A_880 = tpu.vector_load %get3A_878[%get3A_879] {strides = array<i32>} : memref<25600xf32, #tpu.memory_space<vmem>>, vector<16xf32>,
              %swap3A_881 = arith.index_cast %add3A_875 : i32 to index
              %swap3A_882 = tpu.vector_load %arg6[%swap3A_881] {strides = array<i32>} : memref<32768xf32, #tpu.memory_space<vmem>>, vector<16xf32>,
              tpu.vector_store %arg6[%swap3A_881], %get3A_880 {add = true, strides = array<i32>} : memref<32768xf32, #tpu.memory_space<vmem>>, vector<16xf32>,
              %add3A_883 = arith.constant 80 : i32
              %add3A_884 = arith.addi %squeeze3A_835, %add3A_883 : i32
              %add3A_885 = arith.constant 80 : i32
              %add3A_886 = arith.addi %add3A_837, %add3A_885 : i32
              %get3A_887 = tpu.memref_slice %run_scoped3A[%mul3A_275] : memref<51200xf32, #tpu.memory_space<vmem>> -> memref<25600xf32, #tpu.memory_space<vmem>>
              %get3A_888 = arith.index_cast %add3A_886 : i32 to index
              %get3A_889 = tpu.vector_load %get3A_887[%get3A_888] {strides = array<i32>} : memref<25600xf32, #tpu.memory_space<vmem>>, vector<16xf32>,
              %swap3A_890 = arith.index_cast %add3A_884 : i32 to index
              %swap3A_891 = tpu.vector_load %arg6[%swap3A_890] {strides = array<i32>} : memref<32768xf32, #tpu.memory_space<vmem>>, vector<16xf32>,
              tpu.vector_store %arg6[%swap3A_890], %get3A_889 {add = true, strides = array<i32>} : memref<32768xf32, #tpu.memory_space<vmem>>, vector<16xf32>,
              %add3A_892 = arith.constant 96 : i32
              %add3A_893 = arith.addi %squeeze3A_835, %add3A_892 : i32
              %add3A_894 = arith.constant 96 : i32
              %add3A_895 = arith.addi %add3A_837, %add3A_894 : i32
              %get3A_896 = tpu.memref_slice %run_scoped3A[%mul3A_275] : memref<51200xf32, #tpu.memory_space<vmem>> -> memref<25600xf32, #tpu.memory_space<vmem>>
              %get3A_897 = arith.index_cast %add3A_895 : i32 to index
              %get3A_898 = tpu.vector_load %get3A_896[%get3A_897] {strides = array<i32>} : memref<25600xf32, #tpu.memory_space<vmem>>, vector<16xf32>,
              %swap3A_899 = arith.index_cast %add3A_893 : i32 to index
              %swap3A_900 = tpu.vector_load %arg6[%swap3A_899] {strides = array<i32>} : memref<32768xf32, #tpu.memory_space<vmem>>, vector<16xf32>,
              tpu.vector_store %arg6[%swap3A_899], %get3A_898 {add = true, strides = array<i32>} : memref<32768xf32, #tpu.memory_space<vmem>>, vector<16xf32>,
              %add3A_901 = arith.constant 112 : i32
              %add3A_902 = arith.addi %squeeze3A_835, %add3A_901 : i32
              %add3A_903 = arith.constant 112 : i32
              %add3A_904 = arith.addi %add3A_837, %add3A_903 : i32
              %get3A_905 = tpu.memref_slice %run_scoped3A[%mul3A_275] : memref<51200xf32, #tpu.memory_space<vmem>> -> memref<25600xf32, #tpu.memory_space<vmem>>
              %get3A_906 = arith.index_cast %add3A_904 : i32 to index
              %get3A_907 = tpu.vector_load %get3A_905[%get3A_906] {strides = array<i32>} : memref<25600xf32, #tpu.memory_space<vmem>>, vector<16xf32>,
              %swap3A_908 = arith.index_cast %add3A_902 : i32 to index
              %swap3A_909 = tpu.vector_load %arg6[%swap3A_908] {strides = array<i32>} : memref<32768xf32, #tpu.memory_space<vmem>>, vector<16xf32>,
              tpu.vector_store %arg6[%swap3A_908], %get3A_907 {add = true, strides = array<i32>} : memref<32768xf32, #tpu.memory_space<vmem>>, vector<16xf32>,
              %slice3A_910 = vector.extract_strided_slice %mul3A_378 {offsets = [7], sizes = [1], strides = [1]} : vector<16xi32> to vector<1xi32>
              %squeeze3A_911 = vector.extract %slice3A_910[0] : i32 from vector<1xi32>
              %add3A_912 = arith.constant 896 : i32
              %add3A_913 = arith.addi %mul3A_365, %add3A_912 : i32
              %add3A_914 = arith.constant 0 : i32
              %add3A_915 = arith.addi %squeeze3A_911, %add3A_914 : i32
              %add3A_916 = arith.constant 0 : i32
              %add3A_917 = arith.addi %add3A_913, %add3A_916 : i32
              %get3A_918 = tpu.memref_slice %run_scoped3A[%mul3A_275] : memref<51200xf32, #tpu.memory_space<vmem>> -> memref<25600xf32, #tpu.memory_space<vmem>>
              %get3A_919 = arith.index_cast %add3A_917 : i32 to index
              %get3A_920 = tpu.vector_load %get3A_918[%get3A_919] {strides = array<i32>} : memref<25600xf32, #tpu.memory_space<vmem>>, vector<16xf32>,
              %swap3A_921 = arith.index_cast %add3A_915 : i32 to index
              %swap3A_922 = tpu.vector_load %arg6[%swap3A_921] {strides = array<i32>} : memref<32768xf32, #tpu.memory_space<vmem>>, vector<16xf32>,
              tpu.vector_store %arg6[%swap3A_921], %get3A_920 {add = true, strides = array<i32>} : memref<32768xf32, #tpu.memory_space<vmem>>, vector<16xf32>,
              %add3A_923 = arith.constant 16 : i32
              %add3A_924 = arith.addi %squeeze3A_911, %add3A_923 : i32
              %add3A_925 = arith.constant 16 : i32
              %add3A_926 = arith.addi %add3A_913, %add3A_925 : i32
              %get3A_927 = tpu.memref_slice %run_scoped3A[%mul3A_275] : memref<51200xf32, #tpu.memory_space<vmem>> -> memref<25600xf32, #tpu.memory_space<vmem>>
              %get3A_928 = arith.index_cast %add3A_926 : i32 to index
              %get3A_929 = tpu.vector_load %get3A_927[%get3A_928] {strides = array<i32>} : memref<25600xf32, #tpu.memory_space<vmem>>, vector<16xf32>,
              %swap3A_930 = arith.index_cast %add3A_924 : i32 to index
              %swap3A_931 = tpu.vector_load %arg6[%swap3A_930] {strides = array<i32>} : memref<32768xf32, #tpu.memory_space<vmem>>, vector<16xf32>,
              tpu.vector_store %arg6[%swap3A_930], %get3A_929 {add = true, strides = array<i32>} : memref<32768xf32, #tpu.memory_space<vmem>>, vector<16xf32>,
              %add3A_932 = arith.constant 32 : i32
              %add3A_933 = arith.addi %squeeze3A_911, %add3A_932 : i32
              %add3A_934 = arith.constant 32 : i32
              %add3A_935 = arith.addi %add3A_913, %add3A_934 : i32
              %get3A_936 = tpu.memref_slice %run_scoped3A[%mul3A_275] : memref<51200xf32, #tpu.memory_space<vmem>> -> memref<25600xf32, #tpu.memory_space<vmem>>
              %get3A_937 = arith.index_cast %add3A_935 : i32 to index
              %get3A_938 = tpu.vector_load %get3A_936[%get3A_937] {strides = array<i32>} : memref<25600xf32, #tpu.memory_space<vmem>>, vector<16xf32>,
              %swap3A_939 = arith.index_cast %add3A_933 : i32 to index
              %swap3A_940 = tpu.vector_load %arg6[%swap3A_939] {strides = array<i32>} : memref<32768xf32, #tpu.memory_space<vmem>>, vector<16xf32>,
              tpu.vector_store %arg6[%swap3A_939], %get3A_938 {add = true, strides = array<i32>} : memref<32768xf32, #tpu.memory_space<vmem>>, vector<16xf32>,
              %add3A_941 = arith.constant 48 : i32
              %add3A_942 = arith.addi %squeeze3A_911, %add3A_941 : i32
              %add3A_943 = arith.constant 48 : i32
              %add3A_944 = arith.addi %add3A_913, %add3A_943 : i32
              %get3A_945 = tpu.memref_slice %run_scoped3A[%mul3A_275] : memref<51200xf32, #tpu.memory_space<vmem>> -> memref<25600xf32, #tpu.memory_space<vmem>>
              %get3A_946 = arith.index_cast %add3A_944 : i32 to index
              %get3A_947 = tpu.vector_load %get3A_945[%get3A_946] {strides = array<i32>} : memref<25600xf32, #tpu.memory_space<vmem>>, vector<16xf32>,
              %swap3A_948 = arith.index_cast %add3A_942 : i32 to index
              %swap3A_949 = tpu.vector_load %arg6[%swap3A_948] {strides = array<i32>} : memref<32768xf32, #tpu.memory_space<vmem>>, vector<16xf32>,
              tpu.vector_store %arg6[%swap3A_948], %get3A_947 {add = true, strides = array<i32>} : memref<32768xf32, #tpu.memory_space<vmem>>, vector<16xf32>,
              %add3A_950 = arith.constant 64 : i32
              %add3A_951 = arith.addi %squeeze3A_911, %add3A_950 : i32
              %add3A_952 = arith.constant 64 : i32
              %add3A_953 = arith.addi %add3A_913, %add3A_952 : i32
              %get3A_954 = tpu.memref_slice %run_scoped3A[%mul3A_275] : memref<51200xf32, #tpu.memory_space<vmem>> -> memref<25600xf32, #tpu.memory_space<vmem>>
              %get3A_955 = arith.index_cast %add3A_953 : i32 to index
              %get3A_956 = tpu.vector_load %get3A_954[%get3A_955] {strides = array<i32>} : memref<25600xf32, #tpu.memory_space<vmem>>, vector<16xf32>,
              %swap3A_957 = arith.index_cast %add3A_951 : i32 to index
              %swap3A_958 = tpu.vector_load %arg6[%swap3A_957] {strides = array<i32>} : memref<32768xf32, #tpu.memory_space<vmem>>, vector<16xf32>,
              tpu.vector_store %arg6[%swap3A_957], %get3A_956 {add = true, strides = array<i32>} : memref<32768xf32, #tpu.memory_space<vmem>>, vector<16xf32>,
              %add3A_959 = arith.constant 80 : i32
              %add3A_960 = arith.addi %squeeze3A_911, %add3A_959 : i32
              %add3A_961 = arith.constant 80 : i32
              %add3A_962 = arith.addi %add3A_913, %add3A_961 : i32
              %get3A_963 = tpu.memref_slice %run_scoped3A[%mul3A_275] : memref<51200xf32, #tpu.memory_space<vmem>> -> memref<25600xf32, #tpu.memory_space<vmem>>
              %get3A_964 = arith.index_cast %add3A_962 : i32 to index
              %get3A_965 = tpu.vector_load %get3A_963[%get3A_964] {strides = array<i32>} : memref<25600xf32, #tpu.memory_space<vmem>>, vector<16xf32>,
              %swap3A_966 = arith.index_cast %add3A_960 : i32 to index
              %swap3A_967 = tpu.vector_load %arg6[%swap3A_966] {strides = array<i32>} : memref<32768xf32, #tpu.memory_space<vmem>>, vector<16xf32>,
              tpu.vector_store %arg6[%swap3A_966], %get3A_965 {add = true, strides = array<i32>} : memref<32768xf32, #tpu.memory_space<vmem>>, vector<16xf32>,
              %add3A_968 = arith.constant 96 : i32
              %add3A_969 = arith.addi %squeeze3A_911, %add3A_968 : i32
              %add3A_970 = arith.constant 96 : i32
              %add3A_971 = arith.addi %add3A_913, %add3A_970 : i32
              %get3A_972 = tpu.memref_slice %run_scoped3A[%mul3A_275] : memref<51200xf32, #tpu.memory_space<vmem>> -> memref<25600xf32, #tpu.memory_space<vmem>>
              %get3A_973 = arith.index_cast %add3A_971 : i32 to index
              %get3A_974 = tpu.vector_load %get3A_972[%get3A_973] {strides = array<i32>} : memref<25600xf32, #tpu.memory_space<vmem>>, vector<16xf32>,
              %swap3A_975 = arith.index_cast %add3A_969 : i32 to index
              %swap3A_976 = tpu.vector_load %arg6[%swap3A_975] {strides = array<i32>} : memref<32768xf32, #tpu.memory_space<vmem>>, vector<16xf32>,
              tpu.vector_store %arg6[%swap3A_975], %get3A_974 {add = true, strides = array<i32>} : memref<32768xf32, #tpu.memory_space<vmem>>, vector<16xf32>,
              %add3A_977 = arith.constant 112 : i32
              %add3A_978 = arith.addi %squeeze3A_911, %add3A_977 : i32
              %add3A_979 = arith.constant 112 : i32
              %add3A_980 = arith.addi %add3A_913, %add3A_979 : i32
              %get3A_981 = tpu.memref_slice %run_scoped3A[%mul3A_275] : memref<51200xf32, #tpu.memory_space<vmem>> -> memref<25600xf32, #tpu.memory_space<vmem>>
              %get3A_982 = arith.index_cast %add3A_980 : i32 to index
              %get3A_983 = tpu.vector_load %get3A_981[%get3A_982] {strides = array<i32>} : memref<25600xf32, #tpu.memory_space<vmem>>, vector<16xf32>,
              %swap3A_984 = arith.index_cast %add3A_978 : i32 to index
              %swap3A_985 = tpu.vector_load %arg6[%swap3A_984] {strides = array<i32>} : memref<32768xf32, #tpu.memory_space<vmem>>, vector<16xf32>,
              tpu.vector_store %arg6[%swap3A_984], %get3A_983 {add = true, strides = array<i32>} : memref<32768xf32, #tpu.memory_space<vmem>>, vector<16xf32>,
              %slice3A_986 = vector.extract_strided_slice %mul3A_378 {offsets = [8], sizes = [1], strides = [1]} : vector<16xi32> to vector<1xi32>
              %squeeze3A_987 = vector.extract %slice3A_986[0] : i32 from vector<1xi32>
              %add3A_988 = arith.constant 1024 : i32
              %add3A_989 = arith.addi %mul3A_365, %add3A_988 : i32
              %add3A_990 = arith.constant 0 : i32
              %add3A_991 = arith.addi %squeeze3A_987, %add3A_990 : i32
              %add3A_992 = arith.constant 0 : i32
              %add3A_993 = arith.addi %add3A_989, %add3A_992 : i32
              %get3A_994 = tpu.memref_slice %run_scoped3A[%mul3A_275] : memref<51200xf32, #tpu.memory_space<vmem>> -> memref<25600xf32, #tpu.memory_space<vmem>>
              %get3A_995 = arith.index_cast %add3A_993 : i32 to index
              %get3A_996 = tpu.vector_load %get3A_994[%get3A_995] {strides = array<i32>} : memref<25600xf32, #tpu.memory_space<vmem>>, vector<16xf32>,
              %swap3A_997 = arith.index_cast %add3A_991 : i32 to index
              %swap3A_998 = tpu.vector_load %arg6[%swap3A_997] {strides = array<i32>} : memref<32768xf32, #tpu.memory_space<vmem>>, vector<16xf32>,
              tpu.vector_store %arg6[%swap3A_997], %get3A_996 {add = true, strides = array<i32>} : memref<32768xf32, #tpu.memory_space<vmem>>, vector<16xf32>,
              %add3A_999 = arith.constant 16 : i32
              %add3A_1000 = arith.addi %squeeze3A_987, %add3A_999 : i32
              %add3A_1001 = arith.constant 16 : i32
              %add3A_1002 = arith.addi %add3A_989, %add3A_1001 : i32
              %get3A_1003 = tpu.memref_slice %run_scoped3A[%mul3A_275] : memref<51200xf32, #tpu.memory_space<vmem>> -> memref<25600xf32, #tpu.memory_space<vmem>>
              %get3A_1004 = arith.index_cast %add3A_1002 : i32 to index
              %get3A_1005 = tpu.vector_load %get3A_1003[%get3A_1004] {strides = array<i32>} : memref<25600xf32, #tpu.memory_space<vmem>>, vector<16xf32>,
              %swap3A_1006 = arith.index_cast %add3A_1000 : i32 to index
              %swap3A_1007 = tpu.vector_load %arg6[%swap3A_1006] {strides = array<i32>} : memref<32768xf32, #tpu.memory_space<vmem>>, vector<16xf32>,
              tpu.vector_store %arg6[%swap3A_1006], %get3A_1005 {add = true, strides = array<i32>} : memref<32768xf32, #tpu.memory_space<vmem>>, vector<16xf32>,
              %add3A_1008 = arith.constant 32 : i32
              %add3A_1009 = arith.addi %squeeze3A_987, %add3A_1008 : i32
              %add3A_1010 = arith.constant 32 : i32
              %add3A_1011 = arith.addi %add3A_989, %add3A_1010 : i32
              %get3A_1012 = tpu.memref_slice %run_scoped3A[%mul3A_275] : memref<51200xf32, #tpu.memory_space<vmem>> -> memref<25600xf32, #tpu.memory_space<vmem>>
              %get3A_1013 = arith.index_cast %add3A_1011 : i32 to index
              %get3A_1014 = tpu.vector_load %get3A_1012[%get3A_1013] {strides = array<i32>} : memref<25600xf32, #tpu.memory_space<vmem>>, vector<16xf32>,
              %swap3A_1015 = arith.index_cast %add3A_1009 : i32 to index
              %swap3A_1016 = tpu.vector_load %arg6[%swap3A_1015] {strides = array<i32>} : memref<32768xf32, #tpu.memory_space<vmem>>, vector<16xf32>,
              tpu.vector_store %arg6[%swap3A_1015], %get3A_1014 {add = true, strides = array<i32>} : memref<32768xf32, #tpu.memory_space<vmem>>, vector<16xf32>,
              %add3A_1017 = arith.constant 48 : i32
              %add3A_1018 = arith.addi %squeeze3A_987, %add3A_1017 : i32
              %add3A_1019 = arith.constant 48 : i32
              %add3A_1020 = arith.addi %add3A_989, %add3A_1019 : i32
              %get3A_1021 = tpu.memref_slice %run_scoped3A[%mul3A_275] : memref<51200xf32, #tpu.memory_space<vmem>> -> memref<25600xf32, #tpu.memory_space<vmem>>
              %get3A_1022 = arith.index_cast %add3A_1020 : i32 to index
              %get3A_1023 = tpu.vector_load %get3A_1021[%get3A_1022] {strides = array<i32>} : memref<25600xf32, #tpu.memory_space<vmem>>, vector<16xf32>,
              %swap3A_1024 = arith.index_cast %add3A_1018 : i32 to index
              %swap3A_1025 = tpu.vector_load %arg6[%swap3A_1024] {strides = array<i32>} : memref<32768xf32, #tpu.memory_space<vmem>>, vector<16xf32>,
              tpu.vector_store %arg6[%swap3A_1024], %get3A_1023 {add = true, strides = array<i32>} : memref<32768xf32, #tpu.memory_space<vmem>>, vector<16xf32>,
              %add3A_1026 = arith.constant 64 : i32
              %add3A_1027 = arith.addi %squeeze3A_987, %add3A_1026 : i32
              %add3A_1028 = arith.constant 64 : i32
              %add3A_1029 = arith.addi %add3A_989, %add3A_1028 : i32
              %get3A_1030 = tpu.memref_slice %run_scoped3A[%mul3A_275] : memref<51200xf32, #tpu.memory_space<vmem>> -> memref<25600xf32, #tpu.memory_space<vmem>>
              %get3A_1031 = arith.index_cast %add3A_1029 : i32 to index
              %get3A_1032 = tpu.vector_load %get3A_1030[%get3A_1031] {strides = array<i32>} : memref<25600xf32, #tpu.memory_space<vmem>>, vector<16xf32>,
              %swap3A_1033 = arith.index_cast %add3A_1027 : i32 to index
              %swap3A_1034 = tpu.vector_load %arg6[%swap3A_1033] {strides = array<i32>} : memref<32768xf32, #tpu.memory_space<vmem>>, vector<16xf32>,
              tpu.vector_store %arg6[%swap3A_1033], %get3A_1032 {add = true, strides = array<i32>} : memref<32768xf32, #tpu.memory_space<vmem>>, vector<16xf32>,
              %add3A_1035 = arith.constant 80 : i32
              %add3A_1036 = arith.addi %squeeze3A_987, %add3A_1035 : i32
              %add3A_1037 = arith.constant 80 : i32
              %add3A_1038 = arith.addi %add3A_989, %add3A_1037 : i32
              %get3A_1039 = tpu.memref_slice %run_scoped3A[%mul3A_275] : memref<51200xf32, #tpu.memory_space<vmem>> -> memref<25600xf32, #tpu.memory_space<vmem>>
              %get3A_1040 = arith.index_cast %add3A_1038 : i32 to index
              %get3A_1041 = tpu.vector_load %get3A_1039[%get3A_1040] {strides = array<i32>} : memref<25600xf32, #tpu.memory_space<vmem>>, vector<16xf32>,
              %swap3A_1042 = arith.index_cast %add3A_1036 : i32 to index
              %swap3A_1043 = tpu.vector_load %arg6[%swap3A_1042] {strides = array<i32>} : memref<32768xf32, #tpu.memory_space<vmem>>, vector<16xf32>,
              tpu.vector_store %arg6[%swap3A_1042], %get3A_1041 {add = true, strides = array<i32>} : memref<32768xf32, #tpu.memory_space<vmem>>, vector<16xf32>,
              %add3A_1044 = arith.constant 96 : i32
              %add3A_1045 = arith.addi %squeeze3A_987, %add3A_1044 : i32
              %add3A_1046 = arith.constant 96 : i32
              %add3A_1047 = arith.addi %add3A_989, %add3A_1046 : i32
              %get3A_1048 = tpu.memref_slice %run_scoped3A[%mul3A_275] : memref<51200xf32, #tpu.memory_space<vmem>> -> memref<25600xf32, #tpu.memory_space<vmem>>
              %get3A_1049 = arith.index_cast %add3A_1047 : i32 to index
              %get3A_1050 = tpu.vector_load %get3A_1048[%get3A_1049] {strides = array<i32>} : memref<25600xf32, #tpu.memory_space<vmem>>, vector<16xf32>,
              %swap3A_1051 = arith.index_cast %add3A_1045 : i32 to index
              %swap3A_1052 = tpu.vector_load %arg6[%swap3A_1051] {strides = array<i32>} : memref<32768xf32, #tpu.memory_space<vmem>>, vector<16xf32>,
              tpu.vector_store %arg6[%swap3A_1051], %get3A_1050 {add = true, strides = array<i32>} : memref<32768xf32, #tpu.memory_space<vmem>>, vector<16xf32>,
              %add3A_1053 = arith.constant 112 : i32
              %add3A_1054 = arith.addi %squeeze3A_987, %add3A_1053 : i32
              %add3A_1055 = arith.constant 112 : i32
              %add3A_1056 = arith.addi %add3A_989, %add3A_1055 : i32
              %get3A_1057 = tpu.memref_slice %run_scoped3A[%mul3A_275] : memref<51200xf32, #tpu.memory_space<vmem>> -> memref<25600xf32, #tpu.memory_space<vmem>>
              %get3A_1058 = arith.index_cast %add3A_1056 : i32 to index
              %get3A_1059 = tpu.vector_load %get3A_1057[%get3A_1058] {strides = array<i32>} : memref<25600xf32, #tpu.memory_space<vmem>>, vector<16xf32>,
              %swap3A_1060 = arith.index_cast %add3A_1054 : i32 to index
              %swap3A_1061 = tpu.vector_load %arg6[%swap3A_1060] {strides = array<i32>} : memref<32768xf32, #tpu.memory_space<vmem>>, vector<16xf32>,
              tpu.vector_store %arg6[%swap3A_1060], %get3A_1059 {add = true, strides = array<i32>} : memref<32768xf32, #tpu.memory_space<vmem>>, vector<16xf32>,
              %slice3A_1062 = vector.extract_strided_slice %mul3A_378 {offsets = [9], sizes = [1], strides = [1]} : vector<16xi32> to vector<1xi32>
              %squeeze3A_1063 = vector.extract %slice3A_1062[0] : i32 from vector<1xi32>
              %add3A_1064 = arith.constant 1152 : i32
              %add3A_1065 = arith.addi %mul3A_365, %add3A_1064 : i32
              %add3A_1066 = arith.constant 0 : i32
              %add3A_1067 = arith.addi %squeeze3A_1063, %add3A_1066 : i32
              %add3A_1068 = arith.constant 0 : i32
              %add3A_1069 = arith.addi %add3A_1065, %add3A_1068 : i32
              %get3A_1070 = tpu.memref_slice %run_scoped3A[%mul3A_275] : memref<51200xf32, #tpu.memory_space<vmem>> -> memref<25600xf32, #tpu.memory_space<vmem>>
              %get3A_1071 = arith.index_cast %add3A_1069 : i32 to index
              %get3A_1072 = tpu.vector_load %get3A_1070[%get3A_1071] {strides = array<i32>} : memref<25600xf32, #tpu.memory_space<vmem>>, vector<16xf32>,
              %swap3A_1073 = arith.index_cast %add3A_1067 : i32 to index
              %swap3A_1074 = tpu.vector_load %arg6[%swap3A_1073] {strides = array<i32>} : memref<32768xf32, #tpu.memory_space<vmem>>, vector<16xf32>,
              tpu.vector_store %arg6[%swap3A_1073], %get3A_1072 {add = true, strides = array<i32>} : memref<32768xf32, #tpu.memory_space<vmem>>, vector<16xf32>,
              %add3A_1075 = arith.constant 16 : i32
              %add3A_1076 = arith.addi %squeeze3A_1063, %add3A_1075 : i32
              %add3A_1077 = arith.constant 16 : i32
              %add3A_1078 = arith.addi %add3A_1065, %add3A_1077 : i32
              %get3A_1079 = tpu.memref_slice %run_scoped3A[%mul3A_275] : memref<51200xf32, #tpu.memory_space<vmem>> -> memref<25600xf32, #tpu.memory_space<vmem>>
              %get3A_1080 = arith.index_cast %add3A_1078 : i32 to index
              %get3A_1081 = tpu.vector_load %get3A_1079[%get3A_1080] {strides = array<i32>} : memref<25600xf32, #tpu.memory_space<vmem>>, vector<16xf32>,
              %swap3A_1082 = arith.index_cast %add3A_1076 : i32 to index
              %swap3A_1083 = tpu.vector_load %arg6[%swap3A_1082] {strides = array<i32>} : memref<32768xf32, #tpu.memory_space<vmem>>, vector<16xf32>,
              tpu.vector_store %arg6[%swap3A_1082], %get3A_1081 {add = true, strides = array<i32>} : memref<32768xf32, #tpu.memory_space<vmem>>, vector<16xf32>,
              %add3A_1084 = arith.constant 32 : i32
              %add3A_1085 = arith.addi %squeeze3A_1063, %add3A_1084 : i32
              %add3A_1086 = arith.constant 32 : i32
              %add3A_1087 = arith.addi %add3A_1065, %add3A_1086 : i32
              %get3A_1088 = tpu.memref_slice %run_scoped3A[%mul3A_275] : memref<51200xf32, #tpu.memory_space<vmem>> -> memref<25600xf32, #tpu.memory_space<vmem>>
              %get3A_1089 = arith.index_cast %add3A_1087 : i32 to index
              %get3A_1090 = tpu.vector_load %get3A_1088[%get3A_1089] {strides = array<i32>} : memref<25600xf32, #tpu.memory_space<vmem>>, vector<16xf32>,
              %swap3A_1091 = arith.index_cast %add3A_1085 : i32 to index
              %swap3A_1092 = tpu.vector_load %arg6[%swap3A_1091] {strides = array<i32>} : memref<32768xf32, #tpu.memory_space<vmem>>, vector<16xf32>,
              tpu.vector_store %arg6[%swap3A_1091], %get3A_1090 {add = true, strides = array<i32>} : memref<32768xf32, #tpu.memory_space<vmem>>, vector<16xf32>,
              %add3A_1093 = arith.constant 48 : i32
              %add3A_1094 = arith.addi %squeeze3A_1063, %add3A_1093 : i32
              %add3A_1095 = arith.constant 48 : i32
              %add3A_1096 = arith.addi %add3A_1065, %add3A_1095 : i32
              %get3A_1097 = tpu.memref_slice %run_scoped3A[%mul3A_275] : memref<51200xf32, #tpu.memory_space<vmem>> -> memref<25600xf32, #tpu.memory_space<vmem>>
              %get3A_1098 = arith.index_cast %add3A_1096 : i32 to index
              %get3A_1099 = tpu.vector_load %get3A_1097[%get3A_1098] {strides = array<i32>} : memref<25600xf32, #tpu.memory_space<vmem>>, vector<16xf32>,
              %swap3A_1100 = arith.index_cast %add3A_1094 : i32 to index
              %swap3A_1101 = tpu.vector_load %arg6[%swap3A_1100] {strides = array<i32>} : memref<32768xf32, #tpu.memory_space<vmem>>, vector<16xf32>,
              tpu.vector_store %arg6[%swap3A_1100], %get3A_1099 {add = true, strides = array<i32>} : memref<32768xf32, #tpu.memory_space<vmem>>, vector<16xf32>,
              %add3A_1102 = arith.constant 64 : i32
              %add3A_1103 = arith.addi %squeeze3A_1063, %add3A_1102 : i32
              %add3A_1104 = arith.constant 64 : i32
              %add3A_1105 = arith.addi %add3A_1065, %add3A_1104 : i32
              %get3A_1106 = tpu.memref_slice %run_scoped3A[%mul3A_275] : memref<51200xf32, #tpu.memory_space<vmem>> -> memref<25600xf32, #tpu.memory_space<vmem>>
              %get3A_1107 = arith.index_cast %add3A_1105 : i32 to index
              %get3A_1108 = tpu.vector_load %get3A_1106[%get3A_1107] {strides = array<i32>} : memref<25600xf32, #tpu.memory_space<vmem>>, vector<16xf32>,
              %swap3A_1109 = arith.index_cast %add3A_1103 : i32 to index
              %swap3A_1110 = tpu.vector_load %arg6[%swap3A_1109] {strides = array<i32>} : memref<32768xf32, #tpu.memory_space<vmem>>, vector<16xf32>,
              tpu.vector_store %arg6[%swap3A_1109], %get3A_1108 {add = true, strides = array<i32>} : memref<32768xf32, #tpu.memory_space<vmem>>, vector<16xf32>,
              %add3A_1111 = arith.constant 80 : i32
              %add3A_1112 = arith.addi %squeeze3A_1063, %add3A_1111 : i32
              %add3A_1113 = arith.constant 80 : i32
              %add3A_1114 = arith.addi %add3A_1065, %add3A_1113 : i32
              %get3A_1115 = tpu.memref_slice %run_scoped3A[%mul3A_275] : memref<51200xf32, #tpu.memory_space<vmem>> -> memref<25600xf32, #tpu.memory_space<vmem>>
              %get3A_1116 = arith.index_cast %add3A_1114 : i32 to index
              %get3A_1117 = tpu.vector_load %get3A_1115[%get3A_1116] {strides = array<i32>} : memref<25600xf32, #tpu.memory_space<vmem>>, vector<16xf32>,
              %swap3A_1118 = arith.index_cast %add3A_1112 : i32 to index
              %swap3A_1119 = tpu.vector_load %arg6[%swap3A_1118] {strides = array<i32>} : memref<32768xf32, #tpu.memory_space<vmem>>, vector<16xf32>,
              tpu.vector_store %arg6[%swap3A_1118], %get3A_1117 {add = true, strides = array<i32>} : memref<32768xf32, #tpu.memory_space<vmem>>, vector<16xf32>,
              %add3A_1120 = arith.constant 96 : i32
              %add3A_1121 = arith.addi %squeeze3A_1063, %add3A_1120 : i32
              %add3A_1122 = arith.constant 96 : i32
              %add3A_1123 = arith.addi %add3A_1065, %add3A_1122 : i32
              %get3A_1124 = tpu.memref_slice %run_scoped3A[%mul3A_275] : memref<51200xf32, #tpu.memory_space<vmem>> -> memref<25600xf32, #tpu.memory_space<vmem>>
              %get3A_1125 = arith.index_cast %add3A_1123 : i32 to index
              %get3A_1126 = tpu.vector_load %get3A_1124[%get3A_1125] {strides = array<i32>} : memref<25600xf32, #tpu.memory_space<vmem>>, vector<16xf32>,
              %swap3A_1127 = arith.index_cast %add3A_1121 : i32 to index
              %swap3A_1128 = tpu.vector_load %arg6[%swap3A_1127] {strides = array<i32>} : memref<32768xf32, #tpu.memory_space<vmem>>, vector<16xf32>,
              tpu.vector_store %arg6[%swap3A_1127], %get3A_1126 {add = true, strides = array<i32>} : memref<32768xf32, #tpu.memory_space<vmem>>, vector<16xf32>,
              %add3A_1129 = arith.constant 112 : i32
              %add3A_1130 = arith.addi %squeeze3A_1063, %add3A_1129 : i32
              %add3A_1131 = arith.constant 112 : i32
              %add3A_1132 = arith.addi %add3A_1065, %add3A_1131 : i32
              %get3A_1133 = tpu.memref_slice %run_scoped3A[%mul3A_275] : memref<51200xf32, #tpu.memory_space<vmem>> -> memref<25600xf32, #tpu.memory_space<vmem>>
              %get3A_1134 = arith.index_cast %add3A_1132 : i32 to index
              %get3A_1135 = tpu.vector_load %get3A_1133[%get3A_1134] {strides = array<i32>} : memref<25600xf32, #tpu.memory_space<vmem>>, vector<16xf32>,
              %swap3A_1136 = arith.index_cast %add3A_1130 : i32 to index
              %swap3A_1137 = tpu.vector_load %arg6[%swap3A_1136] {strides = array<i32>} : memref<32768xf32, #tpu.memory_space<vmem>>, vector<16xf32>,
              tpu.vector_store %arg6[%swap3A_1136], %get3A_1135 {add = true, strides = array<i32>} : memref<32768xf32, #tpu.memory_space<vmem>>, vector<16xf32>,
              %slice3A_1138 = vector.extract_strided_slice %mul3A_378 {offsets = [10], sizes = [1], strides = [1]} : vector<16xi32> to vector<1xi32>
              %squeeze3A_1139 = vector.extract %slice3A_1138[0] : i32 from vector<1xi32>
              %add3A_1140 = arith.constant 1280 : i32
              %add3A_1141 = arith.addi %mul3A_365, %add3A_1140 : i32
              %add3A_1142 = arith.constant 0 : i32
              %add3A_1143 = arith.addi %squeeze3A_1139, %add3A_1142 : i32
              %add3A_1144 = arith.constant 0 : i32
              %add3A_1145 = arith.addi %add3A_1141, %add3A_1144 : i32
              %get3A_1146 = tpu.memref_slice %run_scoped3A[%mul3A_275] : memref<51200xf32, #tpu.memory_space<vmem>> -> memref<25600xf32, #tpu.memory_space<vmem>>
              %get3A_1147 = arith.index_cast %add3A_1145 : i32 to index
              %get3A_1148 = tpu.vector_load %get3A_1146[%get3A_1147] {strides = array<i32>} : memref<25600xf32, #tpu.memory_space<vmem>>, vector<16xf32>,
              %swap3A_1149 = arith.index_cast %add3A_1143 : i32 to index
              %swap3A_1150 = tpu.vector_load %arg6[%swap3A_1149] {strides = array<i32>} : memref<32768xf32, #tpu.memory_space<vmem>>, vector<16xf32>,
              tpu.vector_store %arg6[%swap3A_1149], %get3A_1148 {add = true, strides = array<i32>} : memref<32768xf32, #tpu.memory_space<vmem>>, vector<16xf32>,
              %add3A_1151 = arith.constant 16 : i32
              %add3A_1152 = arith.addi %squeeze3A_1139, %add3A_1151 : i32
              %add3A_1153 = arith.constant 16 : i32
              %add3A_1154 = arith.addi %add3A_1141, %add3A_1153 : i32
              %get3A_1155 = tpu.memref_slice %run_scoped3A[%mul3A_275] : memref<51200xf32, #tpu.memory_space<vmem>> -> memref<25600xf32, #tpu.memory_space<vmem>>
              %get3A_1156 = arith.index_cast %add3A_1154 : i32 to index
              %get3A_1157 = tpu.vector_load %get3A_1155[%get3A_1156] {strides = array<i32>} : memref<25600xf32, #tpu.memory_space<vmem>>, vector<16xf32>,
              %swap3A_1158 = arith.index_cast %add3A_1152 : i32 to index
              %swap3A_1159 = tpu.vector_load %arg6[%swap3A_1158] {strides = array<i32>} : memref<32768xf32, #tpu.memory_space<vmem>>, vector<16xf32>,
              tpu.vector_store %arg6[%swap3A_1158], %get3A_1157 {add = true, strides = array<i32>} : memref<32768xf32, #tpu.memory_space<vmem>>, vector<16xf32>,
              %add3A_1160 = arith.constant 32 : i32
              %add3A_1161 = arith.addi %squeeze3A_1139, %add3A_1160 : i32
              %add3A_1162 = arith.constant 32 : i32
              %add3A_1163 = arith.addi %add3A_1141, %add3A_1162 : i32
              %get3A_1164 = tpu.memref_slice %run_scoped3A[%mul3A_275] : memref<51200xf32, #tpu.memory_space<vmem>> -> memref<25600xf32, #tpu.memory_space<vmem>>
              %get3A_1165 = arith.index_cast %add3A_1163 : i32 to index
              %get3A_1166 = tpu.vector_load %get3A_1164[%get3A_1165] {strides = array<i32>} : memref<25600xf32, #tpu.memory_space<vmem>>, vector<16xf32>,
              %swap3A_1167 = arith.index_cast %add3A_1161 : i32 to index
              %swap3A_1168 = tpu.vector_load %arg6[%swap3A_1167] {strides = array<i32>} : memref<32768xf32, #tpu.memory_space<vmem>>, vector<16xf32>,
              tpu.vector_store %arg6[%swap3A_1167], %get3A_1166 {add = true, strides = array<i32>} : memref<32768xf32, #tpu.memory_space<vmem>>, vector<16xf32>,
              %add3A_1169 = arith.constant 48 : i32
              %add3A_1170 = arith.addi %squeeze3A_1139, %add3A_1169 : i32
              %add3A_1171 = arith.constant 48 : i32
              %add3A_1172 = arith.addi %add3A_1141, %add3A_1171 : i32
              %get3A_1173 = tpu.memref_slice %run_scoped3A[%mul3A_275] : memref<51200xf32, #tpu.memory_space<vmem>> -> memref<25600xf32, #tpu.memory_space<vmem>>
              %get3A_1174 = arith.index_cast %add3A_1172 : i32 to index
              %get3A_1175 = tpu.vector_load %get3A_1173[%get3A_1174] {strides = array<i32>} : memref<25600xf32, #tpu.memory_space<vmem>>, vector<16xf32>,
              %swap3A_1176 = arith.index_cast %add3A_1170 : i32 to index
              %swap3A_1177 = tpu.vector_load %arg6[%swap3A_1176] {strides = array<i32>} : memref<32768xf32, #tpu.memory_space<vmem>>, vector<16xf32>,
              tpu.vector_store %arg6[%swap3A_1176], %get3A_1175 {add = true, strides = array<i32>} : memref<32768xf32, #tpu.memory_space<vmem>>, vector<16xf32>,
              %add3A_1178 = arith.constant 64 : i32
              %add3A_1179 = arith.addi %squeeze3A_1139, %add3A_1178 : i32
              %add3A_1180 = arith.constant 64 : i32
              %add3A_1181 = arith.addi %add3A_1141, %add3A_1180 : i32
              %get3A_1182 = tpu.memref_slice %run_scoped3A[%mul3A_275] : memref<51200xf32, #tpu.memory_space<vmem>> -> memref<25600xf32, #tpu.memory_space<vmem>>
              %get3A_1183 = arith.index_cast %add3A_1181 : i32 to index
              %get3A_1184 = tpu.vector_load %get3A_1182[%get3A_1183] {strides = array<i32>} : memref<25600xf32, #tpu.memory_space<vmem>>, vector<16xf32>,
              %swap3A_1185 = arith.index_cast %add3A_1179 : i32 to index
              %swap3A_1186 = tpu.vector_load %arg6[%swap3A_1185] {strides = array<i32>} : memref<32768xf32, #tpu.memory_space<vmem>>, vector<16xf32>,
              tpu.vector_store %arg6[%swap3A_1185], %get3A_1184 {add = true, strides = array<i32>} : memref<32768xf32, #tpu.memory_space<vmem>>, vector<16xf32>,
              %add3A_1187 = arith.constant 80 : i32
              %add3A_1188 = arith.addi %squeeze3A_1139, %add3A_1187 : i32
              %add3A_1189 = arith.constant 80 : i32
              %add3A_1190 = arith.addi %add3A_1141, %add3A_1189 : i32
              %get3A_1191 = tpu.memref_slice %run_scoped3A[%mul3A_275] : memref<51200xf32, #tpu.memory_space<vmem>> -> memref<25600xf32, #tpu.memory_space<vmem>>
              %get3A_1192 = arith.index_cast %add3A_1190 : i32 to index
              %get3A_1193 = tpu.vector_load %get3A_1191[%get3A_1192] {strides = array<i32>} : memref<25600xf32, #tpu.memory_space<vmem>>, vector<16xf32>,
              %swap3A_1194 = arith.index_cast %add3A_1188 : i32 to index
              %swap3A_1195 = tpu.vector_load %arg6[%swap3A_1194] {strides = array<i32>} : memref<32768xf32, #tpu.memory_space<vmem>>, vector<16xf32>,
              tpu.vector_store %arg6[%swap3A_1194], %get3A_1193 {add = true, strides = array<i32>} : memref<32768xf32, #tpu.memory_space<vmem>>, vector<16xf32>,
              %add3A_1196 = arith.constant 96 : i32
              %add3A_1197 = arith.addi %squeeze3A_1139, %add3A_1196 : i32
              %add3A_1198 = arith.constant 96 : i32
              %add3A_1199 = arith.addi %add3A_1141, %add3A_1198 : i32
              %get3A_1200 = tpu.memref_slice %run_scoped3A[%mul3A_275] : memref<51200xf32, #tpu.memory_space<vmem>> -> memref<25600xf32, #tpu.memory_space<vmem>>
              %get3A_1201 = arith.index_cast %add3A_1199 : i32 to index
              %get3A_1202 = tpu.vector_load %get3A_1200[%get3A_1201] {strides = array<i32>} : memref<25600xf32, #tpu.memory_space<vmem>>, vector<16xf32>,
              %swap3A_1203 = arith.index_cast %add3A_1197 : i32 to index
              %swap3A_1204 = tpu.vector_load %arg6[%swap3A_1203] {strides = array<i32>} : memref<32768xf32, #tpu.memory_space<vmem>>, vector<16xf32>,
              tpu.vector_store %arg6[%swap3A_1203], %get3A_1202 {add = true, strides = array<i32>} : memref<32768xf32, #tpu.memory_space<vmem>>, vector<16xf32>,
              %add3A_1205 = arith.constant 112 : i32
              %add3A_1206 = arith.addi %squeeze3A_1139, %add3A_1205 : i32
              %add3A_1207 = arith.constant 112 : i32
              %add3A_1208 = arith.addi %add3A_1141, %add3A_1207 : i32
              %get3A_1209 = tpu.memref_slice %run_scoped3A[%mul3A_275] : memref<51200xf32, #tpu.memory_space<vmem>> -> memref<25600xf32, #tpu.memory_space<vmem>>
              %get3A_1210 = arith.index_cast %add3A_1208 : i32 to index
              %get3A_1211 = tpu.vector_load %get3A_1209[%get3A_1210] {strides = array<i32>} : memref<25600xf32, #tpu.memory_space<vmem>>, vector<16xf32>,
              %swap3A_1212 = arith.index_cast %add3A_1206 : i32 to index
              %swap3A_1213 = tpu.vector_load %arg6[%swap3A_1212] {strides = array<i32>} : memref<32768xf32, #tpu.memory_space<vmem>>, vector<16xf32>,
              tpu.vector_store %arg6[%swap3A_1212], %get3A_1211 {add = true, strides = array<i32>} : memref<32768xf32, #tpu.memory_space<vmem>>, vector<16xf32>,
              %slice3A_1214 = vector.extract_strided_slice %mul3A_378 {offsets = [11], sizes = [1], strides = [1]} : vector<16xi32> to vector<1xi32>
              %squeeze3A_1215 = vector.extract %slice3A_1214[0] : i32 from vector<1xi32>
              %add3A_1216 = arith.constant 1408 : i32
              %add3A_1217 = arith.addi %mul3A_365, %add3A_1216 : i32
              %add3A_1218 = arith.constant 0 : i32
              %add3A_1219 = arith.addi %squeeze3A_1215, %add3A_1218 : i32
              %add3A_1220 = arith.constant 0 : i32
              %add3A_1221 = arith.addi %add3A_1217, %add3A_1220 : i32
              %get3A_1222 = tpu.memref_slice %run_scoped3A[%mul3A_275] : memref<51200xf32, #tpu.memory_space<vmem>> -> memref<25600xf32, #tpu.memory_space<vmem>>
              %get3A_1223 = arith.index_cast %add3A_1221 : i32 to index
              %get3A_1224 = tpu.vector_load %get3A_1222[%get3A_1223] {strides = array<i32>} : memref<25600xf32, #tpu.memory_space<vmem>>, vector<16xf32>,
              %swap3A_1225 = arith.index_cast %add3A_1219 : i32 to index
              %swap3A_1226 = tpu.vector_load %arg6[%swap3A_1225] {strides = array<i32>} : memref<32768xf32, #tpu.memory_space<vmem>>, vector<16xf32>,
              tpu.vector_store %arg6[%swap3A_1225], %get3A_1224 {add = true, strides = array<i32>} : memref<32768xf32, #tpu.memory_space<vmem>>, vector<16xf32>,
              %add3A_1227 = arith.constant 16 : i32
              %add3A_1228 = arith.addi %squeeze3A_1215, %add3A_1227 : i32
              %add3A_1229 = arith.constant 16 : i32
              %add3A_1230 = arith.addi %add3A_1217, %add3A_1229 : i32
              %get3A_1231 = tpu.memref_slice %run_scoped3A[%mul3A_275] : memref<51200xf32, #tpu.memory_space<vmem>> -> memref<25600xf32, #tpu.memory_space<vmem>>
              %get3A_1232 = arith.index_cast %add3A_1230 : i32 to index
              %get3A_1233 = tpu.vector_load %get3A_1231[%get3A_1232] {strides = array<i32>} : memref<25600xf32, #tpu.memory_space<vmem>>, vector<16xf32>,
              %swap3A_1234 = arith.index_cast %add3A_1228 : i32 to index
              %swap3A_1235 = tpu.vector_load %arg6[%swap3A_1234] {strides = array<i32>} : memref<32768xf32, #tpu.memory_space<vmem>>, vector<16xf32>,
              tpu.vector_store %arg6[%swap3A_1234], %get3A_1233 {add = true, strides = array<i32>} : memref<32768xf32, #tpu.memory_space<vmem>>, vector<16xf32>,
              %add3A_1236 = arith.constant 32 : i32
              %add3A_1237 = arith.addi %squeeze3A_1215, %add3A_1236 : i32
              %add3A_1238 = arith.constant 32 : i32
              %add3A_1239 = arith.addi %add3A_1217, %add3A_1238 : i32
              %get3A_1240 = tpu.memref_slice %run_scoped3A[%mul3A_275] : memref<51200xf32, #tpu.memory_space<vmem>> -> memref<25600xf32, #tpu.memory_space<vmem>>
              %get3A_1241 = arith.index_cast %add3A_1239 : i32 to index
              %get3A_1242 = tpu.vector_load %get3A_1240[%get3A_1241] {strides = array<i32>} : memref<25600xf32, #tpu.memory_space<vmem>>, vector<16xf32>,
              %swap3A_1243 = arith.index_cast %add3A_1237 : i32 to index
              %swap3A_1244 = tpu.vector_load %arg6[%swap3A_1243] {strides = array<i32>} : memref<32768xf32, #tpu.memory_space<vmem>>, vector<16xf32>,
              tpu.vector_store %arg6[%swap3A_1243], %get3A_1242 {add = true, strides = array<i32>} : memref<32768xf32, #tpu.memory_space<vmem>>, vector<16xf32>,
              %add3A_1245 = arith.constant 48 : i32
              %add3A_1246 = arith.addi %squeeze3A_1215, %add3A_1245 : i32
              %add3A_1247 = arith.constant 48 : i32
              %add3A_1248 = arith.addi %add3A_1217, %add3A_1247 : i32
              %get3A_1249 = tpu.memref_slice %run_scoped3A[%mul3A_275] : memref<51200xf32, #tpu.memory_space<vmem>> -> memref<25600xf32, #tpu.memory_space<vmem>>
              %get3A_1250 = arith.index_cast %add3A_1248 : i32 to index
              %get3A_1251 = tpu.vector_load %get3A_1249[%get3A_1250] {strides = array<i32>} : memref<25600xf32, #tpu.memory_space<vmem>>, vector<16xf32>,
              %swap3A_1252 = arith.index_cast %add3A_1246 : i32 to index
              %swap3A_1253 = tpu.vector_load %arg6[%swap3A_1252] {strides = array<i32>} : memref<32768xf32, #tpu.memory_space<vmem>>, vector<16xf32>,
              tpu.vector_store %arg6[%swap3A_1252], %get3A_1251 {add = true, strides = array<i32>} : memref<32768xf32, #tpu.memory_space<vmem>>, vector<16xf32>,
              %add3A_1254 = arith.constant 64 : i32
              %add3A_1255 = arith.addi %squeeze3A_1215, %add3A_1254 : i32
              %add3A_1256 = arith.constant 64 : i32
              %add3A_1257 = arith.addi %add3A_1217, %add3A_1256 : i32
              %get3A_1258 = tpu.memref_slice %run_scoped3A[%mul3A_275] : memref<51200xf32, #tpu.memory_space<vmem>> -> memref<25600xf32, #tpu.memory_space<vmem>>
              %get3A_1259 = arith.index_cast %add3A_1257 : i32 to index
              %get3A_1260 = tpu.vector_load %get3A_1258[%get3A_1259] {strides = array<i32>} : memref<25600xf32, #tpu.memory_space<vmem>>, vector<16xf32>,
              %swap3A_1261 = arith.index_cast %add3A_1255 : i32 to index
              %swap3A_1262 = tpu.vector_load %arg6[%swap3A_1261] {strides = array<i32>} : memref<32768xf32, #tpu.memory_space<vmem>>, vector<16xf32>,
              tpu.vector_store %arg6[%swap3A_1261], %get3A_1260 {add = true, strides = array<i32>} : memref<32768xf32, #tpu.memory_space<vmem>>, vector<16xf32>,
              %add3A_1263 = arith.constant 80 : i32
              %add3A_1264 = arith.addi %squeeze3A_1215, %add3A_1263 : i32
              %add3A_1265 = arith.constant 80 : i32
              %add3A_1266 = arith.addi %add3A_1217, %add3A_1265 : i32
              %get3A_1267 = tpu.memref_slice %run_scoped3A[%mul3A_275] : memref<51200xf32, #tpu.memory_space<vmem>> -> memref<25600xf32, #tpu.memory_space<vmem>>
              %get3A_1268 = arith.index_cast %add3A_1266 : i32 to index
              %get3A_1269 = tpu.vector_load %get3A_1267[%get3A_1268] {strides = array<i32>} : memref<25600xf32, #tpu.memory_space<vmem>>, vector<16xf32>,
              %swap3A_1270 = arith.index_cast %add3A_1264 : i32 to index
              %swap3A_1271 = tpu.vector_load %arg6[%swap3A_1270] {strides = array<i32>} : memref<32768xf32, #tpu.memory_space<vmem>>, vector<16xf32>,
              tpu.vector_store %arg6[%swap3A_1270], %get3A_1269 {add = true, strides = array<i32>} : memref<32768xf32, #tpu.memory_space<vmem>>, vector<16xf32>,
              %add3A_1272 = arith.constant 96 : i32
              %add3A_1273 = arith.addi %squeeze3A_1215, %add3A_1272 : i32
              %add3A_1274 = arith.constant 96 : i32
              %add3A_1275 = arith.addi %add3A_1217, %add3A_1274 : i32
              %get3A_1276 = tpu.memref_slice %run_scoped3A[%mul3A_275] : memref<51200xf32, #tpu.memory_space<vmem>> -> memref<25600xf32, #tpu.memory_space<vmem>>
              %get3A_1277 = arith.index_cast %add3A_1275 : i32 to index
              %get3A_1278 = tpu.vector_load %get3A_1276[%get3A_1277] {strides = array<i32>} : memref<25600xf32, #tpu.memory_space<vmem>>, vector<16xf32>,
              %swap3A_1279 = arith.index_cast %add3A_1273 : i32 to index
              %swap3A_1280 = tpu.vector_load %arg6[%swap3A_1279] {strides = array<i32>} : memref<32768xf32, #tpu.memory_space<vmem>>, vector<16xf32>,
              tpu.vector_store %arg6[%swap3A_1279], %get3A_1278 {add = true, strides = array<i32>} : memref<32768xf32, #tpu.memory_space<vmem>>, vector<16xf32>,
              %add3A_1281 = arith.constant 112 : i32
              %add3A_1282 = arith.addi %squeeze3A_1215, %add3A_1281 : i32
              %add3A_1283 = arith.constant 112 : i32
              %add3A_1284 = arith.addi %add3A_1217, %add3A_1283 : i32
              %get3A_1285 = tpu.memref_slice %run_scoped3A[%mul3A_275] : memref<51200xf32, #tpu.memory_space<vmem>> -> memref<25600xf32, #tpu.memory_space<vmem>>
              %get3A_1286 = arith.index_cast %add3A_1284 : i32 to index
              %get3A_1287 = tpu.vector_load %get3A_1285[%get3A_1286] {strides = array<i32>} : memref<25600xf32, #tpu.memory_space<vmem>>, vector<16xf32>,
              %swap3A_1288 = arith.index_cast %add3A_1282 : i32 to index
              %swap3A_1289 = tpu.vector_load %arg6[%swap3A_1288] {strides = array<i32>} : memref<32768xf32, #tpu.memory_space<vmem>>, vector<16xf32>,
              tpu.vector_store %arg6[%swap3A_1288], %get3A_1287 {add = true, strides = array<i32>} : memref<32768xf32, #tpu.memory_space<vmem>>, vector<16xf32>,
              %slice3A_1290 = vector.extract_strided_slice %mul3A_378 {offsets = [12], sizes = [1], strides = [1]} : vector<16xi32> to vector<1xi32>
              %squeeze3A_1291 = vector.extract %slice3A_1290[0] : i32 from vector<1xi32>
              %add3A_1292 = arith.constant 1536 : i32
              %add3A_1293 = arith.addi %mul3A_365, %add3A_1292 : i32
              %add3A_1294 = arith.constant 0 : i32
              %add3A_1295 = arith.addi %squeeze3A_1291, %add3A_1294 : i32
              %add3A_1296 = arith.constant 0 : i32
              %add3A_1297 = arith.addi %add3A_1293, %add3A_1296 : i32
              %get3A_1298 = tpu.memref_slice %run_scoped3A[%mul3A_275] : memref<51200xf32, #tpu.memory_space<vmem>> -> memref<25600xf32, #tpu.memory_space<vmem>>
              %get3A_1299 = arith.index_cast %add3A_1297 : i32 to index
              %get3A_1300 = tpu.vector_load %get3A_1298[%get3A_1299] {strides = array<i32>} : memref<25600xf32, #tpu.memory_space<vmem>>, vector<16xf32>,
              %swap3A_1301 = arith.index_cast %add3A_1295 : i32 to index
              %swap3A_1302 = tpu.vector_load %arg6[%swap3A_1301] {strides = array<i32>} : memref<32768xf32, #tpu.memory_space<vmem>>, vector<16xf32>,
              tpu.vector_store %arg6[%swap3A_1301], %get3A_1300 {add = true, strides = array<i32>} : memref<32768xf32, #tpu.memory_space<vmem>>, vector<16xf32>,
              %add3A_1303 = arith.constant 16 : i32
              %add3A_1304 = arith.addi %squeeze3A_1291, %add3A_1303 : i32
              %add3A_1305 = arith.constant 16 : i32
              %add3A_1306 = arith.addi %add3A_1293, %add3A_1305 : i32
              %get3A_1307 = tpu.memref_slice %run_scoped3A[%mul3A_275] : memref<51200xf32, #tpu.memory_space<vmem>> -> memref<25600xf32, #tpu.memory_space<vmem>>
              %get3A_1308 = arith.index_cast %add3A_1306 : i32 to index
              %get3A_1309 = tpu.vector_load %get3A_1307[%get3A_1308] {strides = array<i32>} : memref<25600xf32, #tpu.memory_space<vmem>>, vector<16xf32>,
              %swap3A_1310 = arith.index_cast %add3A_1304 : i32 to index
              %swap3A_1311 = tpu.vector_load %arg6[%swap3A_1310] {strides = array<i32>} : memref<32768xf32, #tpu.memory_space<vmem>>, vector<16xf32>,
              tpu.vector_store %arg6[%swap3A_1310], %get3A_1309 {add = true, strides = array<i32>} : memref<32768xf32, #tpu.memory_space<vmem>>, vector<16xf32>,
              %add3A_1312 = arith.constant 32 : i32
              %add3A_1313 = arith.addi %squeeze3A_1291, %add3A_1312 : i32
              %add3A_1314 = arith.constant 32 : i32
              %add3A_1315 = arith.addi %add3A_1293, %add3A_1314 : i32
              %get3A_1316 = tpu.memref_slice %run_scoped3A[%mul3A_275] : memref<51200xf32, #tpu.memory_space<vmem>> -> memref<25600xf32, #tpu.memory_space<vmem>>
              %get3A_1317 = arith.index_cast %add3A_1315 : i32 to index
              %get3A_1318 = tpu.vector_load %get3A_1316[%get3A_1317] {strides = array<i32>} : memref<25600xf32, #tpu.memory_space<vmem>>, vector<16xf32>,
              %swap3A_1319 = arith.index_cast %add3A_1313 : i32 to index
              %swap3A_1320 = tpu.vector_load %arg6[%swap3A_1319] {strides = array<i32>} : memref<32768xf32, #tpu.memory_space<vmem>>, vector<16xf32>,
              tpu.vector_store %arg6[%swap3A_1319], %get3A_1318 {add = true, strides = array<i32>} : memref<32768xf32, #tpu.memory_space<vmem>>, vector<16xf32>,
              %add3A_1321 = arith.constant 48 : i32
              %add3A_1322 = arith.addi %squeeze3A_1291, %add3A_1321 : i32
              %add3A_1323 = arith.constant 48 : i32
              %add3A_1324 = arith.addi %add3A_1293, %add3A_1323 : i32
              %get3A_1325 = tpu.memref_slice %run_scoped3A[%mul3A_275] : memref<51200xf32, #tpu.memory_space<vmem>> -> memref<25600xf32, #tpu.memory_space<vmem>>
              %get3A_1326 = arith.index_cast %add3A_1324 : i32 to index
              %get3A_1327 = tpu.vector_load %get3A_1325[%get3A_1326] {strides = array<i32>} : memref<25600xf32, #tpu.memory_space<vmem>>, vector<16xf32>,
              %swap3A_1328 = arith.index_cast %add3A_1322 : i32 to index
              %swap3A_1329 = tpu.vector_load %arg6[%swap3A_1328] {strides = array<i32>} : memref<32768xf32, #tpu.memory_space<vmem>>, vector<16xf32>,
              tpu.vector_store %arg6[%swap3A_1328], %get3A_1327 {add = true, strides = array<i32>} : memref<32768xf32, #tpu.memory_space<vmem>>, vector<16xf32>,
              %add3A_1330 = arith.constant 64 : i32
              %add3A_1331 = arith.addi %squeeze3A_1291, %add3A_1330 : i32
              %add3A_1332 = arith.constant 64 : i32
              %add3A_1333 = arith.addi %add3A_1293, %add3A_1332 : i32
              %get3A_1334 = tpu.memref_slice %run_scoped3A[%mul3A_275] : memref<51200xf32, #tpu.memory_space<vmem>> -> memref<25600xf32, #tpu.memory_space<vmem>>
              %get3A_1335 = arith.index_cast %add3A_1333 : i32 to index
              %get3A_1336 = tpu.vector_load %get3A_1334[%get3A_1335] {strides = array<i32>} : memref<25600xf32, #tpu.memory_space<vmem>>, vector<16xf32>,
              %swap3A_1337 = arith.index_cast %add3A_1331 : i32 to index
              %swap3A_1338 = tpu.vector_load %arg6[%swap3A_1337] {strides = array<i32>} : memref<32768xf32, #tpu.memory_space<vmem>>, vector<16xf32>,
              tpu.vector_store %arg6[%swap3A_1337], %get3A_1336 {add = true, strides = array<i32>} : memref<32768xf32, #tpu.memory_space<vmem>>, vector<16xf32>,
              %add3A_1339 = arith.constant 80 : i32
              %add3A_1340 = arith.addi %squeeze3A_1291, %add3A_1339 : i32
              %add3A_1341 = arith.constant 80 : i32
              %add3A_1342 = arith.addi %add3A_1293, %add3A_1341 : i32
              %get3A_1343 = tpu.memref_slice %run_scoped3A[%mul3A_275] : memref<51200xf32, #tpu.memory_space<vmem>> -> memref<25600xf32, #tpu.memory_space<vmem>>
              %get3A_1344 = arith.index_cast %add3A_1342 : i32 to index
              %get3A_1345 = tpu.vector_load %get3A_1343[%get3A_1344] {strides = array<i32>} : memref<25600xf32, #tpu.memory_space<vmem>>, vector<16xf32>,
              %swap3A_1346 = arith.index_cast %add3A_1340 : i32 to index
              %swap3A_1347 = tpu.vector_load %arg6[%swap3A_1346] {strides = array<i32>} : memref<32768xf32, #tpu.memory_space<vmem>>, vector<16xf32>,
              tpu.vector_store %arg6[%swap3A_1346], %get3A_1345 {add = true, strides = array<i32>} : memref<32768xf32, #tpu.memory_space<vmem>>, vector<16xf32>,
              %add3A_1348 = arith.constant 96 : i32
              %add3A_1349 = arith.addi %squeeze3A_1291, %add3A_1348 : i32
              %add3A_1350 = arith.constant 96 : i32
              %add3A_1351 = arith.addi %add3A_1293, %add3A_1350 : i32
              %get3A_1352 = tpu.memref_slice %run_scoped3A[%mul3A_275] : memref<51200xf32, #tpu.memory_space<vmem>> -> memref<25600xf32, #tpu.memory_space<vmem>>
              %get3A_1353 = arith.index_cast %add3A_1351 : i32 to index
              %get3A_1354 = tpu.vector_load %get3A_1352[%get3A_1353] {strides = array<i32>} : memref<25600xf32, #tpu.memory_space<vmem>>, vector<16xf32>,
              %swap3A_1355 = arith.index_cast %add3A_1349 : i32 to index
              %swap3A_1356 = tpu.vector_load %arg6[%swap3A_1355] {strides = array<i32>} : memref<32768xf32, #tpu.memory_space<vmem>>, vector<16xf32>,
              tpu.vector_store %arg6[%swap3A_1355], %get3A_1354 {add = true, strides = array<i32>} : memref<32768xf32, #tpu.memory_space<vmem>>, vector<16xf32>,
              %add3A_1357 = arith.constant 112 : i32
              %add3A_1358 = arith.addi %squeeze3A_1291, %add3A_1357 : i32
              %add3A_1359 = arith.constant 112 : i32
              %add3A_1360 = arith.addi %add3A_1293, %add3A_1359 : i32
              %get3A_1361 = tpu.memref_slice %run_scoped3A[%mul3A_275] : memref<51200xf32, #tpu.memory_space<vmem>> -> memref<25600xf32, #tpu.memory_space<vmem>>
              %get3A_1362 = arith.index_cast %add3A_1360 : i32 to index
              %get3A_1363 = tpu.vector_load %get3A_1361[%get3A_1362] {strides = array<i32>} : memref<25600xf32, #tpu.memory_space<vmem>>, vector<16xf32>,
              %swap3A_1364 = arith.index_cast %add3A_1358 : i32 to index
              %swap3A_1365 = tpu.vector_load %arg6[%swap3A_1364] {strides = array<i32>} : memref<32768xf32, #tpu.memory_space<vmem>>, vector<16xf32>,
              tpu.vector_store %arg6[%swap3A_1364], %get3A_1363 {add = true, strides = array<i32>} : memref<32768xf32, #tpu.memory_space<vmem>>, vector<16xf32>,
              %slice3A_1366 = vector.extract_strided_slice %mul3A_378 {offsets = [13], sizes = [1], strides = [1]} : vector<16xi32> to vector<1xi32>
              %squeeze3A_1367 = vector.extract %slice3A_1366[0] : i32 from vector<1xi32>
              %add3A_1368 = arith.constant 1664 : i32
              %add3A_1369 = arith.addi %mul3A_365, %add3A_1368 : i32
              %add3A_1370 = arith.constant 0 : i32
              %add3A_1371 = arith.addi %squeeze3A_1367, %add3A_1370 : i32
              %add3A_1372 = arith.constant 0 : i32
              %add3A_1373 = arith.addi %add3A_1369, %add3A_1372 : i32
              %get3A_1374 = tpu.memref_slice %run_scoped3A[%mul3A_275] : memref<51200xf32, #tpu.memory_space<vmem>> -> memref<25600xf32, #tpu.memory_space<vmem>>
              %get3A_1375 = arith.index_cast %add3A_1373 : i32 to index
              %get3A_1376 = tpu.vector_load %get3A_1374[%get3A_1375] {strides = array<i32>} : memref<25600xf32, #tpu.memory_space<vmem>>, vector<16xf32>,
              %swap3A_1377 = arith.index_cast %add3A_1371 : i32 to index
              %swap3A_1378 = tpu.vector_load %arg6[%swap3A_1377] {strides = array<i32>} : memref<32768xf32, #tpu.memory_space<vmem>>, vector<16xf32>,
              tpu.vector_store %arg6[%swap3A_1377], %get3A_1376 {add = true, strides = array<i32>} : memref<32768xf32, #tpu.memory_space<vmem>>, vector<16xf32>,
              %add3A_1379 = arith.constant 16 : i32
              %add3A_1380 = arith.addi %squeeze3A_1367, %add3A_1379 : i32
              %add3A_1381 = arith.constant 16 : i32
              %add3A_1382 = arith.addi %add3A_1369, %add3A_1381 : i32
              %get3A_1383 = tpu.memref_slice %run_scoped3A[%mul3A_275] : memref<51200xf32, #tpu.memory_space<vmem>> -> memref<25600xf32, #tpu.memory_space<vmem>>
              %get3A_1384 = arith.index_cast %add3A_1382 : i32 to index
              %get3A_1385 = tpu.vector_load %get3A_1383[%get3A_1384] {strides = array<i32>} : memref<25600xf32, #tpu.memory_space<vmem>>, vector<16xf32>,
              %swap3A_1386 = arith.index_cast %add3A_1380 : i32 to index
              %swap3A_1387 = tpu.vector_load %arg6[%swap3A_1386] {strides = array<i32>} : memref<32768xf32, #tpu.memory_space<vmem>>, vector<16xf32>,
              tpu.vector_store %arg6[%swap3A_1386], %get3A_1385 {add = true, strides = array<i32>} : memref<32768xf32, #tpu.memory_space<vmem>>, vector<16xf32>,
              %add3A_1388 = arith.constant 32 : i32
              %add3A_1389 = arith.addi %squeeze3A_1367, %add3A_1388 : i32
              %add3A_1390 = arith.constant 32 : i32
              %add3A_1391 = arith.addi %add3A_1369, %add3A_1390 : i32
              %get3A_1392 = tpu.memref_slice %run_scoped3A[%mul3A_275] : memref<51200xf32, #tpu.memory_space<vmem>> -> memref<25600xf32, #tpu.memory_space<vmem>>
              %get3A_1393 = arith.index_cast %add3A_1391 : i32 to index
              %get3A_1394 = tpu.vector_load %get3A_1392[%get3A_1393] {strides = array<i32>} : memref<25600xf32, #tpu.memory_space<vmem>>, vector<16xf32>,
              %swap3A_1395 = arith.index_cast %add3A_1389 : i32 to index
              %swap3A_1396 = tpu.vector_load %arg6[%swap3A_1395] {strides = array<i32>} : memref<32768xf32, #tpu.memory_space<vmem>>, vector<16xf32>,
              tpu.vector_store %arg6[%swap3A_1395], %get3A_1394 {add = true, strides = array<i32>} : memref<32768xf32, #tpu.memory_space<vmem>>, vector<16xf32>,
              %add3A_1397 = arith.constant 48 : i32
              %add3A_1398 = arith.addi %squeeze3A_1367, %add3A_1397 : i32
              %add3A_1399 = arith.constant 48 : i32
              %add3A_1400 = arith.addi %add3A_1369, %add3A_1399 : i32
              %get3A_1401 = tpu.memref_slice %run_scoped3A[%mul3A_275] : memref<51200xf32, #tpu.memory_space<vmem>> -> memref<25600xf32, #tpu.memory_space<vmem>>
              %get3A_1402 = arith.index_cast %add3A_1400 : i32 to index
              %get3A_1403 = tpu.vector_load %get3A_1401[%get3A_1402] {strides = array<i32>} : memref<25600xf32, #tpu.memory_space<vmem>>, vector<16xf32>,
              %swap3A_1404 = arith.index_cast %add3A_1398 : i32 to index
              %swap3A_1405 = tpu.vector_load %arg6[%swap3A_1404] {strides = array<i32>} : memref<32768xf32, #tpu.memory_space<vmem>>, vector<16xf32>,
              tpu.vector_store %arg6[%swap3A_1404], %get3A_1403 {add = true, strides = array<i32>} : memref<32768xf32, #tpu.memory_space<vmem>>, vector<16xf32>,
              %add3A_1406 = arith.constant 64 : i32
              %add3A_1407 = arith.addi %squeeze3A_1367, %add3A_1406 : i32
              %add3A_1408 = arith.constant 64 : i32
              %add3A_1409 = arith.addi %add3A_1369, %add3A_1408 : i32
              %get3A_1410 = tpu.memref_slice %run_scoped3A[%mul3A_275] : memref<51200xf32, #tpu.memory_space<vmem>> -> memref<25600xf32, #tpu.memory_space<vmem>>
              %get3A_1411 = arith.index_cast %add3A_1409 : i32 to index
              %get3A_1412 = tpu.vector_load %get3A_1410[%get3A_1411] {strides = array<i32>} : memref<25600xf32, #tpu.memory_space<vmem>>, vector<16xf32>,
              %swap3A_1413 = arith.index_cast %add3A_1407 : i32 to index
              %swap3A_1414 = tpu.vector_load %arg6[%swap3A_1413] {strides = array<i32>} : memref<32768xf32, #tpu.memory_space<vmem>>, vector<16xf32>,
              tpu.vector_store %arg6[%swap3A_1413], %get3A_1412 {add = true, strides = array<i32>} : memref<32768xf32, #tpu.memory_space<vmem>>, vector<16xf32>,
              %add3A_1415 = arith.constant 80 : i32
              %add3A_1416 = arith.addi %squeeze3A_1367, %add3A_1415 : i32
              %add3A_1417 = arith.constant 80 : i32
              %add3A_1418 = arith.addi %add3A_1369, %add3A_1417 : i32
              %get3A_1419 = tpu.memref_slice %run_scoped3A[%mul3A_275] : memref<51200xf32, #tpu.memory_space<vmem>> -> memref<25600xf32, #tpu.memory_space<vmem>>
              %get3A_1420 = arith.index_cast %add3A_1418 : i32 to index
              %get3A_1421 = tpu.vector_load %get3A_1419[%get3A_1420] {strides = array<i32>} : memref<25600xf32, #tpu.memory_space<vmem>>, vector<16xf32>,
              %swap3A_1422 = arith.index_cast %add3A_1416 : i32 to index
              %swap3A_1423 = tpu.vector_load %arg6[%swap3A_1422] {strides = array<i32>} : memref<32768xf32, #tpu.memory_space<vmem>>, vector<16xf32>,
              tpu.vector_store %arg6[%swap3A_1422], %get3A_1421 {add = true, strides = array<i32>} : memref<32768xf32, #tpu.memory_space<vmem>>, vector<16xf32>,
              %add3A_1424 = arith.constant 96 : i32
              %add3A_1425 = arith.addi %squeeze3A_1367, %add3A_1424 : i32
              %add3A_1426 = arith.constant 96 : i32
              %add3A_1427 = arith.addi %add3A_1369, %add3A_1426 : i32
              %get3A_1428 = tpu.memref_slice %run_scoped3A[%mul3A_275] : memref<51200xf32, #tpu.memory_space<vmem>> -> memref<25600xf32, #tpu.memory_space<vmem>>
              %get3A_1429 = arith.index_cast %add3A_1427 : i32 to index
              %get3A_1430 = tpu.vector_load %get3A_1428[%get3A_1429] {strides = array<i32>} : memref<25600xf32, #tpu.memory_space<vmem>>, vector<16xf32>,
              %swap3A_1431 = arith.index_cast %add3A_1425 : i32 to index
              %swap3A_1432 = tpu.vector_load %arg6[%swap3A_1431] {strides = array<i32>} : memref<32768xf32, #tpu.memory_space<vmem>>, vector<16xf32>,
              tpu.vector_store %arg6[%swap3A_1431], %get3A_1430 {add = true, strides = array<i32>} : memref<32768xf32, #tpu.memory_space<vmem>>, vector<16xf32>,
              %add3A_1433 = arith.constant 112 : i32
              %add3A_1434 = arith.addi %squeeze3A_1367, %add3A_1433 : i32
              %add3A_1435 = arith.constant 112 : i32
              %add3A_1436 = arith.addi %add3A_1369, %add3A_1435 : i32
              %get3A_1437 = tpu.memref_slice %run_scoped3A[%mul3A_275] : memref<51200xf32, #tpu.memory_space<vmem>> -> memref<25600xf32, #tpu.memory_space<vmem>>
              %get3A_1438 = arith.index_cast %add3A_1436 : i32 to index
              %get3A_1439 = tpu.vector_load %get3A_1437[%get3A_1438] {strides = array<i32>} : memref<25600xf32, #tpu.memory_space<vmem>>, vector<16xf32>,
              %swap3A_1440 = arith.index_cast %add3A_1434 : i32 to index
              %swap3A_1441 = tpu.vector_load %arg6[%swap3A_1440] {strides = array<i32>} : memref<32768xf32, #tpu.memory_space<vmem>>, vector<16xf32>,
              tpu.vector_store %arg6[%swap3A_1440], %get3A_1439 {add = true, strides = array<i32>} : memref<32768xf32, #tpu.memory_space<vmem>>, vector<16xf32>,
              %slice3A_1442 = vector.extract_strided_slice %mul3A_378 {offsets = [14], sizes = [1], strides = [1]} : vector<16xi32> to vector<1xi32>
              %squeeze3A_1443 = vector.extract %slice3A_1442[0] : i32 from vector<1xi32>
              %add3A_1444 = arith.constant 1792 : i32
              %add3A_1445 = arith.addi %mul3A_365, %add3A_1444 : i32
              %add3A_1446 = arith.constant 0 : i32
              %add3A_1447 = arith.addi %squeeze3A_1443, %add3A_1446 : i32
              %add3A_1448 = arith.constant 0 : i32
              %add3A_1449 = arith.addi %add3A_1445, %add3A_1448 : i32
              %get3A_1450 = tpu.memref_slice %run_scoped3A[%mul3A_275] : memref<51200xf32, #tpu.memory_space<vmem>> -> memref<25600xf32, #tpu.memory_space<vmem>>
              %get3A_1451 = arith.index_cast %add3A_1449 : i32 to index
              %get3A_1452 = tpu.vector_load %get3A_1450[%get3A_1451] {strides = array<i32>} : memref<25600xf32, #tpu.memory_space<vmem>>, vector<16xf32>,
              %swap3A_1453 = arith.index_cast %add3A_1447 : i32 to index
              %swap3A_1454 = tpu.vector_load %arg6[%swap3A_1453] {strides = array<i32>} : memref<32768xf32, #tpu.memory_space<vmem>>, vector<16xf32>,
              tpu.vector_store %arg6[%swap3A_1453], %get3A_1452 {add = true, strides = array<i32>} : memref<32768xf32, #tpu.memory_space<vmem>>, vector<16xf32>,
              %add3A_1455 = arith.constant 16 : i32
              %add3A_1456 = arith.addi %squeeze3A_1443, %add3A_1455 : i32
              %add3A_1457 = arith.constant 16 : i32
              %add3A_1458 = arith.addi %add3A_1445, %add3A_1457 : i32
              %get3A_1459 = tpu.memref_slice %run_scoped3A[%mul3A_275] : memref<51200xf32, #tpu.memory_space<vmem>> -> memref<25600xf32, #tpu.memory_space<vmem>>
              %get3A_1460 = arith.index_cast %add3A_1458 : i32 to index
              %get3A_1461 = tpu.vector_load %get3A_1459[%get3A_1460] {strides = array<i32>} : memref<25600xf32, #tpu.memory_space<vmem>>, vector<16xf32>,
              %swap3A_1462 = arith.index_cast %add3A_1456 : i32 to index
              %swap3A_1463 = tpu.vector_load %arg6[%swap3A_1462] {strides = array<i32>} : memref<32768xf32, #tpu.memory_space<vmem>>, vector<16xf32>,
              tpu.vector_store %arg6[%swap3A_1462], %get3A_1461 {add = true, strides = array<i32>} : memref<32768xf32, #tpu.memory_space<vmem>>, vector<16xf32>,
              %add3A_1464 = arith.constant 32 : i32
              %add3A_1465 = arith.addi %squeeze3A_1443, %add3A_1464 : i32
              %add3A_1466 = arith.constant 32 : i32
              %add3A_1467 = arith.addi %add3A_1445, %add3A_1466 : i32
              %get3A_1468 = tpu.memref_slice %run_scoped3A[%mul3A_275] : memref<51200xf32, #tpu.memory_space<vmem>> -> memref<25600xf32, #tpu.memory_space<vmem>>
              %get3A_1469 = arith.index_cast %add3A_1467 : i32 to index
              %get3A_1470 = tpu.vector_load %get3A_1468[%get3A_1469] {strides = array<i32>} : memref<25600xf32, #tpu.memory_space<vmem>>, vector<16xf32>,
              %swap3A_1471 = arith.index_cast %add3A_1465 : i32 to index
              %swap3A_1472 = tpu.vector_load %arg6[%swap3A_1471] {strides = array<i32>} : memref<32768xf32, #tpu.memory_space<vmem>>, vector<16xf32>,
              tpu.vector_store %arg6[%swap3A_1471], %get3A_1470 {add = true, strides = array<i32>} : memref<32768xf32, #tpu.memory_space<vmem>>, vector<16xf32>,
              %add3A_1473 = arith.constant 48 : i32
              %add3A_1474 = arith.addi %squeeze3A_1443, %add3A_1473 : i32
              %add3A_1475 = arith.constant 48 : i32
              %add3A_1476 = arith.addi %add3A_1445, %add3A_1475 : i32
              %get3A_1477 = tpu.memref_slice %run_scoped3A[%mul3A_275] : memref<51200xf32, #tpu.memory_space<vmem>> -> memref<25600xf32, #tpu.memory_space<vmem>>
              %get3A_1478 = arith.index_cast %add3A_1476 : i32 to index
              %get3A_1479 = tpu.vector_load %get3A_1477[%get3A_1478] {strides = array<i32>} : memref<25600xf32, #tpu.memory_space<vmem>>, vector<16xf32>,
              %swap3A_1480 = arith.index_cast %add3A_1474 : i32 to index
              %swap3A_1481 = tpu.vector_load %arg6[%swap3A_1480] {strides = array<i32>} : memref<32768xf32, #tpu.memory_space<vmem>>, vector<16xf32>,
              tpu.vector_store %arg6[%swap3A_1480], %get3A_1479 {add = true, strides = array<i32>} : memref<32768xf32, #tpu.memory_space<vmem>>, vector<16xf32>,
              %add3A_1482 = arith.constant 64 : i32
              %add3A_1483 = arith.addi %squeeze3A_1443, %add3A_1482 : i32
              %add3A_1484 = arith.constant 64 : i32
              %add3A_1485 = arith.addi %add3A_1445, %add3A_1484 : i32
              %get3A_1486 = tpu.memref_slice %run_scoped3A[%mul3A_275] : memref<51200xf32, #tpu.memory_space<vmem>> -> memref<25600xf32, #tpu.memory_space<vmem>>
              %get3A_1487 = arith.index_cast %add3A_1485 : i32 to index
              %get3A_1488 = tpu.vector_load %get3A_1486[%get3A_1487] {strides = array<i32>} : memref<25600xf32, #tpu.memory_space<vmem>>, vector<16xf32>,
              %swap3A_1489 = arith.index_cast %add3A_1483 : i32 to index
              %swap3A_1490 = tpu.vector_load %arg6[%swap3A_1489] {strides = array<i32>} : memref<32768xf32, #tpu.memory_space<vmem>>, vector<16xf32>,
              tpu.vector_store %arg6[%swap3A_1489], %get3A_1488 {add = true, strides = array<i32>} : memref<32768xf32, #tpu.memory_space<vmem>>, vector<16xf32>,
              %add3A_1491 = arith.constant 80 : i32
              %add3A_1492 = arith.addi %squeeze3A_1443, %add3A_1491 : i32
              %add3A_1493 = arith.constant 80 : i32
              %add3A_1494 = arith.addi %add3A_1445, %add3A_1493 : i32
              %get3A_1495 = tpu.memref_slice %run_scoped3A[%mul3A_275] : memref<51200xf32, #tpu.memory_space<vmem>> -> memref<25600xf32, #tpu.memory_space<vmem>>
              %get3A_1496 = arith.index_cast %add3A_1494 : i32 to index
              %get3A_1497 = tpu.vector_load %get3A_1495[%get3A_1496] {strides = array<i32>} : memref<25600xf32, #tpu.memory_space<vmem>>, vector<16xf32>,
              %swap3A_1498 = arith.index_cast %add3A_1492 : i32 to index
              %swap3A_1499 = tpu.vector_load %arg6[%swap3A_1498] {strides = array<i32>} : memref<32768xf32, #tpu.memory_space<vmem>>, vector<16xf32>,
              tpu.vector_store %arg6[%swap3A_1498], %get3A_1497 {add = true, strides = array<i32>} : memref<32768xf32, #tpu.memory_space<vmem>>, vector<16xf32>,
              %add3A_1500 = arith.constant 96 : i32
              %add3A_1501 = arith.addi %squeeze3A_1443, %add3A_1500 : i32
              %add3A_1502 = arith.constant 96 : i32
              %add3A_1503 = arith.addi %add3A_1445, %add3A_1502 : i32
              %get3A_1504 = tpu.memref_slice %run_scoped3A[%mul3A_275] : memref<51200xf32, #tpu.memory_space<vmem>> -> memref<25600xf32, #tpu.memory_space<vmem>>
              %get3A_1505 = arith.index_cast %add3A_1503 : i32 to index
              %get3A_1506 = tpu.vector_load %get3A_1504[%get3A_1505] {strides = array<i32>} : memref<25600xf32, #tpu.memory_space<vmem>>, vector<16xf32>,
              %swap3A_1507 = arith.index_cast %add3A_1501 : i32 to index
              %swap3A_1508 = tpu.vector_load %arg6[%swap3A_1507] {strides = array<i32>} : memref<32768xf32, #tpu.memory_space<vmem>>, vector<16xf32>,
              tpu.vector_store %arg6[%swap3A_1507], %get3A_1506 {add = true, strides = array<i32>} : memref<32768xf32, #tpu.memory_space<vmem>>, vector<16xf32>,
              %add3A_1509 = arith.constant 112 : i32
              %add3A_1510 = arith.addi %squeeze3A_1443, %add3A_1509 : i32
              %add3A_1511 = arith.constant 112 : i32
              %add3A_1512 = arith.addi %add3A_1445, %add3A_1511 : i32
              %get3A_1513 = tpu.memref_slice %run_scoped3A[%mul3A_275] : memref<51200xf32, #tpu.memory_space<vmem>> -> memref<25600xf32, #tpu.memory_space<vmem>>
              %get3A_1514 = arith.index_cast %add3A_1512 : i32 to index
              %get3A_1515 = tpu.vector_load %get3A_1513[%get3A_1514] {strides = array<i32>} : memref<25600xf32, #tpu.memory_space<vmem>>, vector<16xf32>,
              %swap3A_1516 = arith.index_cast %add3A_1510 : i32 to index
              %swap3A_1517 = tpu.vector_load %arg6[%swap3A_1516] {strides = array<i32>} : memref<32768xf32, #tpu.memory_space<vmem>>, vector<16xf32>,
              tpu.vector_store %arg6[%swap3A_1516], %get3A_1515 {add = true, strides = array<i32>} : memref<32768xf32, #tpu.memory_space<vmem>>, vector<16xf32>,
              %slice3A_1518 = vector.extract_strided_slice %mul3A_378 {offsets = [15], sizes = [1], strides = [1]} : vector<16xi32> to vector<1xi32>
              %squeeze3A_1519 = vector.extract %slice3A_1518[0] : i32 from vector<1xi32>
              %add3A_1520 = arith.constant 1920 : i32
              %add3A_1521 = arith.addi %mul3A_365, %add3A_1520 : i32
              %add3A_1522 = arith.constant 0 : i32
              %add3A_1523 = arith.addi %squeeze3A_1519, %add3A_1522 : i32
              %add3A_1524 = arith.constant 0 : i32
              %add3A_1525 = arith.addi %add3A_1521, %add3A_1524 : i32
              %get3A_1526 = tpu.memref_slice %run_scoped3A[%mul3A_275] : memref<51200xf32, #tpu.memory_space<vmem>> -> memref<25600xf32, #tpu.memory_space<vmem>>
              %get3A_1527 = arith.index_cast %add3A_1525 : i32 to index
              %get3A_1528 = tpu.vector_load %get3A_1526[%get3A_1527] {strides = array<i32>} : memref<25600xf32, #tpu.memory_space<vmem>>, vector<16xf32>,
              %swap3A_1529 = arith.index_cast %add3A_1523 : i32 to index
              %swap3A_1530 = tpu.vector_load %arg6[%swap3A_1529] {strides = array<i32>} : memref<32768xf32, #tpu.memory_space<vmem>>, vector<16xf32>,
              tpu.vector_store %arg6[%swap3A_1529], %get3A_1528 {add = true, strides = array<i32>} : memref<32768xf32, #tpu.memory_space<vmem>>, vector<16xf32>,
              %add3A_1531 = arith.constant 16 : i32
              %add3A_1532 = arith.addi %squeeze3A_1519, %add3A_1531 : i32
              %add3A_1533 = arith.constant 16 : i32
              %add3A_1534 = arith.addi %add3A_1521, %add3A_1533 : i32
              %get3A_1535 = tpu.memref_slice %run_scoped3A[%mul3A_275] : memref<51200xf32, #tpu.memory_space<vmem>> -> memref<25600xf32, #tpu.memory_space<vmem>>
              %get3A_1536 = arith.index_cast %add3A_1534 : i32 to index
              %get3A_1537 = tpu.vector_load %get3A_1535[%get3A_1536] {strides = array<i32>} : memref<25600xf32, #tpu.memory_space<vmem>>, vector<16xf32>,
              %swap3A_1538 = arith.index_cast %add3A_1532 : i32 to index
              %swap3A_1539 = tpu.vector_load %arg6[%swap3A_1538] {strides = array<i32>} : memref<32768xf32, #tpu.memory_space<vmem>>, vector<16xf32>,
              tpu.vector_store %arg6[%swap3A_1538], %get3A_1537 {add = true, strides = array<i32>} : memref<32768xf32, #tpu.memory_space<vmem>>, vector<16xf32>,
              %add3A_1540 = arith.constant 32 : i32
              %add3A_1541 = arith.addi %squeeze3A_1519, %add3A_1540 : i32
              %add3A_1542 = arith.constant 32 : i32
              %add3A_1543 = arith.addi %add3A_1521, %add3A_1542 : i32
              %get3A_1544 = tpu.memref_slice %run_scoped3A[%mul3A_275] : memref<51200xf32, #tpu.memory_space<vmem>> -> memref<25600xf32, #tpu.memory_space<vmem>>
              %get3A_1545 = arith.index_cast %add3A_1543 : i32 to index
              %get3A_1546 = tpu.vector_load %get3A_1544[%get3A_1545] {strides = array<i32>} : memref<25600xf32, #tpu.memory_space<vmem>>, vector<16xf32>,
              %swap3A_1547 = arith.index_cast %add3A_1541 : i32 to index
              %swap3A_1548 = tpu.vector_load %arg6[%swap3A_1547] {strides = array<i32>} : memref<32768xf32, #tpu.memory_space<vmem>>, vector<16xf32>,
              tpu.vector_store %arg6[%swap3A_1547], %get3A_1546 {add = true, strides = array<i32>} : memref<32768xf32, #tpu.memory_space<vmem>>, vector<16xf32>,
              %add3A_1549 = arith.constant 48 : i32
              %add3A_1550 = arith.addi %squeeze3A_1519, %add3A_1549 : i32
              %add3A_1551 = arith.constant 48 : i32
              %add3A_1552 = arith.addi %add3A_1521, %add3A_1551 : i32
              %get3A_1553 = tpu.memref_slice %run_scoped3A[%mul3A_275] : memref<51200xf32, #tpu.memory_space<vmem>> -> memref<25600xf32, #tpu.memory_space<vmem>>
              %get3A_1554 = arith.index_cast %add3A_1552 : i32 to index
              %get3A_1555 = tpu.vector_load %get3A_1553[%get3A_1554] {strides = array<i32>} : memref<25600xf32, #tpu.memory_space<vmem>>, vector<16xf32>,
              %swap3A_1556 = arith.index_cast %add3A_1550 : i32 to index
              %swap3A_1557 = tpu.vector_load %arg6[%swap3A_1556] {strides = array<i32>} : memref<32768xf32, #tpu.memory_space<vmem>>, vector<16xf32>,
              tpu.vector_store %arg6[%swap3A_1556], %get3A_1555 {add = true, strides = array<i32>} : memref<32768xf32, #tpu.memory_space<vmem>>, vector<16xf32>,
              %add3A_1558 = arith.constant 64 : i32
              %add3A_1559 = arith.addi %squeeze3A_1519, %add3A_1558 : i32
              %add3A_1560 = arith.constant 64 : i32
              %add3A_1561 = arith.addi %add3A_1521, %add3A_1560 : i32
              %get3A_1562 = tpu.memref_slice %run_scoped3A[%mul3A_275] : memref<51200xf32, #tpu.memory_space<vmem>> -> memref<25600xf32, #tpu.memory_space<vmem>>
              %get3A_1563 = arith.index_cast %add3A_1561 : i32 to index
              %get3A_1564 = tpu.vector_load %get3A_1562[%get3A_1563] {strides = array<i32>} : memref<25600xf32, #tpu.memory_space<vmem>>, vector<16xf32>,
              %swap3A_1565 = arith.index_cast %add3A_1559 : i32 to index
              %swap3A_1566 = tpu.vector_load %arg6[%swap3A_1565] {strides = array<i32>} : memref<32768xf32, #tpu.memory_space<vmem>>, vector<16xf32>,
              tpu.vector_store %arg6[%swap3A_1565], %get3A_1564 {add = true, strides = array<i32>} : memref<32768xf32, #tpu.memory_space<vmem>>, vector<16xf32>,
              %add3A_1567 = arith.constant 80 : i32
              %add3A_1568 = arith.addi %squeeze3A_1519, %add3A_1567 : i32
              %add3A_1569 = arith.constant 80 : i32
              %add3A_1570 = arith.addi %add3A_1521, %add3A_1569 : i32
              %get3A_1571 = tpu.memref_slice %run_scoped3A[%mul3A_275] : memref<51200xf32, #tpu.memory_space<vmem>> -> memref<25600xf32, #tpu.memory_space<vmem>>
              %get3A_1572 = arith.index_cast %add3A_1570 : i32 to index
              %get3A_1573 = tpu.vector_load %get3A_1571[%get3A_1572] {strides = array<i32>} : memref<25600xf32, #tpu.memory_space<vmem>>, vector<16xf32>,
              %swap3A_1574 = arith.index_cast %add3A_1568 : i32 to index
              %swap3A_1575 = tpu.vector_load %arg6[%swap3A_1574] {strides = array<i32>} : memref<32768xf32, #tpu.memory_space<vmem>>, vector<16xf32>,
              tpu.vector_store %arg6[%swap3A_1574], %get3A_1573 {add = true, strides = array<i32>} : memref<32768xf32, #tpu.memory_space<vmem>>, vector<16xf32>,
              %add3A_1576 = arith.constant 96 : i32
              %add3A_1577 = arith.addi %squeeze3A_1519, %add3A_1576 : i32
              %add3A_1578 = arith.constant 96 : i32
              %add3A_1579 = arith.addi %add3A_1521, %add3A_1578 : i32
              %get3A_1580 = tpu.memref_slice %run_scoped3A[%mul3A_275] : memref<51200xf32, #tpu.memory_space<vmem>> -> memref<25600xf32, #tpu.memory_space<vmem>>
              %get3A_1581 = arith.index_cast %add3A_1579 : i32 to index
              %get3A_1582 = tpu.vector_load %get3A_1580[%get3A_1581] {strides = array<i32>} : memref<25600xf32, #tpu.memory_space<vmem>>, vector<16xf32>,
              %swap3A_1583 = arith.index_cast %add3A_1577 : i32 to index
              %swap3A_1584 = tpu.vector_load %arg6[%swap3A_1583] {strides = array<i32>} : memref<32768xf32, #tpu.memory_space<vmem>>, vector<16xf32>,
              tpu.vector_store %arg6[%swap3A_1583], %get3A_1582 {add = true, strides = array<i32>} : memref<32768xf32, #tpu.memory_space<vmem>>, vector<16xf32>,
              %add3A_1585 = arith.constant 112 : i32
              %add3A_1586 = arith.addi %squeeze3A_1519, %add3A_1585 : i32
              %add3A_1587 = arith.constant 112 : i32
              %add3A_1588 = arith.addi %add3A_1521, %add3A_1587 : i32
              %get3A_1589 = tpu.memref_slice %run_scoped3A[%mul3A_275] : memref<51200xf32, #tpu.memory_space<vmem>> -> memref<25600xf32, #tpu.memory_space<vmem>>
              %get3A_1590 = arith.index_cast %add3A_1588 : i32 to index
              %get3A_1591 = tpu.vector_load %get3A_1589[%get3A_1590] {strides = array<i32>} : memref<25600xf32, #tpu.memory_space<vmem>>, vector<16xf32>,
              %swap3A_1592 = arith.index_cast %add3A_1586 : i32 to index
              %swap3A_1593 = tpu.vector_load %arg6[%swap3A_1592] {strides = array<i32>} : memref<32768xf32, #tpu.memory_space<vmem>>, vector<16xf32>,
              tpu.vector_store %arg6[%swap3A_1592], %get3A_1591 {add = true, strides = array<i32>} : memref<32768xf32, #tpu.memory_space<vmem>>, vector<16xf32>,
            } else {
            }
          }
          %scan3A_282 = arith.constant 12 : i32
          "tpu.trace_stop"() : () -> ()
          %ne3A_283 = arith.cmpi ne, %add3A_194, %add3A_212 : i32
          %or3A_284 = arith.constant false
          %or3A_285 = arith.ori %or3A_284, %ne3A_283 : i1
          %or3A_286 = arith.ori %or3A_285, %eq3A_193 : i1
          %convert_element_type3A_287 = arith.extui %or3A_286 : i1 to i32
          %cond3A_288 = arith.constant 0 : i32
          %cond3A_289 = arith.cmpi ne, %convert_element_type3A_287, %cond3A_288 : i32
          scf.if %cond3A_289 {
          } else {
          }
          %and3A_290 = arith.constant false
          %and3A_291 = arith.andi %or3A_286, %and3A_290 : i1
          %ne3A_292 = arith.cmpi ne, %add3A_194, %add3A_212 : i32
          %or3A_293 = arith.constant false
          %or3A_294 = arith.ori %or3A_293, %ne3A_292 : i1
          %or3A_295 = arith.constant false
          %or3A_296 = arith.ori %or3A_294, %or3A_295 : i1
          %or3A_297 = arith.ori %or3A_296, %eq3A_193 : i1
          %convert_element_type3A_298 = arith.extui %or3A_297 : i1 to i32
          %cond3A_299 = arith.constant 0 : i32
          %cond3A_300 = arith.cmpi ne, %convert_element_type3A_298, %cond3A_299 : i32
          scf.if %cond3A_300 {
          } else {
          }
          %and3A_301 = arith.constant false
          %and3A_302 = arith.andi %or3A_297, %and3A_301 : i1
          %ne3A_303 = arith.cmpi ne, %add3A_194, %add3A_204 : i32
          %or3A_304 = arith.constant false
          %or3A_305 = arith.ori %or3A_304, %ne3A_303 : i1
          %not3A_306 = arith.constant true
          %not3A_307 = arith.xori %eq3A_190, %not3A_306 : i1
          %and3A_308 = arith.andi %or3A_305, %not3A_307 : i1
          %convert_element_type3A_309 = arith.extui %and3A_308 : i1 to i32
          %cond3A_310 = arith.constant 0 : i32
          %cond3A_311 = arith.cmpi ne, %convert_element_type3A_309, %cond3A_310 : i32
          scf.if %cond3A_311 {
          } else {
          }
          %and3A_312 = arith.constant false
          %and3A_313 = arith.andi %and3A_308, %and3A_312 : i1
          %ne3A_314 = arith.cmpi ne, %add3A_194, %add3A_204 : i32
          %or3A_315 = arith.constant false
          %or3A_316 = arith.ori %or3A_315, %ne3A_314 : i1
          %or3A_317 = arith.constant false
          %or3A_318 = arith.ori %or3A_316, %or3A_317 : i1
          %not3A_319 = arith.constant true
          %not3A_320 = arith.xori %eq3A_190, %not3A_319 : i1
          %and3A_321 = arith.andi %or3A_318, %not3A_320 : i1
          %convert_element_type3A_322 = arith.extui %and3A_321 : i1 to i32
          %cond3A_323 = arith.constant 0 : i32
          %cond3A_324 = arith.cmpi ne, %convert_element_type3A_322, %cond3A_323 : i32
          scf.if %cond3A_324 {
          } else {
          }
          %and3A_325 = arith.constant false
          %and3A_326 = arith.andi %and3A_321, %and3A_325 : i1
          %ne3A_327 = arith.cmpi ne, %add3A_194, %add3A_212 : i32
          %or3A_328 = arith.constant false
          %or3A_329 = arith.ori %or3A_328, %ne3A_327 : i1
          %or3A_330 = arith.ori %or3A_329, %eq3A_193 : i1
          %add3A_331 = arith.constant 1 : i32
          %add3A_332 = arith.addi %while3A_183, %add3A_331 : i32
          %select_n3A_333 = arith.select %or3A_330, %add3A_332, %while3A_183 : i32
          %ne3A_334 = arith.cmpi ne, %add3A_194, %add3A_212 : i32
          %or3A_335 = arith.constant false
          %or3A_336 = arith.ori %or3A_335, %ne3A_334 : i1
          %or3A_337 = arith.constant false
          %or3A_338 = arith.ori %or3A_336, %or3A_337 : i1
          %or3A_339 = arith.ori %or3A_338, %eq3A_193 : i1
          %add3A_340 = arith.constant 1 : i32
          %add3A_341 = arith.addi %while3A_185, %add3A_340 : i32
          %select_n3A_342 = arith.select %or3A_339, %add3A_341, %while3A_185 : i32
          %add3A_343 = arith.constant 1 : i32
          %add3A_344 = arith.addi %while3A_186, %add3A_343 : i32
          %select_n3A_345 = arith.constant true
          %select_n3A_346 = arith.select %select_n3A_345, %add3A_344, %while3A_186 : i32
          %eq3A_347 = arith.cmpi eq, %select_n3A_346, %select_n3A : i32
          %select_n3A_348 = arith.constant 0 : i32
          %select_n3A_349 = arith.select %eq3A_347, %select_n3A_348, %select_n3A_346 : i32
          scf.yield %select_n3A_234, %select_n3A_333, %select_n3A_255, %select_n3A_342, %select_n3A_349 : i32, i32, i32, i32, i32
        }
        %sub3A_130 = arith.constant 1 : i32
        %sub3A_131 = arith.subi %while3A_129#4, %sub3A_130 : i32
        %select_n3A_132 = arith.constant true
        %select_n3A_133 = arith.select %select_n3A_132, %sub3A_131, %while3A_129#4 : i32
        %eq3A_134 = arith.constant -1 : i32
        %eq3A_135 = arith.cmpi eq, %select_n3A_133, %eq3A_134 : i32
        %sub3A_136 = arith.constant 1 : i32
        %sub3A_137 = arith.subi %select_n3A, %sub3A_136 : i32
        %select_n3A_138 = arith.select %eq3A_135, %sub3A_137, %select_n3A_133 : i32
        %sub3A_139 = arith.constant 1 : i32
        %sub3A_140 = arith.subi %mul3A_31, %sub3A_139 : i32
        %mul3A_141 = arith.constant 1 : i32
        %mul3A_142 = arith.muli %mul3A_141, %select_n3A : i32
        %eq3A_143 = arith.constant 0 : i32
        %eq3A_144 = arith.cmpi eq, %sub3A_140, %eq3A_143 : i32
        %sub3A_145 = arith.constant 1 : i32
        %sub3A_146 = arith.subi %mul3A_142, %sub3A_145 : i32
        %eq3A_147 = arith.cmpi eq, %sub3A_140, %sub3A_146 : i32
        %add3A_148 = arith.addi %select_n3A_138, %select_n3A_29 : i32
        %sub3A_149 = arith.constant 1 : i32
        %sub3A_150 = arith.subi %select_n3A_138, %sub3A_149 : i32
        %select_n3A_151 = arith.constant true
        %select_n3A_152 = arith.select %select_n3A_151, %sub3A_150, %select_n3A_138 : i32
        %eq3A_153 = arith.constant -1 : i32
        %eq3A_154 = arith.cmpi eq, %select_n3A_152, %eq3A_153 : i32
        %sub3A_155 = arith.constant 1 : i32
        %sub3A_156 = arith.subi %select_n3A, %sub3A_155 : i32
        %select_n3A_157 = arith.select %eq3A_154, %sub3A_156, %select_n3A_152 : i32
        %add3A_158 = arith.addi %select_n3A_157, %select_n3A_29 : i32
        %add3A_159 = arith.constant 1 : i32
        %add3A_160 = arith.addi %select_n3A_138, %add3A_159 : i32
        %select_n3A_161 = arith.constant true
        %select_n3A_162 = arith.select %select_n3A_161, %add3A_160, %select_n3A_138 : i32
        %eq3A_163 = arith.cmpi eq, %select_n3A_162, %select_n3A : i32
        %select_n3A_164 = arith.constant 0 : i32
        %select_n3A_165 = arith.select %eq3A_163, %select_n3A_164, %select_n3A_162 : i32
        %add3A_166 = arith.addi %select_n3A_165, %select_n3A_29 : i32
        %add3A_167 = arith.constant 1 : i32
        %add3A_168 = arith.addi %select_n3A_165, %add3A_167 : i32
        %select_n3A_169 = arith.constant true
        %select_n3A_170 = arith.select %select_n3A_169, %add3A_168, %select_n3A_165 : i32
        %eq3A_171 = arith.cmpi eq, %select_n3A_170, %select_n3A : i32
        %select_n3A_172 = arith.constant 0 : i32
        %select_n3A_173 = arith.select %eq3A_171, %select_n3A_172, %select_n3A_170 : i32
        %add3A_174 = arith.addi %select_n3A_173, %select_n3A_29 : i32
        %convert_element_type3A_175 = arith.extui %eq3A_147 : i1 to i32
        %cond3A_176 = arith.constant 0 : i32
        %cond3A_177 = arith.cmpi ne, %convert_element_type3A_175, %cond3A_176 : i32
        scf.if %cond3A_177 {
        } else {
        }
        %convert_element_type3A_178 = arith.extui %eq3A_147 : i1 to i32
        %cond3A_179 = arith.constant 0 : i32
        %cond3A_180 = arith.cmpi ne, %convert_element_type3A_178, %cond3A_179 : i32
        scf.if %cond3A_180 {
        } else {
        }
      } else {
      }
      tpu.yield
    }) : () -> ()
    %mul3A_32 = arith.constant 256 : i32
    %mul3A_33 = arith.muli %add3A, %mul3A_32 : i32
    %mul3A_34 = arith.constant 128 : i32
    %mul3A_35 = arith.muli %mul3A_33, %mul3A_34 : i32
    "tpu.region"() ({
      %run_scoped3A = tpu.sem_alloc : memref<!tpu.dma_semaphore, #tpu.memory_space<semaphore_mem>>
      %dma_start3A = tpu.memref_slice %arg4[%mul3A_35] : memref<1048576xf32, #tpu.memory_space<hbm>> -> memref<32768xf32, #tpu.memory_space<hbm>>
      %dma_start3A_36 = tpu.memref_slice %arg4[%mul3A_35] : memref<1048576xf32, #tpu.memory_space<hbm>> -> memref<32768xf32, #tpu.memory_space<hbm>>
      tpu.enqueue_dma source(%arg6 : memref<32768xf32, #tpu.memory_space<vmem>>) target(%dma_start3A_36 : memref<32768xf32, #tpu.memory_space<hbm>>) target_semaphore(%run_scoped3A : memref<!tpu.dma_semaphore, #tpu.memory_space<semaphore_mem>>)
      %dma_wait3A = tpu.memref_slice %arg4[%mul3A_35] : memref<1048576xf32, #tpu.memory_space<hbm>> -> memref<32768xf32, #tpu.memory_space<hbm>>
      %dma_wait3A_37 = tpu.memref_slice %arg4[%mul3A_35] : memref<1048576xf32, #tpu.memory_space<hbm>> -> memref<32768xf32, #tpu.memory_space<hbm>>
      tpu.wait_dma2 semaphore(%run_scoped3A : memref<!tpu.dma_semaphore, #tpu.memory_space<semaphore_mem>>) src(%arg6 : memref<32768xf32, #tpu.memory_space<vmem>>) dst(%dma_wait3A_37 : memref<32768xf32, #tpu.memory_space<hbm>>)
      tpu.yield
    }) : () -> ()
    "tpu.region"() ({
      %run_scoped3A = tpu.sem_alloc : memref<!tpu.dma_semaphore, #tpu.memory_space<semaphore_mem>>
      %dma_start3A = arith.constant 0 : i32
      %dma_start3A_36 = tpu.memref_slice %arg5[%add3A, %dma_start3A] : memref<32x256xf32, #tpu.memory_space<hbm>> -> memref<1x256xf32, #tpu.memory_space<hbm>>
      %dma_start3A_37 = tpu.memref_squeeze %dma_start3A_36 : memref<1x256xf32, #tpu.memory_space<hbm>> -> memref<256xf32, #tpu.memory_space<hbm>>
      %dma_start3A_38 = arith.constant 0 : i32
      %dma_start3A_39 = tpu.memref_slice %arg5[%add3A, %dma_start3A_38] : memref<32x256xf32, #tpu.memory_space<hbm>> -> memref<1x256xf32, #tpu.memory_space<hbm>>
      %dma_start3A_40 = tpu.memref_squeeze %dma_start3A_39 : memref<1x256xf32, #tpu.memory_space<hbm>> -> memref<256xf32, #tpu.memory_space<hbm>>
      tpu.enqueue_dma source(%arg7 : memref<256xf32, #tpu.memory_space<vmem>>) target(%dma_start3A_40 : memref<256xf32, #tpu.memory_space<hbm>>) target_semaphore(%run_scoped3A : memref<!tpu.dma_semaphore, #tpu.memory_space<semaphore_mem>>)
      %dma_wait3A = arith.constant 0 : i32
      %dma_wait3A_41 = tpu.memref_slice %arg5[%add3A, %dma_wait3A] : memref<32x256xf32, #tpu.memory_space<hbm>> -> memref<1x256xf32, #tpu.memory_space<hbm>>
      %dma_wait3A_42 = tpu.memref_squeeze %dma_wait3A_41 : memref<1x256xf32, #tpu.memory_space<hbm>> -> memref<256xf32, #tpu.memory_space<hbm>>
      %dma_wait3A_43 = arith.constant 0 : i32
      %dma_wait3A_44 = tpu.memref_slice %arg5[%add3A, %dma_wait3A_43] : memref<32x256xf32, #tpu.memory_space<hbm>> -> memref<1x256xf32, #tpu.memory_space<hbm>>
      %dma_wait3A_45 = tpu.memref_squeeze %dma_wait3A_44 : memref<1x256xf32, #tpu.memory_space<hbm>> -> memref<256xf32, #tpu.memory_space<hbm>>
      tpu.wait_dma2 semaphore(%run_scoped3A : memref<!tpu.dma_semaphore, #tpu.memory_space<semaphore_mem>>) src(%arg7 : memref<256xf32, #tpu.memory_space<vmem>>) dst(%dma_wait3A_45 : memref<256xf32, #tpu.memory_space<hbm>>)
      tpu.yield
    }) : () -> ()
    return
  }
}

module attributes {stable_mosaic.version = 14 : i64} {
  func.func @body(%arg0: memref<32x256x128xf32, #tpu.memory_space<vmem>>, %arg1: memref<32x256xf32, #tpu.memory_space<vmem>>, %arg2: memref<256x128xf32, #tpu.memory_space<vmem>>) attributes {dimension_semantics = [], scalar_prefetch = 0 : i64, scratch_operands = 0 : i64, tpu.core_type = #tpu.core_type<tc>} {
    %get3A = arith.constant 0 : index
    %get3A_0 = arith.constant 0 : index
    %get3A_1 = arith.constant 0 : index
    %get3A_2 = vector.load %arg0[%get3A, %get3A_0, %get3A_1] : memref<32x256x128xf32, #tpu.memory_space<vmem>>, vector<32x256x128xf32>
    %reduce_sum3A = arith.constant dense<0.000000e+00> : vector<256x128xf32>
    %reduce_sum3A_3 = vector.multi_reduction <add>, %get3A_2, %reduce_sum3A [0] : vector<32x256x128xf32> to vector<256x128xf32>
    %get3A_4 = arith.constant 0 : index
    %get3A_5 = arith.constant 0 : index
    %get3A_6 = vector.load %arg1[%get3A_4, %get3A_5] : memref<32x256xf32, #tpu.memory_space<vmem>>, vector<32x256xf32>
    %reduce_sum3A_7 = arith.constant dense<0.000000e+00> : vector<256xf32>
    %reduce_sum3A_8 = vector.multi_reduction <add>, %get3A_6, %reduce_sum3A_7 [0] : vector<32x256xf32> to vector<256xf32>
    %max3A = arith.constant 1.000000e+00 : f32
    %max3A_9 = vector.broadcast %max3A : f32 to vector<256xf32>
    %max3A_10 = arith.maximumf %reduce_sum3A_8, %max3A_9 : vector<256xf32>
    %broadcast_in_dim3A = vector.shape_cast %max3A_10 : vector<256xf32> to vector<256x1xf32>
    %div3A = vector.broadcast %broadcast_in_dim3A : vector<256x1xf32> to vector<256x128xf32>
    %div3A_11 = arith.divf %reduce_sum3A_3, %div3A : vector<256x128xf32>
    %swap3A = arith.constant 0 : index
    %swap3A_12 = arith.constant 0 : index
    %swap3A_13 = vector.load %arg2[%swap3A, %swap3A_12] : memref<256x128xf32, #tpu.memory_space<vmem>>, vector<256x128xf32>
    tpu.vector_store %arg2[%swap3A, %swap3A_12], %div3A_11 {strides = array<i32>} : memref<256x128xf32, #tpu.memory_space<vmem>>, vector<256x128xf32>,
    return
  }
}

</mosaic_0001>

<sc_bundles>
// kernel: kernel.4.cloned.1.call-start
scs
__scs_entry_jumppad:
0x0: {  	(pc) =	sbr.rel $0x88, $3  }
0x1: {  	(tag) =	ssettag $0x0;
	lr =	simm.s32 $0x1  }
0x2: {  	[smem:$0x3F9F] =	sst lr;
	_ =	strace $0xD0000000  }
0x3: {  	_ = 	snop  }
0x4: {  	_ = 	snop  }
0x5: {  	_ = 	snop  }
0x6: {  	_ = 	snop  }
0x7: {  	_ = 	snop  }
__scs_overlays_trampoline_lowered:
0x8: {  	[smem:$0x3FAE] =	sst s0  }
0x9: {  	[smem:$0x3FAF] =	sst s1  }
0xa: {  	[smem:$0x3FB0] =	sst s2  }
0xb: {  	[smem:$0x3FB1] =	sst s3  }
0xc: {  	[smem:$0x3FB2] =	sst s4  }
0xd: {  	[smem:$0x3FB3] =	sst s5  }
0xe: {  	[smem:$0x3FB4] =	sst s6  }
0xf: {  	[smem:$0x3FB5] =	sst s7  }
0x10: {  	[smem:$0x3FB6] =	sst s8  }
0x11: {  	[smem:$0x3FB7] =	sst s9;
	s0 =	simm.s32 @!p0 $0x0  }
0x12: {  	s1 =	sld [smem:$0x3F9D];
	s0 =	simm.s32 @p0 $0x1  }
0x13: {  	[smem:$0x3FB8] =	sst s0;
	s0 =	simm.s32 @!p1 $0x0  }
0x14: {  	s2 =	sld [smem:$0x3F9C];
	s0 =	simm.s32 @p1 $0x1  }
0x15: {  	[smem:$0x3FB9] =	sst s0;
	s0 =	simm.s32 @!p2 $0x0  }
0x16: {  	s3 =	sld [smem:$0x3FDB];
	s0 =	simm.s32 @p2 $0x1  }
0x17: {  	s4 =	simm.s32 $0x1BF5;
	[smem:$0x3FBB] =	sst s0  }
0x18: {  	s0 =	sld [smem:$0x3F9E];
	_ =	swait.ge [sflag:s4], $0x0  }
0x19: {  	s7 =	sld [smem:$0x3F9F]  }
0x1a: {  	s8 =	sadd.s32 $0xFFFFE003, lr  }
0x1b: {  	s9 =	sadd.s32 $0xFFFFFEF7, lr;
	s5 =	simm.s32 $0xFFFFFFFF;
	p2 =	slt.u32 s8, $0xFFFFF086  }
0x1c: {  	p1 =	slt.u32 s9, $0xF7A;
	s5 =	simm.s32 @!p2 $0x0  }
0x1d: {  	s5 =	simm.s32 @p1 $0x1;
	p0 =	seq.s32 s7, s2  }
0x1e: {  	s7 =	smul.u32 @!p0 $0xF7A, s2;
	p2 =	seq.s32 @!p0 s5, $0x0  }
0x1f: {  	s9 =	smul.u32 $0xF7A, s1;
	s8 =	simm.s32 @!p0 $0x1BF5;
	p2 =	por !p2, p0  }
0x20: {  	[sflag:s8] =	ssyncset.s32 @!p0 $0xFFFFF086;
	s6 =	sadd.s32 @!p0 s3, s7;
	s7 =	simm.s32 @!p0 $0x108  }
0x21: {  	s3 =	sadd.s32 s3, s9;
	s6 =	sadd.s32 @!p0 $0x88, s6;
	s7 =	simm.s32 @p2 $0x1082  }
0x22: {  	[simem:s7], [sflag:s8] =	dma.local @!p0 [hbm:s6], $0xF7A  }
0x23: {  	s9 =	sor.u32 $0xD0000000, s2;
	s6 =	simm.s32 $0x108;
	_ =	swait.ge @!p0 [sflag:s8], $0x0  }
0x24: {  	s3 =	sadd.s32 $0x88, s3;
	s6 =	simm.s32 @!p1 $0x1082;
	[sflag:s4] =	ssyncset.s32 $0xFFFFF086  }
0x25: {  	[simem:s6], [sflag:s4] =	dma.local [hbm:s3], $0xF7A  }
0x26: {  	[smem:$0x3F9F] =	sst s1;
	(tag) =	ssettag s2;
	_ =	strace s9  }
0x27: {  	s1 =	sld [smem:$0x3FAF]  }
0x28: {  	s2 =	sld [smem:$0x3FB0]  }
0x29: {  	s4 =	sld [smem:$0x3FB2]  }
0x2a: {  	p0 =	seq.s32 s5, $0x0;
	s5 =	sld [smem:$0x3FB3]  }
0x2b: {  	s6 =	sld [smem:$0x3FB4]  }
0x2c: {  	s7 =	sld [smem:$0x3FB5]  }
0x2d: {  	s3 =	simm.s32 $0x108;
	s8 =	sld [smem:$0x3FB6]  }
0x2e: {  	s3 =	simm.s32 @!p0 $0x1082;
	s9 =	sld [smem:$0x3FB7]  }
0x2f: {  	lr =	sadd.s32 s0, s3;
	s0 =	sld [smem:$0x3FAE]  }
0x30: {  	s3 =	sld [smem:$0x3FB1]  }
0x31: {  	[smem:$0x3FBA] =	sst s10  }
0x32: {  	s10 =	sld [smem:$0x3FB8];
	_ =	sdelay $0x3  }
0x33: {  	p0 =	seq.s32 s10, $0x1;
	s10 =	sld [smem:$0x3FBA];
	_ =	sdelay $0x3  }
0x34: {  	[smem:$0x3FBA] =	sst s10  }
0x35: {  	s10 =	sld [smem:$0x3FB9];
	_ =	sdelay $0x3  }
0x36: {  	p1 =	seq.s32 s10, $0x1;
	s10 =	sld [smem:$0x3FBA];
	_ =	sdelay $0x3  }
0x37: {  	[smem:$0x3FBA] =	sst s10  }
0x38: {  	s10 =	sld [smem:$0x3FBB]  }
0x39: {  	_ = 	snop;
	(pc) =	sbr.ind lr, $3  }
0x3a: {  	_ = 	snop  }
0x3b: {  	_ = 	snop  }
0x3c: {  	p2 =	seq.s32 s10, $0x1;
	s10 =	sld [smem:$0x3FBA]  }
0x3d: {  	_ =	shalt  }
0x3e: {  	_ =	shalt  }
0x3f: {  	_ =	shalt  }
0x40: {  	_ =	shalt  }
0x41: {  	_ =	shalt  }
0x42: {  	_ =	shalt  }
0x43: {  	_ =	shalt  }
0x44: {  	_ =	shalt  }
0x45: {  	_ =	shalt  }
0x46: {  	_ =	shalt  }
0x47: {  	_ =	shalt  }
0x48: {  	_ =	shalt  }
0x49: {  	_ =	shalt  }
0x4a: {  	_ =	shalt  }
0x4b: {  	_ =	shalt  }
0x4c: {  	_ =	shalt  }
0x4d: {  	_ =	shalt  }
0x4e: {  	_ =	shalt  }
0x4f: {  	_ =	shalt  }
0x50: {  	_ =	shalt  }
0x51: {  	_ =	shalt  }
0x52: {  	_ =	shalt  }
0x53: {  	_ =	shalt  }
0x54: {  	_ =	shalt  }
0x55: {  	_ =	shalt  }
0x56: {  	_ =	shalt  }
0x57: {  	_ =	shalt  }
0x58: {  	_ =	shalt  }
0x59: {  	_ =	shalt  }
0x5a: {  	_ =	shalt  }
0x5b: {  	_ =	shalt  }
0x5c: {  	_ =	shalt  }
0x5d: {  	_ =	shalt  }
0x5e: {  	_ =	shalt  }
0x5f: {  	_ =	shalt  }
0x60: {  	_ =	shalt  }
0x61: {  	_ =	shalt  }
0x62: {  	_ =	shalt  }
0x63: {  	_ =	shalt  }
0x64: {  	_ =	shalt  }
0x65: {  	_ =	shalt  }
0x66: {  	_ =	shalt  }
0x67: {  	_ =	shalt  }
0x68: {  	_ =	shalt  }
0x69: {  	_ =	shalt  }
0x6a: {  	_ =	shalt  }
0x6b: {  	_ =	shalt  }
0x6c: {  	_ =	shalt  }
0x6d: {  	_ =	shalt  }
0x6e: {  	_ =	shalt  }
0x6f: {  	_ =	shalt  }
0x70: {  	_ =	shalt  }
0x71: {  	_ =	shalt  }
0x72: {  	_ =	shalt  }
0x73: {  	_ =	shalt  }
0x74: {  	_ =	shalt  }
0x75: {  	_ =	shalt  }
0x76: {  	_ =	shalt  }
0x77: {  	_ =	shalt  }
0x78: {  	_ =	shalt  }
0x79: {  	_ =	shalt  }
0x7a: {  	_ =	shalt  }
0x7b: {  	_ =	shalt  }
0x7c: {  	_ =	shalt  }
0x7d: {  	_ =	shalt  }
0x7e: {  	_ =	shalt  }
0x7f: {  	_ =	shalt  }
0x80: {  	_ =	shalt  }
0x81: {  	_ =	shalt  }
0x82: {  	_ =	shalt  }
0x83: {  	_ =	shalt  }
0x84: {  	_ =	shalt  }
0x85: {  	_ =	shalt  }
0x86: {  	_ =	shalt  }
0x87: {  	_ =	shalt  }
.Lfunc_end0:
.L_simem_size_0:
called_computation_lowered:
.L_overlay_start_0:
0x88: {  	s2 =	sld [smem:$0x3FD9]  }
0x89: {  	s3 =	sld [smem:$0x3FFE];
	_ =	sdelay $0x1  }
0x8a: {  	s1 =	srdreg.scid  }
0x8b: {  	s0 =	sand.u32 $0x1, s1  }
0x8c: {  	s17 =	sshll.u32 s0, $0xA;
	s2 =	sadd.s32 s3, s2  }
0x8d: {  	s2 =	sadd.s32 s2, s17  }
0x8e: {  	[smem:$0x3FC6] =	sst s2  }
0x8f: {  	_ = 	snop  }
0x90: {  	s2 =	sld [smem:$0x3FC9]  }
0x91: {  	s18 =	sld [smem:$0x3FD0];
	(tm) =	ssettm $0x1  }
0x92: {  	s4 =	sld [smem:$0x3FFB];
	_ =	sdelay $0x3  }
0x93: {  	_ =	strace s4  }
0x94: {  	s4 =	sld [smem:$0x3FFC];
	_ =	sdelay $0x3  }
0x95: {  	_ =	strace s4  }
0x96: {  	s4 =	sld [smem:$0x3FFD];
	_ =	sdelay $0x3  }
0x97: {  	_ =	strace s4  }
0x98: {  	_ =	strace $0x8FFFFFFF  }
0x99: {  	s19 =	sld [smem:$0x3FDB];
	_ =	sdelay $0x1  }
0x9a: {  	s5 =	simm.s32 $_scs_section_size  }
0x9b: {  	s6 =	simm.s32 $_size__tile_overlayer_lowered;
	s7 =	simm.s32 $_tile_overlayer_lowered  }
0x9c: {  	s22 =	simm.s32 $0x1BFF;
	s21 =	sshll.u32 s7, $0x1;
	s4 =	sadd.s32 s5, s19  }
0x9d: {  	s8 =	simm.s32 $0x0;
	s20 =	sshll.u32 s6, $0x1;
	s6 =	sadd.s32 s21, s4  }
0x9e: {  	[timem:s8], [sflag:s22] =	dma.local [hbm:s6], s20  }
0x9f: {  	_ =	swait.ge [sflag:s22], s20  }
0xa0: {  	s5 =	ssub.s32 $0x0, s20;
	[sflag:s22] =	ssyncset.done $0x0  }
0xa1: {  	[sflag:s22] =	ssyncadd.s32 s5;
	_ =	sdelay $0x1  }
0xa2: {  	s23 =	simm.s32 $0x1B8B  }
0xa3: {  	_ =	swait.ge [sflag:s23], $0x1  }
0xa4: {  	[sflag:s23] =	ssyncset.done $0x0  }
0xa5: {  	s25 =	simm.s32 $0x1B8E;
	s24 =	sld [smem:$0x3FFE];
	[sflag:s23] =	ssyncadd.s32 $0xFFFFFFFF  }
0xa6: {  	s26 =	simm.s32 $execute0_lowered;
	[smem:$0x3FD2] =	sst s25  }
0xa7: {  	s6 =	sshll.u32 s26, $0x1;
	_ =	strace $0x80000046;
	[dreg:$0x1] =	wrdreg $0xFFFFFFFF  }
0xa8: {  	s28 =	simm.s32 $_size_execute0_lowered;
	s4 =	sadd.s32 s4, s6;
	[dreg:$0x0] =	wrdreg $0x0  }
0xa9: {  	s6 =	sshll.u32 s28, $0x1;
	[dreg:$0x2] =	wrdreg s4  }
0xaa: {  	[dreg:$0x3] =	wrdreg s6  }
0xab: {  	[dreg:$0x4] =	wrdreg $0xC0  }
0xac: {  	_ =	task [dreg:s8], $0x5FFFF  }
0xad: {  	[dreg:$0x1] =	wrdreg $0xFFFFFFFF  }
0xae: {  	[dreg:$0x0] =	wrdreg $0x60  }
0xaf: {  	[dreg:$0x2] =	wrdreg s2  }
0xb0: {  	[dreg:$0x3] =	wrdreg s24  }
0xb1: {  	[dreg:$0x4] =	wrdreg s18  }
0xb2: {  	[dreg:$0x5] =	wrdreg $0x9  }
0xb3: {  	_ =	task.clear_ibuf [dreg:s8], $0x6FFFF;
	_ =	strace $0x90000046  }
0xb4: {  	s29 =	simm.s32 $0x9;
	_ =	strace $0x8000004E  }
0xb5: {  	_ =	swait.ge [sflag:s29], $0x1  }
0xb6: {  	[sflag:s29] =	ssyncadd.s32 $0xFFFFFFFF  }
0xb7: {  	_ =	strace $0x9000004E  }
0xb8: {  	_ =	sfence  }
0xb9: {  	s30 =	sld [smem:$0x0];
	_ =	sdelay $0x2  }
0xba: {  	s31 =	sshll.u32 s1, $0xD;
	s1 =	sshrl.u32 s1, $0x2  }
0xbb: {  	s3 =	sand.u32 $0x4000, s31;
	s1 =	sadd.s32 s1, s30  }
0xbc: {  	s0 =	sor.u32 s3, s0;
	s1 =	sshll.u32 s1, $0x11  }
0xbd: {  	s0 =	sor.u32 s1, s0  }
0xbe: {  	s0 =	sadd.s32 $0x8F2B, s0  }
0xbf: {  	[sflag:s0] =	ssyncadd.remote.s32 $0x1  }
0xc0: {  	_ =	sfence.sel $0xFFFF  }
0xc1: {  	[dreg:$0x0] =	wrdreg $0xFFFFFFFF;
	(pc) =	sbr.abs _section_cstart, $3  }
0xc2: {  	[dreg:$0x1] =	wrdreg $0xFFFFFFFF  }
0xc3: {  	_ =	task.clear_ibuf [dreg:s8], $0x2FFFF;
	_ =	strace $0x9FFFFFFF  }
0xc4: {  	(tm) =	ssettm $0x7FFFFFFF  }
0xc5: {  	_ =	shalt  }
tec
execute0_lowered:
.L_overlay_start_1:
0x0: {  	(tag) =	ssettag $0x1  }
0x1: {  	s1 =	rddreg [dreg:$0x0]  }
0x2: {  	s0 =	rddreg [dreg:$0x1]  }
0x3: {  	s11 =	rddreg [dreg:$0x2]  }
0x4: {  	s2 =	srdreg.scid;
	s3 =	simm.s32 $0x0;
	s24 =	stileid.u32  }
0x5: {  	s15 =	simm.s32 $0x400;
	s16 =	simm.s32 $0x14900;
	s17 =	simm.s32 $0x8000  }
0x6: {  	s18 =	simm.s32 $0x1;
	s19 =	simm.s32 $0x0;
	s5 =	sand.u32 $0x1, s2  }
0x7: {  	[smem:$0x7FF] =	sst s3;
	s6 =	sshll.u32 s24, $0x1;
	s30 =	sshll.u32 s24, $0x6  }
0x8: {  	s4 =	sshll.u32 s5, $0x4;
	_ =	strace $0x80000047;
	s10 =	sor.u32 s5, s6  }
0x9: {  	s9 =	ssub.s32 $0x2, s5;
	s6 =	simm.s32 $0x10;
	s7 =	sor.u32 s24, s4  }
0xa: {  	s4 =	sadd.s32 $0xC00, s0;
	s8 =	sshll.u32 s10, $0xC;
	s25 =	smul.u32 $0xF, s7  }
0xb: {  	s26 =	sshrl.u32 s9, $0x1;
	s14 =	sshll.u32 s10, $0x4;
	p0 =	slt.u32 s7, $0x14  }
0xc: {  	s7 =	sshll.u32 s7, $0x4;
	s0 =	sadd.s32 s8, s0;
	s5 =	sadd.s32 $0x14, s25  }
0xd: {  	s12 =	ssub.s32 s9, s26;
	s31 =	sand.u32 $0x70, s14;
	s5 =	smov.u32 @p0 s7  }
0xe: {  	s14 =	simm.s32 $0x80;
	s6 =	simm.s32 @!p0 $0xF;
	s7 =	sshll.u32 s5, $0x4  }
.Ltmp0:
0xf: {  	s29 =	sshll.u32 s5, $0x5;
	s7 =	sand.u32 $0x70, s7;
	(pc) =	sbr.rel .LBB2_1-.Ltmp0, $4  }
0x10: {  	s28 =	smul.u32 $0xC80, s5;
	s9 =	sand.u32 $0xFFFFF00, s29;
	s13 =	sadd.s32 s4, s7  }
0x11: {  	s10 =	sadd.s32 $0x4C00, s0;
	s8 =	sadd.s32 s9, s13;
	s13 =	sand.u32 $0x300, s30  }
0x12: {  	s12 =	smax.u32 s12, $0x1;
	s7 =	sadd.s32 s1, s28;
	s11 =	sadd.s32 s11, s13  }
0x13: {  	v0 =	vimm.f32 $0.0e+00;
	v1 =	vimm.f32 $1.000000000e+00;
	s9 =	sadd.s32 $0xFFFFFFFF, s6;
	s13 =	simm.s32 $0x8100;
	s11 =	sadd.s32 s31, s11  }
.LBB2_10:
0x14: {  	[hbm4b:s10+s3] =	stream.linear.scatter [tilespmem:s3], [sflag:$0x1], $0x8000, $0x38;
	[tilespmem:$0x14B00] =	vst v63  }
0x15: {  	s19 =	sadd.s32 $0x1, s19;
	_ =	swait.ge [sflag:s18], $0x8000  }
0x16: {  	p0 =	sne.s32 s19, s12;
	[sflag:s18] =	ssyncset.done $0x0  }
.Ltmp1:
0x17: {  	[sflag:s18] =	ssyncadd.s32 $0xFFFF8000;
	(pc) =	sbr.rel @!p0 .LBB2_11-.Ltmp1, $4  }
0x18: {  	[hbm4b:s11+s14] =	stream.strided.scatter [tilespmem:s17], [sflag:$0x1], $0x100, s15, s14, $0x38;
	[tilespmem:$0x14B00] =	vst v63  }
0x19: {  	_ =	swait.ge [sflag:s18], $0x100  }
0x1a: {  	[sflag:s18] =	ssyncset.done $0x0  }
0x1b: {  	[sflag:s18] =	ssyncadd.s32 $0xFFFFFF00  }
.LBB2_1:
0x1c: {  	s0 =	simm.s32 $0x0;
	s20 =	simm.s32 $0x200  }
.LBB2_2:
0x1d: {  	p0 =	sne.s32 s20, $0x1FE00;
	[tilespmem:s0+$0x70] =	vst v0  }
0x1e: {  	[tilespmem:s0+$0x0] =	vst v0  }
0x1f: {  	[tilespmem:s0+$0x10] =	vst v0  }
.Ltmp2:
0x20: {  	[tilespmem:s0+$0x20] =	vst v0;
	(pc) =	sbr.rel @p0 .LBB2_2-.Ltmp2, $4  }
0x21: {  	[tilespmem:s0+$0x30] =	vst v0  }
0x22: {  	[tilespmem:s0+$0x40] =	vst v0  }
0x23: {  	[tilespmem:s0+$0x50] =	vst v0  }
0x24: {  	[tilespmem:s0+$0x60] =	vst v0;
	s0 =	sshra.s32 s20, $0x2;
	s20 =	sadd.s32 $0x200, s20  }
0x25: {  	[tilespmem:s0+$0x70] =	vst v0  }
0x26: {  	[tilespmem:s0+$0x0] =	vst v0  }
0x27: {  	[tilespmem:s0+$0x10] =	vst v0  }
0x28: {  	[tilespmem:s0+$0x20] =	vst v0  }
0x29: {  	[tilespmem:s0+$0x30] =	vst v0  }
0x2a: {  	[tilespmem:s0+$0x40] =	vst v0  }
0x2b: {  	[tilespmem:s0+$0x50] =	vst v0  }
0x2c: {  	[tilespmem:s0+$0x60] =	vst v0  }
0x2d: {  	[tilespmem:$0x8000] =	vst v0  }
0x2e: {  	[tilespmem:$0x8010] =	vst v0  }
0x2f: {  	[tilespmem:$0x8020] =	vst v0  }
0x30: {  	[tilespmem:$0x8030] =	vst v0  }
0x31: {  	[tilespmem:$0x8040] =	vst v0  }
0x32: {  	[tilespmem:$0x8050] =	vst v0  }
0x33: {  	[tilespmem:$0x8060] =	vst v0  }
0x34: {  	[tilespmem:$0x8070] =	vst v0  }
0x35: {  	[tilespmem:$0x8080] =	vst v0  }
0x36: {  	[tilespmem:$0x8090] =	vst v0  }
0x37: {  	[tilespmem:$0x80A0] =	vst v0  }
0x38: {  	[tilespmem:$0x80B0] =	vst v0  }
0x39: {  	[tilespmem:$0x80C0] =	vst v0  }
0x3a: {  	[tilespmem:$0x80D0] =	vst v0  }
0x3b: {  	[tilespmem:$0x80E0] =	vst v0  }
0x3c: {  	[tilespmem:$0x80F0] =	vst v0  }
.Ltmp3:
0x3d: {  	s25 =	simm.s32 $0x0;
	_ =	strace $0x80000048;
	(pc) =	sbr.rel .LBB2_4-.Ltmp3, $4  }
0x3e: {  	[tilespmem:s13], [sflag:$0x1] =	stream.linear.gather [hbm4b:s7+s25], $0x6400, $0x200038;
	[tilespmem:$0x14B00] =	vst v63  }
0x3f: {  	s20 =	simm.s32 $0x1;
	s21 =	simm.s32 $0x0;
	s22 =	simm.s32 $0x1  }
0x40: {  	[tilespmem:s16], [sflag:$0x3] =	stream.strided.gather [hbm4b:s8+s14], $0x100, s15, s14, $0x200038;
	[tilespmem:$0x14B00] =	vst v63  }
0x41: {  	s23 =	simm.s32 $0x0;
	s24 =	simm.s32 $0x0;
	_ =	strace $0x90000048  }
.LBB2_9:
0x42: {  	p0 =	sne.s32 s25, s26;
	p1 =	seq.s32 s24, s9  }
0x43: {  	s0 =	simm.s32 $0x1;
	s24 =	sadd.s32 $0x1, s24;
	p0 =	por p1, p0  }
0x44: {  	s0 =	simm.s32 @!p0 $0x0;
	p0 =	sne.s32 s24, s6  }
.Ltmp4:
0x45: {  	_ = 	snop;
	(pc) =	sbr.rel @!p0 .LBB2_10-.Ltmp4, $3  }
0x46: {  	_ =	sdelay $0x1  }
0x47: {  	s22 =	sadd.s32 s22, s28;
	_ =	strace $0x9000004D  }
0x48: {  	s25 =	smov.u32 s26;
	s23 =	sadd.s32 s0, s23;
	s21 =	sadd.s32 s0, s21  }
.LBB2_4:
0x49: {  	s26 =	sadd.s32 $0x1, s25  }
0x4a: {  	p0 =	seq.s32 s26, s6  }
0x4b: {  	s26 =	simm.s32 @p0 $0x0;
	p0 =	sge.s32 s24, s9  }
0x4c: {  	p1 =	seq.s32 @!p0 s25, s26  }
0x4d: {  	p2 =	por p1, p0  }
0x4e: {  	s28 =	sand.u32 @!p2 $0x1, s20  }
0x4f: {  	s29 =	sadd.s32 @!p2 s5, s26;
	s30 =	smul.u32 @!p2 $0x19000, s28  }
0x50: {  	s31 =	smul.u32 @!p2 $0x6400, s29  }
0x51: {  	_ =	strace @!p2 $0x80000049  }
0x52: {  	s2 =	simm.s32 @!p2 $0x0;
	s30 =	sshrl.u32 @!p2 s30, $0x2;
	s31 =	sshrl.u32 @!p2 s31, $0x3  }
0x53: {  	s28 =	sadd.s32 @!p2 $0x1, s28;
	s30 =	sor.u32 @!p2 $0x8100, s30;
	s31 =	sadd.s32 @!p2 s1, s31  }
0x54: {  	[tilespmem:s30], [sflag:s28] =	stream.linear.gather @!p2 [hbm4b:s31+s2], $0x6400, $0x200038;
	[tilespmem:$0x14B00] =	vst v63  }
0x55: {  	s2 =	sshll.u32 @!p2 s29, $0x8;
	s28 =	sshll.u32 @!p2 s29, $0x7;
	s29 =	sand.u32 @!p2 $0x1, s22  }
0x56: {  	s30 =	simm.s32 @!p2 $0x80;
	s2 =	sand.u32 @!p2 $0xFFFFF800, s2;
	s28 =	sand.u32 @!p2 $0x380, s28  }
0x57: {  	s31 =	simm.s32 @!p2 $0x400;
	_ =	strace @!p2 $0x90000049;
	s2 =	sor.u32 @!p2 s28, s2  }
0x58: {  	_ =	strace @!p2 $0x8000004A;
	s28 =	sshll.u32 @!p2 s29, $0x8;
	s2 =	sshrl.u32 @!p2 s2, $0x3  }
0x59: {  	s29 =	sadd.s32 @!p2 $0x3, s29;
	s28 =	sadd.s32 @!p2 $0x14900, s28;
	s2 =	sadd.s32 @!p2 s4, s2  }
0x5a: {  	[tilespmem:s28], [sflag:s29] =	stream.strided.gather @!p2 [hbm4b:s2+s30], $0x100, s31, s30, $0x200038;
	[tilespmem:$0x14B00] =	vst v63  }
0x5b: {  	s2 =	sand.u32 $0x1, s23;
	_ =	strace @!p2 $0x9000004A  }
0x5c: {  	s28 =	sadd.s32 $0x1, s2;
	_ =	strace $0x8000004B  }
0x5d: {  	_ =	swait.ge [sflag:s28], $0x6400  }
0x5e: {  	s0 =	smov.u32 s20;
	p1 =	por !p1, p0;
	[sflag:s28] =	ssyncset.done $0x0  }
0x5f: {  	s29 =	sadd.s32 @!p2 $0x1, s20;
	s31 =	sshll.u32 s21, $0x8;
	[sflag:s28] =	ssyncadd.s32 $0xFFFF9C00  }
0x60: {  	s20 =	smov.u32 @p1 s29;
	s28 =	sand.u32 $0x1, s21;
	_ =	strace $0x9000004B  }
0x61: {  	s29 =	simm.s32 $0xE500;
	s30 =	sadd.s32 $0x3, s28;
	_ =	strace $0x8000004C  }
.Ltmp5:
0x62: {  	s20 =	smov.u32 @p0 s0;
	_ =	swait.ge [sflag:s30], $0x100;
	(pc) =	sbr.rel .LBB2_5-.Ltmp5, $4  }
0x63: {  	s0 =	sand.u32 $0x100, s31;
	s28 =	simm.s32 $0x0;
	[sflag:s30] =	ssyncset.done $0x0  }
0x64: {  	s0 =	sadd.s32 $0x14900, s0;
	s28 =	simm.s32 @p1 $0x1;
	[sflag:s30] =	ssyncadd.s32 $0xFFFFFF00  }
0x65: {  	s28 =	simm.s32 @p0 $0x0;
	p0 =	seq.s32 s2, $0x1;
	_ =	strace $0x9000004C  }
0x66: {  	v2 =	vmov s0;
	s29 =	simm.s32 @!p0 $0x8100;
	s30 =	simm.s32 $0x0;
	_ =	strace $0x8000004D  }
.LBB2_7:
0x67: {  	v3 =	vshll.u32 v3, $0x7  }
0x68: {  	(v2sf) =	vpush v3, $0x0;
	_ =	sdelay $0xa  }
0x69: {  	v4 =	vld [tilespmem:s31+$0x0];
	_ =	sdelay $0x3  }
0x6a: {  	s0 =	spop (v2sf)  }
0x6b: {  	[tilespmem:s0+$0x0] =	vst.add.f32.msk $0xffff, v4  }
0x6c: {  	v4 =	vld [tilespmem:s31+$0x10];
	_ =	sdelay $0x3  }
0x6d: {  	s2 =	sor.u32 $0x10, s0  }
0x6e: {  	[tilespmem:s2+$0x0] =	vst.add.f32.msk $0xffff, v4  }
0x6f: {  	v4 =	vld [tilespmem:s31+$0x20];
	_ =	sdelay $0x3  }
0x70: {  	s2 =	sor.u32 $0x20, s0  }
0x71: {  	[tilespmem:s2+$0x0] =	vst.add.f32.msk $0xffff, v4  }
0x72: {  	v4 =	vld [tilespmem:s31+$0x30];
	_ =	sdelay $0x3  }
0x73: {  	s2 =	sor.u32 $0x30, s0  }
0x74: {  	[tilespmem:s2+$0x0] =	vst.add.f32.msk $0xffff, v4  }
0x75: {  	v4 =	vld [tilespmem:s31+$0x40];
	_ =	sdelay $0x3  }
0x76: {  	s2 =	sor.u32 $0x40, s0  }
0x77: {  	[tilespmem:s2+$0x0] =	vst.add.f32.msk $0xffff, v4  }
0x78: {  	v4 =	vld [tilespmem:s31+$0x50];
	_ =	sdelay $0x3  }
0x79: {  	s2 =	sor.u32 $0x50, s0  }
0x7a: {  	[tilespmem:s2+$0x0] =	vst.add.f32.msk $0xffff, v4  }
0x7b: {  	v4 =	vld [tilespmem:s31+$0x60]  }
0x7c: {  	(v2sf) =	vpush v3, $0x1;
	_ =	sdelay $0x2  }
0x7d: {  	s2 =	sor.u32 $0x60, s0  }
0x7e: {  	[tilespmem:s2+$0x0] =	vst.add.f32.msk $0xffff, v4  }
0x7f: {  	v4 =	vld [tilespmem:s31+$0x70];
	_ =	sdelay $0x3  }
0x80: {  	s0 =	sor.u32 $0x70, s0  }
0x81: {  	[tilespmem:s0+$0x0] =	vst.add.f32.msk $0xffff, v4  }
0x82: {  	v4 =	vld [tilespmem:s31+$0x80];
	_ =	sdelay $0x3  }
0x83: {  	s0 =	spop (v2sf)  }
0x84: {  	[tilespmem:s0+$0x0] =	vst.add.f32.msk $0xffff, v4  }
0x85: {  	v4 =	vld [tilespmem:s31+$0x90];
	_ =	sdelay $0x3  }
0x86: {  	s2 =	sor.u32 $0x10, s0  }
0x87: {  	[tilespmem:s2+$0x0] =	vst.add.f32.msk $0xffff, v4  }
0x88: {  	v4 =	vld [tilespmem:s31+$0xA0];
	_ =	sdelay $0x3  }
0x89: {  	s2 =	sor.u32 $0x20, s0  }
0x8a: {  	[tilespmem:s2+$0x0] =	vst.add.f32.msk $0xffff, v4  }
0x8b: {  	v4 =	vld [tilespmem:s31+$0xB0];
	_ =	sdelay $0x3  }
0x8c: {  	s2 =	sor.u32 $0x30, s0  }
0x8d: {  	[tilespmem:s2+$0x0] =	vst.add.f32.msk $0xffff, v4  }
0x8e: {  	v4 =	vld [tilespmem:s31+$0xC0];
	_ =	sdelay $0x3  }
0x8f: {  	s2 =	sor.u32 $0x40, s0  }
0x90: {  	[tilespmem:s2+$0x0] =	vst.add.f32.msk $0xffff, v4  }
0x91: {  	v4 =	vld [tilespmem:s31+$0xD0];
	_ =	sdelay $0x3  }
0x92: {  	s2 =	sor.u32 $0x50, s0  }
0x93: {  	[tilespmem:s2+$0x0] =	vst.add.f32.msk $0xffff, v4  }
0x94: {  	v4 =	vld [tilespmem:s31+$0xE0]  }
0x95: {  	(v2sf) =	vpush v3, $0x2;
	_ =	sdelay $0x2  }
0x96: {  	s2 =	sor.u32 $0x60, s0  }
0x97: {  	[tilespmem:s2+$0x0] =	vst.add.f32.msk $0xffff, v4  }
0x98: {  	v4 =	vld [tilespmem:s31+$0xF0];
	_ =	sdelay $0x3  }
0x99: {  	s0 =	sor.u32 $0x70, s0  }
0x9a: {  	[tilespmem:s0+$0x0] =	vst.add.f32.msk $0xffff, v4  }
0x9b: {  	v4 =	vld [tilespmem:s31+$0x100];
	_ =	sdelay $0x3  }
0x9c: {  	s0 =	spop (v2sf)  }
0x9d: {  	[tilespmem:s0+$0x0] =	vst.add.f32.msk $0xffff, v4  }
0x9e: {  	v4 =	vld [tilespmem:s31+$0x110];
	_ =	sdelay $0x3  }
0x9f: {  	s2 =	sor.u32 $0x10, s0  }
0xa0: {  	[tilespmem:s2+$0x0] =	vst.add.f32.msk $0xffff, v4  }
0xa1: {  	v4 =	vld [tilespmem:s31+$0x120];
	_ =	sdelay $0x3  }
0xa2: {  	s2 =	sor.u32 $0x20, s0  }
0xa3: {  	[tilespmem:s2+$0x0] =	vst.add.f32.msk $0xffff, v4  }
0xa4: {  	v4 =	vld [tilespmem:s31+$0x130];
	_ =	sdelay $0x3  }
0xa5: {  	s2 =	sor.u32 $0x30, s0  }
0xa6: {  	[tilespmem:s2+$0x0] =	vst.add.f32.msk $0xffff, v4  }
0xa7: {  	v4 =	vld [tilespmem:s31+$0x140];
	_ =	sdelay $0x3  }
0xa8: {  	s2 =	sor.u32 $0x40, s0  }
0xa9: {  	[tilespmem:s2+$0x0] =	vst.add.f32.msk $0xffff, v4  }
0xaa: {  	v4 =	vld [tilespmem:s31+$0x150];
	_ =	sdelay $0x3  }
0xab: {  	s2 =	sor.u32 $0x50, s0  }
0xac: {  	[tilespmem:s2+$0x0] =	vst.add.f32.msk $0xffff, v4  }
0xad: {  	v4 =	vld [tilespmem:s31+$0x160]  }
0xae: {  	(v2sf) =	vpush v3, $0x3;
	_ =	sdelay $0x2  }
0xaf: {  	s2 =	sor.u32 $0x60, s0  }
0xb0: {  	[tilespmem:s2+$0x0] =	vst.add.f32.msk $0xffff, v4  }
0xb1: {  	v4 =	vld [tilespmem:s31+$0x170];
	_ =	sdelay $0x3  }
0xb2: {  	s0 =	sor.u32 $0x70, s0  }
0xb3: {  	[tilespmem:s0+$0x0] =	vst.add.f32.msk $0xffff, v4  }
0xb4: {  	v4 =	vld [tilespmem:s31+$0x180];
	_ =	sdelay $0x3  }
0xb5: {  	s0 =	spop (v2sf)  }
0xb6: {  	[tilespmem:s0+$0x0] =	vst.add.f32.msk $0xffff, v4  }
0xb7: {  	v4 =	vld [tilespmem:s31+$0x190];
	_ =	sdelay $0x3  }
0xb8: {  	s2 =	sor.u32 $0x10, s0  }
0xb9: {  	[tilespmem:s2+$0x0] =	vst.add.f32.msk $0xffff, v4  }
0xba: {  	v4 =	vld [tilespmem:s31+$0x1A0];
	_ =	sdelay $0x3  }
0xbb: {  	s2 =	sor.u32 $0x20, s0  }
0xbc: {  	[tilespmem:s2+$0x0] =	vst.add.f32.msk $0xffff, v4  }
0xbd: {  	v4 =	vld [tilespmem:s31+$0x1B0];
	_ =	sdelay $0x3  }
0xbe: {  	s2 =	sor.u32 $0x30, s0  }
0xbf: {  	[tilespmem:s2+$0x0] =	vst.add.f32.msk $0xffff, v4  }
0xc0: {  	v4 =	vld [tilespmem:s31+$0x1C0];
	_ =	sdelay $0x3  }
0xc1: {  	s2 =	sor.u32 $0x40, s0  }
0xc2: {  	[tilespmem:s2+$0x0] =	vst.add.f32.msk $0xffff, v4  }
0xc3: {  	v4 =	vld [tilespmem:s31+$0x1D0];
	_ =	sdelay $0x3  }
0xc4: {  	s2 =	sor.u32 $0x50, s0  }
0xc5: {  	[tilespmem:s2+$0x0] =	vst.add.f32.msk $0xffff, v4  }
0xc6: {  	v4 =	vld [tilespmem:s31+$0x1E0]  }
0xc7: {  	(v2sf) =	vpush v3, $0x4;
	_ =	sdelay $0x2  }
0xc8: {  	s2 =	sor.u32 $0x60, s0  }
0xc9: {  	[tilespmem:s2+$0x0] =	vst.add.f32.msk $0xffff, v4  }
0xca: {  	v4 =	vld [tilespmem:s31+$0x1F0];
	_ =	sdelay $0x3  }
0xcb: {  	s0 =	sor.u32 $0x70, s0  }
0xcc: {  	[tilespmem:s0+$0x0] =	vst.add.f32.msk $0xffff, v4  }
0xcd: {  	v4 =	vld [tilespmem:s31+$0x200];
	_ =	sdelay $0x3  }
0xce: {  	s0 =	spop (v2sf)  }
0xcf: {  	[tilespmem:s0+$0x0] =	vst.add.f32.msk $0xffff, v4  }
0xd0: {  	v4 =	vld [tilespmem:s31+$0x210];
	_ =	sdelay $0x3  }
0xd1: {  	s2 =	sor.u32 $0x10, s0  }
0xd2: {  	[tilespmem:s2+$0x0] =	vst.add.f32.msk $0xffff, v4  }
0xd3: {  	v4 =	vld [tilespmem:s31+$0x220];
	_ =	sdelay $0x3  }
0xd4: {  	s2 =	sor.u32 $0x20, s0  }
0xd5: {  	[tilespmem:s2+$0x0] =	vst.add.f32.msk $0xffff, v4  }
0xd6: {  	v4 =	vld [tilespmem:s31+$0x230];
	_ =	sdelay $0x3  }
0xd7: {  	s2 =	sor.u32 $0x30, s0  }
0xd8: {  	[tilespmem:s2+$0x0] =	vst.add.f32.msk $0xffff, v4  }
0xd9: {  	v4 =	vld [tilespmem:s31+$0x240];
	_ =	sdelay $0x3  }
0xda: {  	s2 =	sor.u32 $0x40, s0  }
0xdb: {  	[tilespmem:s2+$0x0] =	vst.add.f32.msk $0xffff, v4  }
0xdc: {  	v4 =	vld [tilespmem:s31+$0x250];
	_ =	sdelay $0x3  }
0xdd: {  	s2 =	sor.u32 $0x50, s0  }
0xde: {  	[tilespmem:s2+$0x0] =	vst.add.f32.msk $0xffff, v4  }
0xdf: {  	v4 =	vld [tilespmem:s31+$0x260]  }
0xe0: {  	(v2sf) =	vpush v3, $0x5;
	_ =	sdelay $0x2  }
0xe1: {  	s2 =	sor.u32 $0x60, s0  }
0xe2: {  	[tilespmem:s2+$0x0] =	vst.add.f32.msk $0xffff, v4  }
0xe3: {  	v4 =	vld [tilespmem:s31+$0x270];
	_ =	sdelay $0x3  }
0xe4: {  	s0 =	sor.u32 $0x70, s0  }
0xe5: {  	[tilespmem:s0+$0x0] =	vst.add.f32.msk $0xffff, v4  }
0xe6: {  	v4 =	vld [tilespmem:s31+$0x280];
	_ =	sdelay $0x3  }
0xe7: {  	s0 =	spop (v2sf)  }
0xe8: {  	[tilespmem:s0+$0x0] =	vst.add.f32.msk $0xffff, v4  }
0xe9: {  	v4 =	vld [tilespmem:s31+$0x290];
	_ =	sdelay $0x3  }
0xea: {  	s2 =	sor.u32 $0x10, s0  }
0xeb: {  	[tilespmem:s2+$0x0] =	vst.add.f32.msk $0xffff, v4  }
0xec: {  	v4 =	vld [tilespmem:s31+$0x2A0];
	_ =	sdelay $0x3  }
0xed: {  	s2 =	sor.u32 $0x20, s0  }
0xee: {  	[tilespmem:s2+$0x0] =	vst.add.f32.msk $0xffff, v4  }
0xef: {  	v4 =	vld [tilespmem:s31+$0x2B0];
	_ =	sdelay $0x3  }
0xf0: {  	s2 =	sor.u32 $0x30, s0  }
0xf1: {  	[tilespmem:s2+$0x0] =	vst.add.f32.msk $0xffff, v4  }
0xf2: {  	v4 =	vld [tilespmem:s31+$0x2C0];
	_ =	sdelay $0x3  }
0xf3: {  	s2 =	sor.u32 $0x40, s0  }
0xf4: {  	[tilespmem:s2+$0x0] =	vst.add.f32.msk $0xffff, v4  }
0xf5: {  	v4 =	vld [tilespmem:s31+$0x2D0];
	_ =	sdelay $0x3  }
0xf6: {  	s2 =	sor.u32 $0x50, s0  }
0xf7: {  	[tilespmem:s2+$0x0] =	vst.add.f32.msk $0xffff, v4  }
0xf8: {  	v4 =	vld [tilespmem:s31+$0x2E0]  }
0xf9: {  	(v2sf) =	vpush v3, $0x6;
	_ =	sdelay $0x2  }
0xfa: {  	s2 =	sor.u32 $0x60, s0  }
0xfb: {  	[tilespmem:s2+$0x0] =	vst.add.f32.msk $0xffff, v4  }
0xfc: {  	v4 =	vld [tilespmem:s31+$0x2F0];
	_ =	sdelay $0x3  }
0xfd: {  	s0 =	sor.u32 $0x70, s0  }
0xfe: {  	[tilespmem:s0+$0x0] =	vst.add.f32.msk $0xffff, v4  }
0xff: {  	v4 =	vld [tilespmem:s31+$0x300];
	_ =	sdelay $0x3  }
0x100: {  	s0 =	spop (v2sf)  }
0x101: {  	[tilespmem:s0+$0x0] =	vst.add.f32.msk $0xffff, v4  }
0x102: {  	v4 =	vld [tilespmem:s31+$0x310];
	_ =	sdelay $0x3  }
0x103: {  	s2 =	sor.u32 $0x10, s0  }
0x104: {  	[tilespmem:s2+$0x0] =	vst.add.f32.msk $0xffff, v4  }
0x105: {  	v4 =	vld [tilespmem:s31+$0x320];
	_ =	sdelay $0x3  }
0x106: {  	s2 =	sor.u32 $0x20, s0  }
0x107: {  	[tilespmem:s2+$0x0] =	vst.add.f32.msk $0xffff, v4  }
0x108: {  	v4 =	vld [tilespmem:s31+$0x330];
	_ =	sdelay $0x3  }
0x109: {  	s2 =	sor.u32 $0x30, s0  }
0x10a: {  	[tilespmem:s2+$0x0] =	vst.add.f32.msk $0xffff, v4  }
0x10b: {  	v4 =	vld [tilespmem:s31+$0x340];
	_ =	sdelay $0x3  }
0x10c: {  	s2 =	sor.u32 $0x40, s0  }
0x10d: {  	[tilespmem:s2+$0x0] =	vst.add.f32.msk $0xffff, v4  }
0x10e: {  	v4 =	vld [tilespmem:s31+$0x350];
	_ =	sdelay $0x3  }
0x10f: {  	s2 =	sor.u32 $0x50, s0  }
0x110: {  	[tilespmem:s2+$0x0] =	vst.add.f32.msk $0xffff, v4  }
0x111: {  	v4 =	vld [tilespmem:s31+$0x360]  }
0x112: {  	(v2sf) =	vpush v3, $0x7;
	_ =	sdelay $0x2  }
0x113: {  	s2 =	sor.u32 $0x60, s0  }
0x114: {  	[tilespmem:s2+$0x0] =	vst.add.f32.msk $0xffff, v4  }
0x115: {  	v4 =	vld [tilespmem:s31+$0x370];
	_ =	sdelay $0x3  }
0x116: {  	s0 =	sor.u32 $0x70, s0  }
0x117: {  	[tilespmem:s0+$0x0] =	vst.add.f32.msk $0xffff, v4  }
0x118: {  	v4 =	vld [tilespmem:s31+$0x380];
	_ =	sdelay $0x3  }
0x119: {  	s0 =	spop (v2sf)  }
0x11a: {  	[tilespmem:s0+$0x0] =	vst.add.f32.msk $0xffff, v4  }
0x11b: {  	v4 =	vld [tilespmem:s31+$0x390];
	_ =	sdelay $0x3  }
0x11c: {  	s2 =	sor.u32 $0x10, s0  }
0x11d: {  	[tilespmem:s2+$0x0] =	vst.add.f32.msk $0xffff, v4  }
0x11e: {  	v4 =	vld [tilespmem:s31+$0x3A0];
	_ =	sdelay $0x3  }
0x11f: {  	s2 =	sor.u32 $0x20, s0  }
0x120: {  	[tilespmem:s2+$0x0] =	vst.add.f32.msk $0xffff, v4  }
0x121: {  	v4 =	vld [tilespmem:s31+$0x3B0];
	_ =	sdelay $0x3  }
0x122: {  	s2 =	sor.u32 $0x30, s0  }
0x123: {  	[tilespmem:s2+$0x0] =	vst.add.f32.msk $0xffff, v4  }
0x124: {  	v4 =	vld [tilespmem:s31+$0x3C0];
	_ =	sdelay $0x3  }
0x125: {  	s2 =	sor.u32 $0x40, s0  }
0x126: {  	[tilespmem:s2+$0x0] =	vst.add.f32.msk $0xffff, v4  }
0x127: {  	v4 =	vld [tilespmem:s31+$0x3D0];
	_ =	sdelay $0x3  }
0x128: {  	s2 =	sor.u32 $0x50, s0  }
0x129: {  	[tilespmem:s2+$0x0] =	vst.add.f32.msk $0xffff, v4  }
0x12a: {  	v4 =	vld [tilespmem:s31+$0x3E0]  }
0x12b: {  	(v2sf) =	vpush v3, $0x8;
	_ =	sdelay $0x2  }
0x12c: {  	s2 =	sor.u32 $0x60, s0  }
0x12d: {  	[tilespmem:s2+$0x0] =	vst.add.f32.msk $0xffff, v4  }
0x12e: {  	v4 =	vld [tilespmem:s31+$0x3F0];
	_ =	sdelay $0x3  }
0x12f: {  	s0 =	sor.u32 $0x70, s0  }
0x130: {  	[tilespmem:s0+$0x0] =	vst.add.f32.msk $0xffff, v4  }
0x131: {  	v4 =	vld [tilespmem:s31+$0x400];
	_ =	sdelay $0x3  }
0x132: {  	s0 =	spop (v2sf)  }
0x133: {  	[tilespmem:s0+$0x0] =	vst.add.f32.msk $0xffff, v4  }
0x134: {  	v4 =	vld [tilespmem:s31+$0x410];
	_ =	sdelay $0x3  }
0x135: {  	s2 =	sor.u32 $0x10, s0  }
0x136: {  	[tilespmem:s2+$0x0] =	vst.add.f32.msk $0xffff, v4  }
0x137: {  	v4 =	vld [tilespmem:s31+$0x420];
	_ =	sdelay $0x3  }
0x138: {  	s2 =	sor.u32 $0x20, s0  }
0x139: {  	[tilespmem:s2+$0x0] =	vst.add.f32.msk $0xffff, v4  }
0x13a: {  	v4 =	vld [tilespmem:s31+$0x430];
	_ =	sdelay $0x3  }
0x13b: {  	s2 =	sor.u32 $0x30, s0  }
0x13c: {  	[tilespmem:s2+$0x0] =	vst.add.f32.msk $0xffff, v4  }
0x13d: {  	v4 =	vld [tilespmem:s31+$0x440];
	_ =	sdelay $0x3  }
0x13e: {  	s2 =	sor.u32 $0x40, s0  }
0x13f: {  	[tilespmem:s2+$0x0] =	vst.add.f32.msk $0xffff, v4  }
0x140: {  	v4 =	vld [tilespmem:s31+$0x450];
	_ =	sdelay $0x3  }
0x141: {  	s2 =	sor.u32 $0x50, s0  }
0x142: {  	[tilespmem:s2+$0x0] =	vst.add.f32.msk $0xffff, v4  }
0x143: {  	v4 =	vld [tilespmem:s31+$0x460]  }
0x144: {  	(v2sf) =	vpush v3, $0x9;
	_ =	sdelay $0x2  }
0x145: {  	s2 =	sor.u32 $0x60, s0  }
0x146: {  	[tilespmem:s2+$0x0] =	vst.add.f32.msk $0xffff, v4  }
0x147: {  	v4 =	vld [tilespmem:s31+$0x470];
	_ =	sdelay $0x3  }
0x148: {  	s0 =	sor.u32 $0x70, s0  }
0x149: {  	[tilespmem:s0+$0x0] =	vst.add.f32.msk $0xffff, v4  }
0x14a: {  	v4 =	vld [tilespmem:s31+$0x480];
	_ =	sdelay $0x3  }
0x14b: {  	s0 =	spop (v2sf)  }
0x14c: {  	[tilespmem:s0+$0x0] =	vst.add.f32.msk $0xffff, v4  }
0x14d: {  	v4 =	vld [tilespmem:s31+$0x490];
	_ =	sdelay $0x3  }
0x14e: {  	s2 =	sor.u32 $0x10, s0  }
0x14f: {  	[tilespmem:s2+$0x0] =	vst.add.f32.msk $0xffff, v4  }
0x150: {  	v4 =	vld [tilespmem:s31+$0x4A0];
	_ =	sdelay $0x3  }
0x151: {  	s2 =	sor.u32 $0x20, s0  }
0x152: {  	[tilespmem:s2+$0x0] =	vst.add.f32.msk $0xffff, v4  }
0x153: {  	v4 =	vld [tilespmem:s31+$0x4B0];
	_ =	sdelay $0x3  }
0x154: {  	s2 =	sor.u32 $0x30, s0  }
0x155: {  	[tilespmem:s2+$0x0] =	vst.add.f32.msk $0xffff, v4  }
0x156: {  	v4 =	vld [tilespmem:s31+$0x4C0];
	_ =	sdelay $0x3  }
0x157: {  	s2 =	sor.u32 $0x40, s0  }
0x158: {  	[tilespmem:s2+$0x0] =	vst.add.f32.msk $0xffff, v4  }
0x159: {  	v4 =	vld [tilespmem:s31+$0x4D0];
	_ =	sdelay $0x3  }
0x15a: {  	s2 =	sor.u32 $0x50, s0  }
0x15b: {  	[tilespmem:s2+$0x0] =	vst.add.f32.msk $0xffff, v4  }
0x15c: {  	v4 =	vld [tilespmem:s31+$0x4E0]  }
0x15d: {  	(v2sf) =	vpush v3, $0xA;
	_ =	sdelay $0x2  }
0x15e: {  	s2 =	sor.u32 $0x60, s0  }
0x15f: {  	[tilespmem:s2+$0x0] =	vst.add.f32.msk $0xffff, v4  }
0x160: {  	v4 =	vld [tilespmem:s31+$0x4F0];
	_ =	sdelay $0x3  }
0x161: {  	s0 =	sor.u32 $0x70, s0  }
0x162: {  	[tilespmem:s0+$0x0] =	vst.add.f32.msk $0xffff, v4  }
0x163: {  	v4 =	vld [tilespmem:s31+$0x500];
	_ =	sdelay $0x3  }
0x164: {  	s0 =	spop (v2sf)  }
0x165: {  	[tilespmem:s0+$0x0] =	vst.add.f32.msk $0xffff, v4  }
0x166: {  	v4 =	vld [tilespmem:s31+$0x510];
	_ =	sdelay $0x3  }
0x167: {  	s2 =	sor.u32 $0x10, s0  }
0x168: {  	[tilespmem:s2+$0x0] =	vst.add.f32.msk $0xffff, v4  }
0x169: {  	v4 =	vld [tilespmem:s31+$0x520];
	_ =	sdelay $0x3  }
0x16a: {  	s2 =	sor.u32 $0x20, s0  }
0x16b: {  	[tilespmem:s2+$0x0] =	vst.add.f32.msk $0xffff, v4  }
0x16c: {  	v4 =	vld [tilespmem:s31+$0x530];
	_ =	sdelay $0x3  }
0x16d: {  	s2 =	sor.u32 $0x30, s0  }
0x16e: {  	[tilespmem:s2+$0x0] =	vst.add.f32.msk $0xffff, v4  }
0x16f: {  	v4 =	vld [tilespmem:s31+$0x540];
	_ =	sdelay $0x3  }
0x170: {  	s2 =	sor.u32 $0x40, s0  }
0x171: {  	[tilespmem:s2+$0x0] =	vst.add.f32.msk $0xffff, v4  }
0x172: {  	v4 =	vld [tilespmem:s31+$0x550];
	_ =	sdelay $0x3  }
0x173: {  	s2 =	sor.u32 $0x50, s0  }
0x174: {  	[tilespmem:s2+$0x0] =	vst.add.f32.msk $0xffff, v4  }
0x175: {  	v4 =	vld [tilespmem:s31+$0x560]  }
0x176: {  	(v2sf) =	vpush v3, $0xB;
	_ =	sdelay $0x2  }
0x177: {  	s2 =	sor.u32 $0x60, s0  }
0x178: {  	[tilespmem:s2+$0x0] =	vst.add.f32.msk $0xffff, v4  }
0x179: {  	v4 =	vld [tilespmem:s31+$0x570];
	_ =	sdelay $0x3  }
0x17a: {  	s0 =	sor.u32 $0x70, s0  }
0x17b: {  	[tilespmem:s0+$0x0] =	vst.add.f32.msk $0xffff, v4  }
0x17c: {  	v4 =	vld [tilespmem:s31+$0x580];
	_ =	sdelay $0x3  }
0x17d: {  	s0 =	spop (v2sf)  }
0x17e: {  	[tilespmem:s0+$0x0] =	vst.add.f32.msk $0xffff, v4  }
0x17f: {  	v4 =	vld [tilespmem:s31+$0x590];
	_ =	sdelay $0x3  }
0x180: {  	s2 =	sor.u32 $0x10, s0  }
0x181: {  	[tilespmem:s2+$0x0] =	vst.add.f32.msk $0xffff, v4  }
0x182: {  	v4 =	vld [tilespmem:s31+$0x5A0];
	_ =	sdelay $0x3  }
0x183: {  	s2 =	sor.u32 $0x20, s0  }
0x184: {  	[tilespmem:s2+$0x0] =	vst.add.f32.msk $0xffff, v4  }
0x185: {  	v4 =	vld [tilespmem:s31+$0x5B0];
	_ =	sdelay $0x3  }
0x186: {  	s2 =	sor.u32 $0x30, s0  }
0x187: {  	[tilespmem:s2+$0x0] =	vst.add.f32.msk $0xffff, v4  }
0x188: {  	v4 =	vld [tilespmem:s31+$0x5C0];
	_ =	sdelay $0x3  }
0x189: {  	s2 =	sor.u32 $0x40, s0  }
0x18a: {  	[tilespmem:s2+$0x0] =	vst.add.f32.msk $0xffff, v4  }
0x18b: {  	v4 =	vld [tilespmem:s31+$0x5D0];
	_ =	sdelay $0x3  }
0x18c: {  	s2 =	sor.u32 $0x50, s0  }
0x18d: {  	[tilespmem:s2+$0x0] =	vst.add.f32.msk $0xffff, v4  }
0x18e: {  	v4 =	vld [tilespmem:s31+$0x5E0]  }
0x18f: {  	(v2sf) =	vpush v3, $0xC;
	_ =	sdelay $0x2  }
0x190: {  	s2 =	sor.u32 $0x60, s0  }
0x191: {  	[tilespmem:s2+$0x0] =	vst.add.f32.msk $0xffff, v4  }
0x192: {  	v4 =	vld [tilespmem:s31+$0x5F0];
	_ =	sdelay $0x3  }
0x193: {  	s0 =	sor.u32 $0x70, s0  }
0x194: {  	[tilespmem:s0+$0x0] =	vst.add.f32.msk $0xffff, v4  }
0x195: {  	v4 =	vld [tilespmem:s31+$0x600];
	_ =	sdelay $0x3  }
0x196: {  	s0 =	spop (v2sf)  }
0x197: {  	[tilespmem:s0+$0x0] =	vst.add.f32.msk $0xffff, v4  }
0x198: {  	v4 =	vld [tilespmem:s31+$0x610];
	_ =	sdelay $0x3  }
0x199: {  	s2 =	sor.u32 $0x10, s0  }
0x19a: {  	[tilespmem:s2+$0x0] =	vst.add.f32.msk $0xffff, v4  }
0x19b: {  	v4 =	vld [tilespmem:s31+$0x620];
	_ =	sdelay $0x3  }
0x19c: {  	s2 =	sor.u32 $0x20, s0  }
0x19d: {  	[tilespmem:s2+$0x0] =	vst.add.f32.msk $0xffff, v4  }
0x19e: {  	v4 =	vld [tilespmem:s31+$0x630];
	_ =	sdelay $0x3  }
0x19f: {  	s2 =	sor.u32 $0x30, s0  }
0x1a0: {  	[tilespmem:s2+$0x0] =	vst.add.f32.msk $0xffff, v4  }
0x1a1: {  	v4 =	vld [tilespmem:s31+$0x640];
	_ =	sdelay $0x3  }
0x1a2: {  	s2 =	sor.u32 $0x40, s0  }
0x1a3: {  	[tilespmem:s2+$0x0] =	vst.add.f32.msk $0xffff, v4  }
0x1a4: {  	v4 =	vld [tilespmem:s31+$0x650];
	_ =	sdelay $0x3  }
0x1a5: {  	s2 =	sor.u32 $0x50, s0  }
0x1a6: {  	[tilespmem:s2+$0x0] =	vst.add.f32.msk $0xffff, v4  }
0x1a7: {  	v4 =	vld [tilespmem:s31+$0x660]  }
0x1a8: {  	(v2sf) =	vpush v3, $0xD;
	_ =	sdelay $0x2  }
0x1a9: {  	s2 =	sor.u32 $0x60, s0  }
0x1aa: {  	[tilespmem:s2+$0x0] =	vst.add.f32.msk $0xffff, v4  }
0x1ab: {  	v4 =	vld [tilespmem:s31+$0x670];
	_ =	sdelay $0x3  }
0x1ac: {  	s0 =	sor.u32 $0x70, s0  }
0x1ad: {  	[tilespmem:s0+$0x0] =	vst.add.f32.msk $0xffff, v4  }
0x1ae: {  	v4 =	vld [tilespmem:s31+$0x680];
	_ =	sdelay $0x3  }
0x1af: {  	s0 =	spop (v2sf)  }
0x1b0: {  	[tilespmem:s0+$0x0] =	vst.add.f32.msk $0xffff, v4  }
0x1b1: {  	v4 =	vld [tilespmem:s31+$0x690];
	_ =	sdelay $0x3  }
0x1b2: {  	s2 =	sor.u32 $0x10, s0  }
0x1b3: {  	[tilespmem:s2+$0x0] =	vst.add.f32.msk $0xffff, v4  }
0x1b4: {  	v4 =	vld [tilespmem:s31+$0x6A0];
	_ =	sdelay $0x3  }
0x1b5: {  	s2 =	sor.u32 $0x20, s0  }
0x1b6: {  	[tilespmem:s2+$0x0] =	vst.add.f32.msk $0xffff, v4  }
0x1b7: {  	v4 =	vld [tilespmem:s31+$0x6B0];
	_ =	sdelay $0x3  }
0x1b8: {  	s2 =	sor.u32 $0x30, s0  }
0x1b9: {  	[tilespmem:s2+$0x0] =	vst.add.f32.msk $0xffff, v4  }
0x1ba: {  	v4 =	vld [tilespmem:s31+$0x6C0];
	_ =	sdelay $0x3  }
0x1bb: {  	s2 =	sor.u32 $0x40, s0  }
0x1bc: {  	[tilespmem:s2+$0x0] =	vst.add.f32.msk $0xffff, v4  }
0x1bd: {  	v4 =	vld [tilespmem:s31+$0x6D0];
	_ =	sdelay $0x3  }
0x1be: {  	s2 =	sor.u32 $0x50, s0  }
0x1bf: {  	[tilespmem:s2+$0x0] =	vst.add.f32.msk $0xffff, v4  }
0x1c0: {  	v4 =	vld [tilespmem:s31+$0x6E0]  }
0x1c1: {  	(v2sf) =	vpush v3, $0xE;
	_ =	sdelay $0x2  }
0x1c2: {  	s2 =	sor.u32 $0x60, s0  }
0x1c3: {  	[tilespmem:s2+$0x0] =	vst.add.f32.msk $0xffff, v4  }
0x1c4: {  	v4 =	vld [tilespmem:s31+$0x6F0];
	_ =	sdelay $0x3  }
0x1c5: {  	s0 =	sor.u32 $0x70, s0  }
0x1c6: {  	[tilespmem:s0+$0x0] =	vst.add.f32.msk $0xffff, v4  }
0x1c7: {  	v4 =	vld [tilespmem:s31+$0x700];
	_ =	sdelay $0x3  }
0x1c8: {  	s0 =	spop (v2sf)  }
0x1c9: {  	[tilespmem:s0+$0x0] =	vst.add.f32.msk $0xffff, v4  }
0x1ca: {  	v4 =	vld [tilespmem:s31+$0x710];
	_ =	sdelay $0x3  }
0x1cb: {  	s2 =	sor.u32 $0x10, s0  }
0x1cc: {  	[tilespmem:s2+$0x0] =	vst.add.f32.msk $0xffff, v4  }
0x1cd: {  	v4 =	vld [tilespmem:s31+$0x720];
	_ =	sdelay $0x3  }
0x1ce: {  	s2 =	sor.u32 $0x20, s0  }
0x1cf: {  	[tilespmem:s2+$0x0] =	vst.add.f32.msk $0xffff, v4  }
0x1d0: {  	v4 =	vld [tilespmem:s31+$0x730];
	_ =	sdelay $0x3  }
0x1d1: {  	s2 =	sor.u32 $0x30, s0  }
0x1d2: {  	[tilespmem:s2+$0x0] =	vst.add.f32.msk $0xffff, v4  }
0x1d3: {  	v4 =	vld [tilespmem:s31+$0x740];
	_ =	sdelay $0x3  }
0x1d4: {  	s2 =	sor.u32 $0x40, s0  }
0x1d5: {  	[tilespmem:s2+$0x0] =	vst.add.f32.msk $0xffff, v4  }
0x1d6: {  	v4 =	vld [tilespmem:s31+$0x750];
	_ =	sdelay $0x3  }
0x1d7: {  	s2 =	sor.u32 $0x50, s0  }
0x1d8: {  	[tilespmem:s2+$0x0] =	vst.add.f32.msk $0xffff, v4  }
0x1d9: {  	v4 =	vld [tilespmem:s31+$0x760]  }
0x1da: {  	(v2sf) =	vpush v3, $0xF;
	_ =	sdelay $0x2  }
0x1db: {  	s2 =	sor.u32 $0x60, s0  }
0x1dc: {  	[tilespmem:s2+$0x0] =	vst.add.f32.msk $0xffff, v4  }
0x1dd: {  	v3 =	vld [tilespmem:s31+$0x770];
	_ =	sdelay $0x3  }
0x1de: {  	s0 =	sor.u32 $0x70, s0  }
0x1df: {  	[tilespmem:s0+$0x0] =	vst.add.f32.msk $0xffff, v3  }
0x1e0: {  	v3 =	vld [tilespmem:s31+$0x780];
	_ =	sdelay $0x3  }
0x1e1: {  	s0 =	spop (v2sf)  }
0x1e2: {  	[tilespmem:s0+$0x0] =	vst.add.f32.msk $0xffff, v3  }
0x1e3: {  	v3 =	vld [tilespmem:s31+$0x790];
	_ =	sdelay $0x3  }
0x1e4: {  	s2 =	sor.u32 $0x10, s0  }
0x1e5: {  	[tilespmem:s2+$0x0] =	vst.add.f32.msk $0xffff, v3  }
0x1e6: {  	v3 =	vld [tilespmem:s31+$0x7A0];
	_ =	sdelay $0x3  }
0x1e7: {  	s2 =	sor.u32 $0x20, s0  }
0x1e8: {  	[tilespmem:s2+$0x0] =	vst.add.f32.msk $0xffff, v3  }
0x1e9: {  	v3 =	vld [tilespmem:s31+$0x7B0];
	_ =	sdelay $0x3  }
0x1ea: {  	s2 =	sor.u32 $0x30, s0  }
0x1eb: {  	[tilespmem:s2+$0x0] =	vst.add.f32.msk $0xffff, v3  }
0x1ec: {  	v3 =	vld [tilespmem:s31+$0x7C0];
	_ =	sdelay $0x3  }
0x1ed: {  	s2 =	sor.u32 $0x40, s0  }
0x1ee: {  	[tilespmem:s2+$0x0] =	vst.add.f32.msk $0xffff, v3  }
0x1ef: {  	v3 =	vld [tilespmem:s31+$0x7D0];
	_ =	sdelay $0x3  }
0x1f0: {  	s2 =	sor.u32 $0x50, s0  }
0x1f1: {  	[tilespmem:s2+$0x0] =	vst.add.f32.msk $0xffff, v3  }
0x1f2: {  	v3 =	vld [tilespmem:s31+$0x7E0];
	_ =	sdelay $0x3  }
0x1f3: {  	s2 =	sor.u32 $0x60, s0  }
0x1f4: {  	[tilespmem:s2+$0x0] =	vst.add.f32.msk $0xffff, v3  }
0x1f5: {  	v3 =	vld [tilespmem:s31+$0x7F0]  }
.LBB2_8:
0x1f6: {  	s30 =	sadd.s32 $0x1, s30  }
0x1f7: {  	p0 =	sne.s32 s30, $0xC  }
.Ltmp6:
0x1f8: {  	_ = 	snop;
	(pc) =	sbr.rel @!p0 .LBB2_9-.Ltmp6, $2  }
0x1f9: {  	_ =	sdelay $0x2  }
0x1fa: {  	[tilespmem:s0+$0x70] =	vst.add.f32.msk $0xffff, v3  }
.LBB2_5:
0x1fb: {  	_ =	sdelay $0x1  }
0x1fc: {  	s0 =	sshll.u32 s30, $0x4  }
0x1fd: {  	s0 =	sand.u32 $0x3FFFFFF0, s0  }
0x1fe: {  	v3 =	vld.idx.msk [tilespmem:v2+s0+$0x0 ss:$0x1], $0xffff;
	_ =	sdelay $0x4  }
0x1ff: {  	(v2sf) =	vpush v3, $0x0  }
0x200: {  	(v2sf) =	vpush v3, $0xF;
	_ =	sdelay $0xd  }
0x201: {  	s0 =	spop (v2sf)  }
0x202: {  	s2 =	spop (v2sf)  }
0x203: {  	p0 =	sne.s32 s0, s2  }
.Ltmp7:
0x204: {  	_ = 	snop;
	(pc) =	sbr.rel @p0 .LBB2_7-.Ltmp7, $3  }
0x205: {  	_ =	sdelay $0x1  }
0x206: {  	s31 =	sshll.u32 s30, $0xB  }
0x207: {  	s31 =	sadd.s32 s31, s29;
	[tilespmem:v3+s17+$0x0] =	vst.idx.add.f32.msk $0xffff, v1  }
0x208: {  	v3 =	vld [tilespmem:s31+$0x0]  }
0x209: {  	v4 =	vld [tilespmem:s31+$0x80]  }
0x20a: {  	v5 =	vld [tilespmem:s31+$0x100]  }
0x20b: {  	v6 =	vld [tilespmem:s31+$0x180]  }
0x20c: {  	v7 =	vld [tilespmem:s31+$0x200]  }
0x20d: {  	v8 =	vld [tilespmem:s31+$0x280]  }
0x20e: {  	v9 =	vld [tilespmem:s31+$0x300]  }
0x20f: {  	v10 =	vld [tilespmem:s31+$0x380]  }
0x210: {  	v11 =	vld [tilespmem:s31+$0x400]  }
0x211: {  	v12 =	vld [tilespmem:s31+$0x480]  }
0x212: {  	v13 =	vld [tilespmem:s31+$0x500]  }
0x213: {  	v14 =	vld [tilespmem:s31+$0x580]  }
0x214: {  	v15 =	vld [tilespmem:s31+$0x600]  }
0x215: {  	v16 =	vld [tilespmem:s31+$0x680]  }
0x216: {  	v17 =	vld [tilespmem:s31+$0x700]  }
0x217: {  	v18 =	vld [tilespmem:s31+$0x780];
	_ =	sdelay $0x1  }
0x218: {  	v3 =	vadd.f32 v4, v3;
	v4 =	vadd.f32 v6, v5  }
0x219: {  	v5 =	vadd.f32 v8, v7;
	v55 =	vadd.f32 v10, v9  }
0x21a: {  	v56 =	vadd.f32 v12, v11;
	v57 =	vadd.f32 v14, v13  }
0x21b: {  	v58 =	vadd.f32 v16, v15;
	v59 =	vadd.f32 v18, v17  }
0x21c: {  	v3 =	vadd.f32 v4, v3;
	v4 =	vadd.f32 v55, v5  }
0x21d: {  	v5 =	vadd.f32 v57, v56;
	v60 =	vadd.f32 v59, v58;
	_ =	sdelay $0x1  }
0x21e: {  	v3 =	vadd.f32 v4, v3;
	v4 =	vadd.f32 v60, v5;
	_ =	sdelay $0x1  }
0x21f: {  	s0 =	sshll.u32 s0, $0x9;
	v3 =	vadd.f32 v4, v3  }
0x220: {  	s0 =	sshra.s32 s0, $0x2  }
0x221: {  	[tilespmem:s0+$0x0] =	vst.add.f32.msk $0xffff, v3  }
0x222: {  	v3 =	vld [tilespmem:s31+$0x10]  }
0x223: {  	v4 =	vld [tilespmem:s31+$0x90]  }
0x224: {  	v5 =	vld [tilespmem:s31+$0x110]  }
0x225: {  	v61 =	vld [tilespmem:s31+$0x190]  }
0x226: {  	v62 =	vld [tilespmem:s31+$0x210]  }
0x227: {  	v63 =	vld [tilespmem:s31+$0x290]  }
0x228: {  	v21 =	vld [tilespmem:s31+$0x310]  }
0x229: {  	v22 =	vld [tilespmem:s31+$0x390]  }
0x22a: {  	v23 =	vld [tilespmem:s31+$0x410]  }
0x22b: {  	v24 =	vld [tilespmem:s31+$0x490]  }
0x22c: {  	v25 =	vld [tilespmem:s31+$0x510]  }
0x22d: {  	v26 =	vld [tilespmem:s31+$0x590]  }
0x22e: {  	v27 =	vld [tilespmem:s31+$0x610]  }
0x22f: {  	v28 =	vld [tilespmem:s31+$0x690]  }
0x230: {  	v29 =	vld [tilespmem:s31+$0x710]  }
0x231: {  	v30 =	vld [tilespmem:s31+$0x790];
	_ =	sdelay $0x1  }
0x232: {  	v3 =	vadd.f32 v4, v3;
	v4 =	vadd.f32 v61, v5  }
0x233: {  	v5 =	vadd.f32 v63, v62;
	v31 =	vadd.f32 v22, v21  }
0x234: {  	v32 =	vadd.f32 v24, v23;
	v33 =	vadd.f32 v26, v25  }
0x235: {  	v34 =	vadd.f32 v28, v27;
	v35 =	vadd.f32 v30, v29  }
0x236: {  	v3 =	vadd.f32 v4, v3;
	v4 =	vadd.f32 v31, v5  }
0x237: {  	v5 =	vadd.f32 v33, v32;
	v36 =	vadd.f32 v35, v34;
	_ =	sdelay $0x1  }
0x238: {  	v3 =	vadd.f32 v4, v3;
	v4 =	vadd.f32 v36, v5;
	_ =	sdelay $0x1  }
0x239: {  	v3 =	vadd.f32 v4, v3  }
0x23a: {  	s2 =	sor.u32 $0x10, s0  }
0x23b: {  	[tilespmem:s2+$0x0] =	vst.add.f32.msk $0xffff, v3  }
0x23c: {  	v3 =	vld [tilespmem:s31+$0x20]  }
0x23d: {  	v4 =	vld [tilespmem:s31+$0xA0]  }
0x23e: {  	v5 =	vld [tilespmem:s31+$0x120]  }
0x23f: {  	v37 =	vld [tilespmem:s31+$0x1A0]  }
0x240: {  	v38 =	vld [tilespmem:s31+$0x220]  }
0x241: {  	v39 =	vld [tilespmem:s31+$0x2A0]  }
0x242: {  	v40 =	vld [tilespmem:s31+$0x320]  }
0x243: {  	v41 =	vld [tilespmem:s31+$0x3A0]  }
0x244: {  	v42 =	vld [tilespmem:s31+$0x420]  }
0x245: {  	v43 =	vld [tilespmem:s31+$0x4A0]  }
0x246: {  	v44 =	vld [tilespmem:s31+$0x520]  }
0x247: {  	v45 =	vld [tilespmem:s31+$0x5A0]  }
0x248: {  	v46 =	vld [tilespmem:s31+$0x620]  }
0x249: {  	v47 =	vld [tilespmem:s31+$0x6A0]  }
0x24a: {  	v48 =	vld [tilespmem:s31+$0x720]  }
0x24b: {  	v49 =	vld [tilespmem:s31+$0x7A0];
	_ =	sdelay $0x1  }
0x24c: {  	v3 =	vadd.f32 v4, v3;
	v4 =	vadd.f32 v37, v5  }
0x24d: {  	v5 =	vadd.f32 v39, v38;
	v50 =	vadd.f32 v41, v40  }
0x24e: {  	v51 =	vadd.f32 v43, v42;
	v52 =	vadd.f32 v45, v44  }
0x24f: {  	v53 =	vadd.f32 v47, v46;
	v54 =	vadd.f32 v49, v48  }
0x250: {  	v3 =	vadd.f32 v4, v3;
	v4 =	vadd.f32 v50, v5  }
0x251: {  	v5 =	vadd.f32 v52, v51;
	v55 =	vadd.f32 v54, v53;
	_ =	sdelay $0x1  }
0x252: {  	v3 =	vadd.f32 v4, v3;
	v4 =	vadd.f32 v55, v5;
	_ =	sdelay $0x1  }
0x253: {  	v3 =	vadd.f32 v4, v3  }
0x254: {  	s2 =	sor.u32 $0x20, s0  }
0x255: {  	[tilespmem:s2+$0x0] =	vst.add.f32.msk $0xffff, v3  }
0x256: {  	v3 =	vld [tilespmem:s31+$0x30]  }
0x257: {  	v4 =	vld [tilespmem:s31+$0xB0]  }
0x258: {  	v5 =	vld [tilespmem:s31+$0x130]  }
0x259: {  	v56 =	vld [tilespmem:s31+$0x1B0]  }
0x25a: {  	v57 =	vld [tilespmem:s31+$0x230]  }
0x25b: {  	v58 =	vld [tilespmem:s31+$0x2B0]  }
0x25c: {  	v59 =	vld [tilespmem:s31+$0x330]  }
0x25d: {  	v60 =	vld [tilespmem:s31+$0x3B0]  }
0x25e: {  	v61 =	vld [tilespmem:s31+$0x430]  }
0x25f: {  	v62 =	vld [tilespmem:s31+$0x4B0]  }
0x260: {  	v63 =	vld [tilespmem:s31+$0x530]  }
0x261: {  	v21 =	vld [tilespmem:s31+$0x5B0]  }
0x262: {  	v22 =	vld [tilespmem:s31+$0x630]  }
0x263: {  	v23 =	vld [tilespmem:s31+$0x6B0]  }
0x264: {  	v24 =	vld [tilespmem:s31+$0x730]  }
0x265: {  	v25 =	vld [tilespmem:s31+$0x7B0];
	_ =	sdelay $0x1  }
0x266: {  	v3 =	vadd.f32 v4, v3;
	v4 =	vadd.f32 v56, v5  }
0x267: {  	v5 =	vadd.f32 v58, v57;
	v26 =	vadd.f32 v60, v59  }
0x268: {  	v27 =	vadd.f32 v62, v61;
	v28 =	vadd.f32 v21, v63  }
0x269: {  	v29 =	vadd.f32 v23, v22;
	v30 =	vadd.f32 v25, v24  }
0x26a: {  	v3 =	vadd.f32 v4, v3;
	v4 =	vadd.f32 v26, v5  }
0x26b: {  	v5 =	vadd.f32 v28, v27;
	v31 =	vadd.f32 v30, v29;
	_ =	sdelay $0x1  }
0x26c: {  	v3 =	vadd.f32 v4, v3;
	v4 =	vadd.f32 v31, v5;
	_ =	sdelay $0x1  }
0x26d: {  	v3 =	vadd.f32 v4, v3  }
0x26e: {  	s2 =	sor.u32 $0x30, s0  }
0x26f: {  	[tilespmem:s2+$0x0] =	vst.add.f32.msk $0xffff, v3  }
0x270: {  	v3 =	vld [tilespmem:s31+$0x40]  }
0x271: {  	v4 =	vld [tilespmem:s31+$0xC0]  }
0x272: {  	v5 =	vld [tilespmem:s31+$0x140]  }
0x273: {  	v32 =	vld [tilespmem:s31+$0x1C0]  }
0x274: {  	v33 =	vld [tilespmem:s31+$0x240]  }
0x275: {  	v34 =	vld [tilespmem:s31+$0x2C0]  }
0x276: {  	v35 =	vld [tilespmem:s31+$0x340]  }
0x277: {  	v36 =	vld [tilespmem:s31+$0x3C0]  }
0x278: {  	v37 =	vld [tilespmem:s31+$0x440]  }
0x279: {  	v38 =	vld [tilespmem:s31+$0x4C0]  }
0x27a: {  	v39 =	vld [tilespmem:s31+$0x540]  }
0x27b: {  	v40 =	vld [tilespmem:s31+$0x5C0]  }
0x27c: {  	v41 =	vld [tilespmem:s31+$0x640]  }
0x27d: {  	v42 =	vld [tilespmem:s31+$0x6C0]  }
0x27e: {  	v43 =	vld [tilespmem:s31+$0x740]  }
0x27f: {  	v44 =	vld [tilespmem:s31+$0x7C0];
	_ =	sdelay $0x1  }
0x280: {  	v3 =	vadd.f32 v4, v3;
	v4 =	vadd.f32 v32, v5  }
0x281: {  	v5 =	vadd.f32 v34, v33;
	v45 =	vadd.f32 v36, v35  }
0x282: {  	v46 =	vadd.f32 v38, v37;
	v47 =	vadd.f32 v40, v39  }
0x283: {  	v48 =	vadd.f32 v42, v41;
	v49 =	vadd.f32 v44, v43  }
0x284: {  	v3 =	vadd.f32 v4, v3;
	v4 =	vadd.f32 v45, v5  }
0x285: {  	v5 =	vadd.f32 v47, v46;
	v50 =	vadd.f32 v49, v48;
	_ =	sdelay $0x1  }
0x286: {  	v3 =	vadd.f32 v4, v3;
	v4 =	vadd.f32 v50, v5;
	_ =	sdelay $0x1  }
0x287: {  	v3 =	vadd.f32 v4, v3  }
0x288: {  	s2 =	sor.u32 $0x40, s0  }
0x289: {  	[tilespmem:s2+$0x0] =	vst.add.f32.msk $0xffff, v3  }
0x28a: {  	v3 =	vld [tilespmem:s31+$0x50]  }
0x28b: {  	v4 =	vld [tilespmem:s31+$0xD0]  }
0x28c: {  	v5 =	vld [tilespmem:s31+$0x150]  }
0x28d: {  	v51 =	vld [tilespmem:s31+$0x1D0]  }
0x28e: {  	v52 =	vld [tilespmem:s31+$0x250]  }
0x28f: {  	v53 =	vld [tilespmem:s31+$0x2D0]  }
0x290: {  	v54 =	vld [tilespmem:s31+$0x350]  }
0x291: {  	v55 =	vld [tilespmem:s31+$0x3D0]  }
0x292: {  	v56 =	vld [tilespmem:s31+$0x450]  }
0x293: {  	v57 =	vld [tilespmem:s31+$0x4D0]  }
0x294: {  	v58 =	vld [tilespmem:s31+$0x550]  }
0x295: {  	v59 =	vld [tilespmem:s31+$0x5D0]  }
0x296: {  	v60 =	vld [tilespmem:s31+$0x650]  }
0x297: {  	v61 =	vld [tilespmem:s31+$0x6D0]  }
0x298: {  	v62 =	vld [tilespmem:s31+$0x750]  }
0x299: {  	v63 =	vld [tilespmem:s31+$0x7D0];
	_ =	sdelay $0x1  }
0x29a: {  	v3 =	vadd.f32 v4, v3;
	v4 =	vadd.f32 v51, v5  }
0x29b: {  	v5 =	vadd.f32 v53, v52;
	v20 =	vadd.f32 v55, v54  }
0x29c: {  	v21 =	vadd.f32 v57, v56;
	v22 =	vadd.f32 v59, v58  }
0x29d: {  	v23 =	vadd.f32 v61, v60;
	v24 =	vadd.f32 v63, v62  }
0x29e: {  	v3 =	vadd.f32 v4, v3;
	v4 =	vadd.f32 v20, v5  }
0x29f: {  	v5 =	vadd.f32 v22, v21;
	v25 =	vadd.f32 v24, v23;
	_ =	sdelay $0x1  }
0x2a0: {  	v3 =	vadd.f32 v4, v3;
	v4 =	vadd.f32 v25, v5;
	_ =	sdelay $0x1  }
0x2a1: {  	v3 =	vadd.f32 v4, v3  }
0x2a2: {  	s2 =	sor.u32 $0x50, s0  }
0x2a3: {  	[tilespmem:s2+$0x0] =	vst.add.f32.msk $0xffff, v3  }
0x2a4: {  	v3 =	vld [tilespmem:s31+$0x60]  }
0x2a5: {  	v4 =	vld [tilespmem:s31+$0xE0]  }
0x2a6: {  	v5 =	vld [tilespmem:s31+$0x160]  }
0x2a7: {  	v26 =	vld [tilespmem:s31+$0x1E0]  }
0x2a8: {  	v27 =	vld [tilespmem:s31+$0x260]  }
0x2a9: {  	v28 =	vld [tilespmem:s31+$0x2E0]  }
0x2aa: {  	v29 =	vld [tilespmem:s31+$0x360]  }
0x2ab: {  	v30 =	vld [tilespmem:s31+$0x3E0]  }
0x2ac: {  	v31 =	vld [tilespmem:s31+$0x460]  }
0x2ad: {  	v32 =	vld [tilespmem:s31+$0x4E0]  }
0x2ae: {  	v33 =	vld [tilespmem:s31+$0x560]  }
0x2af: {  	v34 =	vld [tilespmem:s31+$0x5E0]  }
0x2b0: {  	v35 =	vld [tilespmem:s31+$0x660]  }
0x2b1: {  	v36 =	vld [tilespmem:s31+$0x6E0]  }
0x2b2: {  	v37 =	vld [tilespmem:s31+$0x760]  }
0x2b3: {  	v38 =	vld [tilespmem:s31+$0x7E0];
	_ =	sdelay $0x1  }
0x2b4: {  	v3 =	vadd.f32 v4, v3;
	v4 =	vadd.f32 v26, v5  }
0x2b5: {  	v5 =	vadd.f32 v28, v27;
	v39 =	vadd.f32 v30, v29  }
0x2b6: {  	v40 =	vadd.f32 v32, v31;
	v41 =	vadd.f32 v34, v33  }
0x2b7: {  	v42 =	vadd.f32 v36, v35;
	v43 =	vadd.f32 v38, v37  }
0x2b8: {  	v3 =	vadd.f32 v4, v3;
	v4 =	vadd.f32 v39, v5  }
0x2b9: {  	v5 =	vadd.f32 v41, v40;
	v44 =	vadd.f32 v43, v42;
	_ =	sdelay $0x1  }
0x2ba: {  	v3 =	vadd.f32 v4, v3;
	v4 =	vadd.f32 v44, v5;
	_ =	sdelay $0x1  }
0x2bb: {  	v3 =	vadd.f32 v4, v3  }
0x2bc: {  	s2 =	sor.u32 $0x60, s0  }
0x2bd: {  	[tilespmem:s2+$0x0] =	vst.add.f32.msk $0xffff, v3  }
0x2be: {  	v3 =	vld [tilespmem:s31+$0x70]  }
0x2bf: {  	v4 =	vld [tilespmem:s31+$0xF0]  }
0x2c0: {  	v5 =	vld [tilespmem:s31+$0x170]  }
0x2c1: {  	v45 =	vld [tilespmem:s31+$0x1F0]  }
0x2c2: {  	v46 =	vld [tilespmem:s31+$0x270]  }
0x2c3: {  	v47 =	vld [tilespmem:s31+$0x2F0]  }
0x2c4: {  	v48 =	vld [tilespmem:s31+$0x370]  }
0x2c5: {  	v49 =	vld [tilespmem:s31+$0x3F0]  }
0x2c6: {  	v50 =	vld [tilespmem:s31+$0x470]  }
0x2c7: {  	v51 =	vld [tilespmem:s31+$0x4F0]  }
0x2c8: {  	v52 =	vld [tilespmem:s31+$0x570]  }
0x2c9: {  	v53 =	vld [tilespmem:s31+$0x5F0]  }
0x2ca: {  	v54 =	vld [tilespmem:s31+$0x670]  }
0x2cb: {  	v55 =	vld [tilespmem:s31+$0x6F0]  }
0x2cc: {  	v56 =	vld [tilespmem:s31+$0x770]  }
0x2cd: {  	v57 =	vld [tilespmem:s31+$0x7F0];
	_ =	sdelay $0x1  }
0x2ce: {  	v3 =	vadd.f32 v4, v3;
	v4 =	vadd.f32 v45, v5  }
0x2cf: {  	v5 =	vadd.f32 v47, v46;
	v58 =	vadd.f32 v49, v48  }
0x2d0: {  	v59 =	vadd.f32 v51, v50;
	v60 =	vadd.f32 v53, v52  }
0x2d1: {  	v61 =	vadd.f32 v55, v54;
	v62 =	vadd.f32 v57, v56  }
0x2d2: {  	v3 =	vadd.f32 v4, v3;
	v4 =	vadd.f32 v58, v5  }
.Ltmp8:
0x2d3: {  	v5 =	vadd.f32 v60, v59;
	v63 =	vadd.f32 v62, v61;
	(pc) =	sbr.rel .LBB2_8-.Ltmp8, $3  }
0x2d4: {  	_ = 	snop  }
0x2d5: {  	v3 =	vadd.f32 v4, v3;
	v4 =	vadd.f32 v63, v5;
	_ =	sdelay $0x1  }
0x2d6: {  	v3 =	vadd.f32 v4, v3  }
.LBB2_11:
0x2d7: {  	_ =	sfence.sel $0x180000  }
0x2d8: {  	[bflag:$0x0] =	sbarrier.arrive $0xFFFF  }
0x2d9: {  	_ =	strace $0x90000047  }
0x2da: {  	s0 =	stileid.u32;
	[bflag:$0x2] =	sbarrier.arrive $0xFFFF  }
0x2db: {  	p0 =	sne.s32 s0, $0x0;
	s0 =	rddreg [dreg:$0x3]  }
0x2dc: {  	s0 =	sadd.s32 @!p0 $0x100000, s0  }
0x2dd: {  	[sflag:s0] =	ssyncadd.tile.s32 @!p0 $0x1;
	_ =	shalt  }
.Lfunc_end2:
_tile_overlayer_lowered:
.L_overlay_start_2:
0x2de: {  	(tag) =	ssettag $0x2  }
0x2df: {  	s0 =	rddreg [dreg:$0x0];
	s2 =	stileid.u32  }
0x2e0: {  	s1 =	rddreg [dreg:$0x1];
	p0 =	sne.s32 s2, $0x0  }
0x2e1: {  	s3 =	rddreg [dreg:$0x2];
	[bflag:$0x3] =	sbarrier.arrive $0xFFFF;
	s2 =	simm.s32 @!p0 $0x1C01  }
0x2e2: {  	[timem:s3], [sflag:s2] =	dma.local @!p0 [hbm:s0], s1  }
0x2e3: {  	s0 =	simm.s32 @!p0 $0x1  }
0x2e4: {  	_ =	swait.ge @!p0 [sflag:s0], s1  }
0x2e5: {  	s1 =	ssub.s32 @!p0 $0x0, s1;
	[sflag:s0] =	ssyncset.done @!p0 $0x0  }
0x2e6: {  	[sflag:s0] =	ssyncadd.s32 @!p0 s1  }
0x2e7: {  	[bflag:$0x3] =	sbarrier.arrive $0xFFFF  }
0x2e8: {  	_ =	shalt  }

</sc_bundles>
